<compile_context>
chip_gen: v7x
topology: tpu7x:2x2x1
jax: 0.10.2.dev20260603
libtpu: 0.0.44.dev20260713+nightly
codegen_flags: <defaults>
</compile_context>

<pallas_src>
import jax
import jax.numpy as jnp
from jax import lax
from jax.experimental import pallas as pl
from jax.experimental.pallas import tpu as pltpu
from jax.experimental.pallas import tpu_sc as plsc

N = 10000
E = 320000
DIM = 128
H = 4
HD = DIM // H
FF = 4 * DIM


_BR = 1000


def _qkv_body(x_ref, g_ref, b_ref, wq_ref, wk_ref, wv_ref, q_ref, k_ref, v_ref):
    xb = x_ref[...]
    mu = jnp.mean(xb, axis=1, keepdims=True)
    var = jnp.mean((xb - mu) ** 2, axis=1, keepdims=True)
    xn = (xb - mu) * lax.rsqrt(var + 1e-5) * g_ref[...] + b_ref[...]
    q_ref[...] = jnp.dot(xn, wq_ref[...], preferred_element_type=jnp.float32)
    k_ref[...] = jnp.dot(xn, wk_ref[...], preferred_element_type=jnp.float32)
    v_ref[...] = jnp.dot(xn, wv_ref[...], preferred_element_type=jnp.float32)


def _qkv_call(x, g, b, wqT, wkT, wvT):
    grid = (N // _BR,)
    return pl.pallas_call(
        _qkv_body,
        grid=grid,
        in_specs=[
            pl.BlockSpec((_BR, DIM), lambda i: (i, 0)),
            pl.BlockSpec((1, DIM), lambda i: (0, 0)),
            pl.BlockSpec((1, DIM), lambda i: (0, 0)),
            pl.BlockSpec((DIM, DIM), lambda i: (0, 0)),
            pl.BlockSpec((DIM, DIM), lambda i: (0, 0)),
            pl.BlockSpec((DIM, DIM), lambda i: (0, 0)),
        ],
        out_specs=[
            pl.BlockSpec((_BR, DIM), lambda i: (i, 0)),
            pl.BlockSpec((_BR, DIM), lambda i: (i, 0)),
            pl.BlockSpec((_BR, DIM), lambda i: (i, 0)),
        ],
        out_shape=[
            jax.ShapeDtypeStruct((N, DIM), jnp.float32),
            jax.ShapeDtypeStruct((N, DIM), jnp.float32),
            jax.ShapeDtypeStruct((N, DIM), jnp.float32),
        ],
    )(x, g.reshape(1, DIM), b.reshape(1, DIM), wqT, wkT, wvT)



_NC = 2
_NS = 16
_NW = _NC * _NS
_EPW = E // _NW
_CB = 80
_NG = _CB // 16
_NCHUNK = _EPW // _CB
_NP = 10240
_ND = _NP // 32
_RPS = _NP // _NS
_INV_SQRT_HD = 1.0 / (HD ** 0.5)


def _edge_body(q_hbm, k_hbm, v_hbm, row_hbm, col_hbm, outm_hbm, outd_hbm,
               rowi, coli, didx, qb, kb, msg, dsrc, wbuf, accm, accd,
               sem_q, sem_k):
    c = lax.axis_index("c")
    s = lax.axis_index("s")
    wid = s * _NC + c

    def _zrow(r, _):
        for j in range(DIM // 16):
            msg[r, pl.ds(16 * j, 16)] = jnp.zeros((16,), jnp.float32)
            dsrc[r, pl.ds(16 * j, 16)] = jnp.zeros((16,), jnp.float32)
        return _
    lax.fori_loop(0, _CB, _zrow, None)

    for t in range(_RPS // _CB):
        pltpu.sync_copy(msg, accm.at[pl.ds(s * _RPS + t * _CB, _CB)])

    @pl.when(s < _ND // 32)
    def _():
        pltpu.sync_copy(msg.at[pl.ds(0, 32)], accd.at[pl.ds(s * 32, 32)])

    plsc.subcore_barrier()

    def _chunk(i, _):
        eb = wid * _EPW + i * _CB
        pltpu.sync_copy(row_hbm.at[pl.ds(eb, _CB)], rowi)
        pltpu.sync_copy(col_hbm.at[pl.ds(eb, _CB)], coli)
        cq = pltpu.async_copy(q_hbm.at[rowi], qb, sem_q)
        ck = pltpu.async_copy(k_hbm.at[coli], kb, sem_k)
        cq.wait()
        ck.wait()

        def _grp(g, _):
            eids = lax.iota(jnp.int32, 16) + g * 16
            r16 = rowi[pl.ds(g * 16, 16)]
            didx[pl.ds(g * 16, 16)] = lax.shift_right_logical(r16, 5)
            cbase = lax.shift_left(jnp.bitwise_and(r16, 31), 2)
            for h in range(H):
                a = jnp.zeros((16,), jnp.float32)
                for d in range(HD):
                    dd = jnp.full((16,), 32 * h + d, jnp.int32)
                    qd = plsc.load_gather(qb, [eids, dd])
                    kd = plsc.load_gather(kb, [eids, dd])
                    a = a + qd * kd
                w = jnp.exp(a * _INV_SQRT_HD)
                plsc.store_scatter(dsrc, [eids, cbase + h], w)
                wbuf[h, pl.ds(g * 16, 16)] = w
            return _
        lax.fori_loop(0, _NG, _grp, None)

        pltpu.async_copy(v_hbm.at[coli], kb, sem_k).wait()

        def _gmsg(g, _):
            eids = lax.iota(jnp.int32, 16) + g * 16
            for h in range(H):
                w = wbuf[h, pl.ds(g * 16, 16)]
                for d in range(HD):
                    dd = jnp.full((16,), 32 * h + d, jnp.int32)
                    vd = plsc.load_gather(kb, [eids, dd])
                    plsc.store_scatter(msg, [eids, dd], vd * w)
            return _
        lax.fori_loop(0, _NG, _gmsg, None)

        pltpu.sync_copy(msg, accm.at[rowi], add=True)
        pltpu.sync_copy(dsrc, accd.at[didx], add=True)

        def _gz(g, _):
            eids = lax.iota(jnp.int32, 16) + g * 16
            r16 = rowi[pl.ds(g * 16, 16)]
            cbase = lax.shift_left(jnp.bitwise_and(r16, 31), 2)
            z = jnp.zeros((16,), jnp.float32)
            for h in range(H):
                plsc.store_scatter(dsrc, [eids, cbase + h], z)
            return _
        lax.fori_loop(0, _NG, _gz, None)
        return _
    lax.fori_loop(0, _NCHUNK, _chunk, None)

    plsc.subcore_barrier()
    for t in range(_RPS // _CB):
        r0 = s * _RPS + t * _CB
        pltpu.sync_copy(accm.at[pl.ds(r0, _CB)], outm_hbm.at[c, pl.ds(r0, _CB)])

    @pl.when(s < _ND // 32)
    def _():
        pltpu.sync_copy(accd.at[pl.ds(s * 32, 32)], outd_hbm.at[c, pl.ds(s * 32, 32)])


def _edge_call(q, k, v, row, col):
    mesh = plsc.VectorSubcoreMesh(core_axis_name="c", subcore_axis_name="s")
    f = pl.kernel(
        _edge_body,
        out_type=[
            jax.ShapeDtypeStruct((_NC, _NP, DIM), jnp.float32),
            jax.ShapeDtypeStruct((_NC, _ND, DIM), jnp.float32),
        ],
        mesh=mesh,
        scratch_types=[
            pltpu.VMEM((_CB,), jnp.int32),
            pltpu.VMEM((_CB,), jnp.int32),
            pltpu.VMEM((_CB,), jnp.int32),
            pltpu.VMEM((_CB, DIM), jnp.float32),
            pltpu.VMEM((_CB, DIM), jnp.float32),
            pltpu.VMEM((_CB, DIM), jnp.float32),
            pltpu.VMEM((_CB, DIM), jnp.float32),
            pltpu.VMEM((H, _CB), jnp.float32),
            pltpu.VMEM_SHARED((_NP, DIM), jnp.float32),
            pltpu.VMEM_SHARED((_ND, DIM), jnp.float32),
            pltpu.SemaphoreType.DMA,
            pltpu.SemaphoreType.DMA,
        ],
        compiler_params=pltpu.CompilerParams(needs_layout_passes=False),
    )
    return f(q, k, v, row, col)




def _post_body(p_ref, d_ref, x_ref, woT_ref, g2_ref, b2g_ref, w1T_ref, b1_ref,
               w2T_ref, b2_ref, o_ref):
    num = p_ref[0] + p_ref[1]
    den = d_ref[0] + d_ref[1]
    deninv = 1.0 / (den + 1e-16)
    parts = [num[:, HD * h:HD * (h + 1)] * deninv[:, h:h + 1] for h in range(H)]
    att = jnp.concatenate(parts, axis=1)
    out = jnp.dot(att, woT_ref[...], preferred_element_type=jnp.float32)
    x2 = x_ref[...] + out
    mu = jnp.mean(x2, axis=1, keepdims=True)
    var = jnp.mean((x2 - mu) ** 2, axis=1, keepdims=True)
    xn2 = (x2 - mu) * lax.rsqrt(var + 1e-5) * g2_ref[...] + b2g_ref[...]
    h1 = jnp.maximum(
        jnp.dot(xn2, w1T_ref[...], preferred_element_type=jnp.float32) + b1_ref[...],
        0.0)
    y = x2 + jnp.dot(h1, w2T_ref[...], preferred_element_type=jnp.float32) + b2_ref[...]
    o_ref[...] = y


def _post_call(p, d, x, woT, g2, b2g, w1T, b1, w2T, b2):
    grid = (N // _BR,)
    return pl.pallas_call(
        _post_body,
        grid=grid,
        in_specs=[
            pl.BlockSpec((_NC, _BR, DIM), lambda i: (0, i, 0)),
            pl.BlockSpec((_NC, _BR, H), lambda i: (0, i, 0)),
            pl.BlockSpec((_BR, DIM), lambda i: (i, 0)),
            pl.BlockSpec((DIM, DIM), lambda i: (0, 0)),
            pl.BlockSpec((1, DIM), lambda i: (0, 0)),
            pl.BlockSpec((1, DIM), lambda i: (0, 0)),
            pl.BlockSpec((DIM, FF), lambda i: (0, 0)),
            pl.BlockSpec((1, FF), lambda i: (0, 0)),
            pl.BlockSpec((FF, DIM), lambda i: (0, 0)),
            pl.BlockSpec((1, DIM), lambda i: (0, 0)),
        ],
        out_specs=pl.BlockSpec((_BR, DIM), lambda i: (i, 0)),
        out_shape=jax.ShapeDtypeStruct((N, DIM), jnp.float32),
    )(p, d, x, woT, g2.reshape(1, DIM), b2g.reshape(1, DIM), w1T,
      b1.reshape(1, FF), w2T, b2.reshape(1, DIM))


def kernel(x, edge_index, Wq, Wk, Wv, Wo, ln1_g, ln1_b, ln2_g, ln2_b, W1, b1, W2, b2):
    row = edge_index[0]
    col = edge_index[1]
    q, k, v = _qkv_call(x, ln1_g, ln1_b, Wq.T, Wk.T, Wv.T)
    pm, pd = _edge_call(q, k, v, row, col)
    den = pd.reshape(_NC, _NP, H)
    return _post_call(pm, den, x, Wo.T, ln2_g, ln2_b, W1.T, b1, W2.T, b2)

# --- scband reference (transcript-rebuilt; emitter-appended) ---
"""Pipeline reference for scband-graph-transformer-layer-996432413195 (READ-ONLY COPY).

The authoritative reference and input builder live on the scoring server;
editing this copy changes nothing except your own understanding.
"""

import jax, jax.numpy as jnp
import numpy as np

N = 10000
E = 320000
DIM = 128
H = 4
HD = DIM // H
FF = 4 * DIM


def layer_norm(x, g, b, eps=1e-5):
    mu = jnp.mean(x, axis=-1, keepdims=True)
    var = jnp.mean((x - mu) ** 2, axis=-1, keepdims=True)
    return (x - mu) / jnp.sqrt(var + eps) * g + b


def setup_inputs(seed: int = 0) -> dict:
    key = jax.random.key(seed)
    ks = jax.random.split(key, 14)
    x = jax.random.normal(ks[0], (N, DIM), dtype=jnp.float32)
    edge_index = jax.random.randint(ks[1], (2, E), 0, N, dtype=jnp.int32)
    s = 0.02
    Wq = jax.random.normal(ks[2], (DIM, DIM), dtype=jnp.float32) * s
    Wk = jax.random.normal(ks[3], (DIM, DIM), dtype=jnp.float32) * s
    Wv = jax.random.normal(ks[4], (DIM, DIM), dtype=jnp.float32) * s
    Wo = jax.random.normal(ks[5], (DIM, DIM), dtype=jnp.float32) * s
    ln1_g = jnp.ones((DIM,), dtype=jnp.float32)
    ln1_b = jnp.zeros((DIM,), dtype=jnp.float32)
    ln2_g = jnp.ones((DIM,), dtype=jnp.float32)
    ln2_b = jnp.zeros((DIM,), dtype=jnp.float32)
    W1 = jax.random.normal(ks[6], (FF, DIM), dtype=jnp.float32) * s
    b1 = jnp.zeros((FF,), dtype=jnp.float32)
    W2 = jax.random.normal(ks[7], (DIM, FF), dtype=jnp.float32) * s
    b2 = jnp.zeros((DIM,), dtype=jnp.float32)
    return {"x": x, "edge_index": edge_index, "Wq": Wq, "Wk": Wk, "Wv": Wv, "Wo": Wo,
            "ln1_g": ln1_g, "ln1_b": ln1_b, "ln2_g": ln2_g, "ln2_b": ln2_b,
            "W1": W1, "b1": b1, "W2": W2, "b2": b2}


def reference(x, edge_index, Wq, Wk, Wv, Wo, ln1_g, ln1_b, ln2_g, ln2_b, W1, b1, W2, b2):
    row = edge_index[0]
    col = edge_index[1]
    xn = layer_norm(x, ln1_g, ln1_b)
    Q = (xn @ Wq.T).reshape(N, H, HD)
    K = (xn @ Wk.T).reshape(N, H, HD)
    V = (xn @ Wv.T).reshape(N, H, HD)
    Q_i = jnp.take(Q, row, axis=0)
    K_j = jnp.take(K, col, axis=0)
    alpha = jnp.sum(Q_i * K_j, axis=-1) / (HD ** 0.5)
    alpha_exp = jnp.exp(alpha)
    row_sum = jax.ops.segment_sum(alpha_exp, row, num_segments=N)
    norm = jnp.take(row_sum, row, axis=0)
    alpha = alpha_exp / (norm + 1e-16)
    V_j = jnp.take(V, col, axis=0)
    msg = V_j * alpha[..., None]
    out = jax.ops.segment_sum(msg, row, num_segments=N)
    out = out.reshape(N, DIM) @ Wo.T
    x = x + out
    xn2 = layer_norm(x, ln2_g, ln2_b)
    h = jnp.maximum(xn2 @ W1.T + b1, 0.0)
    ff_out = h @ W2.T + b2
    return x + ff_out

if __name__ == "__main__":
    import jax
    _d = setup_inputs()
    print(jax.jit(kernel)(*tuple(_d.values())))

</pallas_src>

<mosaic_0001>
#map = affine_map<(d0, d1) -> (0, 0)>
#map1 = affine_map<(d0, d1) -> (0)>
#map2 = affine_map<(d0, d1) -> (0, 0, 0)>
module attributes {stable_mosaic.version = 14 : i64} {
  func.func @_edge_body(%arg0: i32, %arg1: i32, %arg2: memref<10000x128xf32, #tpu.memory_space<hbm>>, %arg3: memref<10000x128xf32, #tpu.memory_space<hbm>>, %arg4: memref<10000x128xf32, #tpu.memory_space<hbm>>, %arg5: memref<320000xi32, #tpu.memory_space<hbm>>, %arg6: memref<320000xi32, #tpu.memory_space<hbm>>, %arg7: memref<2x10240x128xf32, #tpu.memory_space<hbm>>, %arg8: memref<2x320x128xf32, #tpu.memory_space<hbm>>, %arg9: memref<80xi32, #tpu.memory_space<vmem>>, %arg10: memref<80xi32, #tpu.memory_space<vmem>>, %arg11: memref<80xi32, #tpu.memory_space<vmem>>, %arg12: memref<80x128xf32, #tpu.memory_space<vmem>>, %arg13: memref<80x128xf32, #tpu.memory_space<vmem>>, %arg14: memref<80x128xf32, #tpu.memory_space<vmem>>, %arg15: memref<80x128xf32, #tpu.memory_space<vmem>>, %arg16: memref<4x80xf32, #tpu.memory_space<vmem>>, %arg17: memref<10240x128xf32, #tpu.memory_space<vmem_shared>>, %arg18: memref<320x128xf32, #tpu.memory_space<vmem_shared>>, %arg19: memref<!tpu.dma_semaphore, #tpu.memory_space<semaphore_mem>>, %arg20: memref<!tpu.dma_semaphore, #tpu.memory_space<semaphore_mem>>) attributes {dimension_semantics = [#tpu.dimension_semantics<core_parallel>, #tpu.dimension_semantics<subcore_parallel>], iteration_bounds = array<i64: 2, 16>, scalar_prefetch = 0 : i64, scratch_operands = 12 : i64, tpu.core_type = #tpu.core_type<sc_vector_subcore>, window_params = [{transform_indices = #map}, {transform_indices = #map}, {transform_indices = #map}, {transform_indices = #map1}, {transform_indices = #map1}, {transform_indices = #map2}, {transform_indices = #map2}]} {
    %mul3A = arith.constant 2 : i32
    %mul3A_0 = arith.muli %arg1, %mul3A : i32
    %add3A = arith.addi %mul3A_0, %arg0 : i32
    %scan3A = arith.constant 0 : i32
    %scan3A_1 = arith.constant 80 : i32
    %scan3A_2 = arith.addi %scan3A, %scan3A_1 : i32
    %scan3A_3 = arith.constant 1 : i32
    scf.for %scan3A_82 = %scan3A to %scan3A_2 step %scan3A_3  : i32 {
      %broadcast_in_dim3A = arith.constant 0.000000e+00 : f32
      %broadcast_in_dim3A_83 = vector.broadcast %broadcast_in_dim3A : f32 to vector<16xf32>
      %swap3A = arith.index_cast %scan3A_82 : i32 to index
      %swap3A_84 = arith.constant 0 : index
      %swap3A_85 = tpu.vector_load %arg14[%swap3A, %swap3A_84] {strides = array<i32>} : memref<80x128xf32, #tpu.memory_space<vmem>>, vector<16xf32>,
      tpu.vector_store %arg14[%swap3A, %swap3A_84], %broadcast_in_dim3A_83 {strides = array<i32>} : memref<80x128xf32, #tpu.memory_space<vmem>>, vector<16xf32>,
      %broadcast_in_dim3A_86 = arith.constant 0.000000e+00 : f32
      %broadcast_in_dim3A_87 = vector.broadcast %broadcast_in_dim3A_86 : f32 to vector<16xf32>
      %swap3A_88 = arith.index_cast %scan3A_82 : i32 to index
      %swap3A_89 = arith.constant 0 : index
      %swap3A_90 = tpu.vector_load %arg15[%swap3A_88, %swap3A_89] {strides = array<i32>} : memref<80x128xf32, #tpu.memory_space<vmem>>, vector<16xf32>,
      tpu.vector_store %arg15[%swap3A_88, %swap3A_89], %broadcast_in_dim3A_87 {strides = array<i32>} : memref<80x128xf32, #tpu.memory_space<vmem>>, vector<16xf32>,
      %broadcast_in_dim3A_91 = arith.constant 0.000000e+00 : f32
      %broadcast_in_dim3A_92 = vector.broadcast %broadcast_in_dim3A_91 : f32 to vector<16xf32>
      %swap3A_93 = arith.index_cast %scan3A_82 : i32 to index
      %swap3A_94 = arith.constant 16 : index
      %swap3A_95 = tpu.vector_load %arg14[%swap3A_93, %swap3A_94] {strides = array<i32>} : memref<80x128xf32, #tpu.memory_space<vmem>>, vector<16xf32>,
      tpu.vector_store %arg14[%swap3A_93, %swap3A_94], %broadcast_in_dim3A_92 {strides = array<i32>} : memref<80x128xf32, #tpu.memory_space<vmem>>, vector<16xf32>,
      %broadcast_in_dim3A_96 = arith.constant 0.000000e+00 : f32
      %broadcast_in_dim3A_97 = vector.broadcast %broadcast_in_dim3A_96 : f32 to vector<16xf32>
      %swap3A_98 = arith.index_cast %scan3A_82 : i32 to index
      %swap3A_99 = arith.constant 16 : index
      %swap3A_100 = tpu.vector_load %arg15[%swap3A_98, %swap3A_99] {strides = array<i32>} : memref<80x128xf32, #tpu.memory_space<vmem>>, vector<16xf32>,
      tpu.vector_store %arg15[%swap3A_98, %swap3A_99], %broadcast_in_dim3A_97 {strides = array<i32>} : memref<80x128xf32, #tpu.memory_space<vmem>>, vector<16xf32>,
      %broadcast_in_dim3A_101 = arith.constant 0.000000e+00 : f32
      %broadcast_in_dim3A_102 = vector.broadcast %broadcast_in_dim3A_101 : f32 to vector<16xf32>
      %swap3A_103 = arith.index_cast %scan3A_82 : i32 to index
      %swap3A_104 = arith.constant 32 : index
      %swap3A_105 = tpu.vector_load %arg14[%swap3A_103, %swap3A_104] {strides = array<i32>} : memref<80x128xf32, #tpu.memory_space<vmem>>, vector<16xf32>,
      tpu.vector_store %arg14[%swap3A_103, %swap3A_104], %broadcast_in_dim3A_102 {strides = array<i32>} : memref<80x128xf32, #tpu.memory_space<vmem>>, vector<16xf32>,
      %broadcast_in_dim3A_106 = arith.constant 0.000000e+00 : f32
      %broadcast_in_dim3A_107 = vector.broadcast %broadcast_in_dim3A_106 : f32 to vector<16xf32>
      %swap3A_108 = arith.index_cast %scan3A_82 : i32 to index
      %swap3A_109 = arith.constant 32 : index
      %swap3A_110 = tpu.vector_load %arg15[%swap3A_108, %swap3A_109] {strides = array<i32>} : memref<80x128xf32, #tpu.memory_space<vmem>>, vector<16xf32>,
      tpu.vector_store %arg15[%swap3A_108, %swap3A_109], %broadcast_in_dim3A_107 {strides = array<i32>} : memref<80x128xf32, #tpu.memory_space<vmem>>, vector<16xf32>,
      %broadcast_in_dim3A_111 = arith.constant 0.000000e+00 : f32
      %broadcast_in_dim3A_112 = vector.broadcast %broadcast_in_dim3A_111 : f32 to vector<16xf32>
      %swap3A_113 = arith.index_cast %scan3A_82 : i32 to index
      %swap3A_114 = arith.constant 48 : index
      %swap3A_115 = tpu.vector_load %arg14[%swap3A_113, %swap3A_114] {strides = array<i32>} : memref<80x128xf32, #tpu.memory_space<vmem>>, vector<16xf32>,
      tpu.vector_store %arg14[%swap3A_113, %swap3A_114], %broadcast_in_dim3A_112 {strides = array<i32>} : memref<80x128xf32, #tpu.memory_space<vmem>>, vector<16xf32>,
      %broadcast_in_dim3A_116 = arith.constant 0.000000e+00 : f32
      %broadcast_in_dim3A_117 = vector.broadcast %broadcast_in_dim3A_116 : f32 to vector<16xf32>
      %swap3A_118 = arith.index_cast %scan3A_82 : i32 to index
      %swap3A_119 = arith.constant 48 : index
      %swap3A_120 = tpu.vector_load %arg15[%swap3A_118, %swap3A_119] {strides = array<i32>} : memref<80x128xf32, #tpu.memory_space<vmem>>, vector<16xf32>,
      tpu.vector_store %arg15[%swap3A_118, %swap3A_119], %broadcast_in_dim3A_117 {strides = array<i32>} : memref<80x128xf32, #tpu.memory_space<vmem>>, vector<16xf32>,
      %broadcast_in_dim3A_121 = arith.constant 0.000000e+00 : f32
      %broadcast_in_dim3A_122 = vector.broadcast %broadcast_in_dim3A_121 : f32 to vector<16xf32>
      %swap3A_123 = arith.index_cast %scan3A_82 : i32 to index
      %swap3A_124 = arith.constant 64 : index
      %swap3A_125 = tpu.vector_load %arg14[%swap3A_123, %swap3A_124] {strides = array<i32>} : memref<80x128xf32, #tpu.memory_space<vmem>>, vector<16xf32>,
      tpu.vector_store %arg14[%swap3A_123, %swap3A_124], %broadcast_in_dim3A_122 {strides = array<i32>} : memref<80x128xf32, #tpu.memory_space<vmem>>, vector<16xf32>,
      %broadcast_in_dim3A_126 = arith.constant 0.000000e+00 : f32
      %broadcast_in_dim3A_127 = vector.broadcast %broadcast_in_dim3A_126 : f32 to vector<16xf32>
      %swap3A_128 = arith.index_cast %scan3A_82 : i32 to index
      %swap3A_129 = arith.constant 64 : index
      %swap3A_130 = tpu.vector_load %arg15[%swap3A_128, %swap3A_129] {strides = array<i32>} : memref<80x128xf32, #tpu.memory_space<vmem>>, vector<16xf32>,
      tpu.vector_store %arg15[%swap3A_128, %swap3A_129], %broadcast_in_dim3A_127 {strides = array<i32>} : memref<80x128xf32, #tpu.memory_space<vmem>>, vector<16xf32>,
      %broadcast_in_dim3A_131 = arith.constant 0.000000e+00 : f32
      %broadcast_in_dim3A_132 = vector.broadcast %broadcast_in_dim3A_131 : f32 to vector<16xf32>
      %swap3A_133 = arith.index_cast %scan3A_82 : i32 to index
      %swap3A_134 = arith.constant 80 : index
      %swap3A_135 = tpu.vector_load %arg14[%swap3A_133, %swap3A_134] {strides = array<i32>} : memref<80x128xf32, #tpu.memory_space<vmem>>, vector<16xf32>,
      tpu.vector_store %arg14[%swap3A_133, %swap3A_134], %broadcast_in_dim3A_132 {strides = array<i32>} : memref<80x128xf32, #tpu.memory_space<vmem>>, vector<16xf32>,
      %broadcast_in_dim3A_136 = arith.constant 0.000000e+00 : f32
      %broadcast_in_dim3A_137 = vector.broadcast %broadcast_in_dim3A_136 : f32 to vector<16xf32>
      %swap3A_138 = arith.index_cast %scan3A_82 : i32 to index
      %swap3A_139 = arith.constant 80 : index
      %swap3A_140 = tpu.vector_load %arg15[%swap3A_138, %swap3A_139] {strides = array<i32>} : memref<80x128xf32, #tpu.memory_space<vmem>>, vector<16xf32>,
      tpu.vector_store %arg15[%swap3A_138, %swap3A_139], %broadcast_in_dim3A_137 {strides = array<i32>} : memref<80x128xf32, #tpu.memory_space<vmem>>, vector<16xf32>,
      %broadcast_in_dim3A_141 = arith.constant 0.000000e+00 : f32
      %broadcast_in_dim3A_142 = vector.broadcast %broadcast_in_dim3A_141 : f32 to vector<16xf32>
      %swap3A_143 = arith.index_cast %scan3A_82 : i32 to index
      %swap3A_144 = arith.constant 96 : index
      %swap3A_145 = tpu.vector_load %arg14[%swap3A_143, %swap3A_144] {strides = array<i32>} : memref<80x128xf32, #tpu.memory_space<vmem>>, vector<16xf32>,
      tpu.vector_store %arg14[%swap3A_143, %swap3A_144], %broadcast_in_dim3A_142 {strides = array<i32>} : memref<80x128xf32, #tpu.memory_space<vmem>>, vector<16xf32>,
      %broadcast_in_dim3A_146 = arith.constant 0.000000e+00 : f32
      %broadcast_in_dim3A_147 = vector.broadcast %broadcast_in_dim3A_146 : f32 to vector<16xf32>
      %swap3A_148 = arith.index_cast %scan3A_82 : i32 to index
      %swap3A_149 = arith.constant 96 : index
      %swap3A_150 = tpu.vector_load %arg15[%swap3A_148, %swap3A_149] {strides = array<i32>} : memref<80x128xf32, #tpu.memory_space<vmem>>, vector<16xf32>,
      tpu.vector_store %arg15[%swap3A_148, %swap3A_149], %broadcast_in_dim3A_147 {strides = array<i32>} : memref<80x128xf32, #tpu.memory_space<vmem>>, vector<16xf32>,
      %broadcast_in_dim3A_151 = arith.constant 0.000000e+00 : f32
      %broadcast_in_dim3A_152 = vector.broadcast %broadcast_in_dim3A_151 : f32 to vector<16xf32>
      %swap3A_153 = arith.index_cast %scan3A_82 : i32 to index
      %swap3A_154 = arith.constant 112 : index
      %swap3A_155 = tpu.vector_load %arg14[%swap3A_153, %swap3A_154] {strides = array<i32>} : memref<80x128xf32, #tpu.memory_space<vmem>>, vector<16xf32>,
      tpu.vector_store %arg14[%swap3A_153, %swap3A_154], %broadcast_in_dim3A_152 {strides = array<i32>} : memref<80x128xf32, #tpu.memory_space<vmem>>, vector<16xf32>,
      %broadcast_in_dim3A_156 = arith.constant 0.000000e+00 : f32
      %broadcast_in_dim3A_157 = vector.broadcast %broadcast_in_dim3A_156 : f32 to vector<16xf32>
      %swap3A_158 = arith.index_cast %scan3A_82 : i32 to index
      %swap3A_159 = arith.constant 112 : index
      %swap3A_160 = tpu.vector_load %arg15[%swap3A_158, %swap3A_159] {strides = array<i32>} : memref<80x128xf32, #tpu.memory_space<vmem>>, vector<16xf32>,
      tpu.vector_store %arg15[%swap3A_158, %swap3A_159], %broadcast_in_dim3A_157 {strides = array<i32>} : memref<80x128xf32, #tpu.memory_space<vmem>>, vector<16xf32>,
    }
    %scan3A_4 = arith.constant 80 : i32
    %mul3A_5 = arith.constant 640 : i32
    %mul3A_6 = arith.muli %arg1, %mul3A_5 : i32
    %add3A_7 = arith.constant 0 : i32
    %add3A_8 = arith.addi %mul3A_6, %add3A_7 : i32
    "tpu.region"() ({
      %run_scoped3A = tpu.sem_alloc : memref<!tpu.dma_semaphore, #tpu.memory_space<semaphore_mem>>
      %dma_start3A = arith.constant 0 : i32
      %dma_start3A_82 = tpu.memref_slice %arg17[%add3A_8, %dma_start3A] : memref<10240x128xf32, #tpu.memory_space<vmem_shared>> -> memref<80x128xf32, #tpu.memory_space<vmem_shared>>
      %dma_start3A_83 = arith.constant 0 : i32
      %dma_start3A_84 = tpu.memref_slice %arg17[%add3A_8, %dma_start3A_83] : memref<10240x128xf32, #tpu.memory_space<vmem_shared>> -> memref<80x128xf32, #tpu.memory_space<vmem_shared>>
      tpu.enqueue_dma source(%arg14 : memref<80x128xf32, #tpu.memory_space<vmem>>) target(%dma_start3A_84 : memref<80x128xf32, #tpu.memory_space<vmem_shared>>) target_semaphore(%run_scoped3A : memref<!tpu.dma_semaphore, #tpu.memory_space<semaphore_mem>>)
      %dma_wait3A = arith.constant 0 : i32
      %dma_wait3A_85 = tpu.memref_slice %arg17[%add3A_8, %dma_wait3A] : memref<10240x128xf32, #tpu.memory_space<vmem_shared>> -> memref<80x128xf32, #tpu.memory_space<vmem_shared>>
      %dma_wait3A_86 = arith.constant 0 : i32
      %dma_wait3A_87 = tpu.memref_slice %arg17[%add3A_8, %dma_wait3A_86] : memref<10240x128xf32, #tpu.memory_space<vmem_shared>> -> memref<80x128xf32, #tpu.memory_space<vmem_shared>>
      tpu.wait_dma2 semaphore(%run_scoped3A : memref<!tpu.dma_semaphore, #tpu.memory_space<semaphore_mem>>) src(%arg14 : memref<80x128xf32, #tpu.memory_space<vmem>>) dst(%dma_wait3A_87 : memref<80x128xf32, #tpu.memory_space<vmem_shared>>)
      tpu.yield
    }) : () -> ()
    %mul3A_9 = arith.constant 640 : i32
    %mul3A_10 = arith.muli %arg1, %mul3A_9 : i32
    %add3A_11 = arith.constant 80 : i32
    %add3A_12 = arith.addi %mul3A_10, %add3A_11 : i32
    "tpu.region"() ({
      %run_scoped3A = tpu.sem_alloc : memref<!tpu.dma_semaphore, #tpu.memory_space<semaphore_mem>>
      %dma_start3A = arith.constant 0 : i32
      %dma_start3A_82 = tpu.memref_slice %arg17[%add3A_12, %dma_start3A] : memref<10240x128xf32, #tpu.memory_space<vmem_shared>> -> memref<80x128xf32, #tpu.memory_space<vmem_shared>>
      %dma_start3A_83 = arith.constant 0 : i32
      %dma_start3A_84 = tpu.memref_slice %arg17[%add3A_12, %dma_start3A_83] : memref<10240x128xf32, #tpu.memory_space<vmem_shared>> -> memref<80x128xf32, #tpu.memory_space<vmem_shared>>
      tpu.enqueue_dma source(%arg14 : memref<80x128xf32, #tpu.memory_space<vmem>>) target(%dma_start3A_84 : memref<80x128xf32, #tpu.memory_space<vmem_shared>>) target_semaphore(%run_scoped3A : memref<!tpu.dma_semaphore, #tpu.memory_space<semaphore_mem>>)
      %dma_wait3A = arith.constant 0 : i32
      %dma_wait3A_85 = tpu.memref_slice %arg17[%add3A_12, %dma_wait3A] : memref<10240x128xf32, #tpu.memory_space<vmem_shared>> -> memref<80x128xf32, #tpu.memory_space<vmem_shared>>
      %dma_wait3A_86 = arith.constant 0 : i32
      %dma_wait3A_87 = tpu.memref_slice %arg17[%add3A_12, %dma_wait3A_86] : memref<10240x128xf32, #tpu.memory_space<vmem_shared>> -> memref<80x128xf32, #tpu.memory_space<vmem_shared>>
      tpu.wait_dma2 semaphore(%run_scoped3A : memref<!tpu.dma_semaphore, #tpu.memory_space<semaphore_mem>>) src(%arg14 : memref<80x128xf32, #tpu.memory_space<vmem>>) dst(%dma_wait3A_87 : memref<80x128xf32, #tpu.memory_space<vmem_shared>>)
      tpu.yield
    }) : () -> ()
    %mul3A_13 = arith.constant 640 : i32
    %mul3A_14 = arith.muli %arg1, %mul3A_13 : i32
    %add3A_15 = arith.constant 160 : i32
    %add3A_16 = arith.addi %mul3A_14, %add3A_15 : i32
    "tpu.region"() ({
      %run_scoped3A = tpu.sem_alloc : memref<!tpu.dma_semaphore, #tpu.memory_space<semaphore_mem>>
      %dma_start3A = arith.constant 0 : i32
      %dma_start3A_82 = tpu.memref_slice %arg17[%add3A_16, %dma_start3A] : memref<10240x128xf32, #tpu.memory_space<vmem_shared>> -> memref<80x128xf32, #tpu.memory_space<vmem_shared>>
      %dma_start3A_83 = arith.constant 0 : i32
      %dma_start3A_84 = tpu.memref_slice %arg17[%add3A_16, %dma_start3A_83] : memref<10240x128xf32, #tpu.memory_space<vmem_shared>> -> memref<80x128xf32, #tpu.memory_space<vmem_shared>>
      tpu.enqueue_dma source(%arg14 : memref<80x128xf32, #tpu.memory_space<vmem>>) target(%dma_start3A_84 : memref<80x128xf32, #tpu.memory_space<vmem_shared>>) target_semaphore(%run_scoped3A : memref<!tpu.dma_semaphore, #tpu.memory_space<semaphore_mem>>)
      %dma_wait3A = arith.constant 0 : i32
      %dma_wait3A_85 = tpu.memref_slice %arg17[%add3A_16, %dma_wait3A] : memref<10240x128xf32, #tpu.memory_space<vmem_shared>> -> memref<80x128xf32, #tpu.memory_space<vmem_shared>>
      %dma_wait3A_86 = arith.constant 0 : i32
      %dma_wait3A_87 = tpu.memref_slice %arg17[%add3A_16, %dma_wait3A_86] : memref<10240x128xf32, #tpu.memory_space<vmem_shared>> -> memref<80x128xf32, #tpu.memory_space<vmem_shared>>
      tpu.wait_dma2 semaphore(%run_scoped3A : memref<!tpu.dma_semaphore, #tpu.memory_space<semaphore_mem>>) src(%arg14 : memref<80x128xf32, #tpu.memory_space<vmem>>) dst(%dma_wait3A_87 : memref<80x128xf32, #tpu.memory_space<vmem_shared>>)
      tpu.yield
    }) : () -> ()
    %mul3A_17 = arith.constant 640 : i32
    %mul3A_18 = arith.muli %arg1, %mul3A_17 : i32
    %add3A_19 = arith.constant 240 : i32
    %add3A_20 = arith.addi %mul3A_18, %add3A_19 : i32
    "tpu.region"() ({
      %run_scoped3A = tpu.sem_alloc : memref<!tpu.dma_semaphore, #tpu.memory_space<semaphore_mem>>
      %dma_start3A = arith.constant 0 : i32
      %dma_start3A_82 = tpu.memref_slice %arg17[%add3A_20, %dma_start3A] : memref<10240x128xf32, #tpu.memory_space<vmem_shared>> -> memref<80x128xf32, #tpu.memory_space<vmem_shared>>
      %dma_start3A_83 = arith.constant 0 : i32
      %dma_start3A_84 = tpu.memref_slice %arg17[%add3A_20, %dma_start3A_83] : memref<10240x128xf32, #tpu.memory_space<vmem_shared>> -> memref<80x128xf32, #tpu.memory_space<vmem_shared>>
      tpu.enqueue_dma source(%arg14 : memref<80x128xf32, #tpu.memory_space<vmem>>) target(%dma_start3A_84 : memref<80x128xf32, #tpu.memory_space<vmem_shared>>) target_semaphore(%run_scoped3A : memref<!tpu.dma_semaphore, #tpu.memory_space<semaphore_mem>>)
      %dma_wait3A = arith.constant 0 : i32
      %dma_wait3A_85 = tpu.memref_slice %arg17[%add3A_20, %dma_wait3A] : memref<10240x128xf32, #tpu.memory_space<vmem_shared>> -> memref<80x128xf32, #tpu.memory_space<vmem_shared>>
      %dma_wait3A_86 = arith.constant 0 : i32
      %dma_wait3A_87 = tpu.memref_slice %arg17[%add3A_20, %dma_wait3A_86] : memref<10240x128xf32, #tpu.memory_space<vmem_shared>> -> memref<80x128xf32, #tpu.memory_space<vmem_shared>>
      tpu.wait_dma2 semaphore(%run_scoped3A : memref<!tpu.dma_semaphore, #tpu.memory_space<semaphore_mem>>) src(%arg14 : memref<80x128xf32, #tpu.memory_space<vmem>>) dst(%dma_wait3A_87 : memref<80x128xf32, #tpu.memory_space<vmem_shared>>)
      tpu.yield
    }) : () -> ()
    %mul3A_21 = arith.constant 640 : i32
    %mul3A_22 = arith.muli %arg1, %mul3A_21 : i32
    %add3A_23 = arith.constant 320 : i32
    %add3A_24 = arith.addi %mul3A_22, %add3A_23 : i32
    "tpu.region"() ({
      %run_scoped3A = tpu.sem_alloc : memref<!tpu.dma_semaphore, #tpu.memory_space<semaphore_mem>>
      %dma_start3A = arith.constant 0 : i32
      %dma_start3A_82 = tpu.memref_slice %arg17[%add3A_24, %dma_start3A] : memref<10240x128xf32, #tpu.memory_space<vmem_shared>> -> memref<80x128xf32, #tpu.memory_space<vmem_shared>>
      %dma_start3A_83 = arith.constant 0 : i32
      %dma_start3A_84 = tpu.memref_slice %arg17[%add3A_24, %dma_start3A_83] : memref<10240x128xf32, #tpu.memory_space<vmem_shared>> -> memref<80x128xf32, #tpu.memory_space<vmem_shared>>
      tpu.enqueue_dma source(%arg14 : memref<80x128xf32, #tpu.memory_space<vmem>>) target(%dma_start3A_84 : memref<80x128xf32, #tpu.memory_space<vmem_shared>>) target_semaphore(%run_scoped3A : memref<!tpu.dma_semaphore, #tpu.memory_space<semaphore_mem>>)
      %dma_wait3A = arith.constant 0 : i32
      %dma_wait3A_85 = tpu.memref_slice %arg17[%add3A_24, %dma_wait3A] : memref<10240x128xf32, #tpu.memory_space<vmem_shared>> -> memref<80x128xf32, #tpu.memory_space<vmem_shared>>
      %dma_wait3A_86 = arith.constant 0 : i32
      %dma_wait3A_87 = tpu.memref_slice %arg17[%add3A_24, %dma_wait3A_86] : memref<10240x128xf32, #tpu.memory_space<vmem_shared>> -> memref<80x128xf32, #tpu.memory_space<vmem_shared>>
      tpu.wait_dma2 semaphore(%run_scoped3A : memref<!tpu.dma_semaphore, #tpu.memory_space<semaphore_mem>>) src(%arg14 : memref<80x128xf32, #tpu.memory_space<vmem>>) dst(%dma_wait3A_87 : memref<80x128xf32, #tpu.memory_space<vmem_shared>>)
      tpu.yield
    }) : () -> ()
    %mul3A_25 = arith.constant 640 : i32
    %mul3A_26 = arith.muli %arg1, %mul3A_25 : i32
    %add3A_27 = arith.constant 400 : i32
    %add3A_28 = arith.addi %mul3A_26, %add3A_27 : i32
    "tpu.region"() ({
      %run_scoped3A = tpu.sem_alloc : memref<!tpu.dma_semaphore, #tpu.memory_space<semaphore_mem>>
      %dma_start3A = arith.constant 0 : i32
      %dma_start3A_82 = tpu.memref_slice %arg17[%add3A_28, %dma_start3A] : memref<10240x128xf32, #tpu.memory_space<vmem_shared>> -> memref<80x128xf32, #tpu.memory_space<vmem_shared>>
      %dma_start3A_83 = arith.constant 0 : i32
      %dma_start3A_84 = tpu.memref_slice %arg17[%add3A_28, %dma_start3A_83] : memref<10240x128xf32, #tpu.memory_space<vmem_shared>> -> memref<80x128xf32, #tpu.memory_space<vmem_shared>>
      tpu.enqueue_dma source(%arg14 : memref<80x128xf32, #tpu.memory_space<vmem>>) target(%dma_start3A_84 : memref<80x128xf32, #tpu.memory_space<vmem_shared>>) target_semaphore(%run_scoped3A : memref<!tpu.dma_semaphore, #tpu.memory_space<semaphore_mem>>)
      %dma_wait3A = arith.constant 0 : i32
      %dma_wait3A_85 = tpu.memref_slice %arg17[%add3A_28, %dma_wait3A] : memref<10240x128xf32, #tpu.memory_space<vmem_shared>> -> memref<80x128xf32, #tpu.memory_space<vmem_shared>>
      %dma_wait3A_86 = arith.constant 0 : i32
      %dma_wait3A_87 = tpu.memref_slice %arg17[%add3A_28, %dma_wait3A_86] : memref<10240x128xf32, #tpu.memory_space<vmem_shared>> -> memref<80x128xf32, #tpu.memory_space<vmem_shared>>
      tpu.wait_dma2 semaphore(%run_scoped3A : memref<!tpu.dma_semaphore, #tpu.memory_space<semaphore_mem>>) src(%arg14 : memref<80x128xf32, #tpu.memory_space<vmem>>) dst(%dma_wait3A_87 : memref<80x128xf32, #tpu.memory_space<vmem_shared>>)
      tpu.yield
    }) : () -> ()
    %mul3A_29 = arith.constant 640 : i32
    %mul3A_30 = arith.muli %arg1, %mul3A_29 : i32
    %add3A_31 = arith.constant 480 : i32
    %add3A_32 = arith.addi %mul3A_30, %add3A_31 : i32
    "tpu.region"() ({
      %run_scoped3A = tpu.sem_alloc : memref<!tpu.dma_semaphore, #tpu.memory_space<semaphore_mem>>
      %dma_start3A = arith.constant 0 : i32
      %dma_start3A_82 = tpu.memref_slice %arg17[%add3A_32, %dma_start3A] : memref<10240x128xf32, #tpu.memory_space<vmem_shared>> -> memref<80x128xf32, #tpu.memory_space<vmem_shared>>
      %dma_start3A_83 = arith.constant 0 : i32
      %dma_start3A_84 = tpu.memref_slice %arg17[%add3A_32, %dma_start3A_83] : memref<10240x128xf32, #tpu.memory_space<vmem_shared>> -> memref<80x128xf32, #tpu.memory_space<vmem_shared>>
      tpu.enqueue_dma source(%arg14 : memref<80x128xf32, #tpu.memory_space<vmem>>) target(%dma_start3A_84 : memref<80x128xf32, #tpu.memory_space<vmem_shared>>) target_semaphore(%run_scoped3A : memref<!tpu.dma_semaphore, #tpu.memory_space<semaphore_mem>>)
      %dma_wait3A = arith.constant 0 : i32
      %dma_wait3A_85 = tpu.memref_slice %arg17[%add3A_32, %dma_wait3A] : memref<10240x128xf32, #tpu.memory_space<vmem_shared>> -> memref<80x128xf32, #tpu.memory_space<vmem_shared>>
      %dma_wait3A_86 = arith.constant 0 : i32
      %dma_wait3A_87 = tpu.memref_slice %arg17[%add3A_32, %dma_wait3A_86] : memref<10240x128xf32, #tpu.memory_space<vmem_shared>> -> memref<80x128xf32, #tpu.memory_space<vmem_shared>>
      tpu.wait_dma2 semaphore(%run_scoped3A : memref<!tpu.dma_semaphore, #tpu.memory_space<semaphore_mem>>) src(%arg14 : memref<80x128xf32, #tpu.memory_space<vmem>>) dst(%dma_wait3A_87 : memref<80x128xf32, #tpu.memory_space<vmem_shared>>)
      tpu.yield
    }) : () -> ()
    %mul3A_33 = arith.constant 640 : i32
    %mul3A_34 = arith.muli %arg1, %mul3A_33 : i32
    %add3A_35 = arith.constant 560 : i32
    %add3A_36 = arith.addi %mul3A_34, %add3A_35 : i32
    "tpu.region"() ({
      %run_scoped3A = tpu.sem_alloc : memref<!tpu.dma_semaphore, #tpu.memory_space<semaphore_mem>>
      %dma_start3A = arith.constant 0 : i32
      %dma_start3A_82 = tpu.memref_slice %arg17[%add3A_36, %dma_start3A] : memref<10240x128xf32, #tpu.memory_space<vmem_shared>> -> memref<80x128xf32, #tpu.memory_space<vmem_shared>>
      %dma_start3A_83 = arith.constant 0 : i32
      %dma_start3A_84 = tpu.memref_slice %arg17[%add3A_36, %dma_start3A_83] : memref<10240x128xf32, #tpu.memory_space<vmem_shared>> -> memref<80x128xf32, #tpu.memory_space<vmem_shared>>
      tpu.enqueue_dma source(%arg14 : memref<80x128xf32, #tpu.memory_space<vmem>>) target(%dma_start3A_84 : memref<80x128xf32, #tpu.memory_space<vmem_shared>>) target_semaphore(%run_scoped3A : memref<!tpu.dma_semaphore, #tpu.memory_space<semaphore_mem>>)
      %dma_wait3A = arith.constant 0 : i32
      %dma_wait3A_85 = tpu.memref_slice %arg17[%add3A_36, %dma_wait3A] : memref<10240x128xf32, #tpu.memory_space<vmem_shared>> -> memref<80x128xf32, #tpu.memory_space<vmem_shared>>
      %dma_wait3A_86 = arith.constant 0 : i32
      %dma_wait3A_87 = tpu.memref_slice %arg17[%add3A_36, %dma_wait3A_86] : memref<10240x128xf32, #tpu.memory_space<vmem_shared>> -> memref<80x128xf32, #tpu.memory_space<vmem_shared>>
      tpu.wait_dma2 semaphore(%run_scoped3A : memref<!tpu.dma_semaphore, #tpu.memory_space<semaphore_mem>>) src(%arg14 : memref<80x128xf32, #tpu.memory_space<vmem>>) dst(%dma_wait3A_87 : memref<80x128xf32, #tpu.memory_space<vmem_shared>>)
      tpu.yield
    }) : () -> ()
    %lt3A = arith.constant 10 : i32
    %lt3A_37 = arith.cmpi slt, %arg1, %lt3A : i32
    %convert_element_type3A = arith.extui %lt3A_37 : i1 to i32
    %cond3A = arith.constant 0 : i32
    %cond3A_38 = arith.cmpi ne, %convert_element_type3A, %cond3A : i32
    scf.if %cond3A_38 {
      %mul3A_82 = arith.constant 32 : i32
      %mul3A_83 = arith.muli %arg1, %mul3A_82 : i32
      "tpu.region"() ({
        %run_scoped3A = tpu.sem_alloc : memref<!tpu.dma_semaphore, #tpu.memory_space<semaphore_mem>>
        %dma_start3A = arith.constant 0 : i32
        %dma_start3A_84 = arith.constant 0 : i32
        %dma_start3A_85 = tpu.memref_slice %arg14[%dma_start3A, %dma_start3A_84] : memref<80x128xf32, #tpu.memory_space<vmem>> -> memref<32x128xf32, #tpu.memory_space<vmem>>
        %dma_start3A_86 = arith.constant 0 : i32
        %dma_start3A_87 = tpu.memref_slice %arg18[%mul3A_83, %dma_start3A_86] : memref<320x128xf32, #tpu.memory_space<vmem_shared>> -> memref<32x128xf32, #tpu.memory_space<vmem_shared>>
        %dma_start3A_88 = arith.constant 0 : i32
        %dma_start3A_89 = tpu.memref_slice %arg18[%mul3A_83, %dma_start3A_88] : memref<320x128xf32, #tpu.memory_space<vmem_shared>> -> memref<32x128xf32, #tpu.memory_space<vmem_shared>>
        %dma_start3A_90 = arith.constant 0 : i32
        %dma_start3A_91 = arith.constant 0 : i32
        %dma_start3A_92 = tpu.memref_slice %arg14[%dma_start3A_90, %dma_start3A_91] : memref<80x128xf32, #tpu.memory_space<vmem>> -> memref<32x128xf32, #tpu.memory_space<vmem>>
        tpu.enqueue_dma source(%dma_start3A_92 : memref<32x128xf32, #tpu.memory_space<vmem>>) target(%dma_start3A_89 : memref<32x128xf32, #tpu.memory_space<vmem_shared>>) target_semaphore(%run_scoped3A : memref<!tpu.dma_semaphore, #tpu.memory_space<semaphore_mem>>)
        %dma_wait3A = arith.constant 0 : i32
        %dma_wait3A_93 = arith.constant 0 : i32
        %dma_wait3A_94 = tpu.memref_slice %arg14[%dma_wait3A, %dma_wait3A_93] : memref<80x128xf32, #tpu.memory_space<vmem>> -> memref<32x128xf32, #tpu.memory_space<vmem>>
        %dma_wait3A_95 = arith.constant 0 : i32
        %dma_wait3A_96 = tpu.memref_slice %arg18[%mul3A_83, %dma_wait3A_95] : memref<320x128xf32, #tpu.memory_space<vmem_shared>> -> memref<32x128xf32, #tpu.memory_space<vmem_shared>>
        %dma_wait3A_97 = arith.constant 0 : i32
        %dma_wait3A_98 = tpu.memref_slice %arg18[%mul3A_83, %dma_wait3A_97] : memref<320x128xf32, #tpu.memory_space<vmem_shared>> -> memref<32x128xf32, #tpu.memory_space<vmem_shared>>
        %dma_wait3A_99 = arith.constant 0 : i32
        %dma_wait3A_100 = arith.constant 0 : i32
        %dma_wait3A_101 = tpu.memref_slice %arg14[%dma_wait3A_99, %dma_wait3A_100] : memref<80x128xf32, #tpu.memory_space<vmem>> -> memref<32x128xf32, #tpu.memory_space<vmem>>
        tpu.wait_dma2 semaphore(%run_scoped3A : memref<!tpu.dma_semaphore, #tpu.memory_space<semaphore_mem>>) src(%dma_wait3A_101 : memref<32x128xf32, #tpu.memory_space<vmem>>) dst(%dma_wait3A_98 : memref<32x128xf32, #tpu.memory_space<vmem_shared>>)
        tpu.yield
      }) : () -> ()
    } else {
    }
    %barrier3A = arith.constant 0 : index
    tpu.barrier barrier_id(%barrier3A)
    %scan3A_39 = arith.constant 0 : i32
    %scan3A_40 = arith.constant 125 : i32
    %scan3A_41 = arith.addi %scan3A_39, %scan3A_40 : i32
    %scan3A_42 = arith.constant 1 : i32
    scf.for %scan3A_82 = %scan3A_39 to %scan3A_41 step %scan3A_42  : i32 {
      %mul3A_83 = arith.constant 10000 : i32
      %mul3A_84 = arith.muli %add3A, %mul3A_83 : i32
      %mul3A_85 = arith.constant 80 : i32
      %mul3A_86 = arith.muli %scan3A_82, %mul3A_85 : i32
      %add3A_87 = arith.addi %mul3A_84, %mul3A_86 : i32
      "tpu.region"() ({
        %run_scoped3A = tpu.sem_alloc : memref<!tpu.dma_semaphore, #tpu.memory_space<semaphore_mem>>
        %dma_start3A_119 = tpu.memref_slice %arg5[%add3A_87] : memref<320000xi32, #tpu.memory_space<hbm>> -> memref<80xi32, #tpu.memory_space<hbm>>
        %dma_start3A_120 = tpu.memref_slice %arg5[%add3A_87] : memref<320000xi32, #tpu.memory_space<hbm>> -> memref<80xi32, #tpu.memory_space<hbm>>
        tpu.enqueue_dma source(%dma_start3A_120 : memref<80xi32, #tpu.memory_space<hbm>>) target(%arg9 : memref<80xi32, #tpu.memory_space<vmem>>) target_semaphore(%run_scoped3A : memref<!tpu.dma_semaphore, #tpu.memory_space<semaphore_mem>>)
        %dma_wait3A_121 = tpu.memref_slice %arg5[%add3A_87] : memref<320000xi32, #tpu.memory_space<hbm>> -> memref<80xi32, #tpu.memory_space<hbm>>
        %dma_wait3A_122 = tpu.memref_slice %arg5[%add3A_87] : memref<320000xi32, #tpu.memory_space<hbm>> -> memref<80xi32, #tpu.memory_space<hbm>>
        tpu.wait_dma2 semaphore(%run_scoped3A : memref<!tpu.dma_semaphore, #tpu.memory_space<semaphore_mem>>) src(%dma_wait3A_122 : memref<80xi32, #tpu.memory_space<hbm>>) dst(%arg9 : memref<80xi32, #tpu.memory_space<vmem>>)
        tpu.yield
      }) : () -> ()
      "tpu.region"() ({
        %run_scoped3A = tpu.sem_alloc : memref<!tpu.dma_semaphore, #tpu.memory_space<semaphore_mem>>
        %dma_start3A_119 = tpu.memref_slice %arg6[%add3A_87] : memref<320000xi32, #tpu.memory_space<hbm>> -> memref<80xi32, #tpu.memory_space<hbm>>
        %dma_start3A_120 = tpu.memref_slice %arg6[%add3A_87] : memref<320000xi32, #tpu.memory_space<hbm>> -> memref<80xi32, #tpu.memory_space<hbm>>
        tpu.enqueue_dma source(%dma_start3A_120 : memref<80xi32, #tpu.memory_space<hbm>>) target(%arg10 : memref<80xi32, #tpu.memory_space<vmem>>) target_semaphore(%run_scoped3A : memref<!tpu.dma_semaphore, #tpu.memory_space<semaphore_mem>>)
        %dma_wait3A_121 = tpu.memref_slice %arg6[%add3A_87] : memref<320000xi32, #tpu.memory_space<hbm>> -> memref<80xi32, #tpu.memory_space<hbm>>
        %dma_wait3A_122 = tpu.memref_slice %arg6[%add3A_87] : memref<320000xi32, #tpu.memory_space<hbm>> -> memref<80xi32, #tpu.memory_space<hbm>>
        tpu.wait_dma2 semaphore(%run_scoped3A : memref<!tpu.dma_semaphore, #tpu.memory_space<semaphore_mem>>) src(%dma_wait3A_122 : memref<80xi32, #tpu.memory_space<hbm>>) dst(%arg10 : memref<80xi32, #tpu.memory_space<vmem>>)
        tpu.yield
      }) : () -> ()
      %dma_start3A = arith.constant 0 : i32
      %dma_start3A_88 = arith.constant 0 : i32
      %dma_start3A_89 = tpu.memref_slice %arg2[%dma_start3A, %dma_start3A_88] : memref<10000x128xf32, #tpu.memory_space<hbm>> -> memref<10000x128xf32, #tpu.memory_space<hbm>>
      tpu.enqueue_indirect_dma source(%dma_start3A_89 : memref<10000x128xf32, #tpu.memory_space<hbm>>) target(%arg12 : memref<80x128xf32, #tpu.memory_space<vmem>>) offsets(%arg9 : memref<80xi32, #tpu.memory_space<vmem>>) semaphore(%arg19 : memref<!tpu.dma_semaphore, #tpu.memory_space<semaphore_mem>>)
      %dma_start3A_90 = arith.constant 0 : i32
      %dma_start3A_91 = arith.constant 0 : i32
      %dma_start3A_92 = tpu.memref_slice %arg3[%dma_start3A_90, %dma_start3A_91] : memref<10000x128xf32, #tpu.memory_space<hbm>> -> memref<10000x128xf32, #tpu.memory_space<hbm>>
      tpu.enqueue_indirect_dma source(%dma_start3A_92 : memref<10000x128xf32, #tpu.memory_space<hbm>>) target(%arg13 : memref<80x128xf32, #tpu.memory_space<vmem>>) offsets(%arg10 : memref<80xi32, #tpu.memory_space<vmem>>) semaphore(%arg20 : memref<!tpu.dma_semaphore, #tpu.memory_space<semaphore_mem>>)
      %dma_wait3A = arith.constant 0 : i32
      %dma_wait3A_93 = arith.constant 0 : i32
      %dma_wait3A_94 = tpu.memref_slice %arg2[%dma_wait3A, %dma_wait3A_93] : memref<10000x128xf32, #tpu.memory_space<hbm>> -> memref<10000x128xf32, #tpu.memory_space<hbm>>
      tpu.wait_indirect_dma semaphore(%arg19 : memref<!tpu.dma_semaphore, #tpu.memory_space<semaphore_mem>>) src(%dma_wait3A_94 : memref<10000x128xf32, #tpu.memory_space<hbm>>) dst(%arg12 : memref<80x128xf32, #tpu.memory_space<vmem>>)
      %dma_wait3A_95 = arith.constant 0 : i32
      %dma_wait3A_96 = arith.constant 0 : i32
      %dma_wait3A_97 = tpu.memref_slice %arg3[%dma_wait3A_95, %dma_wait3A_96] : memref<10000x128xf32, #tpu.memory_space<hbm>> -> memref<10000x128xf32, #tpu.memory_space<hbm>>
      tpu.wait_indirect_dma semaphore(%arg20 : memref<!tpu.dma_semaphore, #tpu.memory_space<semaphore_mem>>) src(%dma_wait3A_97 : memref<10000x128xf32, #tpu.memory_space<hbm>>) dst(%arg13 : memref<80x128xf32, #tpu.memory_space<vmem>>)
      %scan3A_98 = arith.constant 0 : i32
      %scan3A_99 = arith.constant 5 : i32
      %scan3A_100 = arith.addi %scan3A_98, %scan3A_99 : i32
      %scan3A_101 = arith.constant 1 : i32
      scf.for %scan3A_119 = %scan3A_98 to %scan3A_100 step %scan3A_101  : i32 {
        %iota3A = tpu.iota {dimensions = array<i32: 0>} : vector<16xi32>
        %mul3A_120 = arith.constant 16 : i32
        %mul3A_121 = arith.muli %scan3A_119, %mul3A_120 : i32
        %add3A_122 = vector.broadcast %mul3A_121 : i32 to vector<16xi32>
        %add3A_123 = arith.addi %iota3A, %add3A_122 : vector<16xi32>
        %mul3A_124 = arith.constant 16 : i32
        %mul3A_125 = arith.muli %scan3A_119, %mul3A_124 : i32
        %get3A = arith.index_cast %mul3A_125 : i32 to index
        %get3A_126 = tpu.vector_load %arg9[%get3A] {strides = array<i32>} : memref<80xi32, #tpu.memory_space<vmem>>, vector<16xi32>,
        %shift_right_logical3A = arith.constant 5 : i32
        %shift_right_logical3A_127 = vector.broadcast %shift_right_logical3A : i32 to vector<16xi32>
        %shift_right_logical3A_128 = arith.shrui %get3A_126, %shift_right_logical3A_127 : vector<16xi32>
        %mul3A_129 = arith.constant 16 : i32
        %mul3A_130 = arith.muli %scan3A_119, %mul3A_129 : i32
        %swap3A = arith.index_cast %mul3A_130 : i32 to index
        %swap3A_131 = tpu.vector_load %arg11[%swap3A] {strides = array<i32>} : memref<80xi32, #tpu.memory_space<vmem>>, vector<16xi32>,
        tpu.vector_store %arg11[%swap3A], %shift_right_logical3A_128 {strides = array<i32>} : memref<80xi32, #tpu.memory_space<vmem>>, vector<16xi32>,
        %and3A = arith.constant 31 : i32
        %and3A_132 = vector.broadcast %and3A : i32 to vector<16xi32>
        %and3A_133 = arith.andi %get3A_126, %and3A_132 : vector<16xi32>
        %shift_left3A = arith.constant 2 : i32
        %shift_left3A_134 = vector.broadcast %shift_left3A : i32 to vector<16xi32>
        %shift_left3A_135 = arith.shli %and3A_133, %shift_left3A_134 : vector<16xi32>
        %broadcast_in_dim3A = arith.constant 0.000000e+00 : f32
        %broadcast_in_dim3A_136 = vector.broadcast %broadcast_in_dim3A : f32 to vector<16xf32>
        %broadcast_in_dim3A_137 = arith.constant 0 : i32
        %broadcast_in_dim3A_138 = vector.broadcast %broadcast_in_dim3A_137 : i32 to vector<16xi32>
        %gather3A = tpu.vector_load_idx %arg12[%add3A_123, %broadcast_in_dim3A_138] : memref<80x128xf32, #tpu.memory_space<vmem>>[vector<16xi32>, vector<16xi32>], vector<16xf32>,
        %gather3A_139 = tpu.vector_load_idx %arg13[%add3A_123, %broadcast_in_dim3A_138] : memref<80x128xf32, #tpu.memory_space<vmem>>[vector<16xi32>, vector<16xi32>], vector<16xf32>,
        %mul3A_140 = arith.mulf %gather3A, %gather3A_139 : vector<16xf32>
        %add3A_141 = arith.addf %broadcast_in_dim3A_136, %mul3A_140 : vector<16xf32>
        %broadcast_in_dim3A_142 = arith.constant 1 : i32
        %broadcast_in_dim3A_143 = vector.broadcast %broadcast_in_dim3A_142 : i32 to vector<16xi32>
        %gather3A_144 = tpu.vector_load_idx %arg12[%add3A_123, %broadcast_in_dim3A_143] : memref<80x128xf32, #tpu.memory_space<vmem>>[vector<16xi32>, vector<16xi32>], vector<16xf32>,
        %gather3A_145 = tpu.vector_load_idx %arg13[%add3A_123, %broadcast_in_dim3A_143] : memref<80x128xf32, #tpu.memory_space<vmem>>[vector<16xi32>, vector<16xi32>], vector<16xf32>,
        %mul3A_146 = arith.mulf %gather3A_144, %gather3A_145 : vector<16xf32>
        %add3A_147 = arith.addf %add3A_141, %mul3A_146 : vector<16xf32>
        %broadcast_in_dim3A_148 = arith.constant 2 : i32
        %broadcast_in_dim3A_149 = vector.broadcast %broadcast_in_dim3A_148 : i32 to vector<16xi32>
        %gather3A_150 = tpu.vector_load_idx %arg12[%add3A_123, %broadcast_in_dim3A_149] : memref<80x128xf32, #tpu.memory_space<vmem>>[vector<16xi32>, vector<16xi32>], vector<16xf32>,
        %gather3A_151 = tpu.vector_load_idx %arg13[%add3A_123, %broadcast_in_dim3A_149] : memref<80x128xf32, #tpu.memory_space<vmem>>[vector<16xi32>, vector<16xi32>], vector<16xf32>,
        %mul3A_152 = arith.mulf %gather3A_150, %gather3A_151 : vector<16xf32>
        %add3A_153 = arith.addf %add3A_147, %mul3A_152 : vector<16xf32>
        %broadcast_in_dim3A_154 = arith.constant 3 : i32
        %broadcast_in_dim3A_155 = vector.broadcast %broadcast_in_dim3A_154 : i32 to vector<16xi32>
        %gather3A_156 = tpu.vector_load_idx %arg12[%add3A_123, %broadcast_in_dim3A_155] : memref<80x128xf32, #tpu.memory_space<vmem>>[vector<16xi32>, vector<16xi32>], vector<16xf32>,
        %gather3A_157 = tpu.vector_load_idx %arg13[%add3A_123, %broadcast_in_dim3A_155] : memref<80x128xf32, #tpu.memory_space<vmem>>[vector<16xi32>, vector<16xi32>], vector<16xf32>,
        %mul3A_158 = arith.mulf %gather3A_156, %gather3A_157 : vector<16xf32>
        %add3A_159 = arith.addf %add3A_153, %mul3A_158 : vector<16xf32>
        %broadcast_in_dim3A_160 = arith.constant 4 : i32
        %broadcast_in_dim3A_161 = vector.broadcast %broadcast_in_dim3A_160 : i32 to vector<16xi32>
        %gather3A_162 = tpu.vector_load_idx %arg12[%add3A_123, %broadcast_in_dim3A_161] : memref<80x128xf32, #tpu.memory_space<vmem>>[vector<16xi32>, vector<16xi32>], vector<16xf32>,
        %gather3A_163 = tpu.vector_load_idx %arg13[%add3A_123, %broadcast_in_dim3A_161] : memref<80x128xf32, #tpu.memory_space<vmem>>[vector<16xi32>, vector<16xi32>], vector<16xf32>,
        %mul3A_164 = arith.mulf %gather3A_162, %gather3A_163 : vector<16xf32>
        %add3A_165 = arith.addf %add3A_159, %mul3A_164 : vector<16xf32>
        %broadcast_in_dim3A_166 = arith.constant 5 : i32
        %broadcast_in_dim3A_167 = vector.broadcast %broadcast_in_dim3A_166 : i32 to vector<16xi32>
        %gather3A_168 = tpu.vector_load_idx %arg12[%add3A_123, %broadcast_in_dim3A_167] : memref<80x128xf32, #tpu.memory_space<vmem>>[vector<16xi32>, vector<16xi32>], vector<16xf32>,
        %gather3A_169 = tpu.vector_load_idx %arg13[%add3A_123, %broadcast_in_dim3A_167] : memref<80x128xf32, #tpu.memory_space<vmem>>[vector<16xi32>, vector<16xi32>], vector<16xf32>,
        %mul3A_170 = arith.mulf %gather3A_168, %gather3A_169 : vector<16xf32>
        %add3A_171 = arith.addf %add3A_165, %mul3A_170 : vector<16xf32>
        %broadcast_in_dim3A_172 = arith.constant 6 : i32
        %broadcast_in_dim3A_173 = vector.broadcast %broadcast_in_dim3A_172 : i32 to vector<16xi32>
        %gather3A_174 = tpu.vector_load_idx %arg12[%add3A_123, %broadcast_in_dim3A_173] : memref<80x128xf32, #tpu.memory_space<vmem>>[vector<16xi32>, vector<16xi32>], vector<16xf32>,
        %gather3A_175 = tpu.vector_load_idx %arg13[%add3A_123, %broadcast_in_dim3A_173] : memref<80x128xf32, #tpu.memory_space<vmem>>[vector<16xi32>, vector<16xi32>], vector<16xf32>,
        %mul3A_176 = arith.mulf %gather3A_174, %gather3A_175 : vector<16xf32>
        %add3A_177 = arith.addf %add3A_171, %mul3A_176 : vector<16xf32>
        %broadcast_in_dim3A_178 = arith.constant 7 : i32
        %broadcast_in_dim3A_179 = vector.broadcast %broadcast_in_dim3A_178 : i32 to vector<16xi32>
        %gather3A_180 = tpu.vector_load_idx %arg12[%add3A_123, %broadcast_in_dim3A_179] : memref<80x128xf32, #tpu.memory_space<vmem>>[vector<16xi32>, vector<16xi32>], vector<16xf32>,
        %gather3A_181 = tpu.vector_load_idx %arg13[%add3A_123, %broadcast_in_dim3A_179] : memref<80x128xf32, #tpu.memory_space<vmem>>[vector<16xi32>, vector<16xi32>], vector<16xf32>,
        %mul3A_182 = arith.mulf %gather3A_180, %gather3A_181 : vector<16xf32>
        %add3A_183 = arith.addf %add3A_177, %mul3A_182 : vector<16xf32>
        %broadcast_in_dim3A_184 = arith.constant 8 : i32
        %broadcast_in_dim3A_185 = vector.broadcast %broadcast_in_dim3A_184 : i32 to vector<16xi32>
        %gather3A_186 = tpu.vector_load_idx %arg12[%add3A_123, %broadcast_in_dim3A_185] : memref<80x128xf32, #tpu.memory_space<vmem>>[vector<16xi32>, vector<16xi32>], vector<16xf32>,
        %gather3A_187 = tpu.vector_load_idx %arg13[%add3A_123, %broadcast_in_dim3A_185] : memref<80x128xf32, #tpu.memory_space<vmem>>[vector<16xi32>, vector<16xi32>], vector<16xf32>,
        %mul3A_188 = arith.mulf %gather3A_186, %gather3A_187 : vector<16xf32>
        %add3A_189 = arith.addf %add3A_183, %mul3A_188 : vector<16xf32>
        %broadcast_in_dim3A_190 = arith.constant 9 : i32
        %broadcast_in_dim3A_191 = vector.broadcast %broadcast_in_dim3A_190 : i32 to vector<16xi32>
        %gather3A_192 = tpu.vector_load_idx %arg12[%add3A_123, %broadcast_in_dim3A_191] : memref<80x128xf32, #tpu.memory_space<vmem>>[vector<16xi32>, vector<16xi32>], vector<16xf32>,
        %gather3A_193 = tpu.vector_load_idx %arg13[%add3A_123, %broadcast_in_dim3A_191] : memref<80x128xf32, #tpu.memory_space<vmem>>[vector<16xi32>, vector<16xi32>], vector<16xf32>,
        %mul3A_194 = arith.mulf %gather3A_192, %gather3A_193 : vector<16xf32>
        %add3A_195 = arith.addf %add3A_189, %mul3A_194 : vector<16xf32>
        %broadcast_in_dim3A_196 = arith.constant 10 : i32
        %broadcast_in_dim3A_197 = vector.broadcast %broadcast_in_dim3A_196 : i32 to vector<16xi32>
        %gather3A_198 = tpu.vector_load_idx %arg12[%add3A_123, %broadcast_in_dim3A_197] : memref<80x128xf32, #tpu.memory_space<vmem>>[vector<16xi32>, vector<16xi32>], vector<16xf32>,
        %gather3A_199 = tpu.vector_load_idx %arg13[%add3A_123, %broadcast_in_dim3A_197] : memref<80x128xf32, #tpu.memory_space<vmem>>[vector<16xi32>, vector<16xi32>], vector<16xf32>,
        %mul3A_200 = arith.mulf %gather3A_198, %gather3A_199 : vector<16xf32>
        %add3A_201 = arith.addf %add3A_195, %mul3A_200 : vector<16xf32>
        %broadcast_in_dim3A_202 = arith.constant 11 : i32
        %broadcast_in_dim3A_203 = vector.broadcast %broadcast_in_dim3A_202 : i32 to vector<16xi32>
        %gather3A_204 = tpu.vector_load_idx %arg12[%add3A_123, %broadcast_in_dim3A_203] : memref<80x128xf32, #tpu.memory_space<vmem>>[vector<16xi32>, vector<16xi32>], vector<16xf32>,
        %gather3A_205 = tpu.vector_load_idx %arg13[%add3A_123, %broadcast_in_dim3A_203] : memref<80x128xf32, #tpu.memory_space<vmem>>[vector<16xi32>, vector<16xi32>], vector<16xf32>,
        %mul3A_206 = arith.mulf %gather3A_204, %gather3A_205 : vector<16xf32>
        %add3A_207 = arith.addf %add3A_201, %mul3A_206 : vector<16xf32>
        %broadcast_in_dim3A_208 = arith.constant 12 : i32
        %broadcast_in_dim3A_209 = vector.broadcast %broadcast_in_dim3A_208 : i32 to vector<16xi32>
        %gather3A_210 = tpu.vector_load_idx %arg12[%add3A_123, %broadcast_in_dim3A_209] : memref<80x128xf32, #tpu.memory_space<vmem>>[vector<16xi32>, vector<16xi32>], vector<16xf32>,
        %gather3A_211 = tpu.vector_load_idx %arg13[%add3A_123, %broadcast_in_dim3A_209] : memref<80x128xf32, #tpu.memory_space<vmem>>[vector<16xi32>, vector<16xi32>], vector<16xf32>,
        %mul3A_212 = arith.mulf %gather3A_210, %gather3A_211 : vector<16xf32>
        %add3A_213 = arith.addf %add3A_207, %mul3A_212 : vector<16xf32>
        %broadcast_in_dim3A_214 = arith.constant 13 : i32
        %broadcast_in_dim3A_215 = vector.broadcast %broadcast_in_dim3A_214 : i32 to vector<16xi32>
        %gather3A_216 = tpu.vector_load_idx %arg12[%add3A_123, %broadcast_in_dim3A_215] : memref<80x128xf32, #tpu.memory_space<vmem>>[vector<16xi32>, vector<16xi32>], vector<16xf32>,
        %gather3A_217 = tpu.vector_load_idx %arg13[%add3A_123, %broadcast_in_dim3A_215] : memref<80x128xf32, #tpu.memory_space<vmem>>[vector<16xi32>, vector<16xi32>], vector<16xf32>,
        %mul3A_218 = arith.mulf %gather3A_216, %gather3A_217 : vector<16xf32>
        %add3A_219 = arith.addf %add3A_213, %mul3A_218 : vector<16xf32>
        %broadcast_in_dim3A_220 = arith.constant 14 : i32
        %broadcast_in_dim3A_221 = vector.broadcast %broadcast_in_dim3A_220 : i32 to vector<16xi32>
        %gather3A_222 = tpu.vector_load_idx %arg12[%add3A_123, %broadcast_in_dim3A_221] : memref<80x128xf32, #tpu.memory_space<vmem>>[vector<16xi32>, vector<16xi32>], vector<16xf32>,
        %gather3A_223 = tpu.vector_load_idx %arg13[%add3A_123, %broadcast_in_dim3A_221] : memref<80x128xf32, #tpu.memory_space<vmem>>[vector<16xi32>, vector<16xi32>], vector<16xf32>,
        %mul3A_224 = arith.mulf %gather3A_222, %gather3A_223 : vector<16xf32>
        %add3A_225 = arith.addf %add3A_219, %mul3A_224 : vector<16xf32>
        %broadcast_in_dim3A_226 = arith.constant 15 : i32
        %broadcast_in_dim3A_227 = vector.broadcast %broadcast_in_dim3A_226 : i32 to vector<16xi32>
        %gather3A_228 = tpu.vector_load_idx %arg12[%add3A_123, %broadcast_in_dim3A_227] : memref<80x128xf32, #tpu.memory_space<vmem>>[vector<16xi32>, vector<16xi32>], vector<16xf32>,
        %gather3A_229 = tpu.vector_load_idx %arg13[%add3A_123, %broadcast_in_dim3A_227] : memref<80x128xf32, #tpu.memory_space<vmem>>[vector<16xi32>, vector<16xi32>], vector<16xf32>,
        %mul3A_230 = arith.mulf %gather3A_228, %gather3A_229 : vector<16xf32>
        %add3A_231 = arith.addf %add3A_225, %mul3A_230 : vector<16xf32>
        %broadcast_in_dim3A_232 = arith.constant 16 : i32
        %broadcast_in_dim3A_233 = vector.broadcast %broadcast_in_dim3A_232 : i32 to vector<16xi32>
        %gather3A_234 = tpu.vector_load_idx %arg12[%add3A_123, %broadcast_in_dim3A_233] : memref<80x128xf32, #tpu.memory_space<vmem>>[vector<16xi32>, vector<16xi32>], vector<16xf32>,
        %gather3A_235 = tpu.vector_load_idx %arg13[%add3A_123, %broadcast_in_dim3A_233] : memref<80x128xf32, #tpu.memory_space<vmem>>[vector<16xi32>, vector<16xi32>], vector<16xf32>,
        %mul3A_236 = arith.mulf %gather3A_234, %gather3A_235 : vector<16xf32>
        %add3A_237 = arith.addf %add3A_231, %mul3A_236 : vector<16xf32>
        %broadcast_in_dim3A_238 = arith.constant 17 : i32
        %broadcast_in_dim3A_239 = vector.broadcast %broadcast_in_dim3A_238 : i32 to vector<16xi32>
        %gather3A_240 = tpu.vector_load_idx %arg12[%add3A_123, %broadcast_in_dim3A_239] : memref<80x128xf32, #tpu.memory_space<vmem>>[vector<16xi32>, vector<16xi32>], vector<16xf32>,
        %gather3A_241 = tpu.vector_load_idx %arg13[%add3A_123, %broadcast_in_dim3A_239] : memref<80x128xf32, #tpu.memory_space<vmem>>[vector<16xi32>, vector<16xi32>], vector<16xf32>,
        %mul3A_242 = arith.mulf %gather3A_240, %gather3A_241 : vector<16xf32>
        %add3A_243 = arith.addf %add3A_237, %mul3A_242 : vector<16xf32>
        %broadcast_in_dim3A_244 = arith.constant 18 : i32
        %broadcast_in_dim3A_245 = vector.broadcast %broadcast_in_dim3A_244 : i32 to vector<16xi32>
        %gather3A_246 = tpu.vector_load_idx %arg12[%add3A_123, %broadcast_in_dim3A_245] : memref<80x128xf32, #tpu.memory_space<vmem>>[vector<16xi32>, vector<16xi32>], vector<16xf32>,
        %gather3A_247 = tpu.vector_load_idx %arg13[%add3A_123, %broadcast_in_dim3A_245] : memref<80x128xf32, #tpu.memory_space<vmem>>[vector<16xi32>, vector<16xi32>], vector<16xf32>,
        %mul3A_248 = arith.mulf %gather3A_246, %gather3A_247 : vector<16xf32>
        %add3A_249 = arith.addf %add3A_243, %mul3A_248 : vector<16xf32>
        %broadcast_in_dim3A_250 = arith.constant 19 : i32
        %broadcast_in_dim3A_251 = vector.broadcast %broadcast_in_dim3A_250 : i32 to vector<16xi32>
        %gather3A_252 = tpu.vector_load_idx %arg12[%add3A_123, %broadcast_in_dim3A_251] : memref<80x128xf32, #tpu.memory_space<vmem>>[vector<16xi32>, vector<16xi32>], vector<16xf32>,
        %gather3A_253 = tpu.vector_load_idx %arg13[%add3A_123, %broadcast_in_dim3A_251] : memref<80x128xf32, #tpu.memory_space<vmem>>[vector<16xi32>, vector<16xi32>], vector<16xf32>,
        %mul3A_254 = arith.mulf %gather3A_252, %gather3A_253 : vector<16xf32>
        %add3A_255 = arith.addf %add3A_249, %mul3A_254 : vector<16xf32>
        %broadcast_in_dim3A_256 = arith.constant 20 : i32
        %broadcast_in_dim3A_257 = vector.broadcast %broadcast_in_dim3A_256 : i32 to vector<16xi32>
        %gather3A_258 = tpu.vector_load_idx %arg12[%add3A_123, %broadcast_in_dim3A_257] : memref<80x128xf32, #tpu.memory_space<vmem>>[vector<16xi32>, vector<16xi32>], vector<16xf32>,
        %gather3A_259 = tpu.vector_load_idx %arg13[%add3A_123, %broadcast_in_dim3A_257] : memref<80x128xf32, #tpu.memory_space<vmem>>[vector<16xi32>, vector<16xi32>], vector<16xf32>,
        %mul3A_260 = arith.mulf %gather3A_258, %gather3A_259 : vector<16xf32>
        %add3A_261 = arith.addf %add3A_255, %mul3A_260 : vector<16xf32>
        %broadcast_in_dim3A_262 = arith.constant 21 : i32
        %broadcast_in_dim3A_263 = vector.broadcast %broadcast_in_dim3A_262 : i32 to vector<16xi32>
        %gather3A_264 = tpu.vector_load_idx %arg12[%add3A_123, %broadcast_in_dim3A_263] : memref<80x128xf32, #tpu.memory_space<vmem>>[vector<16xi32>, vector<16xi32>], vector<16xf32>,
        %gather3A_265 = tpu.vector_load_idx %arg13[%add3A_123, %broadcast_in_dim3A_263] : memref<80x128xf32, #tpu.memory_space<vmem>>[vector<16xi32>, vector<16xi32>], vector<16xf32>,
        %mul3A_266 = arith.mulf %gather3A_264, %gather3A_265 : vector<16xf32>
        %add3A_267 = arith.addf %add3A_261, %mul3A_266 : vector<16xf32>
        %broadcast_in_dim3A_268 = arith.constant 22 : i32
        %broadcast_in_dim3A_269 = vector.broadcast %broadcast_in_dim3A_268 : i32 to vector<16xi32>
        %gather3A_270 = tpu.vector_load_idx %arg12[%add3A_123, %broadcast_in_dim3A_269] : memref<80x128xf32, #tpu.memory_space<vmem>>[vector<16xi32>, vector<16xi32>], vector<16xf32>,
        %gather3A_271 = tpu.vector_load_idx %arg13[%add3A_123, %broadcast_in_dim3A_269] : memref<80x128xf32, #tpu.memory_space<vmem>>[vector<16xi32>, vector<16xi32>], vector<16xf32>,
        %mul3A_272 = arith.mulf %gather3A_270, %gather3A_271 : vector<16xf32>
        %add3A_273 = arith.addf %add3A_267, %mul3A_272 : vector<16xf32>
        %broadcast_in_dim3A_274 = arith.constant 23 : i32
        %broadcast_in_dim3A_275 = vector.broadcast %broadcast_in_dim3A_274 : i32 to vector<16xi32>
        %gather3A_276 = tpu.vector_load_idx %arg12[%add3A_123, %broadcast_in_dim3A_275] : memref<80x128xf32, #tpu.memory_space<vmem>>[vector<16xi32>, vector<16xi32>], vector<16xf32>,
        %gather3A_277 = tpu.vector_load_idx %arg13[%add3A_123, %broadcast_in_dim3A_275] : memref<80x128xf32, #tpu.memory_space<vmem>>[vector<16xi32>, vector<16xi32>], vector<16xf32>,
        %mul3A_278 = arith.mulf %gather3A_276, %gather3A_277 : vector<16xf32>
        %add3A_279 = arith.addf %add3A_273, %mul3A_278 : vector<16xf32>
        %broadcast_in_dim3A_280 = arith.constant 24 : i32
        %broadcast_in_dim3A_281 = vector.broadcast %broadcast_in_dim3A_280 : i32 to vector<16xi32>
        %gather3A_282 = tpu.vector_load_idx %arg12[%add3A_123, %broadcast_in_dim3A_281] : memref<80x128xf32, #tpu.memory_space<vmem>>[vector<16xi32>, vector<16xi32>], vector<16xf32>,
        %gather3A_283 = tpu.vector_load_idx %arg13[%add3A_123, %broadcast_in_dim3A_281] : memref<80x128xf32, #tpu.memory_space<vmem>>[vector<16xi32>, vector<16xi32>], vector<16xf32>,
        %mul3A_284 = arith.mulf %gather3A_282, %gather3A_283 : vector<16xf32>
        %add3A_285 = arith.addf %add3A_279, %mul3A_284 : vector<16xf32>
        %broadcast_in_dim3A_286 = arith.constant 25 : i32
        %broadcast_in_dim3A_287 = vector.broadcast %broadcast_in_dim3A_286 : i32 to vector<16xi32>
        %gather3A_288 = tpu.vector_load_idx %arg12[%add3A_123, %broadcast_in_dim3A_287] : memref<80x128xf32, #tpu.memory_space<vmem>>[vector<16xi32>, vector<16xi32>], vector<16xf32>,
        %gather3A_289 = tpu.vector_load_idx %arg13[%add3A_123, %broadcast_in_dim3A_287] : memref<80x128xf32, #tpu.memory_space<vmem>>[vector<16xi32>, vector<16xi32>], vector<16xf32>,
        %mul3A_290 = arith.mulf %gather3A_288, %gather3A_289 : vector<16xf32>
        %add3A_291 = arith.addf %add3A_285, %mul3A_290 : vector<16xf32>
        %broadcast_in_dim3A_292 = arith.constant 26 : i32
        %broadcast_in_dim3A_293 = vector.broadcast %broadcast_in_dim3A_292 : i32 to vector<16xi32>
        %gather3A_294 = tpu.vector_load_idx %arg12[%add3A_123, %broadcast_in_dim3A_293] : memref<80x128xf32, #tpu.memory_space<vmem>>[vector<16xi32>, vector<16xi32>], vector<16xf32>,
        %gather3A_295 = tpu.vector_load_idx %arg13[%add3A_123, %broadcast_in_dim3A_293] : memref<80x128xf32, #tpu.memory_space<vmem>>[vector<16xi32>, vector<16xi32>], vector<16xf32>,
        %mul3A_296 = arith.mulf %gather3A_294, %gather3A_295 : vector<16xf32>
        %add3A_297 = arith.addf %add3A_291, %mul3A_296 : vector<16xf32>
        %broadcast_in_dim3A_298 = arith.constant 27 : i32
        %broadcast_in_dim3A_299 = vector.broadcast %broadcast_in_dim3A_298 : i32 to vector<16xi32>
        %gather3A_300 = tpu.vector_load_idx %arg12[%add3A_123, %broadcast_in_dim3A_299] : memref<80x128xf32, #tpu.memory_space<vmem>>[vector<16xi32>, vector<16xi32>], vector<16xf32>,
        %gather3A_301 = tpu.vector_load_idx %arg13[%add3A_123, %broadcast_in_dim3A_299] : memref<80x128xf32, #tpu.memory_space<vmem>>[vector<16xi32>, vector<16xi32>], vector<16xf32>,
        %mul3A_302 = arith.mulf %gather3A_300, %gather3A_301 : vector<16xf32>
        %add3A_303 = arith.addf %add3A_297, %mul3A_302 : vector<16xf32>
        %broadcast_in_dim3A_304 = arith.constant 28 : i32
        %broadcast_in_dim3A_305 = vector.broadcast %broadcast_in_dim3A_304 : i32 to vector<16xi32>
        %gather3A_306 = tpu.vector_load_idx %arg12[%add3A_123, %broadcast_in_dim3A_305] : memref<80x128xf32, #tpu.memory_space<vmem>>[vector<16xi32>, vector<16xi32>], vector<16xf32>,
        %gather3A_307 = tpu.vector_load_idx %arg13[%add3A_123, %broadcast_in_dim3A_305] : memref<80x128xf32, #tpu.memory_space<vmem>>[vector<16xi32>, vector<16xi32>], vector<16xf32>,
        %mul3A_308 = arith.mulf %gather3A_306, %gather3A_307 : vector<16xf32>
        %add3A_309 = arith.addf %add3A_303, %mul3A_308 : vector<16xf32>
        %broadcast_in_dim3A_310 = arith.constant 29 : i32
        %broadcast_in_dim3A_311 = vector.broadcast %broadcast_in_dim3A_310 : i32 to vector<16xi32>
        %gather3A_312 = tpu.vector_load_idx %arg12[%add3A_123, %broadcast_in_dim3A_311] : memref<80x128xf32, #tpu.memory_space<vmem>>[vector<16xi32>, vector<16xi32>], vector<16xf32>,
        %gather3A_313 = tpu.vector_load_idx %arg13[%add3A_123, %broadcast_in_dim3A_311] : memref<80x128xf32, #tpu.memory_space<vmem>>[vector<16xi32>, vector<16xi32>], vector<16xf32>,
        %mul3A_314 = arith.mulf %gather3A_312, %gather3A_313 : vector<16xf32>
        %add3A_315 = arith.addf %add3A_309, %mul3A_314 : vector<16xf32>
        %broadcast_in_dim3A_316 = arith.constant 30 : i32
        %broadcast_in_dim3A_317 = vector.broadcast %broadcast_in_dim3A_316 : i32 to vector<16xi32>
        %gather3A_318 = tpu.vector_load_idx %arg12[%add3A_123, %broadcast_in_dim3A_317] : memref<80x128xf32, #tpu.memory_space<vmem>>[vector<16xi32>, vector<16xi32>], vector<16xf32>,
        %gather3A_319 = tpu.vector_load_idx %arg13[%add3A_123, %broadcast_in_dim3A_317] : memref<80x128xf32, #tpu.memory_space<vmem>>[vector<16xi32>, vector<16xi32>], vector<16xf32>,
        %mul3A_320 = arith.mulf %gather3A_318, %gather3A_319 : vector<16xf32>
        %add3A_321 = arith.addf %add3A_315, %mul3A_320 : vector<16xf32>
        %broadcast_in_dim3A_322 = arith.constant 31 : i32
        %broadcast_in_dim3A_323 = vector.broadcast %broadcast_in_dim3A_322 : i32 to vector<16xi32>
        %gather3A_324 = tpu.vector_load_idx %arg12[%add3A_123, %broadcast_in_dim3A_323] : memref<80x128xf32, #tpu.memory_space<vmem>>[vector<16xi32>, vector<16xi32>], vector<16xf32>,
        %gather3A_325 = tpu.vector_load_idx %arg13[%add3A_123, %broadcast_in_dim3A_323] : memref<80x128xf32, #tpu.memory_space<vmem>>[vector<16xi32>, vector<16xi32>], vector<16xf32>,
        %mul3A_326 = arith.mulf %gather3A_324, %gather3A_325 : vector<16xf32>
        %add3A_327 = arith.addf %add3A_321, %mul3A_326 : vector<16xf32>
        %mul3A_328 = arith.constant 0.176776692 : f32
        %mul3A_329 = vector.broadcast %mul3A_328 : f32 to vector<16xf32>
        %mul3A_330 = arith.mulf %add3A_327, %mul3A_329 : vector<16xf32>
        %exp3A = math.exp %mul3A_330 : vector<16xf32>
        %add3A_331 = arith.constant 0 : i32
        %add3A_332 = vector.broadcast %add3A_331 : i32 to vector<16xi32>
        %add3A_333 = arith.addi %shift_left3A_135, %add3A_332 : vector<16xi32>
        tpu.vector_store_idx %arg15[%add3A_123, %add3A_333], %exp3A : memref<80x128xf32, #tpu.memory_space<vmem>>[vector<16xi32>, vector<16xi32>], vector<16xf32>,
        %mul3A_334 = arith.constant 16 : i32
        %mul3A_335 = arith.muli %scan3A_119, %mul3A_334 : i32
        %swap3A_336 = arith.constant 0 : i32
        %swap3A_337 = arith.index_cast %swap3A_336 : i32 to index
        %swap3A_338 = arith.index_cast %mul3A_335 : i32 to index
        %swap3A_339 = tpu.vector_load %arg16[%swap3A_337, %swap3A_338] {strides = array<i32>} : memref<4x80xf32, #tpu.memory_space<vmem>>, vector<16xf32>,
        tpu.vector_store %arg16[%swap3A_337, %swap3A_338], %exp3A {strides = array<i32>} : memref<4x80xf32, #tpu.memory_space<vmem>>, vector<16xf32>,
        %broadcast_in_dim3A_340 = arith.constant 0.000000e+00 : f32
        %broadcast_in_dim3A_341 = vector.broadcast %broadcast_in_dim3A_340 : f32 to vector<16xf32>
        %broadcast_in_dim3A_342 = arith.constant 32 : i32
        %broadcast_in_dim3A_343 = vector.broadcast %broadcast_in_dim3A_342 : i32 to vector<16xi32>
        %gather3A_344 = tpu.vector_load_idx %arg12[%add3A_123, %broadcast_in_dim3A_343] : memref<80x128xf32, #tpu.memory_space<vmem>>[vector<16xi32>, vector<16xi32>], vector<16xf32>,
        %gather3A_345 = tpu.vector_load_idx %arg13[%add3A_123, %broadcast_in_dim3A_343] : memref<80x128xf32, #tpu.memory_space<vmem>>[vector<16xi32>, vector<16xi32>], vector<16xf32>,
        %mul3A_346 = arith.mulf %gather3A_344, %gather3A_345 : vector<16xf32>
        %add3A_347 = arith.addf %broadcast_in_dim3A_341, %mul3A_346 : vector<16xf32>
        %broadcast_in_dim3A_348 = arith.constant 33 : i32
        %broadcast_in_dim3A_349 = vector.broadcast %broadcast_in_dim3A_348 : i32 to vector<16xi32>
        %gather3A_350 = tpu.vector_load_idx %arg12[%add3A_123, %broadcast_in_dim3A_349] : memref<80x128xf32, #tpu.memory_space<vmem>>[vector<16xi32>, vector<16xi32>], vector<16xf32>,
        %gather3A_351 = tpu.vector_load_idx %arg13[%add3A_123, %broadcast_in_dim3A_349] : memref<80x128xf32, #tpu.memory_space<vmem>>[vector<16xi32>, vector<16xi32>], vector<16xf32>,
        %mul3A_352 = arith.mulf %gather3A_350, %gather3A_351 : vector<16xf32>
        %add3A_353 = arith.addf %add3A_347, %mul3A_352 : vector<16xf32>
        %broadcast_in_dim3A_354 = arith.constant 34 : i32
        %broadcast_in_dim3A_355 = vector.broadcast %broadcast_in_dim3A_354 : i32 to vector<16xi32>
        %gather3A_356 = tpu.vector_load_idx %arg12[%add3A_123, %broadcast_in_dim3A_355] : memref<80x128xf32, #tpu.memory_space<vmem>>[vector<16xi32>, vector<16xi32>], vector<16xf32>,
        %gather3A_357 = tpu.vector_load_idx %arg13[%add3A_123, %broadcast_in_dim3A_355] : memref<80x128xf32, #tpu.memory_space<vmem>>[vector<16xi32>, vector<16xi32>], vector<16xf32>,
        %mul3A_358 = arith.mulf %gather3A_356, %gather3A_357 : vector<16xf32>
        %add3A_359 = arith.addf %add3A_353, %mul3A_358 : vector<16xf32>
        %broadcast_in_dim3A_360 = arith.constant 35 : i32
        %broadcast_in_dim3A_361 = vector.broadcast %broadcast_in_dim3A_360 : i32 to vector<16xi32>
        %gather3A_362 = tpu.vector_load_idx %arg12[%add3A_123, %broadcast_in_dim3A_361] : memref<80x128xf32, #tpu.memory_space<vmem>>[vector<16xi32>, vector<16xi32>], vector<16xf32>,
        %gather3A_363 = tpu.vector_load_idx %arg13[%add3A_123, %broadcast_in_dim3A_361] : memref<80x128xf32, #tpu.memory_space<vmem>>[vector<16xi32>, vector<16xi32>], vector<16xf32>,
        %mul3A_364 = arith.mulf %gather3A_362, %gather3A_363 : vector<16xf32>
        %add3A_365 = arith.addf %add3A_359, %mul3A_364 : vector<16xf32>
        %broadcast_in_dim3A_366 = arith.constant 36 : i32
        %broadcast_in_dim3A_367 = vector.broadcast %broadcast_in_dim3A_366 : i32 to vector<16xi32>
        %gather3A_368 = tpu.vector_load_idx %arg12[%add3A_123, %broadcast_in_dim3A_367] : memref<80x128xf32, #tpu.memory_space<vmem>>[vector<16xi32>, vector<16xi32>], vector<16xf32>,
        %gather3A_369 = tpu.vector_load_idx %arg13[%add3A_123, %broadcast_in_dim3A_367] : memref<80x128xf32, #tpu.memory_space<vmem>>[vector<16xi32>, vector<16xi32>], vector<16xf32>,
        %mul3A_370 = arith.mulf %gather3A_368, %gather3A_369 : vector<16xf32>
        %add3A_371 = arith.addf %add3A_365, %mul3A_370 : vector<16xf32>
        %broadcast_in_dim3A_372 = arith.constant 37 : i32
        %broadcast_in_dim3A_373 = vector.broadcast %broadcast_in_dim3A_372 : i32 to vector<16xi32>
        %gather3A_374 = tpu.vector_load_idx %arg12[%add3A_123, %broadcast_in_dim3A_373] : memref<80x128xf32, #tpu.memory_space<vmem>>[vector<16xi32>, vector<16xi32>], vector<16xf32>,
        %gather3A_375 = tpu.vector_load_idx %arg13[%add3A_123, %broadcast_in_dim3A_373] : memref<80x128xf32, #tpu.memory_space<vmem>>[vector<16xi32>, vector<16xi32>], vector<16xf32>,
        %mul3A_376 = arith.mulf %gather3A_374, %gather3A_375 : vector<16xf32>
        %add3A_377 = arith.addf %add3A_371, %mul3A_376 : vector<16xf32>
        %broadcast_in_dim3A_378 = arith.constant 38 : i32
        %broadcast_in_dim3A_379 = vector.broadcast %broadcast_in_dim3A_378 : i32 to vector<16xi32>
        %gather3A_380 = tpu.vector_load_idx %arg12[%add3A_123, %broadcast_in_dim3A_379] : memref<80x128xf32, #tpu.memory_space<vmem>>[vector<16xi32>, vector<16xi32>], vector<16xf32>,
        %gather3A_381 = tpu.vector_load_idx %arg13[%add3A_123, %broadcast_in_dim3A_379] : memref<80x128xf32, #tpu.memory_space<vmem>>[vector<16xi32>, vector<16xi32>], vector<16xf32>,
        %mul3A_382 = arith.mulf %gather3A_380, %gather3A_381 : vector<16xf32>
        %add3A_383 = arith.addf %add3A_377, %mul3A_382 : vector<16xf32>
        %broadcast_in_dim3A_384 = arith.constant 39 : i32
        %broadcast_in_dim3A_385 = vector.broadcast %broadcast_in_dim3A_384 : i32 to vector<16xi32>
        %gather3A_386 = tpu.vector_load_idx %arg12[%add3A_123, %broadcast_in_dim3A_385] : memref<80x128xf32, #tpu.memory_space<vmem>>[vector<16xi32>, vector<16xi32>], vector<16xf32>,
        %gather3A_387 = tpu.vector_load_idx %arg13[%add3A_123, %broadcast_in_dim3A_385] : memref<80x128xf32, #tpu.memory_space<vmem>>[vector<16xi32>, vector<16xi32>], vector<16xf32>,
        %mul3A_388 = arith.mulf %gather3A_386, %gather3A_387 : vector<16xf32>
        %add3A_389 = arith.addf %add3A_383, %mul3A_388 : vector<16xf32>
        %broadcast_in_dim3A_390 = arith.constant 40 : i32
        %broadcast_in_dim3A_391 = vector.broadcast %broadcast_in_dim3A_390 : i32 to vector<16xi32>
        %gather3A_392 = tpu.vector_load_idx %arg12[%add3A_123, %broadcast_in_dim3A_391] : memref<80x128xf32, #tpu.memory_space<vmem>>[vector<16xi32>, vector<16xi32>], vector<16xf32>,
        %gather3A_393 = tpu.vector_load_idx %arg13[%add3A_123, %broadcast_in_dim3A_391] : memref<80x128xf32, #tpu.memory_space<vmem>>[vector<16xi32>, vector<16xi32>], vector<16xf32>,
        %mul3A_394 = arith.mulf %gather3A_392, %gather3A_393 : vector<16xf32>
        %add3A_395 = arith.addf %add3A_389, %mul3A_394 : vector<16xf32>
        %broadcast_in_dim3A_396 = arith.constant 41 : i32
        %broadcast_in_dim3A_397 = vector.broadcast %broadcast_in_dim3A_396 : i32 to vector<16xi32>
        %gather3A_398 = tpu.vector_load_idx %arg12[%add3A_123, %broadcast_in_dim3A_397] : memref<80x128xf32, #tpu.memory_space<vmem>>[vector<16xi32>, vector<16xi32>], vector<16xf32>,
        %gather3A_399 = tpu.vector_load_idx %arg13[%add3A_123, %broadcast_in_dim3A_397] : memref<80x128xf32, #tpu.memory_space<vmem>>[vector<16xi32>, vector<16xi32>], vector<16xf32>,
        %mul3A_400 = arith.mulf %gather3A_398, %gather3A_399 : vector<16xf32>
        %add3A_401 = arith.addf %add3A_395, %mul3A_400 : vector<16xf32>
        %broadcast_in_dim3A_402 = arith.constant 42 : i32
        %broadcast_in_dim3A_403 = vector.broadcast %broadcast_in_dim3A_402 : i32 to vector<16xi32>
        %gather3A_404 = tpu.vector_load_idx %arg12[%add3A_123, %broadcast_in_dim3A_403] : memref<80x128xf32, #tpu.memory_space<vmem>>[vector<16xi32>, vector<16xi32>], vector<16xf32>,
        %gather3A_405 = tpu.vector_load_idx %arg13[%add3A_123, %broadcast_in_dim3A_403] : memref<80x128xf32, #tpu.memory_space<vmem>>[vector<16xi32>, vector<16xi32>], vector<16xf32>,
        %mul3A_406 = arith.mulf %gather3A_404, %gather3A_405 : vector<16xf32>
        %add3A_407 = arith.addf %add3A_401, %mul3A_406 : vector<16xf32>
        %broadcast_in_dim3A_408 = arith.constant 43 : i32
        %broadcast_in_dim3A_409 = vector.broadcast %broadcast_in_dim3A_408 : i32 to vector<16xi32>
        %gather3A_410 = tpu.vector_load_idx %arg12[%add3A_123, %broadcast_in_dim3A_409] : memref<80x128xf32, #tpu.memory_space<vmem>>[vector<16xi32>, vector<16xi32>], vector<16xf32>,
        %gather3A_411 = tpu.vector_load_idx %arg13[%add3A_123, %broadcast_in_dim3A_409] : memref<80x128xf32, #tpu.memory_space<vmem>>[vector<16xi32>, vector<16xi32>], vector<16xf32>,
        %mul3A_412 = arith.mulf %gather3A_410, %gather3A_411 : vector<16xf32>
        %add3A_413 = arith.addf %add3A_407, %mul3A_412 : vector<16xf32>
        %broadcast_in_dim3A_414 = arith.constant 44 : i32
        %broadcast_in_dim3A_415 = vector.broadcast %broadcast_in_dim3A_414 : i32 to vector<16xi32>
        %gather3A_416 = tpu.vector_load_idx %arg12[%add3A_123, %broadcast_in_dim3A_415] : memref<80x128xf32, #tpu.memory_space<vmem>>[vector<16xi32>, vector<16xi32>], vector<16xf32>,
        %gather3A_417 = tpu.vector_load_idx %arg13[%add3A_123, %broadcast_in_dim3A_415] : memref<80x128xf32, #tpu.memory_space<vmem>>[vector<16xi32>, vector<16xi32>], vector<16xf32>,
        %mul3A_418 = arith.mulf %gather3A_416, %gather3A_417 : vector<16xf32>
        %add3A_419 = arith.addf %add3A_413, %mul3A_418 : vector<16xf32>
        %broadcast_in_dim3A_420 = arith.constant 45 : i32
        %broadcast_in_dim3A_421 = vector.broadcast %broadcast_in_dim3A_420 : i32 to vector<16xi32>
        %gather3A_422 = tpu.vector_load_idx %arg12[%add3A_123, %broadcast_in_dim3A_421] : memref<80x128xf32, #tpu.memory_space<vmem>>[vector<16xi32>, vector<16xi32>], vector<16xf32>,
        %gather3A_423 = tpu.vector_load_idx %arg13[%add3A_123, %broadcast_in_dim3A_421] : memref<80x128xf32, #tpu.memory_space<vmem>>[vector<16xi32>, vector<16xi32>], vector<16xf32>,
        %mul3A_424 = arith.mulf %gather3A_422, %gather3A_423 : vector<16xf32>
        %add3A_425 = arith.addf %add3A_419, %mul3A_424 : vector<16xf32>
        %broadcast_in_dim3A_426 = arith.constant 46 : i32
        %broadcast_in_dim3A_427 = vector.broadcast %broadcast_in_dim3A_426 : i32 to vector<16xi32>
        %gather3A_428 = tpu.vector_load_idx %arg12[%add3A_123, %broadcast_in_dim3A_427] : memref<80x128xf32, #tpu.memory_space<vmem>>[vector<16xi32>, vector<16xi32>], vector<16xf32>,
        %gather3A_429 = tpu.vector_load_idx %arg13[%add3A_123, %broadcast_in_dim3A_427] : memref<80x128xf32, #tpu.memory_space<vmem>>[vector<16xi32>, vector<16xi32>], vector<16xf32>,
        %mul3A_430 = arith.mulf %gather3A_428, %gather3A_429 : vector<16xf32>
        %add3A_431 = arith.addf %add3A_425, %mul3A_430 : vector<16xf32>
        %broadcast_in_dim3A_432 = arith.constant 47 : i32
        %broadcast_in_dim3A_433 = vector.broadcast %broadcast_in_dim3A_432 : i32 to vector<16xi32>
        %gather3A_434 = tpu.vector_load_idx %arg12[%add3A_123, %broadcast_in_dim3A_433] : memref<80x128xf32, #tpu.memory_space<vmem>>[vector<16xi32>, vector<16xi32>], vector<16xf32>,
        %gather3A_435 = tpu.vector_load_idx %arg13[%add3A_123, %broadcast_in_dim3A_433] : memref<80x128xf32, #tpu.memory_space<vmem>>[vector<16xi32>, vector<16xi32>], vector<16xf32>,
        %mul3A_436 = arith.mulf %gather3A_434, %gather3A_435 : vector<16xf32>
        %add3A_437 = arith.addf %add3A_431, %mul3A_436 : vector<16xf32>
        %broadcast_in_dim3A_438 = arith.constant 48 : i32
        %broadcast_in_dim3A_439 = vector.broadcast %broadcast_in_dim3A_438 : i32 to vector<16xi32>
        %gather3A_440 = tpu.vector_load_idx %arg12[%add3A_123, %broadcast_in_dim3A_439] : memref<80x128xf32, #tpu.memory_space<vmem>>[vector<16xi32>, vector<16xi32>], vector<16xf32>,
        %gather3A_441 = tpu.vector_load_idx %arg13[%add3A_123, %broadcast_in_dim3A_439] : memref<80x128xf32, #tpu.memory_space<vmem>>[vector<16xi32>, vector<16xi32>], vector<16xf32>,
        %mul3A_442 = arith.mulf %gather3A_440, %gather3A_441 : vector<16xf32>
        %add3A_443 = arith.addf %add3A_437, %mul3A_442 : vector<16xf32>
        %broadcast_in_dim3A_444 = arith.constant 49 : i32
        %broadcast_in_dim3A_445 = vector.broadcast %broadcast_in_dim3A_444 : i32 to vector<16xi32>
        %gather3A_446 = tpu.vector_load_idx %arg12[%add3A_123, %broadcast_in_dim3A_445] : memref<80x128xf32, #tpu.memory_space<vmem>>[vector<16xi32>, vector<16xi32>], vector<16xf32>,
        %gather3A_447 = tpu.vector_load_idx %arg13[%add3A_123, %broadcast_in_dim3A_445] : memref<80x128xf32, #tpu.memory_space<vmem>>[vector<16xi32>, vector<16xi32>], vector<16xf32>,
        %mul3A_448 = arith.mulf %gather3A_446, %gather3A_447 : vector<16xf32>
        %add3A_449 = arith.addf %add3A_443, %mul3A_448 : vector<16xf32>
        %broadcast_in_dim3A_450 = arith.constant 50 : i32
        %broadcast_in_dim3A_451 = vector.broadcast %broadcast_in_dim3A_450 : i32 to vector<16xi32>
        %gather3A_452 = tpu.vector_load_idx %arg12[%add3A_123, %broadcast_in_dim3A_451] : memref<80x128xf32, #tpu.memory_space<vmem>>[vector<16xi32>, vector<16xi32>], vector<16xf32>,
        %gather3A_453 = tpu.vector_load_idx %arg13[%add3A_123, %broadcast_in_dim3A_451] : memref<80x128xf32, #tpu.memory_space<vmem>>[vector<16xi32>, vector<16xi32>], vector<16xf32>,
        %mul3A_454 = arith.mulf %gather3A_452, %gather3A_453 : vector<16xf32>
        %add3A_455 = arith.addf %add3A_449, %mul3A_454 : vector<16xf32>
        %broadcast_in_dim3A_456 = arith.constant 51 : i32
        %broadcast_in_dim3A_457 = vector.broadcast %broadcast_in_dim3A_456 : i32 to vector<16xi32>
        %gather3A_458 = tpu.vector_load_idx %arg12[%add3A_123, %broadcast_in_dim3A_457] : memref<80x128xf32, #tpu.memory_space<vmem>>[vector<16xi32>, vector<16xi32>], vector<16xf32>,
        %gather3A_459 = tpu.vector_load_idx %arg13[%add3A_123, %broadcast_in_dim3A_457] : memref<80x128xf32, #tpu.memory_space<vmem>>[vector<16xi32>, vector<16xi32>], vector<16xf32>,
        %mul3A_460 = arith.mulf %gather3A_458, %gather3A_459 : vector<16xf32>
        %add3A_461 = arith.addf %add3A_455, %mul3A_460 : vector<16xf32>
        %broadcast_in_dim3A_462 = arith.constant 52 : i32
        %broadcast_in_dim3A_463 = vector.broadcast %broadcast_in_dim3A_462 : i32 to vector<16xi32>
        %gather3A_464 = tpu.vector_load_idx %arg12[%add3A_123, %broadcast_in_dim3A_463] : memref<80x128xf32, #tpu.memory_space<vmem>>[vector<16xi32>, vector<16xi32>], vector<16xf32>,
        %gather3A_465 = tpu.vector_load_idx %arg13[%add3A_123, %broadcast_in_dim3A_463] : memref<80x128xf32, #tpu.memory_space<vmem>>[vector<16xi32>, vector<16xi32>], vector<16xf32>,
        %mul3A_466 = arith.mulf %gather3A_464, %gather3A_465 : vector<16xf32>
        %add3A_467 = arith.addf %add3A_461, %mul3A_466 : vector<16xf32>
        %broadcast_in_dim3A_468 = arith.constant 53 : i32
        %broadcast_in_dim3A_469 = vector.broadcast %broadcast_in_dim3A_468 : i32 to vector<16xi32>
        %gather3A_470 = tpu.vector_load_idx %arg12[%add3A_123, %broadcast_in_dim3A_469] : memref<80x128xf32, #tpu.memory_space<vmem>>[vector<16xi32>, vector<16xi32>], vector<16xf32>,
        %gather3A_471 = tpu.vector_load_idx %arg13[%add3A_123, %broadcast_in_dim3A_469] : memref<80x128xf32, #tpu.memory_space<vmem>>[vector<16xi32>, vector<16xi32>], vector<16xf32>,
        %mul3A_472 = arith.mulf %gather3A_470, %gather3A_471 : vector<16xf32>
        %add3A_473 = arith.addf %add3A_467, %mul3A_472 : vector<16xf32>
        %broadcast_in_dim3A_474 = arith.constant 54 : i32
        %broadcast_in_dim3A_475 = vector.broadcast %broadcast_in_dim3A_474 : i32 to vector<16xi32>
        %gather3A_476 = tpu.vector_load_idx %arg12[%add3A_123, %broadcast_in_dim3A_475] : memref<80x128xf32, #tpu.memory_space<vmem>>[vector<16xi32>, vector<16xi32>], vector<16xf32>,
        %gather3A_477 = tpu.vector_load_idx %arg13[%add3A_123, %broadcast_in_dim3A_475] : memref<80x128xf32, #tpu.memory_space<vmem>>[vector<16xi32>, vector<16xi32>], vector<16xf32>,
        %mul3A_478 = arith.mulf %gather3A_476, %gather3A_477 : vector<16xf32>
        %add3A_479 = arith.addf %add3A_473, %mul3A_478 : vector<16xf32>
        %broadcast_in_dim3A_480 = arith.constant 55 : i32
        %broadcast_in_dim3A_481 = vector.broadcast %broadcast_in_dim3A_480 : i32 to vector<16xi32>
        %gather3A_482 = tpu.vector_load_idx %arg12[%add3A_123, %broadcast_in_dim3A_481] : memref<80x128xf32, #tpu.memory_space<vmem>>[vector<16xi32>, vector<16xi32>], vector<16xf32>,
        %gather3A_483 = tpu.vector_load_idx %arg13[%add3A_123, %broadcast_in_dim3A_481] : memref<80x128xf32, #tpu.memory_space<vmem>>[vector<16xi32>, vector<16xi32>], vector<16xf32>,
        %mul3A_484 = arith.mulf %gather3A_482, %gather3A_483 : vector<16xf32>
        %add3A_485 = arith.addf %add3A_479, %mul3A_484 : vector<16xf32>
        %broadcast_in_dim3A_486 = arith.constant 56 : i32
        %broadcast_in_dim3A_487 = vector.broadcast %broadcast_in_dim3A_486 : i32 to vector<16xi32>
        %gather3A_488 = tpu.vector_load_idx %arg12[%add3A_123, %broadcast_in_dim3A_487] : memref<80x128xf32, #tpu.memory_space<vmem>>[vector<16xi32>, vector<16xi32>], vector<16xf32>,
        %gather3A_489 = tpu.vector_load_idx %arg13[%add3A_123, %broadcast_in_dim3A_487] : memref<80x128xf32, #tpu.memory_space<vmem>>[vector<16xi32>, vector<16xi32>], vector<16xf32>,
        %mul3A_490 = arith.mulf %gather3A_488, %gather3A_489 : vector<16xf32>
        %add3A_491 = arith.addf %add3A_485, %mul3A_490 : vector<16xf32>
        %broadcast_in_dim3A_492 = arith.constant 57 : i32
        %broadcast_in_dim3A_493 = vector.broadcast %broadcast_in_dim3A_492 : i32 to vector<16xi32>
        %gather3A_494 = tpu.vector_load_idx %arg12[%add3A_123, %broadcast_in_dim3A_493] : memref<80x128xf32, #tpu.memory_space<vmem>>[vector<16xi32>, vector<16xi32>], vector<16xf32>,
        %gather3A_495 = tpu.vector_load_idx %arg13[%add3A_123, %broadcast_in_dim3A_493] : memref<80x128xf32, #tpu.memory_space<vmem>>[vector<16xi32>, vector<16xi32>], vector<16xf32>,
        %mul3A_496 = arith.mulf %gather3A_494, %gather3A_495 : vector<16xf32>
        %add3A_497 = arith.addf %add3A_491, %mul3A_496 : vector<16xf32>
        %broadcast_in_dim3A_498 = arith.constant 58 : i32
        %broadcast_in_dim3A_499 = vector.broadcast %broadcast_in_dim3A_498 : i32 to vector<16xi32>
        %gather3A_500 = tpu.vector_load_idx %arg12[%add3A_123, %broadcast_in_dim3A_499] : memref<80x128xf32, #tpu.memory_space<vmem>>[vector<16xi32>, vector<16xi32>], vector<16xf32>,
        %gather3A_501 = tpu.vector_load_idx %arg13[%add3A_123, %broadcast_in_dim3A_499] : memref<80x128xf32, #tpu.memory_space<vmem>>[vector<16xi32>, vector<16xi32>], vector<16xf32>,
        %mul3A_502 = arith.mulf %gather3A_500, %gather3A_501 : vector<16xf32>
        %add3A_503 = arith.addf %add3A_497, %mul3A_502 : vector<16xf32>
        %broadcast_in_dim3A_504 = arith.constant 59 : i32
        %broadcast_in_dim3A_505 = vector.broadcast %broadcast_in_dim3A_504 : i32 to vector<16xi32>
        %gather3A_506 = tpu.vector_load_idx %arg12[%add3A_123, %broadcast_in_dim3A_505] : memref<80x128xf32, #tpu.memory_space<vmem>>[vector<16xi32>, vector<16xi32>], vector<16xf32>,
        %gather3A_507 = tpu.vector_load_idx %arg13[%add3A_123, %broadcast_in_dim3A_505] : memref<80x128xf32, #tpu.memory_space<vmem>>[vector<16xi32>, vector<16xi32>], vector<16xf32>,
        %mul3A_508 = arith.mulf %gather3A_506, %gather3A_507 : vector<16xf32>
        %add3A_509 = arith.addf %add3A_503, %mul3A_508 : vector<16xf32>
        %broadcast_in_dim3A_510 = arith.constant 60 : i32
        %broadcast_in_dim3A_511 = vector.broadcast %broadcast_in_dim3A_510 : i32 to vector<16xi32>
        %gather3A_512 = tpu.vector_load_idx %arg12[%add3A_123, %broadcast_in_dim3A_511] : memref<80x128xf32, #tpu.memory_space<vmem>>[vector<16xi32>, vector<16xi32>], vector<16xf32>,
        %gather3A_513 = tpu.vector_load_idx %arg13[%add3A_123, %broadcast_in_dim3A_511] : memref<80x128xf32, #tpu.memory_space<vmem>>[vector<16xi32>, vector<16xi32>], vector<16xf32>,
        %mul3A_514 = arith.mulf %gather3A_512, %gather3A_513 : vector<16xf32>
        %add3A_515 = arith.addf %add3A_509, %mul3A_514 : vector<16xf32>
        %broadcast_in_dim3A_516 = arith.constant 61 : i32
        %broadcast_in_dim3A_517 = vector.broadcast %broadcast_in_dim3A_516 : i32 to vector<16xi32>
        %gather3A_518 = tpu.vector_load_idx %arg12[%add3A_123, %broadcast_in_dim3A_517] : memref<80x128xf32, #tpu.memory_space<vmem>>[vector<16xi32>, vector<16xi32>], vector<16xf32>,
        %gather3A_519 = tpu.vector_load_idx %arg13[%add3A_123, %broadcast_in_dim3A_517] : memref<80x128xf32, #tpu.memory_space<vmem>>[vector<16xi32>, vector<16xi32>], vector<16xf32>,
        %mul3A_520 = arith.mulf %gather3A_518, %gather3A_519 : vector<16xf32>
        %add3A_521 = arith.addf %add3A_515, %mul3A_520 : vector<16xf32>
        %broadcast_in_dim3A_522 = arith.constant 62 : i32
        %broadcast_in_dim3A_523 = vector.broadcast %broadcast_in_dim3A_522 : i32 to vector<16xi32>
        %gather3A_524 = tpu.vector_load_idx %arg12[%add3A_123, %broadcast_in_dim3A_523] : memref<80x128xf32, #tpu.memory_space<vmem>>[vector<16xi32>, vector<16xi32>], vector<16xf32>,
        %gather3A_525 = tpu.vector_load_idx %arg13[%add3A_123, %broadcast_in_dim3A_523] : memref<80x128xf32, #tpu.memory_space<vmem>>[vector<16xi32>, vector<16xi32>], vector<16xf32>,
        %mul3A_526 = arith.mulf %gather3A_524, %gather3A_525 : vector<16xf32>
        %add3A_527 = arith.addf %add3A_521, %mul3A_526 : vector<16xf32>
        %broadcast_in_dim3A_528 = arith.constant 63 : i32
        %broadcast_in_dim3A_529 = vector.broadcast %broadcast_in_dim3A_528 : i32 to vector<16xi32>
        %gather3A_530 = tpu.vector_load_idx %arg12[%add3A_123, %broadcast_in_dim3A_529] : memref<80x128xf32, #tpu.memory_space<vmem>>[vector<16xi32>, vector<16xi32>], vector<16xf32>,
        %gather3A_531 = tpu.vector_load_idx %arg13[%add3A_123, %broadcast_in_dim3A_529] : memref<80x128xf32, #tpu.memory_space<vmem>>[vector<16xi32>, vector<16xi32>], vector<16xf32>,
        %mul3A_532 = arith.mulf %gather3A_530, %gather3A_531 : vector<16xf32>
        %add3A_533 = arith.addf %add3A_527, %mul3A_532 : vector<16xf32>
        %mul3A_534 = arith.constant 0.176776692 : f32
        %mul3A_535 = vector.broadcast %mul3A_534 : f32 to vector<16xf32>
        %mul3A_536 = arith.mulf %add3A_533, %mul3A_535 : vector<16xf32>
        %exp3A_537 = math.exp %mul3A_536 : vector<16xf32>
        %add3A_538 = arith.constant 1 : i32
        %add3A_539 = vector.broadcast %add3A_538 : i32 to vector<16xi32>
        %add3A_540 = arith.addi %shift_left3A_135, %add3A_539 : vector<16xi32>
        tpu.vector_store_idx %arg15[%add3A_123, %add3A_540], %exp3A_537 : memref<80x128xf32, #tpu.memory_space<vmem>>[vector<16xi32>, vector<16xi32>], vector<16xf32>,
        %mul3A_541 = arith.constant 16 : i32
        %mul3A_542 = arith.muli %scan3A_119, %mul3A_541 : i32
        %swap3A_543 = arith.constant 1 : i32
        %swap3A_544 = arith.index_cast %swap3A_543 : i32 to index
        %swap3A_545 = arith.index_cast %mul3A_542 : i32 to index
        %swap3A_546 = tpu.vector_load %arg16[%swap3A_544, %swap3A_545] {strides = array<i32>} : memref<4x80xf32, #tpu.memory_space<vmem>>, vector<16xf32>,
        tpu.vector_store %arg16[%swap3A_544, %swap3A_545], %exp3A_537 {strides = array<i32>} : memref<4x80xf32, #tpu.memory_space<vmem>>, vector<16xf32>,
        %broadcast_in_dim3A_547 = arith.constant 0.000000e+00 : f32
        %broadcast_in_dim3A_548 = vector.broadcast %broadcast_in_dim3A_547 : f32 to vector<16xf32>
        %broadcast_in_dim3A_549 = arith.constant 64 : i32
        %broadcast_in_dim3A_550 = vector.broadcast %broadcast_in_dim3A_549 : i32 to vector<16xi32>
        %gather3A_551 = tpu.vector_load_idx %arg12[%add3A_123, %broadcast_in_dim3A_550] : memref<80x128xf32, #tpu.memory_space<vmem>>[vector<16xi32>, vector<16xi32>], vector<16xf32>,
        %gather3A_552 = tpu.vector_load_idx %arg13[%add3A_123, %broadcast_in_dim3A_550] : memref<80x128xf32, #tpu.memory_space<vmem>>[vector<16xi32>, vector<16xi32>], vector<16xf32>,
        %mul3A_553 = arith.mulf %gather3A_551, %gather3A_552 : vector<16xf32>
        %add3A_554 = arith.addf %broadcast_in_dim3A_548, %mul3A_553 : vector<16xf32>
        %broadcast_in_dim3A_555 = arith.constant 65 : i32
        %broadcast_in_dim3A_556 = vector.broadcast %broadcast_in_dim3A_555 : i32 to vector<16xi32>
        %gather3A_557 = tpu.vector_load_idx %arg12[%add3A_123, %broadcast_in_dim3A_556] : memref<80x128xf32, #tpu.memory_space<vmem>>[vector<16xi32>, vector<16xi32>], vector<16xf32>,
        %gather3A_558 = tpu.vector_load_idx %arg13[%add3A_123, %broadcast_in_dim3A_556] : memref<80x128xf32, #tpu.memory_space<vmem>>[vector<16xi32>, vector<16xi32>], vector<16xf32>,
        %mul3A_559 = arith.mulf %gather3A_557, %gather3A_558 : vector<16xf32>
        %add3A_560 = arith.addf %add3A_554, %mul3A_559 : vector<16xf32>
        %broadcast_in_dim3A_561 = arith.constant 66 : i32
        %broadcast_in_dim3A_562 = vector.broadcast %broadcast_in_dim3A_561 : i32 to vector<16xi32>
        %gather3A_563 = tpu.vector_load_idx %arg12[%add3A_123, %broadcast_in_dim3A_562] : memref<80x128xf32, #tpu.memory_space<vmem>>[vector<16xi32>, vector<16xi32>], vector<16xf32>,
        %gather3A_564 = tpu.vector_load_idx %arg13[%add3A_123, %broadcast_in_dim3A_562] : memref<80x128xf32, #tpu.memory_space<vmem>>[vector<16xi32>, vector<16xi32>], vector<16xf32>,
        %mul3A_565 = arith.mulf %gather3A_563, %gather3A_564 : vector<16xf32>
        %add3A_566 = arith.addf %add3A_560, %mul3A_565 : vector<16xf32>
        %broadcast_in_dim3A_567 = arith.constant 67 : i32
        %broadcast_in_dim3A_568 = vector.broadcast %broadcast_in_dim3A_567 : i32 to vector<16xi32>
        %gather3A_569 = tpu.vector_load_idx %arg12[%add3A_123, %broadcast_in_dim3A_568] : memref<80x128xf32, #tpu.memory_space<vmem>>[vector<16xi32>, vector<16xi32>], vector<16xf32>,
        %gather3A_570 = tpu.vector_load_idx %arg13[%add3A_123, %broadcast_in_dim3A_568] : memref<80x128xf32, #tpu.memory_space<vmem>>[vector<16xi32>, vector<16xi32>], vector<16xf32>,
        %mul3A_571 = arith.mulf %gather3A_569, %gather3A_570 : vector<16xf32>
        %add3A_572 = arith.addf %add3A_566, %mul3A_571 : vector<16xf32>
        %broadcast_in_dim3A_573 = arith.constant 68 : i32
        %broadcast_in_dim3A_574 = vector.broadcast %broadcast_in_dim3A_573 : i32 to vector<16xi32>
        %gather3A_575 = tpu.vector_load_idx %arg12[%add3A_123, %broadcast_in_dim3A_574] : memref<80x128xf32, #tpu.memory_space<vmem>>[vector<16xi32>, vector<16xi32>], vector<16xf32>,
        %gather3A_576 = tpu.vector_load_idx %arg13[%add3A_123, %broadcast_in_dim3A_574] : memref<80x128xf32, #tpu.memory_space<vmem>>[vector<16xi32>, vector<16xi32>], vector<16xf32>,
        %mul3A_577 = arith.mulf %gather3A_575, %gather3A_576 : vector<16xf32>
        %add3A_578 = arith.addf %add3A_572, %mul3A_577 : vector<16xf32>
        %broadcast_in_dim3A_579 = arith.constant 69 : i32
        %broadcast_in_dim3A_580 = vector.broadcast %broadcast_in_dim3A_579 : i32 to vector<16xi32>
        %gather3A_581 = tpu.vector_load_idx %arg12[%add3A_123, %broadcast_in_dim3A_580] : memref<80x128xf32, #tpu.memory_space<vmem>>[vector<16xi32>, vector<16xi32>], vector<16xf32>,
        %gather3A_582 = tpu.vector_load_idx %arg13[%add3A_123, %broadcast_in_dim3A_580] : memref<80x128xf32, #tpu.memory_space<vmem>>[vector<16xi32>, vector<16xi32>], vector<16xf32>,
        %mul3A_583 = arith.mulf %gather3A_581, %gather3A_582 : vector<16xf32>
        %add3A_584 = arith.addf %add3A_578, %mul3A_583 : vector<16xf32>
        %broadcast_in_dim3A_585 = arith.constant 70 : i32
        %broadcast_in_dim3A_586 = vector.broadcast %broadcast_in_dim3A_585 : i32 to vector<16xi32>
        %gather3A_587 = tpu.vector_load_idx %arg12[%add3A_123, %broadcast_in_dim3A_586] : memref<80x128xf32, #tpu.memory_space<vmem>>[vector<16xi32>, vector<16xi32>], vector<16xf32>,
        %gather3A_588 = tpu.vector_load_idx %arg13[%add3A_123, %broadcast_in_dim3A_586] : memref<80x128xf32, #tpu.memory_space<vmem>>[vector<16xi32>, vector<16xi32>], vector<16xf32>,
        %mul3A_589 = arith.mulf %gather3A_587, %gather3A_588 : vector<16xf32>
        %add3A_590 = arith.addf %add3A_584, %mul3A_589 : vector<16xf32>
        %broadcast_in_dim3A_591 = arith.constant 71 : i32
        %broadcast_in_dim3A_592 = vector.broadcast %broadcast_in_dim3A_591 : i32 to vector<16xi32>
        %gather3A_593 = tpu.vector_load_idx %arg12[%add3A_123, %broadcast_in_dim3A_592] : memref<80x128xf32, #tpu.memory_space<vmem>>[vector<16xi32>, vector<16xi32>], vector<16xf32>,
        %gather3A_594 = tpu.vector_load_idx %arg13[%add3A_123, %broadcast_in_dim3A_592] : memref<80x128xf32, #tpu.memory_space<vmem>>[vector<16xi32>, vector<16xi32>], vector<16xf32>,
        %mul3A_595 = arith.mulf %gather3A_593, %gather3A_594 : vector<16xf32>
        %add3A_596 = arith.addf %add3A_590, %mul3A_595 : vector<16xf32>
        %broadcast_in_dim3A_597 = arith.constant 72 : i32
        %broadcast_in_dim3A_598 = vector.broadcast %broadcast_in_dim3A_597 : i32 to vector<16xi32>
        %gather3A_599 = tpu.vector_load_idx %arg12[%add3A_123, %broadcast_in_dim3A_598] : memref<80x128xf32, #tpu.memory_space<vmem>>[vector<16xi32>, vector<16xi32>], vector<16xf32>,
        %gather3A_600 = tpu.vector_load_idx %arg13[%add3A_123, %broadcast_in_dim3A_598] : memref<80x128xf32, #tpu.memory_space<vmem>>[vector<16xi32>, vector<16xi32>], vector<16xf32>,
        %mul3A_601 = arith.mulf %gather3A_599, %gather3A_600 : vector<16xf32>
        %add3A_602 = arith.addf %add3A_596, %mul3A_601 : vector<16xf32>
        %broadcast_in_dim3A_603 = arith.constant 73 : i32
        %broadcast_in_dim3A_604 = vector.broadcast %broadcast_in_dim3A_603 : i32 to vector<16xi32>
        %gather3A_605 = tpu.vector_load_idx %arg12[%add3A_123, %broadcast_in_dim3A_604] : memref<80x128xf32, #tpu.memory_space<vmem>>[vector<16xi32>, vector<16xi32>], vector<16xf32>,
        %gather3A_606 = tpu.vector_load_idx %arg13[%add3A_123, %broadcast_in_dim3A_604] : memref<80x128xf32, #tpu.memory_space<vmem>>[vector<16xi32>, vector<16xi32>], vector<16xf32>,
        %mul3A_607 = arith.mulf %gather3A_605, %gather3A_606 : vector<16xf32>
        %add3A_608 = arith.addf %add3A_602, %mul3A_607 : vector<16xf32>
        %broadcast_in_dim3A_609 = arith.constant 74 : i32
        %broadcast_in_dim3A_610 = vector.broadcast %broadcast_in_dim3A_609 : i32 to vector<16xi32>
        %gather3A_611 = tpu.vector_load_idx %arg12[%add3A_123, %broadcast_in_dim3A_610] : memref<80x128xf32, #tpu.memory_space<vmem>>[vector<16xi32>, vector<16xi32>], vector<16xf32>,
        %gather3A_612 = tpu.vector_load_idx %arg13[%add3A_123, %broadcast_in_dim3A_610] : memref<80x128xf32, #tpu.memory_space<vmem>>[vector<16xi32>, vector<16xi32>], vector<16xf32>,
        %mul3A_613 = arith.mulf %gather3A_611, %gather3A_612 : vector<16xf32>
        %add3A_614 = arith.addf %add3A_608, %mul3A_613 : vector<16xf32>
        %broadcast_in_dim3A_615 = arith.constant 75 : i32
        %broadcast_in_dim3A_616 = vector.broadcast %broadcast_in_dim3A_615 : i32 to vector<16xi32>
        %gather3A_617 = tpu.vector_load_idx %arg12[%add3A_123, %broadcast_in_dim3A_616] : memref<80x128xf32, #tpu.memory_space<vmem>>[vector<16xi32>, vector<16xi32>], vector<16xf32>,
        %gather3A_618 = tpu.vector_load_idx %arg13[%add3A_123, %broadcast_in_dim3A_616] : memref<80x128xf32, #tpu.memory_space<vmem>>[vector<16xi32>, vector<16xi32>], vector<16xf32>,
        %mul3A_619 = arith.mulf %gather3A_617, %gather3A_618 : vector<16xf32>
        %add3A_620 = arith.addf %add3A_614, %mul3A_619 : vector<16xf32>
        %broadcast_in_dim3A_621 = arith.constant 76 : i32
        %broadcast_in_dim3A_622 = vector.broadcast %broadcast_in_dim3A_621 : i32 to vector<16xi32>
        %gather3A_623 = tpu.vector_load_idx %arg12[%add3A_123, %broadcast_in_dim3A_622] : memref<80x128xf32, #tpu.memory_space<vmem>>[vector<16xi32>, vector<16xi32>], vector<16xf32>,
        %gather3A_624 = tpu.vector_load_idx %arg13[%add3A_123, %broadcast_in_dim3A_622] : memref<80x128xf32, #tpu.memory_space<vmem>>[vector<16xi32>, vector<16xi32>], vector<16xf32>,
        %mul3A_625 = arith.mulf %gather3A_623, %gather3A_624 : vector<16xf32>
        %add3A_626 = arith.addf %add3A_620, %mul3A_625 : vector<16xf32>
        %broadcast_in_dim3A_627 = arith.constant 77 : i32
        %broadcast_in_dim3A_628 = vector.broadcast %broadcast_in_dim3A_627 : i32 to vector<16xi32>
        %gather3A_629 = tpu.vector_load_idx %arg12[%add3A_123, %broadcast_in_dim3A_628] : memref<80x128xf32, #tpu.memory_space<vmem>>[vector<16xi32>, vector<16xi32>], vector<16xf32>,
        %gather3A_630 = tpu.vector_load_idx %arg13[%add3A_123, %broadcast_in_dim3A_628] : memref<80x128xf32, #tpu.memory_space<vmem>>[vector<16xi32>, vector<16xi32>], vector<16xf32>,
        %mul3A_631 = arith.mulf %gather3A_629, %gather3A_630 : vector<16xf32>
        %add3A_632 = arith.addf %add3A_626, %mul3A_631 : vector<16xf32>
        %broadcast_in_dim3A_633 = arith.constant 78 : i32
        %broadcast_in_dim3A_634 = vector.broadcast %broadcast_in_dim3A_633 : i32 to vector<16xi32>
        %gather3A_635 = tpu.vector_load_idx %arg12[%add3A_123, %broadcast_in_dim3A_634] : memref<80x128xf32, #tpu.memory_space<vmem>>[vector<16xi32>, vector<16xi32>], vector<16xf32>,
        %gather3A_636 = tpu.vector_load_idx %arg13[%add3A_123, %broadcast_in_dim3A_634] : memref<80x128xf32, #tpu.memory_space<vmem>>[vector<16xi32>, vector<16xi32>], vector<16xf32>,
        %mul3A_637 = arith.mulf %gather3A_635, %gather3A_636 : vector<16xf32>
        %add3A_638 = arith.addf %add3A_632, %mul3A_637 : vector<16xf32>
        %broadcast_in_dim3A_639 = arith.constant 79 : i32
        %broadcast_in_dim3A_640 = vector.broadcast %broadcast_in_dim3A_639 : i32 to vector<16xi32>
        %gather3A_641 = tpu.vector_load_idx %arg12[%add3A_123, %broadcast_in_dim3A_640] : memref<80x128xf32, #tpu.memory_space<vmem>>[vector<16xi32>, vector<16xi32>], vector<16xf32>,
        %gather3A_642 = tpu.vector_load_idx %arg13[%add3A_123, %broadcast_in_dim3A_640] : memref<80x128xf32, #tpu.memory_space<vmem>>[vector<16xi32>, vector<16xi32>], vector<16xf32>,
        %mul3A_643 = arith.mulf %gather3A_641, %gather3A_642 : vector<16xf32>
        %add3A_644 = arith.addf %add3A_638, %mul3A_643 : vector<16xf32>
        %broadcast_in_dim3A_645 = arith.constant 80 : i32
        %broadcast_in_dim3A_646 = vector.broadcast %broadcast_in_dim3A_645 : i32 to vector<16xi32>
        %gather3A_647 = tpu.vector_load_idx %arg12[%add3A_123, %broadcast_in_dim3A_646] : memref<80x128xf32, #tpu.memory_space<vmem>>[vector<16xi32>, vector<16xi32>], vector<16xf32>,
        %gather3A_648 = tpu.vector_load_idx %arg13[%add3A_123, %broadcast_in_dim3A_646] : memref<80x128xf32, #tpu.memory_space<vmem>>[vector<16xi32>, vector<16xi32>], vector<16xf32>,
        %mul3A_649 = arith.mulf %gather3A_647, %gather3A_648 : vector<16xf32>
        %add3A_650 = arith.addf %add3A_644, %mul3A_649 : vector<16xf32>
        %broadcast_in_dim3A_651 = arith.constant 81 : i32
        %broadcast_in_dim3A_652 = vector.broadcast %broadcast_in_dim3A_651 : i32 to vector<16xi32>
        %gather3A_653 = tpu.vector_load_idx %arg12[%add3A_123, %broadcast_in_dim3A_652] : memref<80x128xf32, #tpu.memory_space<vmem>>[vector<16xi32>, vector<16xi32>], vector<16xf32>,
        %gather3A_654 = tpu.vector_load_idx %arg13[%add3A_123, %broadcast_in_dim3A_652] : memref<80x128xf32, #tpu.memory_space<vmem>>[vector<16xi32>, vector<16xi32>], vector<16xf32>,
        %mul3A_655 = arith.mulf %gather3A_653, %gather3A_654 : vector<16xf32>
        %add3A_656 = arith.addf %add3A_650, %mul3A_655 : vector<16xf32>
        %broadcast_in_dim3A_657 = arith.constant 82 : i32
        %broadcast_in_dim3A_658 = vector.broadcast %broadcast_in_dim3A_657 : i32 to vector<16xi32>
        %gather3A_659 = tpu.vector_load_idx %arg12[%add3A_123, %broadcast_in_dim3A_658] : memref<80x128xf32, #tpu.memory_space<vmem>>[vector<16xi32>, vector<16xi32>], vector<16xf32>,
        %gather3A_660 = tpu.vector_load_idx %arg13[%add3A_123, %broadcast_in_dim3A_658] : memref<80x128xf32, #tpu.memory_space<vmem>>[vector<16xi32>, vector<16xi32>], vector<16xf32>,
        %mul3A_661 = arith.mulf %gather3A_659, %gather3A_660 : vector<16xf32>
        %add3A_662 = arith.addf %add3A_656, %mul3A_661 : vector<16xf32>
        %broadcast_in_dim3A_663 = arith.constant 83 : i32
        %broadcast_in_dim3A_664 = vector.broadcast %broadcast_in_dim3A_663 : i32 to vector<16xi32>
        %gather3A_665 = tpu.vector_load_idx %arg12[%add3A_123, %broadcast_in_dim3A_664] : memref<80x128xf32, #tpu.memory_space<vmem>>[vector<16xi32>, vector<16xi32>], vector<16xf32>,
        %gather3A_666 = tpu.vector_load_idx %arg13[%add3A_123, %broadcast_in_dim3A_664] : memref<80x128xf32, #tpu.memory_space<vmem>>[vector<16xi32>, vector<16xi32>], vector<16xf32>,
        %mul3A_667 = arith.mulf %gather3A_665, %gather3A_666 : vector<16xf32>
        %add3A_668 = arith.addf %add3A_662, %mul3A_667 : vector<16xf32>
        %broadcast_in_dim3A_669 = arith.constant 84 : i32
        %broadcast_in_dim3A_670 = vector.broadcast %broadcast_in_dim3A_669 : i32 to vector<16xi32>
        %gather3A_671 = tpu.vector_load_idx %arg12[%add3A_123, %broadcast_in_dim3A_670] : memref<80x128xf32, #tpu.memory_space<vmem>>[vector<16xi32>, vector<16xi32>], vector<16xf32>,
        %gather3A_672 = tpu.vector_load_idx %arg13[%add3A_123, %broadcast_in_dim3A_670] : memref<80x128xf32, #tpu.memory_space<vmem>>[vector<16xi32>, vector<16xi32>], vector<16xf32>,
        %mul3A_673 = arith.mulf %gather3A_671, %gather3A_672 : vector<16xf32>
        %add3A_674 = arith.addf %add3A_668, %mul3A_673 : vector<16xf32>
        %broadcast_in_dim3A_675 = arith.constant 85 : i32
        %broadcast_in_dim3A_676 = vector.broadcast %broadcast_in_dim3A_675 : i32 to vector<16xi32>
        %gather3A_677 = tpu.vector_load_idx %arg12[%add3A_123, %broadcast_in_dim3A_676] : memref<80x128xf32, #tpu.memory_space<vmem>>[vector<16xi32>, vector<16xi32>], vector<16xf32>,
        %gather3A_678 = tpu.vector_load_idx %arg13[%add3A_123, %broadcast_in_dim3A_676] : memref<80x128xf32, #tpu.memory_space<vmem>>[vector<16xi32>, vector<16xi32>], vector<16xf32>,
        %mul3A_679 = arith.mulf %gather3A_677, %gather3A_678 : vector<16xf32>
        %add3A_680 = arith.addf %add3A_674, %mul3A_679 : vector<16xf32>
        %broadcast_in_dim3A_681 = arith.constant 86 : i32
        %broadcast_in_dim3A_682 = vector.broadcast %broadcast_in_dim3A_681 : i32 to vector<16xi32>
        %gather3A_683 = tpu.vector_load_idx %arg12[%add3A_123, %broadcast_in_dim3A_682] : memref<80x128xf32, #tpu.memory_space<vmem>>[vector<16xi32>, vector<16xi32>], vector<16xf32>,
        %gather3A_684 = tpu.vector_load_idx %arg13[%add3A_123, %broadcast_in_dim3A_682] : memref<80x128xf32, #tpu.memory_space<vmem>>[vector<16xi32>, vector<16xi32>], vector<16xf32>,
        %mul3A_685 = arith.mulf %gather3A_683, %gather3A_684 : vector<16xf32>
        %add3A_686 = arith.addf %add3A_680, %mul3A_685 : vector<16xf32>
        %broadcast_in_dim3A_687 = arith.constant 87 : i32
        %broadcast_in_dim3A_688 = vector.broadcast %broadcast_in_dim3A_687 : i32 to vector<16xi32>
        %gather3A_689 = tpu.vector_load_idx %arg12[%add3A_123, %broadcast_in_dim3A_688] : memref<80x128xf32, #tpu.memory_space<vmem>>[vector<16xi32>, vector<16xi32>], vector<16xf32>,
        %gather3A_690 = tpu.vector_load_idx %arg13[%add3A_123, %broadcast_in_dim3A_688] : memref<80x128xf32, #tpu.memory_space<vmem>>[vector<16xi32>, vector<16xi32>], vector<16xf32>,
        %mul3A_691 = arith.mulf %gather3A_689, %gather3A_690 : vector<16xf32>
        %add3A_692 = arith.addf %add3A_686, %mul3A_691 : vector<16xf32>
        %broadcast_in_dim3A_693 = arith.constant 88 : i32
        %broadcast_in_dim3A_694 = vector.broadcast %broadcast_in_dim3A_693 : i32 to vector<16xi32>
        %gather3A_695 = tpu.vector_load_idx %arg12[%add3A_123, %broadcast_in_dim3A_694] : memref<80x128xf32, #tpu.memory_space<vmem>>[vector<16xi32>, vector<16xi32>], vector<16xf32>,
        %gather3A_696 = tpu.vector_load_idx %arg13[%add3A_123, %broadcast_in_dim3A_694] : memref<80x128xf32, #tpu.memory_space<vmem>>[vector<16xi32>, vector<16xi32>], vector<16xf32>,
        %mul3A_697 = arith.mulf %gather3A_695, %gather3A_696 : vector<16xf32>
        %add3A_698 = arith.addf %add3A_692, %mul3A_697 : vector<16xf32>
        %broadcast_in_dim3A_699 = arith.constant 89 : i32
        %broadcast_in_dim3A_700 = vector.broadcast %broadcast_in_dim3A_699 : i32 to vector<16xi32>
        %gather3A_701 = tpu.vector_load_idx %arg12[%add3A_123, %broadcast_in_dim3A_700] : memref<80x128xf32, #tpu.memory_space<vmem>>[vector<16xi32>, vector<16xi32>], vector<16xf32>,
        %gather3A_702 = tpu.vector_load_idx %arg13[%add3A_123, %broadcast_in_dim3A_700] : memref<80x128xf32, #tpu.memory_space<vmem>>[vector<16xi32>, vector<16xi32>], vector<16xf32>,
        %mul3A_703 = arith.mulf %gather3A_701, %gather3A_702 : vector<16xf32>
        %add3A_704 = arith.addf %add3A_698, %mul3A_703 : vector<16xf32>
        %broadcast_in_dim3A_705 = arith.constant 90 : i32
        %broadcast_in_dim3A_706 = vector.broadcast %broadcast_in_dim3A_705 : i32 to vector<16xi32>
        %gather3A_707 = tpu.vector_load_idx %arg12[%add3A_123, %broadcast_in_dim3A_706] : memref<80x128xf32, #tpu.memory_space<vmem>>[vector<16xi32>, vector<16xi32>], vector<16xf32>,
        %gather3A_708 = tpu.vector_load_idx %arg13[%add3A_123, %broadcast_in_dim3A_706] : memref<80x128xf32, #tpu.memory_space<vmem>>[vector<16xi32>, vector<16xi32>], vector<16xf32>,
        %mul3A_709 = arith.mulf %gather3A_707, %gather3A_708 : vector<16xf32>
        %add3A_710 = arith.addf %add3A_704, %mul3A_709 : vector<16xf32>
        %broadcast_in_dim3A_711 = arith.constant 91 : i32
        %broadcast_in_dim3A_712 = vector.broadcast %broadcast_in_dim3A_711 : i32 to vector<16xi32>
        %gather3A_713 = tpu.vector_load_idx %arg12[%add3A_123, %broadcast_in_dim3A_712] : memref<80x128xf32, #tpu.memory_space<vmem>>[vector<16xi32>, vector<16xi32>], vector<16xf32>,
        %gather3A_714 = tpu.vector_load_idx %arg13[%add3A_123, %broadcast_in_dim3A_712] : memref<80x128xf32, #tpu.memory_space<vmem>>[vector<16xi32>, vector<16xi32>], vector<16xf32>,
        %mul3A_715 = arith.mulf %gather3A_713, %gather3A_714 : vector<16xf32>
        %add3A_716 = arith.addf %add3A_710, %mul3A_715 : vector<16xf32>
        %broadcast_in_dim3A_717 = arith.constant 92 : i32
        %broadcast_in_dim3A_718 = vector.broadcast %broadcast_in_dim3A_717 : i32 to vector<16xi32>
        %gather3A_719 = tpu.vector_load_idx %arg12[%add3A_123, %broadcast_in_dim3A_718] : memref<80x128xf32, #tpu.memory_space<vmem>>[vector<16xi32>, vector<16xi32>], vector<16xf32>,
        %gather3A_720 = tpu.vector_load_idx %arg13[%add3A_123, %broadcast_in_dim3A_718] : memref<80x128xf32, #tpu.memory_space<vmem>>[vector<16xi32>, vector<16xi32>], vector<16xf32>,
        %mul3A_721 = arith.mulf %gather3A_719, %gather3A_720 : vector<16xf32>
        %add3A_722 = arith.addf %add3A_716, %mul3A_721 : vector<16xf32>
        %broadcast_in_dim3A_723 = arith.constant 93 : i32
        %broadcast_in_dim3A_724 = vector.broadcast %broadcast_in_dim3A_723 : i32 to vector<16xi32>
        %gather3A_725 = tpu.vector_load_idx %arg12[%add3A_123, %broadcast_in_dim3A_724] : memref<80x128xf32, #tpu.memory_space<vmem>>[vector<16xi32>, vector<16xi32>], vector<16xf32>,
        %gather3A_726 = tpu.vector_load_idx %arg13[%add3A_123, %broadcast_in_dim3A_724] : memref<80x128xf32, #tpu.memory_space<vmem>>[vector<16xi32>, vector<16xi32>], vector<16xf32>,
        %mul3A_727 = arith.mulf %gather3A_725, %gather3A_726 : vector<16xf32>
        %add3A_728 = arith.addf %add3A_722, %mul3A_727 : vector<16xf32>
        %broadcast_in_dim3A_729 = arith.constant 94 : i32
        %broadcast_in_dim3A_730 = vector.broadcast %broadcast_in_dim3A_729 : i32 to vector<16xi32>
        %gather3A_731 = tpu.vector_load_idx %arg12[%add3A_123, %broadcast_in_dim3A_730] : memref<80x128xf32, #tpu.memory_space<vmem>>[vector<16xi32>, vector<16xi32>], vector<16xf32>,
        %gather3A_732 = tpu.vector_load_idx %arg13[%add3A_123, %broadcast_in_dim3A_730] : memref<80x128xf32, #tpu.memory_space<vmem>>[vector<16xi32>, vector<16xi32>], vector<16xf32>,
        %mul3A_733 = arith.mulf %gather3A_731, %gather3A_732 : vector<16xf32>
        %add3A_734 = arith.addf %add3A_728, %mul3A_733 : vector<16xf32>
        %broadcast_in_dim3A_735 = arith.constant 95 : i32
        %broadcast_in_dim3A_736 = vector.broadcast %broadcast_in_dim3A_735 : i32 to vector<16xi32>
        %gather3A_737 = tpu.vector_load_idx %arg12[%add3A_123, %broadcast_in_dim3A_736] : memref<80x128xf32, #tpu.memory_space<vmem>>[vector<16xi32>, vector<16xi32>], vector<16xf32>,
        %gather3A_738 = tpu.vector_load_idx %arg13[%add3A_123, %broadcast_in_dim3A_736] : memref<80x128xf32, #tpu.memory_space<vmem>>[vector<16xi32>, vector<16xi32>], vector<16xf32>,
        %mul3A_739 = arith.mulf %gather3A_737, %gather3A_738 : vector<16xf32>
        %add3A_740 = arith.addf %add3A_734, %mul3A_739 : vector<16xf32>
        %mul3A_741 = arith.constant 0.176776692 : f32
        %mul3A_742 = vector.broadcast %mul3A_741 : f32 to vector<16xf32>
        %mul3A_743 = arith.mulf %add3A_740, %mul3A_742 : vector<16xf32>
        %exp3A_744 = math.exp %mul3A_743 : vector<16xf32>
        %add3A_745 = arith.constant 2 : i32
        %add3A_746 = vector.broadcast %add3A_745 : i32 to vector<16xi32>
        %add3A_747 = arith.addi %shift_left3A_135, %add3A_746 : vector<16xi32>
        tpu.vector_store_idx %arg15[%add3A_123, %add3A_747], %exp3A_744 : memref<80x128xf32, #tpu.memory_space<vmem>>[vector<16xi32>, vector<16xi32>], vector<16xf32>,
        %mul3A_748 = arith.constant 16 : i32
        %mul3A_749 = arith.muli %scan3A_119, %mul3A_748 : i32
        %swap3A_750 = arith.constant 2 : i32
        %swap3A_751 = arith.index_cast %swap3A_750 : i32 to index
        %swap3A_752 = arith.index_cast %mul3A_749 : i32 to index
        %swap3A_753 = tpu.vector_load %arg16[%swap3A_751, %swap3A_752] {strides = array<i32>} : memref<4x80xf32, #tpu.memory_space<vmem>>, vector<16xf32>,
        tpu.vector_store %arg16[%swap3A_751, %swap3A_752], %exp3A_744 {strides = array<i32>} : memref<4x80xf32, #tpu.memory_space<vmem>>, vector<16xf32>,
        %broadcast_in_dim3A_754 = arith.constant 0.000000e+00 : f32
        %broadcast_in_dim3A_755 = vector.broadcast %broadcast_in_dim3A_754 : f32 to vector<16xf32>
        %broadcast_in_dim3A_756 = arith.constant 96 : i32
        %broadcast_in_dim3A_757 = vector.broadcast %broadcast_in_dim3A_756 : i32 to vector<16xi32>
        %gather3A_758 = tpu.vector_load_idx %arg12[%add3A_123, %broadcast_in_dim3A_757] : memref<80x128xf32, #tpu.memory_space<vmem>>[vector<16xi32>, vector<16xi32>], vector<16xf32>,
        %gather3A_759 = tpu.vector_load_idx %arg13[%add3A_123, %broadcast_in_dim3A_757] : memref<80x128xf32, #tpu.memory_space<vmem>>[vector<16xi32>, vector<16xi32>], vector<16xf32>,
        %mul3A_760 = arith.mulf %gather3A_758, %gather3A_759 : vector<16xf32>
        %add3A_761 = arith.addf %broadcast_in_dim3A_755, %mul3A_760 : vector<16xf32>
        %broadcast_in_dim3A_762 = arith.constant 97 : i32
        %broadcast_in_dim3A_763 = vector.broadcast %broadcast_in_dim3A_762 : i32 to vector<16xi32>
        %gather3A_764 = tpu.vector_load_idx %arg12[%add3A_123, %broadcast_in_dim3A_763] : memref<80x128xf32, #tpu.memory_space<vmem>>[vector<16xi32>, vector<16xi32>], vector<16xf32>,
        %gather3A_765 = tpu.vector_load_idx %arg13[%add3A_123, %broadcast_in_dim3A_763] : memref<80x128xf32, #tpu.memory_space<vmem>>[vector<16xi32>, vector<16xi32>], vector<16xf32>,
        %mul3A_766 = arith.mulf %gather3A_764, %gather3A_765 : vector<16xf32>
        %add3A_767 = arith.addf %add3A_761, %mul3A_766 : vector<16xf32>
        %broadcast_in_dim3A_768 = arith.constant 98 : i32
        %broadcast_in_dim3A_769 = vector.broadcast %broadcast_in_dim3A_768 : i32 to vector<16xi32>
        %gather3A_770 = tpu.vector_load_idx %arg12[%add3A_123, %broadcast_in_dim3A_769] : memref<80x128xf32, #tpu.memory_space<vmem>>[vector<16xi32>, vector<16xi32>], vector<16xf32>,
        %gather3A_771 = tpu.vector_load_idx %arg13[%add3A_123, %broadcast_in_dim3A_769] : memref<80x128xf32, #tpu.memory_space<vmem>>[vector<16xi32>, vector<16xi32>], vector<16xf32>,
        %mul3A_772 = arith.mulf %gather3A_770, %gather3A_771 : vector<16xf32>
        %add3A_773 = arith.addf %add3A_767, %mul3A_772 : vector<16xf32>
        %broadcast_in_dim3A_774 = arith.constant 99 : i32
        %broadcast_in_dim3A_775 = vector.broadcast %broadcast_in_dim3A_774 : i32 to vector<16xi32>
        %gather3A_776 = tpu.vector_load_idx %arg12[%add3A_123, %broadcast_in_dim3A_775] : memref<80x128xf32, #tpu.memory_space<vmem>>[vector<16xi32>, vector<16xi32>], vector<16xf32>,
        %gather3A_777 = tpu.vector_load_idx %arg13[%add3A_123, %broadcast_in_dim3A_775] : memref<80x128xf32, #tpu.memory_space<vmem>>[vector<16xi32>, vector<16xi32>], vector<16xf32>,
        %mul3A_778 = arith.mulf %gather3A_776, %gather3A_777 : vector<16xf32>
        %add3A_779 = arith.addf %add3A_773, %mul3A_778 : vector<16xf32>
        %broadcast_in_dim3A_780 = arith.constant 100 : i32
        %broadcast_in_dim3A_781 = vector.broadcast %broadcast_in_dim3A_780 : i32 to vector<16xi32>
        %gather3A_782 = tpu.vector_load_idx %arg12[%add3A_123, %broadcast_in_dim3A_781] : memref<80x128xf32, #tpu.memory_space<vmem>>[vector<16xi32>, vector<16xi32>], vector<16xf32>,
        %gather3A_783 = tpu.vector_load_idx %arg13[%add3A_123, %broadcast_in_dim3A_781] : memref<80x128xf32, #tpu.memory_space<vmem>>[vector<16xi32>, vector<16xi32>], vector<16xf32>,
        %mul3A_784 = arith.mulf %gather3A_782, %gather3A_783 : vector<16xf32>
        %add3A_785 = arith.addf %add3A_779, %mul3A_784 : vector<16xf32>
        %broadcast_in_dim3A_786 = arith.constant 101 : i32
        %broadcast_in_dim3A_787 = vector.broadcast %broadcast_in_dim3A_786 : i32 to vector<16xi32>
        %gather3A_788 = tpu.vector_load_idx %arg12[%add3A_123, %broadcast_in_dim3A_787] : memref<80x128xf32, #tpu.memory_space<vmem>>[vector<16xi32>, vector<16xi32>], vector<16xf32>,
        %gather3A_789 = tpu.vector_load_idx %arg13[%add3A_123, %broadcast_in_dim3A_787] : memref<80x128xf32, #tpu.memory_space<vmem>>[vector<16xi32>, vector<16xi32>], vector<16xf32>,
        %mul3A_790 = arith.mulf %gather3A_788, %gather3A_789 : vector<16xf32>
        %add3A_791 = arith.addf %add3A_785, %mul3A_790 : vector<16xf32>
        %broadcast_in_dim3A_792 = arith.constant 102 : i32
        %broadcast_in_dim3A_793 = vector.broadcast %broadcast_in_dim3A_792 : i32 to vector<16xi32>
        %gather3A_794 = tpu.vector_load_idx %arg12[%add3A_123, %broadcast_in_dim3A_793] : memref<80x128xf32, #tpu.memory_space<vmem>>[vector<16xi32>, vector<16xi32>], vector<16xf32>,
        %gather3A_795 = tpu.vector_load_idx %arg13[%add3A_123, %broadcast_in_dim3A_793] : memref<80x128xf32, #tpu.memory_space<vmem>>[vector<16xi32>, vector<16xi32>], vector<16xf32>,
        %mul3A_796 = arith.mulf %gather3A_794, %gather3A_795 : vector<16xf32>
        %add3A_797 = arith.addf %add3A_791, %mul3A_796 : vector<16xf32>
        %broadcast_in_dim3A_798 = arith.constant 103 : i32
        %broadcast_in_dim3A_799 = vector.broadcast %broadcast_in_dim3A_798 : i32 to vector<16xi32>
        %gather3A_800 = tpu.vector_load_idx %arg12[%add3A_123, %broadcast_in_dim3A_799] : memref<80x128xf32, #tpu.memory_space<vmem>>[vector<16xi32>, vector<16xi32>], vector<16xf32>,
        %gather3A_801 = tpu.vector_load_idx %arg13[%add3A_123, %broadcast_in_dim3A_799] : memref<80x128xf32, #tpu.memory_space<vmem>>[vector<16xi32>, vector<16xi32>], vector<16xf32>,
        %mul3A_802 = arith.mulf %gather3A_800, %gather3A_801 : vector<16xf32>
        %add3A_803 = arith.addf %add3A_797, %mul3A_802 : vector<16xf32>
        %broadcast_in_dim3A_804 = arith.constant 104 : i32
        %broadcast_in_dim3A_805 = vector.broadcast %broadcast_in_dim3A_804 : i32 to vector<16xi32>
        %gather3A_806 = tpu.vector_load_idx %arg12[%add3A_123, %broadcast_in_dim3A_805] : memref<80x128xf32, #tpu.memory_space<vmem>>[vector<16xi32>, vector<16xi32>], vector<16xf32>,
        %gather3A_807 = tpu.vector_load_idx %arg13[%add3A_123, %broadcast_in_dim3A_805] : memref<80x128xf32, #tpu.memory_space<vmem>>[vector<16xi32>, vector<16xi32>], vector<16xf32>,
        %mul3A_808 = arith.mulf %gather3A_806, %gather3A_807 : vector<16xf32>
        %add3A_809 = arith.addf %add3A_803, %mul3A_808 : vector<16xf32>
        %broadcast_in_dim3A_810 = arith.constant 105 : i32
        %broadcast_in_dim3A_811 = vector.broadcast %broadcast_in_dim3A_810 : i32 to vector<16xi32>
        %gather3A_812 = tpu.vector_load_idx %arg12[%add3A_123, %broadcast_in_dim3A_811] : memref<80x128xf32, #tpu.memory_space<vmem>>[vector<16xi32>, vector<16xi32>], vector<16xf32>,
        %gather3A_813 = tpu.vector_load_idx %arg13[%add3A_123, %broadcast_in_dim3A_811] : memref<80x128xf32, #tpu.memory_space<vmem>>[vector<16xi32>, vector<16xi32>], vector<16xf32>,
        %mul3A_814 = arith.mulf %gather3A_812, %gather3A_813 : vector<16xf32>
        %add3A_815 = arith.addf %add3A_809, %mul3A_814 : vector<16xf32>
        %broadcast_in_dim3A_816 = arith.constant 106 : i32
        %broadcast_in_dim3A_817 = vector.broadcast %broadcast_in_dim3A_816 : i32 to vector<16xi32>
        %gather3A_818 = tpu.vector_load_idx %arg12[%add3A_123, %broadcast_in_dim3A_817] : memref<80x128xf32, #tpu.memory_space<vmem>>[vector<16xi32>, vector<16xi32>], vector<16xf32>,
        %gather3A_819 = tpu.vector_load_idx %arg13[%add3A_123, %broadcast_in_dim3A_817] : memref<80x128xf32, #tpu.memory_space<vmem>>[vector<16xi32>, vector<16xi32>], vector<16xf32>,
        %mul3A_820 = arith.mulf %gather3A_818, %gather3A_819 : vector<16xf32>
        %add3A_821 = arith.addf %add3A_815, %mul3A_820 : vector<16xf32>
        %broadcast_in_dim3A_822 = arith.constant 107 : i32
        %broadcast_in_dim3A_823 = vector.broadcast %broadcast_in_dim3A_822 : i32 to vector<16xi32>
        %gather3A_824 = tpu.vector_load_idx %arg12[%add3A_123, %broadcast_in_dim3A_823] : memref<80x128xf32, #tpu.memory_space<vmem>>[vector<16xi32>, vector<16xi32>], vector<16xf32>,
        %gather3A_825 = tpu.vector_load_idx %arg13[%add3A_123, %broadcast_in_dim3A_823] : memref<80x128xf32, #tpu.memory_space<vmem>>[vector<16xi32>, vector<16xi32>], vector<16xf32>,
        %mul3A_826 = arith.mulf %gather3A_824, %gather3A_825 : vector<16xf32>
        %add3A_827 = arith.addf %add3A_821, %mul3A_826 : vector<16xf32>
        %broadcast_in_dim3A_828 = arith.constant 108 : i32
        %broadcast_in_dim3A_829 = vector.broadcast %broadcast_in_dim3A_828 : i32 to vector<16xi32>
        %gather3A_830 = tpu.vector_load_idx %arg12[%add3A_123, %broadcast_in_dim3A_829] : memref<80x128xf32, #tpu.memory_space<vmem>>[vector<16xi32>, vector<16xi32>], vector<16xf32>,
        %gather3A_831 = tpu.vector_load_idx %arg13[%add3A_123, %broadcast_in_dim3A_829] : memref<80x128xf32, #tpu.memory_space<vmem>>[vector<16xi32>, vector<16xi32>], vector<16xf32>,
        %mul3A_832 = arith.mulf %gather3A_830, %gather3A_831 : vector<16xf32>
        %add3A_833 = arith.addf %add3A_827, %mul3A_832 : vector<16xf32>
        %broadcast_in_dim3A_834 = arith.constant 109 : i32
        %broadcast_in_dim3A_835 = vector.broadcast %broadcast_in_dim3A_834 : i32 to vector<16xi32>
        %gather3A_836 = tpu.vector_load_idx %arg12[%add3A_123, %broadcast_in_dim3A_835] : memref<80x128xf32, #tpu.memory_space<vmem>>[vector<16xi32>, vector<16xi32>], vector<16xf32>,
        %gather3A_837 = tpu.vector_load_idx %arg13[%add3A_123, %broadcast_in_dim3A_835] : memref<80x128xf32, #tpu.memory_space<vmem>>[vector<16xi32>, vector<16xi32>], vector<16xf32>,
        %mul3A_838 = arith.mulf %gather3A_836, %gather3A_837 : vector<16xf32>
        %add3A_839 = arith.addf %add3A_833, %mul3A_838 : vector<16xf32>
        %broadcast_in_dim3A_840 = arith.constant 110 : i32
        %broadcast_in_dim3A_841 = vector.broadcast %broadcast_in_dim3A_840 : i32 to vector<16xi32>
        %gather3A_842 = tpu.vector_load_idx %arg12[%add3A_123, %broadcast_in_dim3A_841] : memref<80x128xf32, #tpu.memory_space<vmem>>[vector<16xi32>, vector<16xi32>], vector<16xf32>,
        %gather3A_843 = tpu.vector_load_idx %arg13[%add3A_123, %broadcast_in_dim3A_841] : memref<80x128xf32, #tpu.memory_space<vmem>>[vector<16xi32>, vector<16xi32>], vector<16xf32>,
        %mul3A_844 = arith.mulf %gather3A_842, %gather3A_843 : vector<16xf32>
        %add3A_845 = arith.addf %add3A_839, %mul3A_844 : vector<16xf32>
        %broadcast_in_dim3A_846 = arith.constant 111 : i32
        %broadcast_in_dim3A_847 = vector.broadcast %broadcast_in_dim3A_846 : i32 to vector<16xi32>
        %gather3A_848 = tpu.vector_load_idx %arg12[%add3A_123, %broadcast_in_dim3A_847] : memref<80x128xf32, #tpu.memory_space<vmem>>[vector<16xi32>, vector<16xi32>], vector<16xf32>,
        %gather3A_849 = tpu.vector_load_idx %arg13[%add3A_123, %broadcast_in_dim3A_847] : memref<80x128xf32, #tpu.memory_space<vmem>>[vector<16xi32>, vector<16xi32>], vector<16xf32>,
        %mul3A_850 = arith.mulf %gather3A_848, %gather3A_849 : vector<16xf32>
        %add3A_851 = arith.addf %add3A_845, %mul3A_850 : vector<16xf32>
        %broadcast_in_dim3A_852 = arith.constant 112 : i32
        %broadcast_in_dim3A_853 = vector.broadcast %broadcast_in_dim3A_852 : i32 to vector<16xi32>
        %gather3A_854 = tpu.vector_load_idx %arg12[%add3A_123, %broadcast_in_dim3A_853] : memref<80x128xf32, #tpu.memory_space<vmem>>[vector<16xi32>, vector<16xi32>], vector<16xf32>,
        %gather3A_855 = tpu.vector_load_idx %arg13[%add3A_123, %broadcast_in_dim3A_853] : memref<80x128xf32, #tpu.memory_space<vmem>>[vector<16xi32>, vector<16xi32>], vector<16xf32>,
        %mul3A_856 = arith.mulf %gather3A_854, %gather3A_855 : vector<16xf32>
        %add3A_857 = arith.addf %add3A_851, %mul3A_856 : vector<16xf32>
        %broadcast_in_dim3A_858 = arith.constant 113 : i32
        %broadcast_in_dim3A_859 = vector.broadcast %broadcast_in_dim3A_858 : i32 to vector<16xi32>
        %gather3A_860 = tpu.vector_load_idx %arg12[%add3A_123, %broadcast_in_dim3A_859] : memref<80x128xf32, #tpu.memory_space<vmem>>[vector<16xi32>, vector<16xi32>], vector<16xf32>,
        %gather3A_861 = tpu.vector_load_idx %arg13[%add3A_123, %broadcast_in_dim3A_859] : memref<80x128xf32, #tpu.memory_space<vmem>>[vector<16xi32>, vector<16xi32>], vector<16xf32>,
        %mul3A_862 = arith.mulf %gather3A_860, %gather3A_861 : vector<16xf32>
        %add3A_863 = arith.addf %add3A_857, %mul3A_862 : vector<16xf32>
        %broadcast_in_dim3A_864 = arith.constant 114 : i32
        %broadcast_in_dim3A_865 = vector.broadcast %broadcast_in_dim3A_864 : i32 to vector<16xi32>
        %gather3A_866 = tpu.vector_load_idx %arg12[%add3A_123, %broadcast_in_dim3A_865] : memref<80x128xf32, #tpu.memory_space<vmem>>[vector<16xi32>, vector<16xi32>], vector<16xf32>,
        %gather3A_867 = tpu.vector_load_idx %arg13[%add3A_123, %broadcast_in_dim3A_865] : memref<80x128xf32, #tpu.memory_space<vmem>>[vector<16xi32>, vector<16xi32>], vector<16xf32>,
        %mul3A_868 = arith.mulf %gather3A_866, %gather3A_867 : vector<16xf32>
        %add3A_869 = arith.addf %add3A_863, %mul3A_868 : vector<16xf32>
        %broadcast_in_dim3A_870 = arith.constant 115 : i32
        %broadcast_in_dim3A_871 = vector.broadcast %broadcast_in_dim3A_870 : i32 to vector<16xi32>
        %gather3A_872 = tpu.vector_load_idx %arg12[%add3A_123, %broadcast_in_dim3A_871] : memref<80x128xf32, #tpu.memory_space<vmem>>[vector<16xi32>, vector<16xi32>], vector<16xf32>,
        %gather3A_873 = tpu.vector_load_idx %arg13[%add3A_123, %broadcast_in_dim3A_871] : memref<80x128xf32, #tpu.memory_space<vmem>>[vector<16xi32>, vector<16xi32>], vector<16xf32>,
        %mul3A_874 = arith.mulf %gather3A_872, %gather3A_873 : vector<16xf32>
        %add3A_875 = arith.addf %add3A_869, %mul3A_874 : vector<16xf32>
        %broadcast_in_dim3A_876 = arith.constant 116 : i32
        %broadcast_in_dim3A_877 = vector.broadcast %broadcast_in_dim3A_876 : i32 to vector<16xi32>
        %gather3A_878 = tpu.vector_load_idx %arg12[%add3A_123, %broadcast_in_dim3A_877] : memref<80x128xf32, #tpu.memory_space<vmem>>[vector<16xi32>, vector<16xi32>], vector<16xf32>,
        %gather3A_879 = tpu.vector_load_idx %arg13[%add3A_123, %broadcast_in_dim3A_877] : memref<80x128xf32, #tpu.memory_space<vmem>>[vector<16xi32>, vector<16xi32>], vector<16xf32>,
        %mul3A_880 = arith.mulf %gather3A_878, %gather3A_879 : vector<16xf32>
        %add3A_881 = arith.addf %add3A_875, %mul3A_880 : vector<16xf32>
        %broadcast_in_dim3A_882 = arith.constant 117 : i32
        %broadcast_in_dim3A_883 = vector.broadcast %broadcast_in_dim3A_882 : i32 to vector<16xi32>
        %gather3A_884 = tpu.vector_load_idx %arg12[%add3A_123, %broadcast_in_dim3A_883] : memref<80x128xf32, #tpu.memory_space<vmem>>[vector<16xi32>, vector<16xi32>], vector<16xf32>,
        %gather3A_885 = tpu.vector_load_idx %arg13[%add3A_123, %broadcast_in_dim3A_883] : memref<80x128xf32, #tpu.memory_space<vmem>>[vector<16xi32>, vector<16xi32>], vector<16xf32>,
        %mul3A_886 = arith.mulf %gather3A_884, %gather3A_885 : vector<16xf32>
        %add3A_887 = arith.addf %add3A_881, %mul3A_886 : vector<16xf32>
        %broadcast_in_dim3A_888 = arith.constant 118 : i32
        %broadcast_in_dim3A_889 = vector.broadcast %broadcast_in_dim3A_888 : i32 to vector<16xi32>
        %gather3A_890 = tpu.vector_load_idx %arg12[%add3A_123, %broadcast_in_dim3A_889] : memref<80x128xf32, #tpu.memory_space<vmem>>[vector<16xi32>, vector<16xi32>], vector<16xf32>,
        %gather3A_891 = tpu.vector_load_idx %arg13[%add3A_123, %broadcast_in_dim3A_889] : memref<80x128xf32, #tpu.memory_space<vmem>>[vector<16xi32>, vector<16xi32>], vector<16xf32>,
        %mul3A_892 = arith.mulf %gather3A_890, %gather3A_891 : vector<16xf32>
        %add3A_893 = arith.addf %add3A_887, %mul3A_892 : vector<16xf32>
        %broadcast_in_dim3A_894 = arith.constant 119 : i32
        %broadcast_in_dim3A_895 = vector.broadcast %broadcast_in_dim3A_894 : i32 to vector<16xi32>
        %gather3A_896 = tpu.vector_load_idx %arg12[%add3A_123, %broadcast_in_dim3A_895] : memref<80x128xf32, #tpu.memory_space<vmem>>[vector<16xi32>, vector<16xi32>], vector<16xf32>,
        %gather3A_897 = tpu.vector_load_idx %arg13[%add3A_123, %broadcast_in_dim3A_895] : memref<80x128xf32, #tpu.memory_space<vmem>>[vector<16xi32>, vector<16xi32>], vector<16xf32>,
        %mul3A_898 = arith.mulf %gather3A_896, %gather3A_897 : vector<16xf32>
        %add3A_899 = arith.addf %add3A_893, %mul3A_898 : vector<16xf32>
        %broadcast_in_dim3A_900 = arith.constant 120 : i32
        %broadcast_in_dim3A_901 = vector.broadcast %broadcast_in_dim3A_900 : i32 to vector<16xi32>
        %gather3A_902 = tpu.vector_load_idx %arg12[%add3A_123, %broadcast_in_dim3A_901] : memref<80x128xf32, #tpu.memory_space<vmem>>[vector<16xi32>, vector<16xi32>], vector<16xf32>,
        %gather3A_903 = tpu.vector_load_idx %arg13[%add3A_123, %broadcast_in_dim3A_901] : memref<80x128xf32, #tpu.memory_space<vmem>>[vector<16xi32>, vector<16xi32>], vector<16xf32>,
        %mul3A_904 = arith.mulf %gather3A_902, %gather3A_903 : vector<16xf32>
        %add3A_905 = arith.addf %add3A_899, %mul3A_904 : vector<16xf32>
        %broadcast_in_dim3A_906 = arith.constant 121 : i32
        %broadcast_in_dim3A_907 = vector.broadcast %broadcast_in_dim3A_906 : i32 to vector<16xi32>
        %gather3A_908 = tpu.vector_load_idx %arg12[%add3A_123, %broadcast_in_dim3A_907] : memref<80x128xf32, #tpu.memory_space<vmem>>[vector<16xi32>, vector<16xi32>], vector<16xf32>,
        %gather3A_909 = tpu.vector_load_idx %arg13[%add3A_123, %broadcast_in_dim3A_907] : memref<80x128xf32, #tpu.memory_space<vmem>>[vector<16xi32>, vector<16xi32>], vector<16xf32>,
        %mul3A_910 = arith.mulf %gather3A_908, %gather3A_909 : vector<16xf32>
        %add3A_911 = arith.addf %add3A_905, %mul3A_910 : vector<16xf32>
        %broadcast_in_dim3A_912 = arith.constant 122 : i32
        %broadcast_in_dim3A_913 = vector.broadcast %broadcast_in_dim3A_912 : i32 to vector<16xi32>
        %gather3A_914 = tpu.vector_load_idx %arg12[%add3A_123, %broadcast_in_dim3A_913] : memref<80x128xf32, #tpu.memory_space<vmem>>[vector<16xi32>, vector<16xi32>], vector<16xf32>,
        %gather3A_915 = tpu.vector_load_idx %arg13[%add3A_123, %broadcast_in_dim3A_913] : memref<80x128xf32, #tpu.memory_space<vmem>>[vector<16xi32>, vector<16xi32>], vector<16xf32>,
        %mul3A_916 = arith.mulf %gather3A_914, %gather3A_915 : vector<16xf32>
        %add3A_917 = arith.addf %add3A_911, %mul3A_916 : vector<16xf32>
        %broadcast_in_dim3A_918 = arith.constant 123 : i32
        %broadcast_in_dim3A_919 = vector.broadcast %broadcast_in_dim3A_918 : i32 to vector<16xi32>
        %gather3A_920 = tpu.vector_load_idx %arg12[%add3A_123, %broadcast_in_dim3A_919] : memref<80x128xf32, #tpu.memory_space<vmem>>[vector<16xi32>, vector<16xi32>], vector<16xf32>,
        %gather3A_921 = tpu.vector_load_idx %arg13[%add3A_123, %broadcast_in_dim3A_919] : memref<80x128xf32, #tpu.memory_space<vmem>>[vector<16xi32>, vector<16xi32>], vector<16xf32>,
        %mul3A_922 = arith.mulf %gather3A_920, %gather3A_921 : vector<16xf32>
        %add3A_923 = arith.addf %add3A_917, %mul3A_922 : vector<16xf32>
        %broadcast_in_dim3A_924 = arith.constant 124 : i32
        %broadcast_in_dim3A_925 = vector.broadcast %broadcast_in_dim3A_924 : i32 to vector<16xi32>
        %gather3A_926 = tpu.vector_load_idx %arg12[%add3A_123, %broadcast_in_dim3A_925] : memref<80x128xf32, #tpu.memory_space<vmem>>[vector<16xi32>, vector<16xi32>], vector<16xf32>,
        %gather3A_927 = tpu.vector_load_idx %arg13[%add3A_123, %broadcast_in_dim3A_925] : memref<80x128xf32, #tpu.memory_space<vmem>>[vector<16xi32>, vector<16xi32>], vector<16xf32>,
        %mul3A_928 = arith.mulf %gather3A_926, %gather3A_927 : vector<16xf32>
        %add3A_929 = arith.addf %add3A_923, %mul3A_928 : vector<16xf32>
        %broadcast_in_dim3A_930 = arith.constant 125 : i32
        %broadcast_in_dim3A_931 = vector.broadcast %broadcast_in_dim3A_930 : i32 to vector<16xi32>
        %gather3A_932 = tpu.vector_load_idx %arg12[%add3A_123, %broadcast_in_dim3A_931] : memref<80x128xf32, #tpu.memory_space<vmem>>[vector<16xi32>, vector<16xi32>], vector<16xf32>,
        %gather3A_933 = tpu.vector_load_idx %arg13[%add3A_123, %broadcast_in_dim3A_931] : memref<80x128xf32, #tpu.memory_space<vmem>>[vector<16xi32>, vector<16xi32>], vector<16xf32>,
        %mul3A_934 = arith.mulf %gather3A_932, %gather3A_933 : vector<16xf32>
        %add3A_935 = arith.addf %add3A_929, %mul3A_934 : vector<16xf32>
        %broadcast_in_dim3A_936 = arith.constant 126 : i32
        %broadcast_in_dim3A_937 = vector.broadcast %broadcast_in_dim3A_936 : i32 to vector<16xi32>
        %gather3A_938 = tpu.vector_load_idx %arg12[%add3A_123, %broadcast_in_dim3A_937] : memref<80x128xf32, #tpu.memory_space<vmem>>[vector<16xi32>, vector<16xi32>], vector<16xf32>,
        %gather3A_939 = tpu.vector_load_idx %arg13[%add3A_123, %broadcast_in_dim3A_937] : memref<80x128xf32, #tpu.memory_space<vmem>>[vector<16xi32>, vector<16xi32>], vector<16xf32>,
        %mul3A_940 = arith.mulf %gather3A_938, %gather3A_939 : vector<16xf32>
        %add3A_941 = arith.addf %add3A_935, %mul3A_940 : vector<16xf32>
        %broadcast_in_dim3A_942 = arith.constant 127 : i32
        %broadcast_in_dim3A_943 = vector.broadcast %broadcast_in_dim3A_942 : i32 to vector<16xi32>
        %gather3A_944 = tpu.vector_load_idx %arg12[%add3A_123, %broadcast_in_dim3A_943] : memref<80x128xf32, #tpu.memory_space<vmem>>[vector<16xi32>, vector<16xi32>], vector<16xf32>,
        %gather3A_945 = tpu.vector_load_idx %arg13[%add3A_123, %broadcast_in_dim3A_943] : memref<80x128xf32, #tpu.memory_space<vmem>>[vector<16xi32>, vector<16xi32>], vector<16xf32>,
        %mul3A_946 = arith.mulf %gather3A_944, %gather3A_945 : vector<16xf32>
        %add3A_947 = arith.addf %add3A_941, %mul3A_946 : vector<16xf32>
        %mul3A_948 = arith.constant 0.176776692 : f32
        %mul3A_949 = vector.broadcast %mul3A_948 : f32 to vector<16xf32>
        %mul3A_950 = arith.mulf %add3A_947, %mul3A_949 : vector<16xf32>
        %exp3A_951 = math.exp %mul3A_950 : vector<16xf32>
        %add3A_952 = arith.constant 3 : i32
        %add3A_953 = vector.broadcast %add3A_952 : i32 to vector<16xi32>
        %add3A_954 = arith.addi %shift_left3A_135, %add3A_953 : vector<16xi32>
        tpu.vector_store_idx %arg15[%add3A_123, %add3A_954], %exp3A_951 : memref<80x128xf32, #tpu.memory_space<vmem>>[vector<16xi32>, vector<16xi32>], vector<16xf32>,
        %mul3A_955 = arith.constant 16 : i32
        %mul3A_956 = arith.muli %scan3A_119, %mul3A_955 : i32
        %swap3A_957 = arith.constant 3 : i32
        %swap3A_958 = arith.index_cast %swap3A_957 : i32 to index
        %swap3A_959 = arith.index_cast %mul3A_956 : i32 to index
        %swap3A_960 = tpu.vector_load %arg16[%swap3A_958, %swap3A_959] {strides = array<i32>} : memref<4x80xf32, #tpu.memory_space<vmem>>, vector<16xf32>,
        tpu.vector_store %arg16[%swap3A_958, %swap3A_959], %exp3A_951 {strides = array<i32>} : memref<4x80xf32, #tpu.memory_space<vmem>>, vector<16xf32>,
      }
      %scan3A_102 = arith.constant 5 : i32
      %dma_start3A_103 = arith.constant 0 : i32
      %dma_start3A_104 = arith.constant 0 : i32
      %dma_start3A_105 = tpu.memref_slice %arg4[%dma_start3A_103, %dma_start3A_104] : memref<10000x128xf32, #tpu.memory_space<hbm>> -> memref<10000x128xf32, #tpu.memory_space<hbm>>
      tpu.enqueue_indirect_dma source(%dma_start3A_105 : memref<10000x128xf32, #tpu.memory_space<hbm>>) target(%arg13 : memref<80x128xf32, #tpu.memory_space<vmem>>) offsets(%arg10 : memref<80xi32, #tpu.memory_space<vmem>>) semaphore(%arg20 : memref<!tpu.dma_semaphore, #tpu.memory_space<semaphore_mem>>)
      %dma_wait3A_106 = arith.constant 0 : i32
      %dma_wait3A_107 = arith.constant 0 : i32
      %dma_wait3A_108 = tpu.memref_slice %arg4[%dma_wait3A_106, %dma_wait3A_107] : memref<10000x128xf32, #tpu.memory_space<hbm>> -> memref<10000x128xf32, #tpu.memory_space<hbm>>
      tpu.wait_indirect_dma semaphore(%arg20 : memref<!tpu.dma_semaphore, #tpu.memory_space<semaphore_mem>>) src(%dma_wait3A_108 : memref<10000x128xf32, #tpu.memory_space<hbm>>) dst(%arg13 : memref<80x128xf32, #tpu.memory_space<vmem>>)
      %scan3A_109 = arith.constant 0 : i32
      %scan3A_110 = arith.constant 5 : i32
      %scan3A_111 = arith.addi %scan3A_109, %scan3A_110 : i32
      %scan3A_112 = arith.constant 1 : i32
      scf.for %scan3A_119 = %scan3A_109 to %scan3A_111 step %scan3A_112  : i32 {
        %iota3A = tpu.iota {dimensions = array<i32: 0>} : vector<16xi32>
        %mul3A_120 = arith.constant 16 : i32
        %mul3A_121 = arith.muli %scan3A_119, %mul3A_120 : i32
        %add3A_122 = vector.broadcast %mul3A_121 : i32 to vector<16xi32>
        %add3A_123 = arith.addi %iota3A, %add3A_122 : vector<16xi32>
        %mul3A_124 = arith.constant 16 : i32
        %mul3A_125 = arith.muli %scan3A_119, %mul3A_124 : i32
        %get3A = arith.constant 0 : i32
        %get3A_126 = arith.index_cast %get3A : i32 to index
        %get3A_127 = arith.index_cast %mul3A_125 : i32 to index
        %get3A_128 = tpu.vector_load %arg16[%get3A_126, %get3A_127] {strides = array<i32>} : memref<4x80xf32, #tpu.memory_space<vmem>>, vector<16xf32>,
        %broadcast_in_dim3A = arith.constant 0 : i32
        %broadcast_in_dim3A_129 = vector.broadcast %broadcast_in_dim3A : i32 to vector<16xi32>
        %gather3A = tpu.vector_load_idx %arg13[%add3A_123, %broadcast_in_dim3A_129] : memref<80x128xf32, #tpu.memory_space<vmem>>[vector<16xi32>, vector<16xi32>], vector<16xf32>,
        %mul3A_130 = arith.mulf %gather3A, %get3A_128 : vector<16xf32>
        tpu.vector_store_idx %arg14[%add3A_123, %broadcast_in_dim3A_129], %mul3A_130 : memref<80x128xf32, #tpu.memory_space<vmem>>[vector<16xi32>, vector<16xi32>], vector<16xf32>,
        %broadcast_in_dim3A_131 = arith.constant 1 : i32
        %broadcast_in_dim3A_132 = vector.broadcast %broadcast_in_dim3A_131 : i32 to vector<16xi32>
        %gather3A_133 = tpu.vector_load_idx %arg13[%add3A_123, %broadcast_in_dim3A_132] : memref<80x128xf32, #tpu.memory_space<vmem>>[vector<16xi32>, vector<16xi32>], vector<16xf32>,
        %mul3A_134 = arith.mulf %gather3A_133, %get3A_128 : vector<16xf32>
        tpu.vector_store_idx %arg14[%add3A_123, %broadcast_in_dim3A_132], %mul3A_134 : memref<80x128xf32, #tpu.memory_space<vmem>>[vector<16xi32>, vector<16xi32>], vector<16xf32>,
        %broadcast_in_dim3A_135 = arith.constant 2 : i32
        %broadcast_in_dim3A_136 = vector.broadcast %broadcast_in_dim3A_135 : i32 to vector<16xi32>
        %gather3A_137 = tpu.vector_load_idx %arg13[%add3A_123, %broadcast_in_dim3A_136] : memref<80x128xf32, #tpu.memory_space<vmem>>[vector<16xi32>, vector<16xi32>], vector<16xf32>,
        %mul3A_138 = arith.mulf %gather3A_137, %get3A_128 : vector<16xf32>
        tpu.vector_store_idx %arg14[%add3A_123, %broadcast_in_dim3A_136], %mul3A_138 : memref<80x128xf32, #tpu.memory_space<vmem>>[vector<16xi32>, vector<16xi32>], vector<16xf32>,
        %broadcast_in_dim3A_139 = arith.constant 3 : i32
        %broadcast_in_dim3A_140 = vector.broadcast %broadcast_in_dim3A_139 : i32 to vector<16xi32>
        %gather3A_141 = tpu.vector_load_idx %arg13[%add3A_123, %broadcast_in_dim3A_140] : memref<80x128xf32, #tpu.memory_space<vmem>>[vector<16xi32>, vector<16xi32>], vector<16xf32>,
        %mul3A_142 = arith.mulf %gather3A_141, %get3A_128 : vector<16xf32>
        tpu.vector_store_idx %arg14[%add3A_123, %broadcast_in_dim3A_140], %mul3A_142 : memref<80x128xf32, #tpu.memory_space<vmem>>[vector<16xi32>, vector<16xi32>], vector<16xf32>,
        %broadcast_in_dim3A_143 = arith.constant 4 : i32
        %broadcast_in_dim3A_144 = vector.broadcast %broadcast_in_dim3A_143 : i32 to vector<16xi32>
        %gather3A_145 = tpu.vector_load_idx %arg13[%add3A_123, %broadcast_in_dim3A_144] : memref<80x128xf32, #tpu.memory_space<vmem>>[vector<16xi32>, vector<16xi32>], vector<16xf32>,
        %mul3A_146 = arith.mulf %gather3A_145, %get3A_128 : vector<16xf32>
        tpu.vector_store_idx %arg14[%add3A_123, %broadcast_in_dim3A_144], %mul3A_146 : memref<80x128xf32, #tpu.memory_space<vmem>>[vector<16xi32>, vector<16xi32>], vector<16xf32>,
        %broadcast_in_dim3A_147 = arith.constant 5 : i32
        %broadcast_in_dim3A_148 = vector.broadcast %broadcast_in_dim3A_147 : i32 to vector<16xi32>
        %gather3A_149 = tpu.vector_load_idx %arg13[%add3A_123, %broadcast_in_dim3A_148] : memref<80x128xf32, #tpu.memory_space<vmem>>[vector<16xi32>, vector<16xi32>], vector<16xf32>,
        %mul3A_150 = arith.mulf %gather3A_149, %get3A_128 : vector<16xf32>
        tpu.vector_store_idx %arg14[%add3A_123, %broadcast_in_dim3A_148], %mul3A_150 : memref<80x128xf32, #tpu.memory_space<vmem>>[vector<16xi32>, vector<16xi32>], vector<16xf32>,
        %broadcast_in_dim3A_151 = arith.constant 6 : i32
        %broadcast_in_dim3A_152 = vector.broadcast %broadcast_in_dim3A_151 : i32 to vector<16xi32>
        %gather3A_153 = tpu.vector_load_idx %arg13[%add3A_123, %broadcast_in_dim3A_152] : memref<80x128xf32, #tpu.memory_space<vmem>>[vector<16xi32>, vector<16xi32>], vector<16xf32>,
        %mul3A_154 = arith.mulf %gather3A_153, %get3A_128 : vector<16xf32>
        tpu.vector_store_idx %arg14[%add3A_123, %broadcast_in_dim3A_152], %mul3A_154 : memref<80x128xf32, #tpu.memory_space<vmem>>[vector<16xi32>, vector<16xi32>], vector<16xf32>,
        %broadcast_in_dim3A_155 = arith.constant 7 : i32
        %broadcast_in_dim3A_156 = vector.broadcast %broadcast_in_dim3A_155 : i32 to vector<16xi32>
        %gather3A_157 = tpu.vector_load_idx %arg13[%add3A_123, %broadcast_in_dim3A_156] : memref<80x128xf32, #tpu.memory_space<vmem>>[vector<16xi32>, vector<16xi32>], vector<16xf32>,
        %mul3A_158 = arith.mulf %gather3A_157, %get3A_128 : vector<16xf32>
        tpu.vector_store_idx %arg14[%add3A_123, %broadcast_in_dim3A_156], %mul3A_158 : memref<80x128xf32, #tpu.memory_space<vmem>>[vector<16xi32>, vector<16xi32>], vector<16xf32>,
        %broadcast_in_dim3A_159 = arith.constant 8 : i32
        %broadcast_in_dim3A_160 = vector.broadcast %broadcast_in_dim3A_159 : i32 to vector<16xi32>
        %gather3A_161 = tpu.vector_load_idx %arg13[%add3A_123, %broadcast_in_dim3A_160] : memref<80x128xf32, #tpu.memory_space<vmem>>[vector<16xi32>, vector<16xi32>], vector<16xf32>,
        %mul3A_162 = arith.mulf %gather3A_161, %get3A_128 : vector<16xf32>
        tpu.vector_store_idx %arg14[%add3A_123, %broadcast_in_dim3A_160], %mul3A_162 : memref<80x128xf32, #tpu.memory_space<vmem>>[vector<16xi32>, vector<16xi32>], vector<16xf32>,
        %broadcast_in_dim3A_163 = arith.constant 9 : i32
        %broadcast_in_dim3A_164 = vector.broadcast %broadcast_in_dim3A_163 : i32 to vector<16xi32>
        %gather3A_165 = tpu.vector_load_idx %arg13[%add3A_123, %broadcast_in_dim3A_164] : memref<80x128xf32, #tpu.memory_space<vmem>>[vector<16xi32>, vector<16xi32>], vector<16xf32>,
        %mul3A_166 = arith.mulf %gather3A_165, %get3A_128 : vector<16xf32>
        tpu.vector_store_idx %arg14[%add3A_123, %broadcast_in_dim3A_164], %mul3A_166 : memref<80x128xf32, #tpu.memory_space<vmem>>[vector<16xi32>, vector<16xi32>], vector<16xf32>,
        %broadcast_in_dim3A_167 = arith.constant 10 : i32
        %broadcast_in_dim3A_168 = vector.broadcast %broadcast_in_dim3A_167 : i32 to vector<16xi32>
        %gather3A_169 = tpu.vector_load_idx %arg13[%add3A_123, %broadcast_in_dim3A_168] : memref<80x128xf32, #tpu.memory_space<vmem>>[vector<16xi32>, vector<16xi32>], vector<16xf32>,
        %mul3A_170 = arith.mulf %gather3A_169, %get3A_128 : vector<16xf32>
        tpu.vector_store_idx %arg14[%add3A_123, %broadcast_in_dim3A_168], %mul3A_170 : memref<80x128xf32, #tpu.memory_space<vmem>>[vector<16xi32>, vector<16xi32>], vector<16xf32>,
        %broadcast_in_dim3A_171 = arith.constant 11 : i32
        %broadcast_in_dim3A_172 = vector.broadcast %broadcast_in_dim3A_171 : i32 to vector<16xi32>
        %gather3A_173 = tpu.vector_load_idx %arg13[%add3A_123, %broadcast_in_dim3A_172] : memref<80x128xf32, #tpu.memory_space<vmem>>[vector<16xi32>, vector<16xi32>], vector<16xf32>,
        %mul3A_174 = arith.mulf %gather3A_173, %get3A_128 : vector<16xf32>
        tpu.vector_store_idx %arg14[%add3A_123, %broadcast_in_dim3A_172], %mul3A_174 : memref<80x128xf32, #tpu.memory_space<vmem>>[vector<16xi32>, vector<16xi32>], vector<16xf32>,
        %broadcast_in_dim3A_175 = arith.constant 12 : i32
        %broadcast_in_dim3A_176 = vector.broadcast %broadcast_in_dim3A_175 : i32 to vector<16xi32>
        %gather3A_177 = tpu.vector_load_idx %arg13[%add3A_123, %broadcast_in_dim3A_176] : memref<80x128xf32, #tpu.memory_space<vmem>>[vector<16xi32>, vector<16xi32>], vector<16xf32>,
        %mul3A_178 = arith.mulf %gather3A_177, %get3A_128 : vector<16xf32>
        tpu.vector_store_idx %arg14[%add3A_123, %broadcast_in_dim3A_176], %mul3A_178 : memref<80x128xf32, #tpu.memory_space<vmem>>[vector<16xi32>, vector<16xi32>], vector<16xf32>,
        %broadcast_in_dim3A_179 = arith.constant 13 : i32
        %broadcast_in_dim3A_180 = vector.broadcast %broadcast_in_dim3A_179 : i32 to vector<16xi32>
        %gather3A_181 = tpu.vector_load_idx %arg13[%add3A_123, %broadcast_in_dim3A_180] : memref<80x128xf32, #tpu.memory_space<vmem>>[vector<16xi32>, vector<16xi32>], vector<16xf32>,
        %mul3A_182 = arith.mulf %gather3A_181, %get3A_128 : vector<16xf32>
        tpu.vector_store_idx %arg14[%add3A_123, %broadcast_in_dim3A_180], %mul3A_182 : memref<80x128xf32, #tpu.memory_space<vmem>>[vector<16xi32>, vector<16xi32>], vector<16xf32>,
        %broadcast_in_dim3A_183 = arith.constant 14 : i32
        %broadcast_in_dim3A_184 = vector.broadcast %broadcast_in_dim3A_183 : i32 to vector<16xi32>
        %gather3A_185 = tpu.vector_load_idx %arg13[%add3A_123, %broadcast_in_dim3A_184] : memref<80x128xf32, #tpu.memory_space<vmem>>[vector<16xi32>, vector<16xi32>], vector<16xf32>,
        %mul3A_186 = arith.mulf %gather3A_185, %get3A_128 : vector<16xf32>
        tpu.vector_store_idx %arg14[%add3A_123, %broadcast_in_dim3A_184], %mul3A_186 : memref<80x128xf32, #tpu.memory_space<vmem>>[vector<16xi32>, vector<16xi32>], vector<16xf32>,
        %broadcast_in_dim3A_187 = arith.constant 15 : i32
        %broadcast_in_dim3A_188 = vector.broadcast %broadcast_in_dim3A_187 : i32 to vector<16xi32>
        %gather3A_189 = tpu.vector_load_idx %arg13[%add3A_123, %broadcast_in_dim3A_188] : memref<80x128xf32, #tpu.memory_space<vmem>>[vector<16xi32>, vector<16xi32>], vector<16xf32>,
        %mul3A_190 = arith.mulf %gather3A_189, %get3A_128 : vector<16xf32>
        tpu.vector_store_idx %arg14[%add3A_123, %broadcast_in_dim3A_188], %mul3A_190 : memref<80x128xf32, #tpu.memory_space<vmem>>[vector<16xi32>, vector<16xi32>], vector<16xf32>,
        %broadcast_in_dim3A_191 = arith.constant 16 : i32
        %broadcast_in_dim3A_192 = vector.broadcast %broadcast_in_dim3A_191 : i32 to vector<16xi32>
        %gather3A_193 = tpu.vector_load_idx %arg13[%add3A_123, %broadcast_in_dim3A_192] : memref<80x128xf32, #tpu.memory_space<vmem>>[vector<16xi32>, vector<16xi32>], vector<16xf32>,
        %mul3A_194 = arith.mulf %gather3A_193, %get3A_128 : vector<16xf32>
        tpu.vector_store_idx %arg14[%add3A_123, %broadcast_in_dim3A_192], %mul3A_194 : memref<80x128xf32, #tpu.memory_space<vmem>>[vector<16xi32>, vector<16xi32>], vector<16xf32>,
        %broadcast_in_dim3A_195 = arith.constant 17 : i32
        %broadcast_in_dim3A_196 = vector.broadcast %broadcast_in_dim3A_195 : i32 to vector<16xi32>
        %gather3A_197 = tpu.vector_load_idx %arg13[%add3A_123, %broadcast_in_dim3A_196] : memref<80x128xf32, #tpu.memory_space<vmem>>[vector<16xi32>, vector<16xi32>], vector<16xf32>,
        %mul3A_198 = arith.mulf %gather3A_197, %get3A_128 : vector<16xf32>
        tpu.vector_store_idx %arg14[%add3A_123, %broadcast_in_dim3A_196], %mul3A_198 : memref<80x128xf32, #tpu.memory_space<vmem>>[vector<16xi32>, vector<16xi32>], vector<16xf32>,
        %broadcast_in_dim3A_199 = arith.constant 18 : i32
        %broadcast_in_dim3A_200 = vector.broadcast %broadcast_in_dim3A_199 : i32 to vector<16xi32>
        %gather3A_201 = tpu.vector_load_idx %arg13[%add3A_123, %broadcast_in_dim3A_200] : memref<80x128xf32, #tpu.memory_space<vmem>>[vector<16xi32>, vector<16xi32>], vector<16xf32>,
        %mul3A_202 = arith.mulf %gather3A_201, %get3A_128 : vector<16xf32>
        tpu.vector_store_idx %arg14[%add3A_123, %broadcast_in_dim3A_200], %mul3A_202 : memref<80x128xf32, #tpu.memory_space<vmem>>[vector<16xi32>, vector<16xi32>], vector<16xf32>,
        %broadcast_in_dim3A_203 = arith.constant 19 : i32
        %broadcast_in_dim3A_204 = vector.broadcast %broadcast_in_dim3A_203 : i32 to vector<16xi32>
        %gather3A_205 = tpu.vector_load_idx %arg13[%add3A_123, %broadcast_in_dim3A_204] : memref<80x128xf32, #tpu.memory_space<vmem>>[vector<16xi32>, vector<16xi32>], vector<16xf32>,
        %mul3A_206 = arith.mulf %gather3A_205, %get3A_128 : vector<16xf32>
        tpu.vector_store_idx %arg14[%add3A_123, %broadcast_in_dim3A_204], %mul3A_206 : memref<80x128xf32, #tpu.memory_space<vmem>>[vector<16xi32>, vector<16xi32>], vector<16xf32>,
        %broadcast_in_dim3A_207 = arith.constant 20 : i32
        %broadcast_in_dim3A_208 = vector.broadcast %broadcast_in_dim3A_207 : i32 to vector<16xi32>
        %gather3A_209 = tpu.vector_load_idx %arg13[%add3A_123, %broadcast_in_dim3A_208] : memref<80x128xf32, #tpu.memory_space<vmem>>[vector<16xi32>, vector<16xi32>], vector<16xf32>,
        %mul3A_210 = arith.mulf %gather3A_209, %get3A_128 : vector<16xf32>
        tpu.vector_store_idx %arg14[%add3A_123, %broadcast_in_dim3A_208], %mul3A_210 : memref<80x128xf32, #tpu.memory_space<vmem>>[vector<16xi32>, vector<16xi32>], vector<16xf32>,
        %broadcast_in_dim3A_211 = arith.constant 21 : i32
        %broadcast_in_dim3A_212 = vector.broadcast %broadcast_in_dim3A_211 : i32 to vector<16xi32>
        %gather3A_213 = tpu.vector_load_idx %arg13[%add3A_123, %broadcast_in_dim3A_212] : memref<80x128xf32, #tpu.memory_space<vmem>>[vector<16xi32>, vector<16xi32>], vector<16xf32>,
        %mul3A_214 = arith.mulf %gather3A_213, %get3A_128 : vector<16xf32>
        tpu.vector_store_idx %arg14[%add3A_123, %broadcast_in_dim3A_212], %mul3A_214 : memref<80x128xf32, #tpu.memory_space<vmem>>[vector<16xi32>, vector<16xi32>], vector<16xf32>,
        %broadcast_in_dim3A_215 = arith.constant 22 : i32
        %broadcast_in_dim3A_216 = vector.broadcast %broadcast_in_dim3A_215 : i32 to vector<16xi32>
        %gather3A_217 = tpu.vector_load_idx %arg13[%add3A_123, %broadcast_in_dim3A_216] : memref<80x128xf32, #tpu.memory_space<vmem>>[vector<16xi32>, vector<16xi32>], vector<16xf32>,
        %mul3A_218 = arith.mulf %gather3A_217, %get3A_128 : vector<16xf32>
        tpu.vector_store_idx %arg14[%add3A_123, %broadcast_in_dim3A_216], %mul3A_218 : memref<80x128xf32, #tpu.memory_space<vmem>>[vector<16xi32>, vector<16xi32>], vector<16xf32>,
        %broadcast_in_dim3A_219 = arith.constant 23 : i32
        %broadcast_in_dim3A_220 = vector.broadcast %broadcast_in_dim3A_219 : i32 to vector<16xi32>
        %gather3A_221 = tpu.vector_load_idx %arg13[%add3A_123, %broadcast_in_dim3A_220] : memref<80x128xf32, #tpu.memory_space<vmem>>[vector<16xi32>, vector<16xi32>], vector<16xf32>,
        %mul3A_222 = arith.mulf %gather3A_221, %get3A_128 : vector<16xf32>
        tpu.vector_store_idx %arg14[%add3A_123, %broadcast_in_dim3A_220], %mul3A_222 : memref<80x128xf32, #tpu.memory_space<vmem>>[vector<16xi32>, vector<16xi32>], vector<16xf32>,
        %broadcast_in_dim3A_223 = arith.constant 24 : i32
        %broadcast_in_dim3A_224 = vector.broadcast %broadcast_in_dim3A_223 : i32 to vector<16xi32>
        %gather3A_225 = tpu.vector_load_idx %arg13[%add3A_123, %broadcast_in_dim3A_224] : memref<80x128xf32, #tpu.memory_space<vmem>>[vector<16xi32>, vector<16xi32>], vector<16xf32>,
        %mul3A_226 = arith.mulf %gather3A_225, %get3A_128 : vector<16xf32>
        tpu.vector_store_idx %arg14[%add3A_123, %broadcast_in_dim3A_224], %mul3A_226 : memref<80x128xf32, #tpu.memory_space<vmem>>[vector<16xi32>, vector<16xi32>], vector<16xf32>,
        %broadcast_in_dim3A_227 = arith.constant 25 : i32
        %broadcast_in_dim3A_228 = vector.broadcast %broadcast_in_dim3A_227 : i32 to vector<16xi32>
        %gather3A_229 = tpu.vector_load_idx %arg13[%add3A_123, %broadcast_in_dim3A_228] : memref<80x128xf32, #tpu.memory_space<vmem>>[vector<16xi32>, vector<16xi32>], vector<16xf32>,
        %mul3A_230 = arith.mulf %gather3A_229, %get3A_128 : vector<16xf32>
        tpu.vector_store_idx %arg14[%add3A_123, %broadcast_in_dim3A_228], %mul3A_230 : memref<80x128xf32, #tpu.memory_space<vmem>>[vector<16xi32>, vector<16xi32>], vector<16xf32>,
        %broadcast_in_dim3A_231 = arith.constant 26 : i32
        %broadcast_in_dim3A_232 = vector.broadcast %broadcast_in_dim3A_231 : i32 to vector<16xi32>
        %gather3A_233 = tpu.vector_load_idx %arg13[%add3A_123, %broadcast_in_dim3A_232] : memref<80x128xf32, #tpu.memory_space<vmem>>[vector<16xi32>, vector<16xi32>], vector<16xf32>,
        %mul3A_234 = arith.mulf %gather3A_233, %get3A_128 : vector<16xf32>
        tpu.vector_store_idx %arg14[%add3A_123, %broadcast_in_dim3A_232], %mul3A_234 : memref<80x128xf32, #tpu.memory_space<vmem>>[vector<16xi32>, vector<16xi32>], vector<16xf32>,
        %broadcast_in_dim3A_235 = arith.constant 27 : i32
        %broadcast_in_dim3A_236 = vector.broadcast %broadcast_in_dim3A_235 : i32 to vector<16xi32>
        %gather3A_237 = tpu.vector_load_idx %arg13[%add3A_123, %broadcast_in_dim3A_236] : memref<80x128xf32, #tpu.memory_space<vmem>>[vector<16xi32>, vector<16xi32>], vector<16xf32>,
        %mul3A_238 = arith.mulf %gather3A_237, %get3A_128 : vector<16xf32>
        tpu.vector_store_idx %arg14[%add3A_123, %broadcast_in_dim3A_236], %mul3A_238 : memref<80x128xf32, #tpu.memory_space<vmem>>[vector<16xi32>, vector<16xi32>], vector<16xf32>,
        %broadcast_in_dim3A_239 = arith.constant 28 : i32
        %broadcast_in_dim3A_240 = vector.broadcast %broadcast_in_dim3A_239 : i32 to vector<16xi32>
        %gather3A_241 = tpu.vector_load_idx %arg13[%add3A_123, %broadcast_in_dim3A_240] : memref<80x128xf32, #tpu.memory_space<vmem>>[vector<16xi32>, vector<16xi32>], vector<16xf32>,
        %mul3A_242 = arith.mulf %gather3A_241, %get3A_128 : vector<16xf32>
        tpu.vector_store_idx %arg14[%add3A_123, %broadcast_in_dim3A_240], %mul3A_242 : memref<80x128xf32, #tpu.memory_space<vmem>>[vector<16xi32>, vector<16xi32>], vector<16xf32>,
        %broadcast_in_dim3A_243 = arith.constant 29 : i32
        %broadcast_in_dim3A_244 = vector.broadcast %broadcast_in_dim3A_243 : i32 to vector<16xi32>
        %gather3A_245 = tpu.vector_load_idx %arg13[%add3A_123, %broadcast_in_dim3A_244] : memref<80x128xf32, #tpu.memory_space<vmem>>[vector<16xi32>, vector<16xi32>], vector<16xf32>,
        %mul3A_246 = arith.mulf %gather3A_245, %get3A_128 : vector<16xf32>
        tpu.vector_store_idx %arg14[%add3A_123, %broadcast_in_dim3A_244], %mul3A_246 : memref<80x128xf32, #tpu.memory_space<vmem>>[vector<16xi32>, vector<16xi32>], vector<16xf32>,
        %broadcast_in_dim3A_247 = arith.constant 30 : i32
        %broadcast_in_dim3A_248 = vector.broadcast %broadcast_in_dim3A_247 : i32 to vector<16xi32>
        %gather3A_249 = tpu.vector_load_idx %arg13[%add3A_123, %broadcast_in_dim3A_248] : memref<80x128xf32, #tpu.memory_space<vmem>>[vector<16xi32>, vector<16xi32>], vector<16xf32>,
        %mul3A_250 = arith.mulf %gather3A_249, %get3A_128 : vector<16xf32>
        tpu.vector_store_idx %arg14[%add3A_123, %broadcast_in_dim3A_248], %mul3A_250 : memref<80x128xf32, #tpu.memory_space<vmem>>[vector<16xi32>, vector<16xi32>], vector<16xf32>,
        %broadcast_in_dim3A_251 = arith.constant 31 : i32
        %broadcast_in_dim3A_252 = vector.broadcast %broadcast_in_dim3A_251 : i32 to vector<16xi32>
        %gather3A_253 = tpu.vector_load_idx %arg13[%add3A_123, %broadcast_in_dim3A_252] : memref<80x128xf32, #tpu.memory_space<vmem>>[vector<16xi32>, vector<16xi32>], vector<16xf32>,
        %mul3A_254 = arith.mulf %gather3A_253, %get3A_128 : vector<16xf32>
        tpu.vector_store_idx %arg14[%add3A_123, %broadcast_in_dim3A_252], %mul3A_254 : memref<80x128xf32, #tpu.memory_space<vmem>>[vector<16xi32>, vector<16xi32>], vector<16xf32>,
        %mul3A_255 = arith.constant 16 : i32
        %mul3A_256 = arith.muli %scan3A_119, %mul3A_255 : i32
        %get3A_257 = arith.constant 1 : i32
        %get3A_258 = arith.index_cast %get3A_257 : i32 to index
        %get3A_259 = arith.index_cast %mul3A_256 : i32 to index
        %get3A_260 = tpu.vector_load %arg16[%get3A_258, %get3A_259] {strides = array<i32>} : memref<4x80xf32, #tpu.memory_space<vmem>>, vector<16xf32>,
        %broadcast_in_dim3A_261 = arith.constant 32 : i32
        %broadcast_in_dim3A_262 = vector.broadcast %broadcast_in_dim3A_261 : i32 to vector<16xi32>
        %gather3A_263 = tpu.vector_load_idx %arg13[%add3A_123, %broadcast_in_dim3A_262] : memref<80x128xf32, #tpu.memory_space<vmem>>[vector<16xi32>, vector<16xi32>], vector<16xf32>,
        %mul3A_264 = arith.mulf %gather3A_263, %get3A_260 : vector<16xf32>
        tpu.vector_store_idx %arg14[%add3A_123, %broadcast_in_dim3A_262], %mul3A_264 : memref<80x128xf32, #tpu.memory_space<vmem>>[vector<16xi32>, vector<16xi32>], vector<16xf32>,
        %broadcast_in_dim3A_265 = arith.constant 33 : i32
        %broadcast_in_dim3A_266 = vector.broadcast %broadcast_in_dim3A_265 : i32 to vector<16xi32>
        %gather3A_267 = tpu.vector_load_idx %arg13[%add3A_123, %broadcast_in_dim3A_266] : memref<80x128xf32, #tpu.memory_space<vmem>>[vector<16xi32>, vector<16xi32>], vector<16xf32>,
        %mul3A_268 = arith.mulf %gather3A_267, %get3A_260 : vector<16xf32>
        tpu.vector_store_idx %arg14[%add3A_123, %broadcast_in_dim3A_266], %mul3A_268 : memref<80x128xf32, #tpu.memory_space<vmem>>[vector<16xi32>, vector<16xi32>], vector<16xf32>,
        %broadcast_in_dim3A_269 = arith.constant 34 : i32
        %broadcast_in_dim3A_270 = vector.broadcast %broadcast_in_dim3A_269 : i32 to vector<16xi32>
        %gather3A_271 = tpu.vector_load_idx %arg13[%add3A_123, %broadcast_in_dim3A_270] : memref<80x128xf32, #tpu.memory_space<vmem>>[vector<16xi32>, vector<16xi32>], vector<16xf32>,
        %mul3A_272 = arith.mulf %gather3A_271, %get3A_260 : vector<16xf32>
        tpu.vector_store_idx %arg14[%add3A_123, %broadcast_in_dim3A_270], %mul3A_272 : memref<80x128xf32, #tpu.memory_space<vmem>>[vector<16xi32>, vector<16xi32>], vector<16xf32>,
        %broadcast_in_dim3A_273 = arith.constant 35 : i32
        %broadcast_in_dim3A_274 = vector.broadcast %broadcast_in_dim3A_273 : i32 to vector<16xi32>
        %gather3A_275 = tpu.vector_load_idx %arg13[%add3A_123, %broadcast_in_dim3A_274] : memref<80x128xf32, #tpu.memory_space<vmem>>[vector<16xi32>, vector<16xi32>], vector<16xf32>,
        %mul3A_276 = arith.mulf %gather3A_275, %get3A_260 : vector<16xf32>
        tpu.vector_store_idx %arg14[%add3A_123, %broadcast_in_dim3A_274], %mul3A_276 : memref<80x128xf32, #tpu.memory_space<vmem>>[vector<16xi32>, vector<16xi32>], vector<16xf32>,
        %broadcast_in_dim3A_277 = arith.constant 36 : i32
        %broadcast_in_dim3A_278 = vector.broadcast %broadcast_in_dim3A_277 : i32 to vector<16xi32>
        %gather3A_279 = tpu.vector_load_idx %arg13[%add3A_123, %broadcast_in_dim3A_278] : memref<80x128xf32, #tpu.memory_space<vmem>>[vector<16xi32>, vector<16xi32>], vector<16xf32>,
        %mul3A_280 = arith.mulf %gather3A_279, %get3A_260 : vector<16xf32>
        tpu.vector_store_idx %arg14[%add3A_123, %broadcast_in_dim3A_278], %mul3A_280 : memref<80x128xf32, #tpu.memory_space<vmem>>[vector<16xi32>, vector<16xi32>], vector<16xf32>,
        %broadcast_in_dim3A_281 = arith.constant 37 : i32
        %broadcast_in_dim3A_282 = vector.broadcast %broadcast_in_dim3A_281 : i32 to vector<16xi32>
        %gather3A_283 = tpu.vector_load_idx %arg13[%add3A_123, %broadcast_in_dim3A_282] : memref<80x128xf32, #tpu.memory_space<vmem>>[vector<16xi32>, vector<16xi32>], vector<16xf32>,
        %mul3A_284 = arith.mulf %gather3A_283, %get3A_260 : vector<16xf32>
        tpu.vector_store_idx %arg14[%add3A_123, %broadcast_in_dim3A_282], %mul3A_284 : memref<80x128xf32, #tpu.memory_space<vmem>>[vector<16xi32>, vector<16xi32>], vector<16xf32>,
        %broadcast_in_dim3A_285 = arith.constant 38 : i32
        %broadcast_in_dim3A_286 = vector.broadcast %broadcast_in_dim3A_285 : i32 to vector<16xi32>
        %gather3A_287 = tpu.vector_load_idx %arg13[%add3A_123, %broadcast_in_dim3A_286] : memref<80x128xf32, #tpu.memory_space<vmem>>[vector<16xi32>, vector<16xi32>], vector<16xf32>,
        %mul3A_288 = arith.mulf %gather3A_287, %get3A_260 : vector<16xf32>
        tpu.vector_store_idx %arg14[%add3A_123, %broadcast_in_dim3A_286], %mul3A_288 : memref<80x128xf32, #tpu.memory_space<vmem>>[vector<16xi32>, vector<16xi32>], vector<16xf32>,
        %broadcast_in_dim3A_289 = arith.constant 39 : i32
        %broadcast_in_dim3A_290 = vector.broadcast %broadcast_in_dim3A_289 : i32 to vector<16xi32>
        %gather3A_291 = tpu.vector_load_idx %arg13[%add3A_123, %broadcast_in_dim3A_290] : memref<80x128xf32, #tpu.memory_space<vmem>>[vector<16xi32>, vector<16xi32>], vector<16xf32>,
        %mul3A_292 = arith.mulf %gather3A_291, %get3A_260 : vector<16xf32>
        tpu.vector_store_idx %arg14[%add3A_123, %broadcast_in_dim3A_290], %mul3A_292 : memref<80x128xf32, #tpu.memory_space<vmem>>[vector<16xi32>, vector<16xi32>], vector<16xf32>,
        %broadcast_in_dim3A_293 = arith.constant 40 : i32
        %broadcast_in_dim3A_294 = vector.broadcast %broadcast_in_dim3A_293 : i32 to vector<16xi32>
        %gather3A_295 = tpu.vector_load_idx %arg13[%add3A_123, %broadcast_in_dim3A_294] : memref<80x128xf32, #tpu.memory_space<vmem>>[vector<16xi32>, vector<16xi32>], vector<16xf32>,
        %mul3A_296 = arith.mulf %gather3A_295, %get3A_260 : vector<16xf32>
        tpu.vector_store_idx %arg14[%add3A_123, %broadcast_in_dim3A_294], %mul3A_296 : memref<80x128xf32, #tpu.memory_space<vmem>>[vector<16xi32>, vector<16xi32>], vector<16xf32>,
        %broadcast_in_dim3A_297 = arith.constant 41 : i32
        %broadcast_in_dim3A_298 = vector.broadcast %broadcast_in_dim3A_297 : i32 to vector<16xi32>
        %gather3A_299 = tpu.vector_load_idx %arg13[%add3A_123, %broadcast_in_dim3A_298] : memref<80x128xf32, #tpu.memory_space<vmem>>[vector<16xi32>, vector<16xi32>], vector<16xf32>,
        %mul3A_300 = arith.mulf %gather3A_299, %get3A_260 : vector<16xf32>
        tpu.vector_store_idx %arg14[%add3A_123, %broadcast_in_dim3A_298], %mul3A_300 : memref<80x128xf32, #tpu.memory_space<vmem>>[vector<16xi32>, vector<16xi32>], vector<16xf32>,
        %broadcast_in_dim3A_301 = arith.constant 42 : i32
        %broadcast_in_dim3A_302 = vector.broadcast %broadcast_in_dim3A_301 : i32 to vector<16xi32>
        %gather3A_303 = tpu.vector_load_idx %arg13[%add3A_123, %broadcast_in_dim3A_302] : memref<80x128xf32, #tpu.memory_space<vmem>>[vector<16xi32>, vector<16xi32>], vector<16xf32>,
        %mul3A_304 = arith.mulf %gather3A_303, %get3A_260 : vector<16xf32>
        tpu.vector_store_idx %arg14[%add3A_123, %broadcast_in_dim3A_302], %mul3A_304 : memref<80x128xf32, #tpu.memory_space<vmem>>[vector<16xi32>, vector<16xi32>], vector<16xf32>,
        %broadcast_in_dim3A_305 = arith.constant 43 : i32
        %broadcast_in_dim3A_306 = vector.broadcast %broadcast_in_dim3A_305 : i32 to vector<16xi32>
        %gather3A_307 = tpu.vector_load_idx %arg13[%add3A_123, %broadcast_in_dim3A_306] : memref<80x128xf32, #tpu.memory_space<vmem>>[vector<16xi32>, vector<16xi32>], vector<16xf32>,
        %mul3A_308 = arith.mulf %gather3A_307, %get3A_260 : vector<16xf32>
        tpu.vector_store_idx %arg14[%add3A_123, %broadcast_in_dim3A_306], %mul3A_308 : memref<80x128xf32, #tpu.memory_space<vmem>>[vector<16xi32>, vector<16xi32>], vector<16xf32>,
        %broadcast_in_dim3A_309 = arith.constant 44 : i32
        %broadcast_in_dim3A_310 = vector.broadcast %broadcast_in_dim3A_309 : i32 to vector<16xi32>
        %gather3A_311 = tpu.vector_load_idx %arg13[%add3A_123, %broadcast_in_dim3A_310] : memref<80x128xf32, #tpu.memory_space<vmem>>[vector<16xi32>, vector<16xi32>], vector<16xf32>,
        %mul3A_312 = arith.mulf %gather3A_311, %get3A_260 : vector<16xf32>
        tpu.vector_store_idx %arg14[%add3A_123, %broadcast_in_dim3A_310], %mul3A_312 : memref<80x128xf32, #tpu.memory_space<vmem>>[vector<16xi32>, vector<16xi32>], vector<16xf32>,
        %broadcast_in_dim3A_313 = arith.constant 45 : i32
        %broadcast_in_dim3A_314 = vector.broadcast %broadcast_in_dim3A_313 : i32 to vector<16xi32>
        %gather3A_315 = tpu.vector_load_idx %arg13[%add3A_123, %broadcast_in_dim3A_314] : memref<80x128xf32, #tpu.memory_space<vmem>>[vector<16xi32>, vector<16xi32>], vector<16xf32>,
        %mul3A_316 = arith.mulf %gather3A_315, %get3A_260 : vector<16xf32>
        tpu.vector_store_idx %arg14[%add3A_123, %broadcast_in_dim3A_314], %mul3A_316 : memref<80x128xf32, #tpu.memory_space<vmem>>[vector<16xi32>, vector<16xi32>], vector<16xf32>,
        %broadcast_in_dim3A_317 = arith.constant 46 : i32
        %broadcast_in_dim3A_318 = vector.broadcast %broadcast_in_dim3A_317 : i32 to vector<16xi32>
        %gather3A_319 = tpu.vector_load_idx %arg13[%add3A_123, %broadcast_in_dim3A_318] : memref<80x128xf32, #tpu.memory_space<vmem>>[vector<16xi32>, vector<16xi32>], vector<16xf32>,
        %mul3A_320 = arith.mulf %gather3A_319, %get3A_260 : vector<16xf32>
        tpu.vector_store_idx %arg14[%add3A_123, %broadcast_in_dim3A_318], %mul3A_320 : memref<80x128xf32, #tpu.memory_space<vmem>>[vector<16xi32>, vector<16xi32>], vector<16xf32>,
        %broadcast_in_dim3A_321 = arith.constant 47 : i32
        %broadcast_in_dim3A_322 = vector.broadcast %broadcast_in_dim3A_321 : i32 to vector<16xi32>
        %gather3A_323 = tpu.vector_load_idx %arg13[%add3A_123, %broadcast_in_dim3A_322] : memref<80x128xf32, #tpu.memory_space<vmem>>[vector<16xi32>, vector<16xi32>], vector<16xf32>,
        %mul3A_324 = arith.mulf %gather3A_323, %get3A_260 : vector<16xf32>
        tpu.vector_store_idx %arg14[%add3A_123, %broadcast_in_dim3A_322], %mul3A_324 : memref<80x128xf32, #tpu.memory_space<vmem>>[vector<16xi32>, vector<16xi32>], vector<16xf32>,
        %broadcast_in_dim3A_325 = arith.constant 48 : i32
        %broadcast_in_dim3A_326 = vector.broadcast %broadcast_in_dim3A_325 : i32 to vector<16xi32>
        %gather3A_327 = tpu.vector_load_idx %arg13[%add3A_123, %broadcast_in_dim3A_326] : memref<80x128xf32, #tpu.memory_space<vmem>>[vector<16xi32>, vector<16xi32>], vector<16xf32>,
        %mul3A_328 = arith.mulf %gather3A_327, %get3A_260 : vector<16xf32>
        tpu.vector_store_idx %arg14[%add3A_123, %broadcast_in_dim3A_326], %mul3A_328 : memref<80x128xf32, #tpu.memory_space<vmem>>[vector<16xi32>, vector<16xi32>], vector<16xf32>,
        %broadcast_in_dim3A_329 = arith.constant 49 : i32
        %broadcast_in_dim3A_330 = vector.broadcast %broadcast_in_dim3A_329 : i32 to vector<16xi32>
        %gather3A_331 = tpu.vector_load_idx %arg13[%add3A_123, %broadcast_in_dim3A_330] : memref<80x128xf32, #tpu.memory_space<vmem>>[vector<16xi32>, vector<16xi32>], vector<16xf32>,
        %mul3A_332 = arith.mulf %gather3A_331, %get3A_260 : vector<16xf32>
        tpu.vector_store_idx %arg14[%add3A_123, %broadcast_in_dim3A_330], %mul3A_332 : memref<80x128xf32, #tpu.memory_space<vmem>>[vector<16xi32>, vector<16xi32>], vector<16xf32>,
        %broadcast_in_dim3A_333 = arith.constant 50 : i32
        %broadcast_in_dim3A_334 = vector.broadcast %broadcast_in_dim3A_333 : i32 to vector<16xi32>
        %gather3A_335 = tpu.vector_load_idx %arg13[%add3A_123, %broadcast_in_dim3A_334] : memref<80x128xf32, #tpu.memory_space<vmem>>[vector<16xi32>, vector<16xi32>], vector<16xf32>,
        %mul3A_336 = arith.mulf %gather3A_335, %get3A_260 : vector<16xf32>
        tpu.vector_store_idx %arg14[%add3A_123, %broadcast_in_dim3A_334], %mul3A_336 : memref<80x128xf32, #tpu.memory_space<vmem>>[vector<16xi32>, vector<16xi32>], vector<16xf32>,
        %broadcast_in_dim3A_337 = arith.constant 51 : i32
        %broadcast_in_dim3A_338 = vector.broadcast %broadcast_in_dim3A_337 : i32 to vector<16xi32>
        %gather3A_339 = tpu.vector_load_idx %arg13[%add3A_123, %broadcast_in_dim3A_338] : memref<80x128xf32, #tpu.memory_space<vmem>>[vector<16xi32>, vector<16xi32>], vector<16xf32>,
        %mul3A_340 = arith.mulf %gather3A_339, %get3A_260 : vector<16xf32>
        tpu.vector_store_idx %arg14[%add3A_123, %broadcast_in_dim3A_338], %mul3A_340 : memref<80x128xf32, #tpu.memory_space<vmem>>[vector<16xi32>, vector<16xi32>], vector<16xf32>,
        %broadcast_in_dim3A_341 = arith.constant 52 : i32
        %broadcast_in_dim3A_342 = vector.broadcast %broadcast_in_dim3A_341 : i32 to vector<16xi32>
        %gather3A_343 = tpu.vector_load_idx %arg13[%add3A_123, %broadcast_in_dim3A_342] : memref<80x128xf32, #tpu.memory_space<vmem>>[vector<16xi32>, vector<16xi32>], vector<16xf32>,
        %mul3A_344 = arith.mulf %gather3A_343, %get3A_260 : vector<16xf32>
        tpu.vector_store_idx %arg14[%add3A_123, %broadcast_in_dim3A_342], %mul3A_344 : memref<80x128xf32, #tpu.memory_space<vmem>>[vector<16xi32>, vector<16xi32>], vector<16xf32>,
        %broadcast_in_dim3A_345 = arith.constant 53 : i32
        %broadcast_in_dim3A_346 = vector.broadcast %broadcast_in_dim3A_345 : i32 to vector<16xi32>
        %gather3A_347 = tpu.vector_load_idx %arg13[%add3A_123, %broadcast_in_dim3A_346] : memref<80x128xf32, #tpu.memory_space<vmem>>[vector<16xi32>, vector<16xi32>], vector<16xf32>,
        %mul3A_348 = arith.mulf %gather3A_347, %get3A_260 : vector<16xf32>
        tpu.vector_store_idx %arg14[%add3A_123, %broadcast_in_dim3A_346], %mul3A_348 : memref<80x128xf32, #tpu.memory_space<vmem>>[vector<16xi32>, vector<16xi32>], vector<16xf32>,
        %broadcast_in_dim3A_349 = arith.constant 54 : i32
        %broadcast_in_dim3A_350 = vector.broadcast %broadcast_in_dim3A_349 : i32 to vector<16xi32>
        %gather3A_351 = tpu.vector_load_idx %arg13[%add3A_123, %broadcast_in_dim3A_350] : memref<80x128xf32, #tpu.memory_space<vmem>>[vector<16xi32>, vector<16xi32>], vector<16xf32>,
        %mul3A_352 = arith.mulf %gather3A_351, %get3A_260 : vector<16xf32>
        tpu.vector_store_idx %arg14[%add3A_123, %broadcast_in_dim3A_350], %mul3A_352 : memref<80x128xf32, #tpu.memory_space<vmem>>[vector<16xi32>, vector<16xi32>], vector<16xf32>,
        %broadcast_in_dim3A_353 = arith.constant 55 : i32
        %broadcast_in_dim3A_354 = vector.broadcast %broadcast_in_dim3A_353 : i32 to vector<16xi32>
        %gather3A_355 = tpu.vector_load_idx %arg13[%add3A_123, %broadcast_in_dim3A_354] : memref<80x128xf32, #tpu.memory_space<vmem>>[vector<16xi32>, vector<16xi32>], vector<16xf32>,
        %mul3A_356 = arith.mulf %gather3A_355, %get3A_260 : vector<16xf32>
        tpu.vector_store_idx %arg14[%add3A_123, %broadcast_in_dim3A_354], %mul3A_356 : memref<80x128xf32, #tpu.memory_space<vmem>>[vector<16xi32>, vector<16xi32>], vector<16xf32>,
        %broadcast_in_dim3A_357 = arith.constant 56 : i32
        %broadcast_in_dim3A_358 = vector.broadcast %broadcast_in_dim3A_357 : i32 to vector<16xi32>
        %gather3A_359 = tpu.vector_load_idx %arg13[%add3A_123, %broadcast_in_dim3A_358] : memref<80x128xf32, #tpu.memory_space<vmem>>[vector<16xi32>, vector<16xi32>], vector<16xf32>,
        %mul3A_360 = arith.mulf %gather3A_359, %get3A_260 : vector<16xf32>
        tpu.vector_store_idx %arg14[%add3A_123, %broadcast_in_dim3A_358], %mul3A_360 : memref<80x128xf32, #tpu.memory_space<vmem>>[vector<16xi32>, vector<16xi32>], vector<16xf32>,
        %broadcast_in_dim3A_361 = arith.constant 57 : i32
        %broadcast_in_dim3A_362 = vector.broadcast %broadcast_in_dim3A_361 : i32 to vector<16xi32>
        %gather3A_363 = tpu.vector_load_idx %arg13[%add3A_123, %broadcast_in_dim3A_362] : memref<80x128xf32, #tpu.memory_space<vmem>>[vector<16xi32>, vector<16xi32>], vector<16xf32>,
        %mul3A_364 = arith.mulf %gather3A_363, %get3A_260 : vector<16xf32>
        tpu.vector_store_idx %arg14[%add3A_123, %broadcast_in_dim3A_362], %mul3A_364 : memref<80x128xf32, #tpu.memory_space<vmem>>[vector<16xi32>, vector<16xi32>], vector<16xf32>,
        %broadcast_in_dim3A_365 = arith.constant 58 : i32
        %broadcast_in_dim3A_366 = vector.broadcast %broadcast_in_dim3A_365 : i32 to vector<16xi32>
        %gather3A_367 = tpu.vector_load_idx %arg13[%add3A_123, %broadcast_in_dim3A_366] : memref<80x128xf32, #tpu.memory_space<vmem>>[vector<16xi32>, vector<16xi32>], vector<16xf32>,
        %mul3A_368 = arith.mulf %gather3A_367, %get3A_260 : vector<16xf32>
        tpu.vector_store_idx %arg14[%add3A_123, %broadcast_in_dim3A_366], %mul3A_368 : memref<80x128xf32, #tpu.memory_space<vmem>>[vector<16xi32>, vector<16xi32>], vector<16xf32>,
        %broadcast_in_dim3A_369 = arith.constant 59 : i32
        %broadcast_in_dim3A_370 = vector.broadcast %broadcast_in_dim3A_369 : i32 to vector<16xi32>
        %gather3A_371 = tpu.vector_load_idx %arg13[%add3A_123, %broadcast_in_dim3A_370] : memref<80x128xf32, #tpu.memory_space<vmem>>[vector<16xi32>, vector<16xi32>], vector<16xf32>,
        %mul3A_372 = arith.mulf %gather3A_371, %get3A_260 : vector<16xf32>
        tpu.vector_store_idx %arg14[%add3A_123, %broadcast_in_dim3A_370], %mul3A_372 : memref<80x128xf32, #tpu.memory_space<vmem>>[vector<16xi32>, vector<16xi32>], vector<16xf32>,
        %broadcast_in_dim3A_373 = arith.constant 60 : i32
        %broadcast_in_dim3A_374 = vector.broadcast %broadcast_in_dim3A_373 : i32 to vector<16xi32>
        %gather3A_375 = tpu.vector_load_idx %arg13[%add3A_123, %broadcast_in_dim3A_374] : memref<80x128xf32, #tpu.memory_space<vmem>>[vector<16xi32>, vector<16xi32>], vector<16xf32>,
        %mul3A_376 = arith.mulf %gather3A_375, %get3A_260 : vector<16xf32>
        tpu.vector_store_idx %arg14[%add3A_123, %broadcast_in_dim3A_374], %mul3A_376 : memref<80x128xf32, #tpu.memory_space<vmem>>[vector<16xi32>, vector<16xi32>], vector<16xf32>,
        %broadcast_in_dim3A_377 = arith.constant 61 : i32
        %broadcast_in_dim3A_378 = vector.broadcast %broadcast_in_dim3A_377 : i32 to vector<16xi32>
        %gather3A_379 = tpu.vector_load_idx %arg13[%add3A_123, %broadcast_in_dim3A_378] : memref<80x128xf32, #tpu.memory_space<vmem>>[vector<16xi32>, vector<16xi32>], vector<16xf32>,
        %mul3A_380 = arith.mulf %gather3A_379, %get3A_260 : vector<16xf32>
        tpu.vector_store_idx %arg14[%add3A_123, %broadcast_in_dim3A_378], %mul3A_380 : memref<80x128xf32, #tpu.memory_space<vmem>>[vector<16xi32>, vector<16xi32>], vector<16xf32>,
        %broadcast_in_dim3A_381 = arith.constant 62 : i32
        %broadcast_in_dim3A_382 = vector.broadcast %broadcast_in_dim3A_381 : i32 to vector<16xi32>
        %gather3A_383 = tpu.vector_load_idx %arg13[%add3A_123, %broadcast_in_dim3A_382] : memref<80x128xf32, #tpu.memory_space<vmem>>[vector<16xi32>, vector<16xi32>], vector<16xf32>,
        %mul3A_384 = arith.mulf %gather3A_383, %get3A_260 : vector<16xf32>
        tpu.vector_store_idx %arg14[%add3A_123, %broadcast_in_dim3A_382], %mul3A_384 : memref<80x128xf32, #tpu.memory_space<vmem>>[vector<16xi32>, vector<16xi32>], vector<16xf32>,
        %broadcast_in_dim3A_385 = arith.constant 63 : i32
        %broadcast_in_dim3A_386 = vector.broadcast %broadcast_in_dim3A_385 : i32 to vector<16xi32>
        %gather3A_387 = tpu.vector_load_idx %arg13[%add3A_123, %broadcast_in_dim3A_386] : memref<80x128xf32, #tpu.memory_space<vmem>>[vector<16xi32>, vector<16xi32>], vector<16xf32>,
        %mul3A_388 = arith.mulf %gather3A_387, %get3A_260 : vector<16xf32>
        tpu.vector_store_idx %arg14[%add3A_123, %broadcast_in_dim3A_386], %mul3A_388 : memref<80x128xf32, #tpu.memory_space<vmem>>[vector<16xi32>, vector<16xi32>], vector<16xf32>,
        %mul3A_389 = arith.constant 16 : i32
        %mul3A_390 = arith.muli %scan3A_119, %mul3A_389 : i32
        %get3A_391 = arith.constant 2 : i32
        %get3A_392 = arith.index_cast %get3A_391 : i32 to index
        %get3A_393 = arith.index_cast %mul3A_390 : i32 to index
        %get3A_394 = tpu.vector_load %arg16[%get3A_392, %get3A_393] {strides = array<i32>} : memref<4x80xf32, #tpu.memory_space<vmem>>, vector<16xf32>,
        %broadcast_in_dim3A_395 = arith.constant 64 : i32
        %broadcast_in_dim3A_396 = vector.broadcast %broadcast_in_dim3A_395 : i32 to vector<16xi32>
        %gather3A_397 = tpu.vector_load_idx %arg13[%add3A_123, %broadcast_in_dim3A_396] : memref<80x128xf32, #tpu.memory_space<vmem>>[vector<16xi32>, vector<16xi32>], vector<16xf32>,
        %mul3A_398 = arith.mulf %gather3A_397, %get3A_394 : vector<16xf32>
        tpu.vector_store_idx %arg14[%add3A_123, %broadcast_in_dim3A_396], %mul3A_398 : memref<80x128xf32, #tpu.memory_space<vmem>>[vector<16xi32>, vector<16xi32>], vector<16xf32>,
        %broadcast_in_dim3A_399 = arith.constant 65 : i32
        %broadcast_in_dim3A_400 = vector.broadcast %broadcast_in_dim3A_399 : i32 to vector<16xi32>
        %gather3A_401 = tpu.vector_load_idx %arg13[%add3A_123, %broadcast_in_dim3A_400] : memref<80x128xf32, #tpu.memory_space<vmem>>[vector<16xi32>, vector<16xi32>], vector<16xf32>,
        %mul3A_402 = arith.mulf %gather3A_401, %get3A_394 : vector<16xf32>
        tpu.vector_store_idx %arg14[%add3A_123, %broadcast_in_dim3A_400], %mul3A_402 : memref<80x128xf32, #tpu.memory_space<vmem>>[vector<16xi32>, vector<16xi32>], vector<16xf32>,
        %broadcast_in_dim3A_403 = arith.constant 66 : i32
        %broadcast_in_dim3A_404 = vector.broadcast %broadcast_in_dim3A_403 : i32 to vector<16xi32>
        %gather3A_405 = tpu.vector_load_idx %arg13[%add3A_123, %broadcast_in_dim3A_404] : memref<80x128xf32, #tpu.memory_space<vmem>>[vector<16xi32>, vector<16xi32>], vector<16xf32>,
        %mul3A_406 = arith.mulf %gather3A_405, %get3A_394 : vector<16xf32>
        tpu.vector_store_idx %arg14[%add3A_123, %broadcast_in_dim3A_404], %mul3A_406 : memref<80x128xf32, #tpu.memory_space<vmem>>[vector<16xi32>, vector<16xi32>], vector<16xf32>,
        %broadcast_in_dim3A_407 = arith.constant 67 : i32
        %broadcast_in_dim3A_408 = vector.broadcast %broadcast_in_dim3A_407 : i32 to vector<16xi32>
        %gather3A_409 = tpu.vector_load_idx %arg13[%add3A_123, %broadcast_in_dim3A_408] : memref<80x128xf32, #tpu.memory_space<vmem>>[vector<16xi32>, vector<16xi32>], vector<16xf32>,
        %mul3A_410 = arith.mulf %gather3A_409, %get3A_394 : vector<16xf32>
        tpu.vector_store_idx %arg14[%add3A_123, %broadcast_in_dim3A_408], %mul3A_410 : memref<80x128xf32, #tpu.memory_space<vmem>>[vector<16xi32>, vector<16xi32>], vector<16xf32>,
        %broadcast_in_dim3A_411 = arith.constant 68 : i32
        %broadcast_in_dim3A_412 = vector.broadcast %broadcast_in_dim3A_411 : i32 to vector<16xi32>
        %gather3A_413 = tpu.vector_load_idx %arg13[%add3A_123, %broadcast_in_dim3A_412] : memref<80x128xf32, #tpu.memory_space<vmem>>[vector<16xi32>, vector<16xi32>], vector<16xf32>,
        %mul3A_414 = arith.mulf %gather3A_413, %get3A_394 : vector<16xf32>
        tpu.vector_store_idx %arg14[%add3A_123, %broadcast_in_dim3A_412], %mul3A_414 : memref<80x128xf32, #tpu.memory_space<vmem>>[vector<16xi32>, vector<16xi32>], vector<16xf32>,
        %broadcast_in_dim3A_415 = arith.constant 69 : i32
        %broadcast_in_dim3A_416 = vector.broadcast %broadcast_in_dim3A_415 : i32 to vector<16xi32>
        %gather3A_417 = tpu.vector_load_idx %arg13[%add3A_123, %broadcast_in_dim3A_416] : memref<80x128xf32, #tpu.memory_space<vmem>>[vector<16xi32>, vector<16xi32>], vector<16xf32>,
        %mul3A_418 = arith.mulf %gather3A_417, %get3A_394 : vector<16xf32>
        tpu.vector_store_idx %arg14[%add3A_123, %broadcast_in_dim3A_416], %mul3A_418 : memref<80x128xf32, #tpu.memory_space<vmem>>[vector<16xi32>, vector<16xi32>], vector<16xf32>,
        %broadcast_in_dim3A_419 = arith.constant 70 : i32
        %broadcast_in_dim3A_420 = vector.broadcast %broadcast_in_dim3A_419 : i32 to vector<16xi32>
        %gather3A_421 = tpu.vector_load_idx %arg13[%add3A_123, %broadcast_in_dim3A_420] : memref<80x128xf32, #tpu.memory_space<vmem>>[vector<16xi32>, vector<16xi32>], vector<16xf32>,
        %mul3A_422 = arith.mulf %gather3A_421, %get3A_394 : vector<16xf32>
        tpu.vector_store_idx %arg14[%add3A_123, %broadcast_in_dim3A_420], %mul3A_422 : memref<80x128xf32, #tpu.memory_space<vmem>>[vector<16xi32>, vector<16xi32>], vector<16xf32>,
        %broadcast_in_dim3A_423 = arith.constant 71 : i32
        %broadcast_in_dim3A_424 = vector.broadcast %broadcast_in_dim3A_423 : i32 to vector<16xi32>
        %gather3A_425 = tpu.vector_load_idx %arg13[%add3A_123, %broadcast_in_dim3A_424] : memref<80x128xf32, #tpu.memory_space<vmem>>[vector<16xi32>, vector<16xi32>], vector<16xf32>,
        %mul3A_426 = arith.mulf %gather3A_425, %get3A_394 : vector<16xf32>
        tpu.vector_store_idx %arg14[%add3A_123, %broadcast_in_dim3A_424], %mul3A_426 : memref<80x128xf32, #tpu.memory_space<vmem>>[vector<16xi32>, vector<16xi32>], vector<16xf32>,
        %broadcast_in_dim3A_427 = arith.constant 72 : i32
        %broadcast_in_dim3A_428 = vector.broadcast %broadcast_in_dim3A_427 : i32 to vector<16xi32>
        %gather3A_429 = tpu.vector_load_idx %arg13[%add3A_123, %broadcast_in_dim3A_428] : memref<80x128xf32, #tpu.memory_space<vmem>>[vector<16xi32>, vector<16xi32>], vector<16xf32>,
        %mul3A_430 = arith.mulf %gather3A_429, %get3A_394 : vector<16xf32>
        tpu.vector_store_idx %arg14[%add3A_123, %broadcast_in_dim3A_428], %mul3A_430 : memref<80x128xf32, #tpu.memory_space<vmem>>[vector<16xi32>, vector<16xi32>], vector<16xf32>,
        %broadcast_in_dim3A_431 = arith.constant 73 : i32
        %broadcast_in_dim3A_432 = vector.broadcast %broadcast_in_dim3A_431 : i32 to vector<16xi32>
        %gather3A_433 = tpu.vector_load_idx %arg13[%add3A_123, %broadcast_in_dim3A_432] : memref<80x128xf32, #tpu.memory_space<vmem>>[vector<16xi32>, vector<16xi32>], vector<16xf32>,
        %mul3A_434 = arith.mulf %gather3A_433, %get3A_394 : vector<16xf32>
        tpu.vector_store_idx %arg14[%add3A_123, %broadcast_in_dim3A_432], %mul3A_434 : memref<80x128xf32, #tpu.memory_space<vmem>>[vector<16xi32>, vector<16xi32>], vector<16xf32>,
        %broadcast_in_dim3A_435 = arith.constant 74 : i32
        %broadcast_in_dim3A_436 = vector.broadcast %broadcast_in_dim3A_435 : i32 to vector<16xi32>
        %gather3A_437 = tpu.vector_load_idx %arg13[%add3A_123, %broadcast_in_dim3A_436] : memref<80x128xf32, #tpu.memory_space<vmem>>[vector<16xi32>, vector<16xi32>], vector<16xf32>,
        %mul3A_438 = arith.mulf %gather3A_437, %get3A_394 : vector<16xf32>
        tpu.vector_store_idx %arg14[%add3A_123, %broadcast_in_dim3A_436], %mul3A_438 : memref<80x128xf32, #tpu.memory_space<vmem>>[vector<16xi32>, vector<16xi32>], vector<16xf32>,
        %broadcast_in_dim3A_439 = arith.constant 75 : i32
        %broadcast_in_dim3A_440 = vector.broadcast %broadcast_in_dim3A_439 : i32 to vector<16xi32>
        %gather3A_441 = tpu.vector_load_idx %arg13[%add3A_123, %broadcast_in_dim3A_440] : memref<80x128xf32, #tpu.memory_space<vmem>>[vector<16xi32>, vector<16xi32>], vector<16xf32>,
        %mul3A_442 = arith.mulf %gather3A_441, %get3A_394 : vector<16xf32>
        tpu.vector_store_idx %arg14[%add3A_123, %broadcast_in_dim3A_440], %mul3A_442 : memref<80x128xf32, #tpu.memory_space<vmem>>[vector<16xi32>, vector<16xi32>], vector<16xf32>,
        %broadcast_in_dim3A_443 = arith.constant 76 : i32
        %broadcast_in_dim3A_444 = vector.broadcast %broadcast_in_dim3A_443 : i32 to vector<16xi32>
        %gather3A_445 = tpu.vector_load_idx %arg13[%add3A_123, %broadcast_in_dim3A_444] : memref<80x128xf32, #tpu.memory_space<vmem>>[vector<16xi32>, vector<16xi32>], vector<16xf32>,
        %mul3A_446 = arith.mulf %gather3A_445, %get3A_394 : vector<16xf32>
        tpu.vector_store_idx %arg14[%add3A_123, %broadcast_in_dim3A_444], %mul3A_446 : memref<80x128xf32, #tpu.memory_space<vmem>>[vector<16xi32>, vector<16xi32>], vector<16xf32>,
        %broadcast_in_dim3A_447 = arith.constant 77 : i32
        %broadcast_in_dim3A_448 = vector.broadcast %broadcast_in_dim3A_447 : i32 to vector<16xi32>
        %gather3A_449 = tpu.vector_load_idx %arg13[%add3A_123, %broadcast_in_dim3A_448] : memref<80x128xf32, #tpu.memory_space<vmem>>[vector<16xi32>, vector<16xi32>], vector<16xf32>,
        %mul3A_450 = arith.mulf %gather3A_449, %get3A_394 : vector<16xf32>
        tpu.vector_store_idx %arg14[%add3A_123, %broadcast_in_dim3A_448], %mul3A_450 : memref<80x128xf32, #tpu.memory_space<vmem>>[vector<16xi32>, vector<16xi32>], vector<16xf32>,
        %broadcast_in_dim3A_451 = arith.constant 78 : i32
        %broadcast_in_dim3A_452 = vector.broadcast %broadcast_in_dim3A_451 : i32 to vector<16xi32>
        %gather3A_453 = tpu.vector_load_idx %arg13[%add3A_123, %broadcast_in_dim3A_452] : memref<80x128xf32, #tpu.memory_space<vmem>>[vector<16xi32>, vector<16xi32>], vector<16xf32>,
        %mul3A_454 = arith.mulf %gather3A_453, %get3A_394 : vector<16xf32>
        tpu.vector_store_idx %arg14[%add3A_123, %broadcast_in_dim3A_452], %mul3A_454 : memref<80x128xf32, #tpu.memory_space<vmem>>[vector<16xi32>, vector<16xi32>], vector<16xf32>,
        %broadcast_in_dim3A_455 = arith.constant 79 : i32
        %broadcast_in_dim3A_456 = vector.broadcast %broadcast_in_dim3A_455 : i32 to vector<16xi32>
        %gather3A_457 = tpu.vector_load_idx %arg13[%add3A_123, %broadcast_in_dim3A_456] : memref<80x128xf32, #tpu.memory_space<vmem>>[vector<16xi32>, vector<16xi32>], vector<16xf32>,
        %mul3A_458 = arith.mulf %gather3A_457, %get3A_394 : vector<16xf32>
        tpu.vector_store_idx %arg14[%add3A_123, %broadcast_in_dim3A_456], %mul3A_458 : memref<80x128xf32, #tpu.memory_space<vmem>>[vector<16xi32>, vector<16xi32>], vector<16xf32>,
        %broadcast_in_dim3A_459 = arith.constant 80 : i32
        %broadcast_in_dim3A_460 = vector.broadcast %broadcast_in_dim3A_459 : i32 to vector<16xi32>
        %gather3A_461 = tpu.vector_load_idx %arg13[%add3A_123, %broadcast_in_dim3A_460] : memref<80x128xf32, #tpu.memory_space<vmem>>[vector<16xi32>, vector<16xi32>], vector<16xf32>,
        %mul3A_462 = arith.mulf %gather3A_461, %get3A_394 : vector<16xf32>
        tpu.vector_store_idx %arg14[%add3A_123, %broadcast_in_dim3A_460], %mul3A_462 : memref<80x128xf32, #tpu.memory_space<vmem>>[vector<16xi32>, vector<16xi32>], vector<16xf32>,
        %broadcast_in_dim3A_463 = arith.constant 81 : i32
        %broadcast_in_dim3A_464 = vector.broadcast %broadcast_in_dim3A_463 : i32 to vector<16xi32>
        %gather3A_465 = tpu.vector_load_idx %arg13[%add3A_123, %broadcast_in_dim3A_464] : memref<80x128xf32, #tpu.memory_space<vmem>>[vector<16xi32>, vector<16xi32>], vector<16xf32>,
        %mul3A_466 = arith.mulf %gather3A_465, %get3A_394 : vector<16xf32>
        tpu.vector_store_idx %arg14[%add3A_123, %broadcast_in_dim3A_464], %mul3A_466 : memref<80x128xf32, #tpu.memory_space<vmem>>[vector<16xi32>, vector<16xi32>], vector<16xf32>,
        %broadcast_in_dim3A_467 = arith.constant 82 : i32
        %broadcast_in_dim3A_468 = vector.broadcast %broadcast_in_dim3A_467 : i32 to vector<16xi32>
        %gather3A_469 = tpu.vector_load_idx %arg13[%add3A_123, %broadcast_in_dim3A_468] : memref<80x128xf32, #tpu.memory_space<vmem>>[vector<16xi32>, vector<16xi32>], vector<16xf32>,
        %mul3A_470 = arith.mulf %gather3A_469, %get3A_394 : vector<16xf32>
        tpu.vector_store_idx %arg14[%add3A_123, %broadcast_in_dim3A_468], %mul3A_470 : memref<80x128xf32, #tpu.memory_space<vmem>>[vector<16xi32>, vector<16xi32>], vector<16xf32>,
        %broadcast_in_dim3A_471 = arith.constant 83 : i32
        %broadcast_in_dim3A_472 = vector.broadcast %broadcast_in_dim3A_471 : i32 to vector<16xi32>
        %gather3A_473 = tpu.vector_load_idx %arg13[%add3A_123, %broadcast_in_dim3A_472] : memref<80x128xf32, #tpu.memory_space<vmem>>[vector<16xi32>, vector<16xi32>], vector<16xf32>,
        %mul3A_474 = arith.mulf %gather3A_473, %get3A_394 : vector<16xf32>
        tpu.vector_store_idx %arg14[%add3A_123, %broadcast_in_dim3A_472], %mul3A_474 : memref<80x128xf32, #tpu.memory_space<vmem>>[vector<16xi32>, vector<16xi32>], vector<16xf32>,
        %broadcast_in_dim3A_475 = arith.constant 84 : i32
        %broadcast_in_dim3A_476 = vector.broadcast %broadcast_in_dim3A_475 : i32 to vector<16xi32>
        %gather3A_477 = tpu.vector_load_idx %arg13[%add3A_123, %broadcast_in_dim3A_476] : memref<80x128xf32, #tpu.memory_space<vmem>>[vector<16xi32>, vector<16xi32>], vector<16xf32>,
        %mul3A_478 = arith.mulf %gather3A_477, %get3A_394 : vector<16xf32>
        tpu.vector_store_idx %arg14[%add3A_123, %broadcast_in_dim3A_476], %mul3A_478 : memref<80x128xf32, #tpu.memory_space<vmem>>[vector<16xi32>, vector<16xi32>], vector<16xf32>,
        %broadcast_in_dim3A_479 = arith.constant 85 : i32
        %broadcast_in_dim3A_480 = vector.broadcast %broadcast_in_dim3A_479 : i32 to vector<16xi32>
        %gather3A_481 = tpu.vector_load_idx %arg13[%add3A_123, %broadcast_in_dim3A_480] : memref<80x128xf32, #tpu.memory_space<vmem>>[vector<16xi32>, vector<16xi32>], vector<16xf32>,
        %mul3A_482 = arith.mulf %gather3A_481, %get3A_394 : vector<16xf32>
        tpu.vector_store_idx %arg14[%add3A_123, %broadcast_in_dim3A_480], %mul3A_482 : memref<80x128xf32, #tpu.memory_space<vmem>>[vector<16xi32>, vector<16xi32>], vector<16xf32>,
        %broadcast_in_dim3A_483 = arith.constant 86 : i32
        %broadcast_in_dim3A_484 = vector.broadcast %broadcast_in_dim3A_483 : i32 to vector<16xi32>
        %gather3A_485 = tpu.vector_load_idx %arg13[%add3A_123, %broadcast_in_dim3A_484] : memref<80x128xf32, #tpu.memory_space<vmem>>[vector<16xi32>, vector<16xi32>], vector<16xf32>,
        %mul3A_486 = arith.mulf %gather3A_485, %get3A_394 : vector<16xf32>
        tpu.vector_store_idx %arg14[%add3A_123, %broadcast_in_dim3A_484], %mul3A_486 : memref<80x128xf32, #tpu.memory_space<vmem>>[vector<16xi32>, vector<16xi32>], vector<16xf32>,
        %broadcast_in_dim3A_487 = arith.constant 87 : i32
        %broadcast_in_dim3A_488 = vector.broadcast %broadcast_in_dim3A_487 : i32 to vector<16xi32>
        %gather3A_489 = tpu.vector_load_idx %arg13[%add3A_123, %broadcast_in_dim3A_488] : memref<80x128xf32, #tpu.memory_space<vmem>>[vector<16xi32>, vector<16xi32>], vector<16xf32>,
        %mul3A_490 = arith.mulf %gather3A_489, %get3A_394 : vector<16xf32>
        tpu.vector_store_idx %arg14[%add3A_123, %broadcast_in_dim3A_488], %mul3A_490 : memref<80x128xf32, #tpu.memory_space<vmem>>[vector<16xi32>, vector<16xi32>], vector<16xf32>,
        %broadcast_in_dim3A_491 = arith.constant 88 : i32
        %broadcast_in_dim3A_492 = vector.broadcast %broadcast_in_dim3A_491 : i32 to vector<16xi32>
        %gather3A_493 = tpu.vector_load_idx %arg13[%add3A_123, %broadcast_in_dim3A_492] : memref<80x128xf32, #tpu.memory_space<vmem>>[vector<16xi32>, vector<16xi32>], vector<16xf32>,
        %mul3A_494 = arith.mulf %gather3A_493, %get3A_394 : vector<16xf32>
        tpu.vector_store_idx %arg14[%add3A_123, %broadcast_in_dim3A_492], %mul3A_494 : memref<80x128xf32, #tpu.memory_space<vmem>>[vector<16xi32>, vector<16xi32>], vector<16xf32>,
        %broadcast_in_dim3A_495 = arith.constant 89 : i32
        %broadcast_in_dim3A_496 = vector.broadcast %broadcast_in_dim3A_495 : i32 to vector<16xi32>
        %gather3A_497 = tpu.vector_load_idx %arg13[%add3A_123, %broadcast_in_dim3A_496] : memref<80x128xf32, #tpu.memory_space<vmem>>[vector<16xi32>, vector<16xi32>], vector<16xf32>,
        %mul3A_498 = arith.mulf %gather3A_497, %get3A_394 : vector<16xf32>
        tpu.vector_store_idx %arg14[%add3A_123, %broadcast_in_dim3A_496], %mul3A_498 : memref<80x128xf32, #tpu.memory_space<vmem>>[vector<16xi32>, vector<16xi32>], vector<16xf32>,
        %broadcast_in_dim3A_499 = arith.constant 90 : i32
        %broadcast_in_dim3A_500 = vector.broadcast %broadcast_in_dim3A_499 : i32 to vector<16xi32>
        %gather3A_501 = tpu.vector_load_idx %arg13[%add3A_123, %broadcast_in_dim3A_500] : memref<80x128xf32, #tpu.memory_space<vmem>>[vector<16xi32>, vector<16xi32>], vector<16xf32>,
        %mul3A_502 = arith.mulf %gather3A_501, %get3A_394 : vector<16xf32>
        tpu.vector_store_idx %arg14[%add3A_123, %broadcast_in_dim3A_500], %mul3A_502 : memref<80x128xf32, #tpu.memory_space<vmem>>[vector<16xi32>, vector<16xi32>], vector<16xf32>,
        %broadcast_in_dim3A_503 = arith.constant 91 : i32
        %broadcast_in_dim3A_504 = vector.broadcast %broadcast_in_dim3A_503 : i32 to vector<16xi32>
        %gather3A_505 = tpu.vector_load_idx %arg13[%add3A_123, %broadcast_in_dim3A_504] : memref<80x128xf32, #tpu.memory_space<vmem>>[vector<16xi32>, vector<16xi32>], vector<16xf32>,
        %mul3A_506 = arith.mulf %gather3A_505, %get3A_394 : vector<16xf32>
        tpu.vector_store_idx %arg14[%add3A_123, %broadcast_in_dim3A_504], %mul3A_506 : memref<80x128xf32, #tpu.memory_space<vmem>>[vector<16xi32>, vector<16xi32>], vector<16xf32>,
        %broadcast_in_dim3A_507 = arith.constant 92 : i32
        %broadcast_in_dim3A_508 = vector.broadcast %broadcast_in_dim3A_507 : i32 to vector<16xi32>
        %gather3A_509 = tpu.vector_load_idx %arg13[%add3A_123, %broadcast_in_dim3A_508] : memref<80x128xf32, #tpu.memory_space<vmem>>[vector<16xi32>, vector<16xi32>], vector<16xf32>,
        %mul3A_510 = arith.mulf %gather3A_509, %get3A_394 : vector<16xf32>
        tpu.vector_store_idx %arg14[%add3A_123, %broadcast_in_dim3A_508], %mul3A_510 : memref<80x128xf32, #tpu.memory_space<vmem>>[vector<16xi32>, vector<16xi32>], vector<16xf32>,
        %broadcast_in_dim3A_511 = arith.constant 93 : i32
        %broadcast_in_dim3A_512 = vector.broadcast %broadcast_in_dim3A_511 : i32 to vector<16xi32>
        %gather3A_513 = tpu.vector_load_idx %arg13[%add3A_123, %broadcast_in_dim3A_512] : memref<80x128xf32, #tpu.memory_space<vmem>>[vector<16xi32>, vector<16xi32>], vector<16xf32>,
        %mul3A_514 = arith.mulf %gather3A_513, %get3A_394 : vector<16xf32>
        tpu.vector_store_idx %arg14[%add3A_123, %broadcast_in_dim3A_512], %mul3A_514 : memref<80x128xf32, #tpu.memory_space<vmem>>[vector<16xi32>, vector<16xi32>], vector<16xf32>,
        %broadcast_in_dim3A_515 = arith.constant 94 : i32
        %broadcast_in_dim3A_516 = vector.broadcast %broadcast_in_dim3A_515 : i32 to vector<16xi32>
        %gather3A_517 = tpu.vector_load_idx %arg13[%add3A_123, %broadcast_in_dim3A_516] : memref<80x128xf32, #tpu.memory_space<vmem>>[vector<16xi32>, vector<16xi32>], vector<16xf32>,
        %mul3A_518 = arith.mulf %gather3A_517, %get3A_394 : vector<16xf32>
        tpu.vector_store_idx %arg14[%add3A_123, %broadcast_in_dim3A_516], %mul3A_518 : memref<80x128xf32, #tpu.memory_space<vmem>>[vector<16xi32>, vector<16xi32>], vector<16xf32>,
        %broadcast_in_dim3A_519 = arith.constant 95 : i32
        %broadcast_in_dim3A_520 = vector.broadcast %broadcast_in_dim3A_519 : i32 to vector<16xi32>
        %gather3A_521 = tpu.vector_load_idx %arg13[%add3A_123, %broadcast_in_dim3A_520] : memref<80x128xf32, #tpu.memory_space<vmem>>[vector<16xi32>, vector<16xi32>], vector<16xf32>,
        %mul3A_522 = arith.mulf %gather3A_521, %get3A_394 : vector<16xf32>
        tpu.vector_store_idx %arg14[%add3A_123, %broadcast_in_dim3A_520], %mul3A_522 : memref<80x128xf32, #tpu.memory_space<vmem>>[vector<16xi32>, vector<16xi32>], vector<16xf32>,
        %mul3A_523 = arith.constant 16 : i32
        %mul3A_524 = arith.muli %scan3A_119, %mul3A_523 : i32
        %get3A_525 = arith.constant 3 : i32
        %get3A_526 = arith.index_cast %get3A_525 : i32 to index
        %get3A_527 = arith.index_cast %mul3A_524 : i32 to index
        %get3A_528 = tpu.vector_load %arg16[%get3A_526, %get3A_527] {strides = array<i32>} : memref<4x80xf32, #tpu.memory_space<vmem>>, vector<16xf32>,
        %broadcast_in_dim3A_529 = arith.constant 96 : i32
        %broadcast_in_dim3A_530 = vector.broadcast %broadcast_in_dim3A_529 : i32 to vector<16xi32>
        %gather3A_531 = tpu.vector_load_idx %arg13[%add3A_123, %broadcast_in_dim3A_530] : memref<80x128xf32, #tpu.memory_space<vmem>>[vector<16xi32>, vector<16xi32>], vector<16xf32>,
        %mul3A_532 = arith.mulf %gather3A_531, %get3A_528 : vector<16xf32>
        tpu.vector_store_idx %arg14[%add3A_123, %broadcast_in_dim3A_530], %mul3A_532 : memref<80x128xf32, #tpu.memory_space<vmem>>[vector<16xi32>, vector<16xi32>], vector<16xf32>,
        %broadcast_in_dim3A_533 = arith.constant 97 : i32
        %broadcast_in_dim3A_534 = vector.broadcast %broadcast_in_dim3A_533 : i32 to vector<16xi32>
        %gather3A_535 = tpu.vector_load_idx %arg13[%add3A_123, %broadcast_in_dim3A_534] : memref<80x128xf32, #tpu.memory_space<vmem>>[vector<16xi32>, vector<16xi32>], vector<16xf32>,
        %mul3A_536 = arith.mulf %gather3A_535, %get3A_528 : vector<16xf32>
        tpu.vector_store_idx %arg14[%add3A_123, %broadcast_in_dim3A_534], %mul3A_536 : memref<80x128xf32, #tpu.memory_space<vmem>>[vector<16xi32>, vector<16xi32>], vector<16xf32>,
        %broadcast_in_dim3A_537 = arith.constant 98 : i32
        %broadcast_in_dim3A_538 = vector.broadcast %broadcast_in_dim3A_537 : i32 to vector<16xi32>
        %gather3A_539 = tpu.vector_load_idx %arg13[%add3A_123, %broadcast_in_dim3A_538] : memref<80x128xf32, #tpu.memory_space<vmem>>[vector<16xi32>, vector<16xi32>], vector<16xf32>,
        %mul3A_540 = arith.mulf %gather3A_539, %get3A_528 : vector<16xf32>
        tpu.vector_store_idx %arg14[%add3A_123, %broadcast_in_dim3A_538], %mul3A_540 : memref<80x128xf32, #tpu.memory_space<vmem>>[vector<16xi32>, vector<16xi32>], vector<16xf32>,
        %broadcast_in_dim3A_541 = arith.constant 99 : i32
        %broadcast_in_dim3A_542 = vector.broadcast %broadcast_in_dim3A_541 : i32 to vector<16xi32>
        %gather3A_543 = tpu.vector_load_idx %arg13[%add3A_123, %broadcast_in_dim3A_542] : memref<80x128xf32, #tpu.memory_space<vmem>>[vector<16xi32>, vector<16xi32>], vector<16xf32>,
        %mul3A_544 = arith.mulf %gather3A_543, %get3A_528 : vector<16xf32>
        tpu.vector_store_idx %arg14[%add3A_123, %broadcast_in_dim3A_542], %mul3A_544 : memref<80x128xf32, #tpu.memory_space<vmem>>[vector<16xi32>, vector<16xi32>], vector<16xf32>,
        %broadcast_in_dim3A_545 = arith.constant 100 : i32
        %broadcast_in_dim3A_546 = vector.broadcast %broadcast_in_dim3A_545 : i32 to vector<16xi32>
        %gather3A_547 = tpu.vector_load_idx %arg13[%add3A_123, %broadcast_in_dim3A_546] : memref<80x128xf32, #tpu.memory_space<vmem>>[vector<16xi32>, vector<16xi32>], vector<16xf32>,
        %mul3A_548 = arith.mulf %gather3A_547, %get3A_528 : vector<16xf32>
        tpu.vector_store_idx %arg14[%add3A_123, %broadcast_in_dim3A_546], %mul3A_548 : memref<80x128xf32, #tpu.memory_space<vmem>>[vector<16xi32>, vector<16xi32>], vector<16xf32>,
        %broadcast_in_dim3A_549 = arith.constant 101 : i32
        %broadcast_in_dim3A_550 = vector.broadcast %broadcast_in_dim3A_549 : i32 to vector<16xi32>
        %gather3A_551 = tpu.vector_load_idx %arg13[%add3A_123, %broadcast_in_dim3A_550] : memref<80x128xf32, #tpu.memory_space<vmem>>[vector<16xi32>, vector<16xi32>], vector<16xf32>,
        %mul3A_552 = arith.mulf %gather3A_551, %get3A_528 : vector<16xf32>
        tpu.vector_store_idx %arg14[%add3A_123, %broadcast_in_dim3A_550], %mul3A_552 : memref<80x128xf32, #tpu.memory_space<vmem>>[vector<16xi32>, vector<16xi32>], vector<16xf32>,
        %broadcast_in_dim3A_553 = arith.constant 102 : i32
        %broadcast_in_dim3A_554 = vector.broadcast %broadcast_in_dim3A_553 : i32 to vector<16xi32>
        %gather3A_555 = tpu.vector_load_idx %arg13[%add3A_123, %broadcast_in_dim3A_554] : memref<80x128xf32, #tpu.memory_space<vmem>>[vector<16xi32>, vector<16xi32>], vector<16xf32>,
        %mul3A_556 = arith.mulf %gather3A_555, %get3A_528 : vector<16xf32>
        tpu.vector_store_idx %arg14[%add3A_123, %broadcast_in_dim3A_554], %mul3A_556 : memref<80x128xf32, #tpu.memory_space<vmem>>[vector<16xi32>, vector<16xi32>], vector<16xf32>,
        %broadcast_in_dim3A_557 = arith.constant 103 : i32
        %broadcast_in_dim3A_558 = vector.broadcast %broadcast_in_dim3A_557 : i32 to vector<16xi32>
        %gather3A_559 = tpu.vector_load_idx %arg13[%add3A_123, %broadcast_in_dim3A_558] : memref<80x128xf32, #tpu.memory_space<vmem>>[vector<16xi32>, vector<16xi32>], vector<16xf32>,
        %mul3A_560 = arith.mulf %gather3A_559, %get3A_528 : vector<16xf32>
        tpu.vector_store_idx %arg14[%add3A_123, %broadcast_in_dim3A_558], %mul3A_560 : memref<80x128xf32, #tpu.memory_space<vmem>>[vector<16xi32>, vector<16xi32>], vector<16xf32>,
        %broadcast_in_dim3A_561 = arith.constant 104 : i32
        %broadcast_in_dim3A_562 = vector.broadcast %broadcast_in_dim3A_561 : i32 to vector<16xi32>
        %gather3A_563 = tpu.vector_load_idx %arg13[%add3A_123, %broadcast_in_dim3A_562] : memref<80x128xf32, #tpu.memory_space<vmem>>[vector<16xi32>, vector<16xi32>], vector<16xf32>,
        %mul3A_564 = arith.mulf %gather3A_563, %get3A_528 : vector<16xf32>
        tpu.vector_store_idx %arg14[%add3A_123, %broadcast_in_dim3A_562], %mul3A_564 : memref<80x128xf32, #tpu.memory_space<vmem>>[vector<16xi32>, vector<16xi32>], vector<16xf32>,
        %broadcast_in_dim3A_565 = arith.constant 105 : i32
        %broadcast_in_dim3A_566 = vector.broadcast %broadcast_in_dim3A_565 : i32 to vector<16xi32>
        %gather3A_567 = tpu.vector_load_idx %arg13[%add3A_123, %broadcast_in_dim3A_566] : memref<80x128xf32, #tpu.memory_space<vmem>>[vector<16xi32>, vector<16xi32>], vector<16xf32>,
        %mul3A_568 = arith.mulf %gather3A_567, %get3A_528 : vector<16xf32>
        tpu.vector_store_idx %arg14[%add3A_123, %broadcast_in_dim3A_566], %mul3A_568 : memref<80x128xf32, #tpu.memory_space<vmem>>[vector<16xi32>, vector<16xi32>], vector<16xf32>,
        %broadcast_in_dim3A_569 = arith.constant 106 : i32
        %broadcast_in_dim3A_570 = vector.broadcast %broadcast_in_dim3A_569 : i32 to vector<16xi32>
        %gather3A_571 = tpu.vector_load_idx %arg13[%add3A_123, %broadcast_in_dim3A_570] : memref<80x128xf32, #tpu.memory_space<vmem>>[vector<16xi32>, vector<16xi32>], vector<16xf32>,
        %mul3A_572 = arith.mulf %gather3A_571, %get3A_528 : vector<16xf32>
        tpu.vector_store_idx %arg14[%add3A_123, %broadcast_in_dim3A_570], %mul3A_572 : memref<80x128xf32, #tpu.memory_space<vmem>>[vector<16xi32>, vector<16xi32>], vector<16xf32>,
        %broadcast_in_dim3A_573 = arith.constant 107 : i32
        %broadcast_in_dim3A_574 = vector.broadcast %broadcast_in_dim3A_573 : i32 to vector<16xi32>
        %gather3A_575 = tpu.vector_load_idx %arg13[%add3A_123, %broadcast_in_dim3A_574] : memref<80x128xf32, #tpu.memory_space<vmem>>[vector<16xi32>, vector<16xi32>], vector<16xf32>,
        %mul3A_576 = arith.mulf %gather3A_575, %get3A_528 : vector<16xf32>
        tpu.vector_store_idx %arg14[%add3A_123, %broadcast_in_dim3A_574], %mul3A_576 : memref<80x128xf32, #tpu.memory_space<vmem>>[vector<16xi32>, vector<16xi32>], vector<16xf32>,
        %broadcast_in_dim3A_577 = arith.constant 108 : i32
        %broadcast_in_dim3A_578 = vector.broadcast %broadcast_in_dim3A_577 : i32 to vector<16xi32>
        %gather3A_579 = tpu.vector_load_idx %arg13[%add3A_123, %broadcast_in_dim3A_578] : memref<80x128xf32, #tpu.memory_space<vmem>>[vector<16xi32>, vector<16xi32>], vector<16xf32>,
        %mul3A_580 = arith.mulf %gather3A_579, %get3A_528 : vector<16xf32>
        tpu.vector_store_idx %arg14[%add3A_123, %broadcast_in_dim3A_578], %mul3A_580 : memref<80x128xf32, #tpu.memory_space<vmem>>[vector<16xi32>, vector<16xi32>], vector<16xf32>,
        %broadcast_in_dim3A_581 = arith.constant 109 : i32
        %broadcast_in_dim3A_582 = vector.broadcast %broadcast_in_dim3A_581 : i32 to vector<16xi32>
        %gather3A_583 = tpu.vector_load_idx %arg13[%add3A_123, %broadcast_in_dim3A_582] : memref<80x128xf32, #tpu.memory_space<vmem>>[vector<16xi32>, vector<16xi32>], vector<16xf32>,
        %mul3A_584 = arith.mulf %gather3A_583, %get3A_528 : vector<16xf32>
        tpu.vector_store_idx %arg14[%add3A_123, %broadcast_in_dim3A_582], %mul3A_584 : memref<80x128xf32, #tpu.memory_space<vmem>>[vector<16xi32>, vector<16xi32>], vector<16xf32>,
        %broadcast_in_dim3A_585 = arith.constant 110 : i32
        %broadcast_in_dim3A_586 = vector.broadcast %broadcast_in_dim3A_585 : i32 to vector<16xi32>
        %gather3A_587 = tpu.vector_load_idx %arg13[%add3A_123, %broadcast_in_dim3A_586] : memref<80x128xf32, #tpu.memory_space<vmem>>[vector<16xi32>, vector<16xi32>], vector<16xf32>,
        %mul3A_588 = arith.mulf %gather3A_587, %get3A_528 : vector<16xf32>
        tpu.vector_store_idx %arg14[%add3A_123, %broadcast_in_dim3A_586], %mul3A_588 : memref<80x128xf32, #tpu.memory_space<vmem>>[vector<16xi32>, vector<16xi32>], vector<16xf32>,
        %broadcast_in_dim3A_589 = arith.constant 111 : i32
        %broadcast_in_dim3A_590 = vector.broadcast %broadcast_in_dim3A_589 : i32 to vector<16xi32>
        %gather3A_591 = tpu.vector_load_idx %arg13[%add3A_123, %broadcast_in_dim3A_590] : memref<80x128xf32, #tpu.memory_space<vmem>>[vector<16xi32>, vector<16xi32>], vector<16xf32>,
        %mul3A_592 = arith.mulf %gather3A_591, %get3A_528 : vector<16xf32>
        tpu.vector_store_idx %arg14[%add3A_123, %broadcast_in_dim3A_590], %mul3A_592 : memref<80x128xf32, #tpu.memory_space<vmem>>[vector<16xi32>, vector<16xi32>], vector<16xf32>,
        %broadcast_in_dim3A_593 = arith.constant 112 : i32
        %broadcast_in_dim3A_594 = vector.broadcast %broadcast_in_dim3A_593 : i32 to vector<16xi32>
        %gather3A_595 = tpu.vector_load_idx %arg13[%add3A_123, %broadcast_in_dim3A_594] : memref<80x128xf32, #tpu.memory_space<vmem>>[vector<16xi32>, vector<16xi32>], vector<16xf32>,
        %mul3A_596 = arith.mulf %gather3A_595, %get3A_528 : vector<16xf32>
        tpu.vector_store_idx %arg14[%add3A_123, %broadcast_in_dim3A_594], %mul3A_596 : memref<80x128xf32, #tpu.memory_space<vmem>>[vector<16xi32>, vector<16xi32>], vector<16xf32>,
        %broadcast_in_dim3A_597 = arith.constant 113 : i32
        %broadcast_in_dim3A_598 = vector.broadcast %broadcast_in_dim3A_597 : i32 to vector<16xi32>
        %gather3A_599 = tpu.vector_load_idx %arg13[%add3A_123, %broadcast_in_dim3A_598] : memref<80x128xf32, #tpu.memory_space<vmem>>[vector<16xi32>, vector<16xi32>], vector<16xf32>,
        %mul3A_600 = arith.mulf %gather3A_599, %get3A_528 : vector<16xf32>
        tpu.vector_store_idx %arg14[%add3A_123, %broadcast_in_dim3A_598], %mul3A_600 : memref<80x128xf32, #tpu.memory_space<vmem>>[vector<16xi32>, vector<16xi32>], vector<16xf32>,
        %broadcast_in_dim3A_601 = arith.constant 114 : i32
        %broadcast_in_dim3A_602 = vector.broadcast %broadcast_in_dim3A_601 : i32 to vector<16xi32>
        %gather3A_603 = tpu.vector_load_idx %arg13[%add3A_123, %broadcast_in_dim3A_602] : memref<80x128xf32, #tpu.memory_space<vmem>>[vector<16xi32>, vector<16xi32>], vector<16xf32>,
        %mul3A_604 = arith.mulf %gather3A_603, %get3A_528 : vector<16xf32>
        tpu.vector_store_idx %arg14[%add3A_123, %broadcast_in_dim3A_602], %mul3A_604 : memref<80x128xf32, #tpu.memory_space<vmem>>[vector<16xi32>, vector<16xi32>], vector<16xf32>,
        %broadcast_in_dim3A_605 = arith.constant 115 : i32
        %broadcast_in_dim3A_606 = vector.broadcast %broadcast_in_dim3A_605 : i32 to vector<16xi32>
        %gather3A_607 = tpu.vector_load_idx %arg13[%add3A_123, %broadcast_in_dim3A_606] : memref<80x128xf32, #tpu.memory_space<vmem>>[vector<16xi32>, vector<16xi32>], vector<16xf32>,
        %mul3A_608 = arith.mulf %gather3A_607, %get3A_528 : vector<16xf32>
        tpu.vector_store_idx %arg14[%add3A_123, %broadcast_in_dim3A_606], %mul3A_608 : memref<80x128xf32, #tpu.memory_space<vmem>>[vector<16xi32>, vector<16xi32>], vector<16xf32>,
        %broadcast_in_dim3A_609 = arith.constant 116 : i32
        %broadcast_in_dim3A_610 = vector.broadcast %broadcast_in_dim3A_609 : i32 to vector<16xi32>
        %gather3A_611 = tpu.vector_load_idx %arg13[%add3A_123, %broadcast_in_dim3A_610] : memref<80x128xf32, #tpu.memory_space<vmem>>[vector<16xi32>, vector<16xi32>], vector<16xf32>,
        %mul3A_612 = arith.mulf %gather3A_611, %get3A_528 : vector<16xf32>
        tpu.vector_store_idx %arg14[%add3A_123, %broadcast_in_dim3A_610], %mul3A_612 : memref<80x128xf32, #tpu.memory_space<vmem>>[vector<16xi32>, vector<16xi32>], vector<16xf32>,
        %broadcast_in_dim3A_613 = arith.constant 117 : i32
        %broadcast_in_dim3A_614 = vector.broadcast %broadcast_in_dim3A_613 : i32 to vector<16xi32>
        %gather3A_615 = tpu.vector_load_idx %arg13[%add3A_123, %broadcast_in_dim3A_614] : memref<80x128xf32, #tpu.memory_space<vmem>>[vector<16xi32>, vector<16xi32>], vector<16xf32>,
        %mul3A_616 = arith.mulf %gather3A_615, %get3A_528 : vector<16xf32>
        tpu.vector_store_idx %arg14[%add3A_123, %broadcast_in_dim3A_614], %mul3A_616 : memref<80x128xf32, #tpu.memory_space<vmem>>[vector<16xi32>, vector<16xi32>], vector<16xf32>,
        %broadcast_in_dim3A_617 = arith.constant 118 : i32
        %broadcast_in_dim3A_618 = vector.broadcast %broadcast_in_dim3A_617 : i32 to vector<16xi32>
        %gather3A_619 = tpu.vector_load_idx %arg13[%add3A_123, %broadcast_in_dim3A_618] : memref<80x128xf32, #tpu.memory_space<vmem>>[vector<16xi32>, vector<16xi32>], vector<16xf32>,
        %mul3A_620 = arith.mulf %gather3A_619, %get3A_528 : vector<16xf32>
        tpu.vector_store_idx %arg14[%add3A_123, %broadcast_in_dim3A_618], %mul3A_620 : memref<80x128xf32, #tpu.memory_space<vmem>>[vector<16xi32>, vector<16xi32>], vector<16xf32>,
        %broadcast_in_dim3A_621 = arith.constant 119 : i32
        %broadcast_in_dim3A_622 = vector.broadcast %broadcast_in_dim3A_621 : i32 to vector<16xi32>
        %gather3A_623 = tpu.vector_load_idx %arg13[%add3A_123, %broadcast_in_dim3A_622] : memref<80x128xf32, #tpu.memory_space<vmem>>[vector<16xi32>, vector<16xi32>], vector<16xf32>,
        %mul3A_624 = arith.mulf %gather3A_623, %get3A_528 : vector<16xf32>
        tpu.vector_store_idx %arg14[%add3A_123, %broadcast_in_dim3A_622], %mul3A_624 : memref<80x128xf32, #tpu.memory_space<vmem>>[vector<16xi32>, vector<16xi32>], vector<16xf32>,
        %broadcast_in_dim3A_625 = arith.constant 120 : i32
        %broadcast_in_dim3A_626 = vector.broadcast %broadcast_in_dim3A_625 : i32 to vector<16xi32>
        %gather3A_627 = tpu.vector_load_idx %arg13[%add3A_123, %broadcast_in_dim3A_626] : memref<80x128xf32, #tpu.memory_space<vmem>>[vector<16xi32>, vector<16xi32>], vector<16xf32>,
        %mul3A_628 = arith.mulf %gather3A_627, %get3A_528 : vector<16xf32>
        tpu.vector_store_idx %arg14[%add3A_123, %broadcast_in_dim3A_626], %mul3A_628 : memref<80x128xf32, #tpu.memory_space<vmem>>[vector<16xi32>, vector<16xi32>], vector<16xf32>,
        %broadcast_in_dim3A_629 = arith.constant 121 : i32
        %broadcast_in_dim3A_630 = vector.broadcast %broadcast_in_dim3A_629 : i32 to vector<16xi32>
        %gather3A_631 = tpu.vector_load_idx %arg13[%add3A_123, %broadcast_in_dim3A_630] : memref<80x128xf32, #tpu.memory_space<vmem>>[vector<16xi32>, vector<16xi32>], vector<16xf32>,
        %mul3A_632 = arith.mulf %gather3A_631, %get3A_528 : vector<16xf32>
        tpu.vector_store_idx %arg14[%add3A_123, %broadcast_in_dim3A_630], %mul3A_632 : memref<80x128xf32, #tpu.memory_space<vmem>>[vector<16xi32>, vector<16xi32>], vector<16xf32>,
        %broadcast_in_dim3A_633 = arith.constant 122 : i32
        %broadcast_in_dim3A_634 = vector.broadcast %broadcast_in_dim3A_633 : i32 to vector<16xi32>
        %gather3A_635 = tpu.vector_load_idx %arg13[%add3A_123, %broadcast_in_dim3A_634] : memref<80x128xf32, #tpu.memory_space<vmem>>[vector<16xi32>, vector<16xi32>], vector<16xf32>,
        %mul3A_636 = arith.mulf %gather3A_635, %get3A_528 : vector<16xf32>
        tpu.vector_store_idx %arg14[%add3A_123, %broadcast_in_dim3A_634], %mul3A_636 : memref<80x128xf32, #tpu.memory_space<vmem>>[vector<16xi32>, vector<16xi32>], vector<16xf32>,
        %broadcast_in_dim3A_637 = arith.constant 123 : i32
        %broadcast_in_dim3A_638 = vector.broadcast %broadcast_in_dim3A_637 : i32 to vector<16xi32>
        %gather3A_639 = tpu.vector_load_idx %arg13[%add3A_123, %broadcast_in_dim3A_638] : memref<80x128xf32, #tpu.memory_space<vmem>>[vector<16xi32>, vector<16xi32>], vector<16xf32>,
        %mul3A_640 = arith.mulf %gather3A_639, %get3A_528 : vector<16xf32>
        tpu.vector_store_idx %arg14[%add3A_123, %broadcast_in_dim3A_638], %mul3A_640 : memref<80x128xf32, #tpu.memory_space<vmem>>[vector<16xi32>, vector<16xi32>], vector<16xf32>,
        %broadcast_in_dim3A_641 = arith.constant 124 : i32
        %broadcast_in_dim3A_642 = vector.broadcast %broadcast_in_dim3A_641 : i32 to vector<16xi32>
        %gather3A_643 = tpu.vector_load_idx %arg13[%add3A_123, %broadcast_in_dim3A_642] : memref<80x128xf32, #tpu.memory_space<vmem>>[vector<16xi32>, vector<16xi32>], vector<16xf32>,
        %mul3A_644 = arith.mulf %gather3A_643, %get3A_528 : vector<16xf32>
        tpu.vector_store_idx %arg14[%add3A_123, %broadcast_in_dim3A_642], %mul3A_644 : memref<80x128xf32, #tpu.memory_space<vmem>>[vector<16xi32>, vector<16xi32>], vector<16xf32>,
        %broadcast_in_dim3A_645 = arith.constant 125 : i32
        %broadcast_in_dim3A_646 = vector.broadcast %broadcast_in_dim3A_645 : i32 to vector<16xi32>
        %gather3A_647 = tpu.vector_load_idx %arg13[%add3A_123, %broadcast_in_dim3A_646] : memref<80x128xf32, #tpu.memory_space<vmem>>[vector<16xi32>, vector<16xi32>], vector<16xf32>,
        %mul3A_648 = arith.mulf %gather3A_647, %get3A_528 : vector<16xf32>
        tpu.vector_store_idx %arg14[%add3A_123, %broadcast_in_dim3A_646], %mul3A_648 : memref<80x128xf32, #tpu.memory_space<vmem>>[vector<16xi32>, vector<16xi32>], vector<16xf32>,
        %broadcast_in_dim3A_649 = arith.constant 126 : i32
        %broadcast_in_dim3A_650 = vector.broadcast %broadcast_in_dim3A_649 : i32 to vector<16xi32>
        %gather3A_651 = tpu.vector_load_idx %arg13[%add3A_123, %broadcast_in_dim3A_650] : memref<80x128xf32, #tpu.memory_space<vmem>>[vector<16xi32>, vector<16xi32>], vector<16xf32>,
        %mul3A_652 = arith.mulf %gather3A_651, %get3A_528 : vector<16xf32>
        tpu.vector_store_idx %arg14[%add3A_123, %broadcast_in_dim3A_650], %mul3A_652 : memref<80x128xf32, #tpu.memory_space<vmem>>[vector<16xi32>, vector<16xi32>], vector<16xf32>,
        %broadcast_in_dim3A_653 = arith.constant 127 : i32
        %broadcast_in_dim3A_654 = vector.broadcast %broadcast_in_dim3A_653 : i32 to vector<16xi32>
        %gather3A_655 = tpu.vector_load_idx %arg13[%add3A_123, %broadcast_in_dim3A_654] : memref<80x128xf32, #tpu.memory_space<vmem>>[vector<16xi32>, vector<16xi32>], vector<16xf32>,
        %mul3A_656 = arith.mulf %gather3A_655, %get3A_528 : vector<16xf32>
        tpu.vector_store_idx %arg14[%add3A_123, %broadcast_in_dim3A_654], %mul3A_656 : memref<80x128xf32, #tpu.memory_space<vmem>>[vector<16xi32>, vector<16xi32>], vector<16xf32>,
      }
      %scan3A_113 = arith.constant 5 : i32
      "tpu.region"() ({
        %run_scoped3A = tpu.sem_alloc : memref<!tpu.dma_semaphore, #tpu.memory_space<semaphore_mem>>
        %dma_start3A_119 = arith.constant 0 : i32
        %dma_start3A_120 = arith.constant 0 : i32
        %dma_start3A_121 = tpu.memref_slice %arg17[%dma_start3A_119, %dma_start3A_120] : memref<10240x128xf32, #tpu.memory_space<vmem_shared>> -> memref<10240x128xf32, #tpu.memory_space<vmem_shared>>
        tpu.enqueue_indirect_dma source(%arg14 : memref<80x128xf32, #tpu.memory_space<vmem>>) target(%dma_start3A_121 : memref<10240x128xf32, #tpu.memory_space<vmem_shared>>) offsets(%arg9 : memref<80xi32, #tpu.memory_space<vmem>>) semaphore(%run_scoped3A : memref<!tpu.dma_semaphore, #tpu.memory_space<semaphore_mem>>) {add = true}
        %dma_wait3A_122 = arith.constant 0 : i32
        %dma_wait3A_123 = arith.constant 0 : i32
        %dma_wait3A_124 = tpu.memref_slice %arg17[%dma_wait3A_122, %dma_wait3A_123] : memref<10240x128xf32, #tpu.memory_space<vmem_shared>> -> memref<10240x128xf32, #tpu.memory_space<vmem_shared>>
        tpu.wait_indirect_dma semaphore(%run_scoped3A : memref<!tpu.dma_semaphore, #tpu.memory_space<semaphore_mem>>) src(%arg14 : memref<80x128xf32, #tpu.memory_space<vmem>>) dst(%dma_wait3A_124 : memref<10240x128xf32, #tpu.memory_space<vmem_shared>>)
        tpu.yield
      }) : () -> ()
      "tpu.region"() ({
        %run_scoped3A = tpu.sem_alloc : memref<!tpu.dma_semaphore, #tpu.memory_space<semaphore_mem>>
        %dma_start3A_119 = arith.constant 0 : i32
        %dma_start3A_120 = arith.constant 0 : i32
        %dma_start3A_121 = tpu.memref_slice %arg18[%dma_start3A_119, %dma_start3A_120] : memref<320x128xf32, #tpu.memory_space<vmem_shared>> -> memref<320x128xf32, #tpu.memory_space<vmem_shared>>
        tpu.enqueue_indirect_dma source(%arg15 : memref<80x128xf32, #tpu.memory_space<vmem>>) target(%dma_start3A_121 : memref<320x128xf32, #tpu.memory_space<vmem_shared>>) offsets(%arg11 : memref<80xi32, #tpu.memory_space<vmem>>) semaphore(%run_scoped3A : memref<!tpu.dma_semaphore, #tpu.memory_space<semaphore_mem>>) {add = true}
        %dma_wait3A_122 = arith.constant 0 : i32
        %dma_wait3A_123 = arith.constant 0 : i32
        %dma_wait3A_124 = tpu.memref_slice %arg18[%dma_wait3A_122, %dma_wait3A_123] : memref<320x128xf32, #tpu.memory_space<vmem_shared>> -> memref<320x128xf32, #tpu.memory_space<vmem_shared>>
        tpu.wait_indirect_dma semaphore(%run_scoped3A : memref<!tpu.dma_semaphore, #tpu.memory_space<semaphore_mem>>) src(%arg15 : memref<80x128xf32, #tpu.memory_space<vmem>>) dst(%dma_wait3A_124 : memref<320x128xf32, #tpu.memory_space<vmem_shared>>)
        tpu.yield
      }) : () -> ()
      %scan3A_114 = arith.constant 0 : i32
      %scan3A_115 = arith.constant 5 : i32
      %scan3A_116 = arith.addi %scan3A_114, %scan3A_115 : i32
      %scan3A_117 = arith.constant 1 : i32
      scf.for %scan3A_119 = %scan3A_114 to %scan3A_116 step %scan3A_117  : i32 {
        %iota3A = tpu.iota {dimensions = array<i32: 0>} : vector<16xi32>
        %mul3A_120 = arith.constant 16 : i32
        %mul3A_121 = arith.muli %scan3A_119, %mul3A_120 : i32
        %add3A_122 = vector.broadcast %mul3A_121 : i32 to vector<16xi32>
        %add3A_123 = arith.addi %iota3A, %add3A_122 : vector<16xi32>
        %mul3A_124 = arith.constant 16 : i32
        %mul3A_125 = arith.muli %scan3A_119, %mul3A_124 : i32
        %get3A = arith.index_cast %mul3A_125 : i32 to index
        %get3A_126 = tpu.vector_load %arg9[%get3A] {strides = array<i32>} : memref<80xi32, #tpu.memory_space<vmem>>, vector<16xi32>,
        %and3A = arith.constant 31 : i32
        %and3A_127 = vector.broadcast %and3A : i32 to vector<16xi32>
        %and3A_128 = arith.andi %get3A_126, %and3A_127 : vector<16xi32>
        %shift_left3A = arith.constant 2 : i32
        %shift_left3A_129 = vector.broadcast %shift_left3A : i32 to vector<16xi32>
        %shift_left3A_130 = arith.shli %and3A_128, %shift_left3A_129 : vector<16xi32>
        %broadcast_in_dim3A = arith.constant 0.000000e+00 : f32
        %broadcast_in_dim3A_131 = vector.broadcast %broadcast_in_dim3A : f32 to vector<16xf32>
        %add3A_132 = arith.constant 0 : i32
        %add3A_133 = vector.broadcast %add3A_132 : i32 to vector<16xi32>
        %add3A_134 = arith.addi %shift_left3A_130, %add3A_133 : vector<16xi32>
        tpu.vector_store_idx %arg15[%add3A_123, %add3A_134], %broadcast_in_dim3A_131 : memref<80x128xf32, #tpu.memory_space<vmem>>[vector<16xi32>, vector<16xi32>], vector<16xf32>,
        %add3A_135 = arith.constant 1 : i32
        %add3A_136 = vector.broadcast %add3A_135 : i32 to vector<16xi32>
        %add3A_137 = arith.addi %shift_left3A_130, %add3A_136 : vector<16xi32>
        tpu.vector_store_idx %arg15[%add3A_123, %add3A_137], %broadcast_in_dim3A_131 : memref<80x128xf32, #tpu.memory_space<vmem>>[vector<16xi32>, vector<16xi32>], vector<16xf32>,
        %add3A_138 = arith.constant 2 : i32
        %add3A_139 = vector.broadcast %add3A_138 : i32 to vector<16xi32>
        %add3A_140 = arith.addi %shift_left3A_130, %add3A_139 : vector<16xi32>
        tpu.vector_store_idx %arg15[%add3A_123, %add3A_140], %broadcast_in_dim3A_131 : memref<80x128xf32, #tpu.memory_space<vmem>>[vector<16xi32>, vector<16xi32>], vector<16xf32>,
        %add3A_141 = arith.constant 3 : i32
        %add3A_142 = vector.broadcast %add3A_141 : i32 to vector<16xi32>
        %add3A_143 = arith.addi %shift_left3A_130, %add3A_142 : vector<16xi32>
        tpu.vector_store_idx %arg15[%add3A_123, %add3A_143], %broadcast_in_dim3A_131 : memref<80x128xf32, #tpu.memory_space<vmem>>[vector<16xi32>, vector<16xi32>], vector<16xf32>,
      }
      %scan3A_118 = arith.constant 5 : i32
    }
    %scan3A_43 = arith.constant 125 : i32
    %barrier3A_44 = arith.constant 0 : index
    tpu.barrier barrier_id(%barrier3A_44)
    %mul3A_45 = arith.constant 640 : i32
    %mul3A_46 = arith.muli %arg1, %mul3A_45 : i32
    %add3A_47 = arith.constant 0 : i32
    %add3A_48 = arith.addi %mul3A_46, %add3A_47 : i32
    "tpu.region"() ({
      %run_scoped3A = tpu.sem_alloc : memref<!tpu.dma_semaphore, #tpu.memory_space<semaphore_mem>>
      %dma_start3A = arith.constant 0 : i32
      %dma_start3A_82 = tpu.memref_slice %arg7[%arg0, %add3A_48, %dma_start3A] : memref<2x10240x128xf32, #tpu.memory_space<hbm>> -> memref<1x80x128xf32, #tpu.memory_space<hbm>>
      %dma_start3A_83 = tpu.memref_squeeze %dma_start3A_82 : memref<1x80x128xf32, #tpu.memory_space<hbm>> -> memref<80x128xf32, #tpu.memory_space<hbm>>
      %dma_start3A_84 = arith.constant 0 : i32
      %dma_start3A_85 = tpu.memref_slice %arg17[%add3A_48, %dma_start3A_84] : memref<10240x128xf32, #tpu.memory_space<vmem_shared>> -> memref<80x128xf32, #tpu.memory_space<vmem_shared>>
      tpu.enqueue_dma source(%dma_start3A_85 : memref<80x128xf32, #tpu.memory_space<vmem_shared>>) target(%dma_start3A_83 : memref<80x128xf32, #tpu.memory_space<hbm>>) target_semaphore(%run_scoped3A : memref<!tpu.dma_semaphore, #tpu.memory_space<semaphore_mem>>)
      %dma_wait3A = arith.constant 0 : i32
      %dma_wait3A_86 = tpu.memref_slice %arg7[%arg0, %add3A_48, %dma_wait3A] : memref<2x10240x128xf32, #tpu.memory_space<hbm>> -> memref<1x80x128xf32, #tpu.memory_space<hbm>>
      %dma_wait3A_87 = tpu.memref_squeeze %dma_wait3A_86 : memref<1x80x128xf32, #tpu.memory_space<hbm>> -> memref<80x128xf32, #tpu.memory_space<hbm>>
      %dma_wait3A_88 = arith.constant 0 : i32
      %dma_wait3A_89 = tpu.memref_slice %arg17[%add3A_48, %dma_wait3A_88] : memref<10240x128xf32, #tpu.memory_space<vmem_shared>> -> memref<80x128xf32, #tpu.memory_space<vmem_shared>>
      tpu.wait_dma2 semaphore(%run_scoped3A : memref<!tpu.dma_semaphore, #tpu.memory_space<semaphore_mem>>) src(%dma_wait3A_89 : memref<80x128xf32, #tpu.memory_space<vmem_shared>>) dst(%dma_wait3A_87 : memref<80x128xf32, #tpu.memory_space<hbm>>)
      tpu.yield
    }) : () -> ()
    %mul3A_49 = arith.constant 640 : i32
    %mul3A_50 = arith.muli %arg1, %mul3A_49 : i32
    %add3A_51 = arith.constant 80 : i32
    %add3A_52 = arith.addi %mul3A_50, %add3A_51 : i32
    "tpu.region"() ({
      %run_scoped3A = tpu.sem_alloc : memref<!tpu.dma_semaphore, #tpu.memory_space<semaphore_mem>>
      %dma_start3A = arith.constant 0 : i32
      %dma_start3A_82 = tpu.memref_slice %arg7[%arg0, %add3A_52, %dma_start3A] : memref<2x10240x128xf32, #tpu.memory_space<hbm>> -> memref<1x80x128xf32, #tpu.memory_space<hbm>>
      %dma_start3A_83 = tpu.memref_squeeze %dma_start3A_82 : memref<1x80x128xf32, #tpu.memory_space<hbm>> -> memref<80x128xf32, #tpu.memory_space<hbm>>
      %dma_start3A_84 = arith.constant 0 : i32
      %dma_start3A_85 = tpu.memref_slice %arg17[%add3A_52, %dma_start3A_84] : memref<10240x128xf32, #tpu.memory_space<vmem_shared>> -> memref<80x128xf32, #tpu.memory_space<vmem_shared>>
      tpu.enqueue_dma source(%dma_start3A_85 : memref<80x128xf32, #tpu.memory_space<vmem_shared>>) target(%dma_start3A_83 : memref<80x128xf32, #tpu.memory_space<hbm>>) target_semaphore(%run_scoped3A : memref<!tpu.dma_semaphore, #tpu.memory_space<semaphore_mem>>)
      %dma_wait3A = arith.constant 0 : i32
      %dma_wait3A_86 = tpu.memref_slice %arg7[%arg0, %add3A_52, %dma_wait3A] : memref<2x10240x128xf32, #tpu.memory_space<hbm>> -> memref<1x80x128xf32, #tpu.memory_space<hbm>>
      %dma_wait3A_87 = tpu.memref_squeeze %dma_wait3A_86 : memref<1x80x128xf32, #tpu.memory_space<hbm>> -> memref<80x128xf32, #tpu.memory_space<hbm>>
      %dma_wait3A_88 = arith.constant 0 : i32
      %dma_wait3A_89 = tpu.memref_slice %arg17[%add3A_52, %dma_wait3A_88] : memref<10240x128xf32, #tpu.memory_space<vmem_shared>> -> memref<80x128xf32, #tpu.memory_space<vmem_shared>>
      tpu.wait_dma2 semaphore(%run_scoped3A : memref<!tpu.dma_semaphore, #tpu.memory_space<semaphore_mem>>) src(%dma_wait3A_89 : memref<80x128xf32, #tpu.memory_space<vmem_shared>>) dst(%dma_wait3A_87 : memref<80x128xf32, #tpu.memory_space<hbm>>)
      tpu.yield
    }) : () -> ()
    %mul3A_53 = arith.constant 640 : i32
    %mul3A_54 = arith.muli %arg1, %mul3A_53 : i32
    %add3A_55 = arith.constant 160 : i32
    %add3A_56 = arith.addi %mul3A_54, %add3A_55 : i32
    "tpu.region"() ({
      %run_scoped3A = tpu.sem_alloc : memref<!tpu.dma_semaphore, #tpu.memory_space<semaphore_mem>>
      %dma_start3A = arith.constant 0 : i32
      %dma_start3A_82 = tpu.memref_slice %arg7[%arg0, %add3A_56, %dma_start3A] : memref<2x10240x128xf32, #tpu.memory_space<hbm>> -> memref<1x80x128xf32, #tpu.memory_space<hbm>>
      %dma_start3A_83 = tpu.memref_squeeze %dma_start3A_82 : memref<1x80x128xf32, #tpu.memory_space<hbm>> -> memref<80x128xf32, #tpu.memory_space<hbm>>
      %dma_start3A_84 = arith.constant 0 : i32
      %dma_start3A_85 = tpu.memref_slice %arg17[%add3A_56, %dma_start3A_84] : memref<10240x128xf32, #tpu.memory_space<vmem_shared>> -> memref<80x128xf32, #tpu.memory_space<vmem_shared>>
      tpu.enqueue_dma source(%dma_start3A_85 : memref<80x128xf32, #tpu.memory_space<vmem_shared>>) target(%dma_start3A_83 : memref<80x128xf32, #tpu.memory_space<hbm>>) target_semaphore(%run_scoped3A : memref<!tpu.dma_semaphore, #tpu.memory_space<semaphore_mem>>)
      %dma_wait3A = arith.constant 0 : i32
      %dma_wait3A_86 = tpu.memref_slice %arg7[%arg0, %add3A_56, %dma_wait3A] : memref<2x10240x128xf32, #tpu.memory_space<hbm>> -> memref<1x80x128xf32, #tpu.memory_space<hbm>>
      %dma_wait3A_87 = tpu.memref_squeeze %dma_wait3A_86 : memref<1x80x128xf32, #tpu.memory_space<hbm>> -> memref<80x128xf32, #tpu.memory_space<hbm>>
      %dma_wait3A_88 = arith.constant 0 : i32
      %dma_wait3A_89 = tpu.memref_slice %arg17[%add3A_56, %dma_wait3A_88] : memref<10240x128xf32, #tpu.memory_space<vmem_shared>> -> memref<80x128xf32, #tpu.memory_space<vmem_shared>>
      tpu.wait_dma2 semaphore(%run_scoped3A : memref<!tpu.dma_semaphore, #tpu.memory_space<semaphore_mem>>) src(%dma_wait3A_89 : memref<80x128xf32, #tpu.memory_space<vmem_shared>>) dst(%dma_wait3A_87 : memref<80x128xf32, #tpu.memory_space<hbm>>)
      tpu.yield
    }) : () -> ()
    %mul3A_57 = arith.constant 640 : i32
    %mul3A_58 = arith.muli %arg1, %mul3A_57 : i32
    %add3A_59 = arith.constant 240 : i32
    %add3A_60 = arith.addi %mul3A_58, %add3A_59 : i32
    "tpu.region"() ({
      %run_scoped3A = tpu.sem_alloc : memref<!tpu.dma_semaphore, #tpu.memory_space<semaphore_mem>>
      %dma_start3A = arith.constant 0 : i32
      %dma_start3A_82 = tpu.memref_slice %arg7[%arg0, %add3A_60, %dma_start3A] : memref<2x10240x128xf32, #tpu.memory_space<hbm>> -> memref<1x80x128xf32, #tpu.memory_space<hbm>>
      %dma_start3A_83 = tpu.memref_squeeze %dma_start3A_82 : memref<1x80x128xf32, #tpu.memory_space<hbm>> -> memref<80x128xf32, #tpu.memory_space<hbm>>
      %dma_start3A_84 = arith.constant 0 : i32
      %dma_start3A_85 = tpu.memref_slice %arg17[%add3A_60, %dma_start3A_84] : memref<10240x128xf32, #tpu.memory_space<vmem_shared>> -> memref<80x128xf32, #tpu.memory_space<vmem_shared>>
      tpu.enqueue_dma source(%dma_start3A_85 : memref<80x128xf32, #tpu.memory_space<vmem_shared>>) target(%dma_start3A_83 : memref<80x128xf32, #tpu.memory_space<hbm>>) target_semaphore(%run_scoped3A : memref<!tpu.dma_semaphore, #tpu.memory_space<semaphore_mem>>)
      %dma_wait3A = arith.constant 0 : i32
      %dma_wait3A_86 = tpu.memref_slice %arg7[%arg0, %add3A_60, %dma_wait3A] : memref<2x10240x128xf32, #tpu.memory_space<hbm>> -> memref<1x80x128xf32, #tpu.memory_space<hbm>>
      %dma_wait3A_87 = tpu.memref_squeeze %dma_wait3A_86 : memref<1x80x128xf32, #tpu.memory_space<hbm>> -> memref<80x128xf32, #tpu.memory_space<hbm>>
      %dma_wait3A_88 = arith.constant 0 : i32
      %dma_wait3A_89 = tpu.memref_slice %arg17[%add3A_60, %dma_wait3A_88] : memref<10240x128xf32, #tpu.memory_space<vmem_shared>> -> memref<80x128xf32, #tpu.memory_space<vmem_shared>>
      tpu.wait_dma2 semaphore(%run_scoped3A : memref<!tpu.dma_semaphore, #tpu.memory_space<semaphore_mem>>) src(%dma_wait3A_89 : memref<80x128xf32, #tpu.memory_space<vmem_shared>>) dst(%dma_wait3A_87 : memref<80x128xf32, #tpu.memory_space<hbm>>)
      tpu.yield
    }) : () -> ()
    %mul3A_61 = arith.constant 640 : i32
    %mul3A_62 = arith.muli %arg1, %mul3A_61 : i32
    %add3A_63 = arith.constant 320 : i32
    %add3A_64 = arith.addi %mul3A_62, %add3A_63 : i32
    "tpu.region"() ({
      %run_scoped3A = tpu.sem_alloc : memref<!tpu.dma_semaphore, #tpu.memory_space<semaphore_mem>>
      %dma_start3A = arith.constant 0 : i32
      %dma_start3A_82 = tpu.memref_slice %arg7[%arg0, %add3A_64, %dma_start3A] : memref<2x10240x128xf32, #tpu.memory_space<hbm>> -> memref<1x80x128xf32, #tpu.memory_space<hbm>>
      %dma_start3A_83 = tpu.memref_squeeze %dma_start3A_82 : memref<1x80x128xf32, #tpu.memory_space<hbm>> -> memref<80x128xf32, #tpu.memory_space<hbm>>
      %dma_start3A_84 = arith.constant 0 : i32
      %dma_start3A_85 = tpu.memref_slice %arg17[%add3A_64, %dma_start3A_84] : memref<10240x128xf32, #tpu.memory_space<vmem_shared>> -> memref<80x128xf32, #tpu.memory_space<vmem_shared>>
      tpu.enqueue_dma source(%dma_start3A_85 : memref<80x128xf32, #tpu.memory_space<vmem_shared>>) target(%dma_start3A_83 : memref<80x128xf32, #tpu.memory_space<hbm>>) target_semaphore(%run_scoped3A : memref<!tpu.dma_semaphore, #tpu.memory_space<semaphore_mem>>)
      %dma_wait3A = arith.constant 0 : i32
      %dma_wait3A_86 = tpu.memref_slice %arg7[%arg0, %add3A_64, %dma_wait3A] : memref<2x10240x128xf32, #tpu.memory_space<hbm>> -> memref<1x80x128xf32, #tpu.memory_space<hbm>>
      %dma_wait3A_87 = tpu.memref_squeeze %dma_wait3A_86 : memref<1x80x128xf32, #tpu.memory_space<hbm>> -> memref<80x128xf32, #tpu.memory_space<hbm>>
      %dma_wait3A_88 = arith.constant 0 : i32
      %dma_wait3A_89 = tpu.memref_slice %arg17[%add3A_64, %dma_wait3A_88] : memref<10240x128xf32, #tpu.memory_space<vmem_shared>> -> memref<80x128xf32, #tpu.memory_space<vmem_shared>>
      tpu.wait_dma2 semaphore(%run_scoped3A : memref<!tpu.dma_semaphore, #tpu.memory_space<semaphore_mem>>) src(%dma_wait3A_89 : memref<80x128xf32, #tpu.memory_space<vmem_shared>>) dst(%dma_wait3A_87 : memref<80x128xf32, #tpu.memory_space<hbm>>)
      tpu.yield
    }) : () -> ()
    %mul3A_65 = arith.constant 640 : i32
    %mul3A_66 = arith.muli %arg1, %mul3A_65 : i32
    %add3A_67 = arith.constant 400 : i32
    %add3A_68 = arith.addi %mul3A_66, %add3A_67 : i32
    "tpu.region"() ({
      %run_scoped3A = tpu.sem_alloc : memref<!tpu.dma_semaphore, #tpu.memory_space<semaphore_mem>>
      %dma_start3A = arith.constant 0 : i32
      %dma_start3A_82 = tpu.memref_slice %arg7[%arg0, %add3A_68, %dma_start3A] : memref<2x10240x128xf32, #tpu.memory_space<hbm>> -> memref<1x80x128xf32, #tpu.memory_space<hbm>>
      %dma_start3A_83 = tpu.memref_squeeze %dma_start3A_82 : memref<1x80x128xf32, #tpu.memory_space<hbm>> -> memref<80x128xf32, #tpu.memory_space<hbm>>
      %dma_start3A_84 = arith.constant 0 : i32
      %dma_start3A_85 = tpu.memref_slice %arg17[%add3A_68, %dma_start3A_84] : memref<10240x128xf32, #tpu.memory_space<vmem_shared>> -> memref<80x128xf32, #tpu.memory_space<vmem_shared>>
      tpu.enqueue_dma source(%dma_start3A_85 : memref<80x128xf32, #tpu.memory_space<vmem_shared>>) target(%dma_start3A_83 : memref<80x128xf32, #tpu.memory_space<hbm>>) target_semaphore(%run_scoped3A : memref<!tpu.dma_semaphore, #tpu.memory_space<semaphore_mem>>)
      %dma_wait3A = arith.constant 0 : i32
      %dma_wait3A_86 = tpu.memref_slice %arg7[%arg0, %add3A_68, %dma_wait3A] : memref<2x10240x128xf32, #tpu.memory_space<hbm>> -> memref<1x80x128xf32, #tpu.memory_space<hbm>>
      %dma_wait3A_87 = tpu.memref_squeeze %dma_wait3A_86 : memref<1x80x128xf32, #tpu.memory_space<hbm>> -> memref<80x128xf32, #tpu.memory_space<hbm>>
      %dma_wait3A_88 = arith.constant 0 : i32
      %dma_wait3A_89 = tpu.memref_slice %arg17[%add3A_68, %dma_wait3A_88] : memref<10240x128xf32, #tpu.memory_space<vmem_shared>> -> memref<80x128xf32, #tpu.memory_space<vmem_shared>>
      tpu.wait_dma2 semaphore(%run_scoped3A : memref<!tpu.dma_semaphore, #tpu.memory_space<semaphore_mem>>) src(%dma_wait3A_89 : memref<80x128xf32, #tpu.memory_space<vmem_shared>>) dst(%dma_wait3A_87 : memref<80x128xf32, #tpu.memory_space<hbm>>)
      tpu.yield
    }) : () -> ()
    %mul3A_69 = arith.constant 640 : i32
    %mul3A_70 = arith.muli %arg1, %mul3A_69 : i32
    %add3A_71 = arith.constant 480 : i32
    %add3A_72 = arith.addi %mul3A_70, %add3A_71 : i32
    "tpu.region"() ({
      %run_scoped3A = tpu.sem_alloc : memref<!tpu.dma_semaphore, #tpu.memory_space<semaphore_mem>>
      %dma_start3A = arith.constant 0 : i32
      %dma_start3A_82 = tpu.memref_slice %arg7[%arg0, %add3A_72, %dma_start3A] : memref<2x10240x128xf32, #tpu.memory_space<hbm>> -> memref<1x80x128xf32, #tpu.memory_space<hbm>>
      %dma_start3A_83 = tpu.memref_squeeze %dma_start3A_82 : memref<1x80x128xf32, #tpu.memory_space<hbm>> -> memref<80x128xf32, #tpu.memory_space<hbm>>
      %dma_start3A_84 = arith.constant 0 : i32
      %dma_start3A_85 = tpu.memref_slice %arg17[%add3A_72, %dma_start3A_84] : memref<10240x128xf32, #tpu.memory_space<vmem_shared>> -> memref<80x128xf32, #tpu.memory_space<vmem_shared>>
      tpu.enqueue_dma source(%dma_start3A_85 : memref<80x128xf32, #tpu.memory_space<vmem_shared>>) target(%dma_start3A_83 : memref<80x128xf32, #tpu.memory_space<hbm>>) target_semaphore(%run_scoped3A : memref<!tpu.dma_semaphore, #tpu.memory_space<semaphore_mem>>)
      %dma_wait3A = arith.constant 0 : i32
      %dma_wait3A_86 = tpu.memref_slice %arg7[%arg0, %add3A_72, %dma_wait3A] : memref<2x10240x128xf32, #tpu.memory_space<hbm>> -> memref<1x80x128xf32, #tpu.memory_space<hbm>>
      %dma_wait3A_87 = tpu.memref_squeeze %dma_wait3A_86 : memref<1x80x128xf32, #tpu.memory_space<hbm>> -> memref<80x128xf32, #tpu.memory_space<hbm>>
      %dma_wait3A_88 = arith.constant 0 : i32
      %dma_wait3A_89 = tpu.memref_slice %arg17[%add3A_72, %dma_wait3A_88] : memref<10240x128xf32, #tpu.memory_space<vmem_shared>> -> memref<80x128xf32, #tpu.memory_space<vmem_shared>>
      tpu.wait_dma2 semaphore(%run_scoped3A : memref<!tpu.dma_semaphore, #tpu.memory_space<semaphore_mem>>) src(%dma_wait3A_89 : memref<80x128xf32, #tpu.memory_space<vmem_shared>>) dst(%dma_wait3A_87 : memref<80x128xf32, #tpu.memory_space<hbm>>)
      tpu.yield
    }) : () -> ()
    %mul3A_73 = arith.constant 640 : i32
    %mul3A_74 = arith.muli %arg1, %mul3A_73 : i32
    %add3A_75 = arith.constant 560 : i32
    %add3A_76 = arith.addi %mul3A_74, %add3A_75 : i32
    "tpu.region"() ({
      %run_scoped3A = tpu.sem_alloc : memref<!tpu.dma_semaphore, #tpu.memory_space<semaphore_mem>>
      %dma_start3A = arith.constant 0 : i32
      %dma_start3A_82 = tpu.memref_slice %arg7[%arg0, %add3A_76, %dma_start3A] : memref<2x10240x128xf32, #tpu.memory_space<hbm>> -> memref<1x80x128xf32, #tpu.memory_space<hbm>>
      %dma_start3A_83 = tpu.memref_squeeze %dma_start3A_82 : memref<1x80x128xf32, #tpu.memory_space<hbm>> -> memref<80x128xf32, #tpu.memory_space<hbm>>
      %dma_start3A_84 = arith.constant 0 : i32
      %dma_start3A_85 = tpu.memref_slice %arg17[%add3A_76, %dma_start3A_84] : memref<10240x128xf32, #tpu.memory_space<vmem_shared>> -> memref<80x128xf32, #tpu.memory_space<vmem_shared>>
      tpu.enqueue_dma source(%dma_start3A_85 : memref<80x128xf32, #tpu.memory_space<vmem_shared>>) target(%dma_start3A_83 : memref<80x128xf32, #tpu.memory_space<hbm>>) target_semaphore(%run_scoped3A : memref<!tpu.dma_semaphore, #tpu.memory_space<semaphore_mem>>)
      %dma_wait3A = arith.constant 0 : i32
      %dma_wait3A_86 = tpu.memref_slice %arg7[%arg0, %add3A_76, %dma_wait3A] : memref<2x10240x128xf32, #tpu.memory_space<hbm>> -> memref<1x80x128xf32, #tpu.memory_space<hbm>>
      %dma_wait3A_87 = tpu.memref_squeeze %dma_wait3A_86 : memref<1x80x128xf32, #tpu.memory_space<hbm>> -> memref<80x128xf32, #tpu.memory_space<hbm>>
      %dma_wait3A_88 = arith.constant 0 : i32
      %dma_wait3A_89 = tpu.memref_slice %arg17[%add3A_76, %dma_wait3A_88] : memref<10240x128xf32, #tpu.memory_space<vmem_shared>> -> memref<80x128xf32, #tpu.memory_space<vmem_shared>>
      tpu.wait_dma2 semaphore(%run_scoped3A : memref<!tpu.dma_semaphore, #tpu.memory_space<semaphore_mem>>) src(%dma_wait3A_89 : memref<80x128xf32, #tpu.memory_space<vmem_shared>>) dst(%dma_wait3A_87 : memref<80x128xf32, #tpu.memory_space<hbm>>)
      tpu.yield
    }) : () -> ()
    %lt3A_77 = arith.constant 10 : i32
    %lt3A_78 = arith.cmpi slt, %arg1, %lt3A_77 : i32
    %convert_element_type3A_79 = arith.extui %lt3A_78 : i1 to i32
    %cond3A_80 = arith.constant 0 : i32
    %cond3A_81 = arith.cmpi ne, %convert_element_type3A_79, %cond3A_80 : i32
    scf.if %cond3A_81 {
      %mul3A_82 = arith.constant 32 : i32
      %mul3A_83 = arith.muli %arg1, %mul3A_82 : i32
      %mul3A_84 = arith.constant 32 : i32
      %mul3A_85 = arith.muli %arg1, %mul3A_84 : i32
      "tpu.region"() ({
        %run_scoped3A = tpu.sem_alloc : memref<!tpu.dma_semaphore, #tpu.memory_space<semaphore_mem>>
        %dma_start3A = arith.constant 0 : i32
        %dma_start3A_86 = tpu.memref_slice %arg8[%arg0, %mul3A_85, %dma_start3A] : memref<2x320x128xf32, #tpu.memory_space<hbm>> -> memref<1x32x128xf32, #tpu.memory_space<hbm>>
        %dma_start3A_87 = tpu.memref_squeeze %dma_start3A_86 : memref<1x32x128xf32, #tpu.memory_space<hbm>> -> memref<32x128xf32, #tpu.memory_space<hbm>>
        %dma_start3A_88 = arith.constant 0 : i32
        %dma_start3A_89 = tpu.memref_slice %arg18[%mul3A_83, %dma_start3A_88] : memref<320x128xf32, #tpu.memory_space<vmem_shared>> -> memref<32x128xf32, #tpu.memory_space<vmem_shared>>
        tpu.enqueue_dma source(%dma_start3A_89 : memref<32x128xf32, #tpu.memory_space<vmem_shared>>) target(%dma_start3A_87 : memref<32x128xf32, #tpu.memory_space<hbm>>) target_semaphore(%run_scoped3A : memref<!tpu.dma_semaphore, #tpu.memory_space<semaphore_mem>>)
        %dma_wait3A = arith.constant 0 : i32
        %dma_wait3A_90 = tpu.memref_slice %arg8[%arg0, %mul3A_85, %dma_wait3A] : memref<2x320x128xf32, #tpu.memory_space<hbm>> -> memref<1x32x128xf32, #tpu.memory_space<hbm>>
        %dma_wait3A_91 = tpu.memref_squeeze %dma_wait3A_90 : memref<1x32x128xf32, #tpu.memory_space<hbm>> -> memref<32x128xf32, #tpu.memory_space<hbm>>
        %dma_wait3A_92 = arith.constant 0 : i32
        %dma_wait3A_93 = tpu.memref_slice %arg18[%mul3A_83, %dma_wait3A_92] : memref<320x128xf32, #tpu.memory_space<vmem_shared>> -> memref<32x128xf32, #tpu.memory_space<vmem_shared>>
        tpu.wait_dma2 semaphore(%run_scoped3A : memref<!tpu.dma_semaphore, #tpu.memory_space<semaphore_mem>>) src(%dma_wait3A_93 : memref<32x128xf32, #tpu.memory_space<vmem_shared>>) dst(%dma_wait3A_91 : memref<32x128xf32, #tpu.memory_space<hbm>>)
        tpu.yield
      }) : () -> ()
    } else {
    }
    return
  }
}

module attributes {stable_mosaic.version = 14 : i64} {
  func.func @_qkv_body(%arg0: i32, %arg1: memref<1000x128xf32, #tpu.memory_space<vmem>>, %arg2: memref<1x128xf32, #tpu.memory_space<vmem>>, %arg3: memref<1x128xf32, #tpu.memory_space<vmem>>, %arg4: memref<128x128xf32, #tpu.memory_space<vmem>>, %arg5: memref<128x128xf32, #tpu.memory_space<vmem>>, %arg6: memref<128x128xf32, #tpu.memory_space<vmem>>, %arg7: memref<1000x128xf32, #tpu.memory_space<vmem>>, %arg8: memref<1000x128xf32, #tpu.memory_space<vmem>>, %arg9: memref<1000x128xf32, #tpu.memory_space<vmem>>) attributes {dimension_semantics = [#tpu.dimension_semantics<arbitrary>], iteration_bounds = array<i64: 10>, scalar_prefetch = 0 : i64, scratch_operands = 0 : i64, tpu.core_type = #tpu.core_type<tc>, window_params = [{transform_indices = @transform_0, window_bounds = array<i64: 1000, 128>}, {pipeline_mode = #tpu.pipeline_mode<synchronous>, transform_indices = @transform_1, window_bounds = array<i64: 1, 128>}, {pipeline_mode = #tpu.pipeline_mode<synchronous>, transform_indices = @transform_2, window_bounds = array<i64: 1, 128>}, {pipeline_mode = #tpu.pipeline_mode<synchronous>, transform_indices = @transform_3, window_bounds = array<i64: 128, 128>}, {pipeline_mode = #tpu.pipeline_mode<synchronous>, transform_indices = @transform_4, window_bounds = array<i64: 128, 128>}, {pipeline_mode = #tpu.pipeline_mode<synchronous>, transform_indices = @transform_5, window_bounds = array<i64: 128, 128>}, {transform_indices = @transform_6, window_bounds = array<i64: 1000, 128>}, {transform_indices = @transform_7, window_bounds = array<i64: 1000, 128>}, {transform_indices = @transform_8, window_bounds = array<i64: 1000, 128>}]} {
    %get3A = arith.constant 0 : index
    %get3A_0 = arith.constant 0 : index
    %get3A_1 = vector.load %arg1[%get3A, %get3A_0] : memref<1000x128xf32, #tpu.memory_space<vmem>>, vector<1000x128xf32>
    %reduce_sum3A = arith.constant dense<0.000000e+00> : vector<1000xf32>
    %reduce_sum3A_2 = vector.multi_reduction <add>, %get3A_1, %reduce_sum3A [1] : vector<1000x128xf32> to vector<1000xf32>
    %broadcast_in_dim3A = vector.shape_cast %reduce_sum3A_2 : vector<1000xf32> to vector<1000x1xf32>
    %div3A = arith.constant 1.280000e+02 : f32
    %div3A_3 = vector.broadcast %div3A : f32 to vector<1000x1xf32>
    %div3A_4 = arith.divf %broadcast_in_dim3A, %div3A_3 : vector<1000x1xf32>
    %sub3A = vector.broadcast %div3A_4 : vector<1000x1xf32> to vector<1000x128xf32>
    %sub3A_5 = arith.subf %get3A_1, %sub3A : vector<1000x128xf32>
    %integer_pow3A = arith.mulf %sub3A_5, %sub3A_5 : vector<1000x128xf32>
    %reduce_sum3A_6 = arith.constant dense<0.000000e+00> : vector<1000xf32>
    %reduce_sum3A_7 = vector.multi_reduction <add>, %integer_pow3A, %reduce_sum3A_6 [1] : vector<1000x128xf32> to vector<1000xf32>
    %broadcast_in_dim3A_8 = vector.shape_cast %reduce_sum3A_7 : vector<1000xf32> to vector<1000x1xf32>
    %div3A_9 = arith.constant 1.280000e+02 : f32
    %div3A_10 = vector.broadcast %div3A_9 : f32 to vector<1000x1xf32>
    %div3A_11 = arith.divf %broadcast_in_dim3A_8, %div3A_10 : vector<1000x1xf32>
    %sub3A_12 = vector.broadcast %div3A_4 : vector<1000x1xf32> to vector<1000x128xf32>
    %sub3A_13 = arith.subf %get3A_1, %sub3A_12 : vector<1000x128xf32>
    %add3A = arith.constant 9.99999974E-6 : f32
    %add3A_14 = vector.broadcast %add3A : f32 to vector<1000x1xf32>
    %add3A_15 = arith.addf %div3A_11, %add3A_14 : vector<1000x1xf32>
    %rsqrt3A = math.rsqrt %add3A_15 : vector<1000x1xf32>
    %mul3A = vector.broadcast %rsqrt3A : vector<1000x1xf32> to vector<1000x128xf32>
    %mul3A_16 = arith.mulf %sub3A_13, %mul3A : vector<1000x128xf32>
    %get3A_17 = arith.constant 0 : index
    %get3A_18 = arith.constant 0 : index
    %get3A_19 = vector.load %arg2[%get3A_17, %get3A_18] : memref<1x128xf32, #tpu.memory_space<vmem>>, vector<1x128xf32>
    %mul3A_20 = vector.broadcast %get3A_19 : vector<1x128xf32> to vector<1000x128xf32>
    %mul3A_21 = arith.mulf %mul3A_16, %mul3A_20 : vector<1000x128xf32>
    %get3A_22 = arith.constant 0 : index
    %get3A_23 = arith.constant 0 : index
    %get3A_24 = vector.load %arg3[%get3A_22, %get3A_23] : memref<1x128xf32, #tpu.memory_space<vmem>>, vector<1x128xf32>
    %add3A_25 = vector.broadcast %get3A_24 : vector<1x128xf32> to vector<1000x128xf32>
    %add3A_26 = arith.addf %mul3A_21, %add3A_25 : vector<1000x128xf32>
    %get3A_27 = arith.constant 0 : index
    %get3A_28 = arith.constant 0 : index
    %get3A_29 = vector.load %arg4[%get3A_27, %get3A_28] : memref<128x128xf32, #tpu.memory_space<vmem>>, vector<128x128xf32>
    %dot_general3A = arith.constant dense<0.000000e+00> : vector<1000x128xf32>
    %dot_general3A_30 = tpu.matmul %add3A_26, %get3A_29, %dot_general3A {dimension_numbers = #tpu.dot_dimension_numbers<[1], [0], [0], [1], [0, 0, 1, 1], [], []>, transpose_lhs_hint = false} : vector<1000x128xf32>, vector<128x128xf32>, vector<1000x128xf32> -> vector<1000x128xf32>
    %swap3A = arith.constant 0 : index
    %swap3A_31 = arith.constant 0 : index
    %swap3A_32 = vector.load %arg7[%swap3A, %swap3A_31] : memref<1000x128xf32, #tpu.memory_space<vmem>>, vector<1000x128xf32>
    tpu.vector_store %arg7[%swap3A, %swap3A_31], %dot_general3A_30 {strides = array<i32>} : memref<1000x128xf32, #tpu.memory_space<vmem>>, vector<1000x128xf32>,
    %get3A_33 = arith.constant 0 : index
    %get3A_34 = arith.constant 0 : index
    %get3A_35 = vector.load %arg5[%get3A_33, %get3A_34] : memref<128x128xf32, #tpu.memory_space<vmem>>, vector<128x128xf32>
    %dot_general3A_36 = arith.constant dense<0.000000e+00> : vector<1000x128xf32>
    %dot_general3A_37 = tpu.matmul %add3A_26, %get3A_35, %dot_general3A_36 {dimension_numbers = #tpu.dot_dimension_numbers<[1], [0], [0], [1], [0, 0, 1, 1], [], []>, transpose_lhs_hint = false} : vector<1000x128xf32>, vector<128x128xf32>, vector<1000x128xf32> -> vector<1000x128xf32>
    %swap3A_38 = arith.constant 0 : index
    %swap3A_39 = arith.constant 0 : index
    %swap3A_40 = vector.load %arg8[%swap3A_38, %swap3A_39] : memref<1000x128xf32, #tpu.memory_space<vmem>>, vector<1000x128xf32>
    tpu.vector_store %arg8[%swap3A_38, %swap3A_39], %dot_general3A_37 {strides = array<i32>} : memref<1000x128xf32, #tpu.memory_space<vmem>>, vector<1000x128xf32>,
    %get3A_41 = arith.constant 0 : index
    %get3A_42 = arith.constant 0 : index
    %get3A_43 = vector.load %arg6[%get3A_41, %get3A_42] : memref<128x128xf32, #tpu.memory_space<vmem>>, vector<128x128xf32>
    %dot_general3A_44 = arith.constant dense<0.000000e+00> : vector<1000x128xf32>
    %dot_general3A_45 = tpu.matmul %add3A_26, %get3A_43, %dot_general3A_44 {dimension_numbers = #tpu.dot_dimension_numbers<[1], [0], [0], [1], [0, 0, 1, 1], [], []>, transpose_lhs_hint = false} : vector<1000x128xf32>, vector<128x128xf32>, vector<1000x128xf32> -> vector<1000x128xf32>
    %swap3A_46 = arith.constant 0 : index
    %swap3A_47 = arith.constant 0 : index
    %swap3A_48 = vector.load %arg9[%swap3A_46, %swap3A_47] : memref<1000x128xf32, #tpu.memory_space<vmem>>, vector<1000x128xf32>
    tpu.vector_store %arg9[%swap3A_46, %swap3A_47], %dot_general3A_45 {strides = array<i32>} : memref<1000x128xf32, #tpu.memory_space<vmem>>, vector<1000x128xf32>,
    return
  }
  func.func @transform_0(%arg0: i32) -> (i32, i32) {
    %c0_i32 = arith.constant 0 : i32
    %c0_i32_0 = arith.constant 0 : i32
    return %arg0, %c0_i32 : i32, i32
  }
  func.func @transform_1(%arg0: i32) -> (i32, i32) {
    %c0_i32 = arith.constant 0 : i32
    %c0_i32_0 = arith.constant 0 : i32
    %c0_i32_1 = arith.constant 0 : i32
    return %c0_i32, %c0_i32_0 : i32, i32
  }
  func.func @transform_2(%arg0: i32) -> (i32, i32) {
    %c0_i32 = arith.constant 0 : i32
    %c0_i32_0 = arith.constant 0 : i32
    %c0_i32_1 = arith.constant 0 : i32
    return %c0_i32, %c0_i32_0 : i32, i32
  }
  func.func @transform_3(%arg0: i32) -> (i32, i32) {
    %c0_i32 = arith.constant 0 : i32
    %c0_i32_0 = arith.constant 0 : i32
    %c0_i32_1 = arith.constant 0 : i32
    return %c0_i32, %c0_i32_0 : i32, i32
  }
  func.func @transform_4(%arg0: i32) -> (i32, i32) {
    %c0_i32 = arith.constant 0 : i32
    %c0_i32_0 = arith.constant 0 : i32
    %c0_i32_1 = arith.constant 0 : i32
    return %c0_i32, %c0_i32_0 : i32, i32
  }
  func.func @transform_5(%arg0: i32) -> (i32, i32) {
    %c0_i32 = arith.constant 0 : i32
    %c0_i32_0 = arith.constant 0 : i32
    %c0_i32_1 = arith.constant 0 : i32
    return %c0_i32, %c0_i32_0 : i32, i32
  }
  func.func @transform_6(%arg0: i32) -> (i32, i32) {
    %c0_i32 = arith.constant 0 : i32
    %c0_i32_0 = arith.constant 0 : i32
    return %arg0, %c0_i32 : i32, i32
  }
  func.func @transform_7(%arg0: i32) -> (i32, i32) {
    %c0_i32 = arith.constant 0 : i32
    %c0_i32_0 = arith.constant 0 : i32
    return %arg0, %c0_i32 : i32, i32
  }
  func.func @transform_8(%arg0: i32) -> (i32, i32) {
    %c0_i32 = arith.constant 0 : i32
    %c0_i32_0 = arith.constant 0 : i32
    return %arg0, %c0_i32 : i32, i32
  }
}

module attributes {stable_mosaic.version = 14 : i64} {
  func.func @_post_body(%arg0: i32, %arg1: memref<2x1000x128xf32, #tpu.memory_space<vmem>>, %arg2: memref<2x1000x4xf32, #tpu.memory_space<vmem>>, %arg3: memref<1000x128xf32, #tpu.memory_space<vmem>>, %arg4: memref<128x128xf32, #tpu.memory_space<vmem>>, %arg5: memref<1x128xf32, #tpu.memory_space<vmem>>, %arg6: memref<1x128xf32, #tpu.memory_space<vmem>>, %arg7: memref<128x512xf32, #tpu.memory_space<vmem>>, %arg8: memref<1x512xf32, #tpu.memory_space<vmem>>, %arg9: memref<512x128xf32, #tpu.memory_space<vmem>>, %arg10: memref<1x128xf32, #tpu.memory_space<vmem>>, %arg11: memref<1000x128xf32, #tpu.memory_space<vmem>>) attributes {dimension_semantics = [#tpu.dimension_semantics<arbitrary>], iteration_bounds = array<i64: 10>, scalar_prefetch = 0 : i64, scratch_operands = 0 : i64, tpu.core_type = #tpu.core_type<tc>, window_params = [{transform_indices = @transform_0, window_bounds = array<i64: 2, 1000, 128>}, {transform_indices = @transform_1, window_bounds = array<i64: 2, 1000, 4>}, {transform_indices = @transform_2, window_bounds = array<i64: 1000, 128>}, {pipeline_mode = #tpu.pipeline_mode<synchronous>, transform_indices = @transform_3, window_bounds = array<i64: 128, 128>}, {pipeline_mode = #tpu.pipeline_mode<synchronous>, transform_indices = @transform_4, window_bounds = array<i64: 1, 128>}, {pipeline_mode = #tpu.pipeline_mode<synchronous>, transform_indices = @transform_5, window_bounds = array<i64: 1, 128>}, {pipeline_mode = #tpu.pipeline_mode<synchronous>, transform_indices = @transform_6, window_bounds = array<i64: 128, 512>}, {pipeline_mode = #tpu.pipeline_mode<synchronous>, transform_indices = @transform_7, window_bounds = array<i64: 1, 512>}, {pipeline_mode = #tpu.pipeline_mode<synchronous>, transform_indices = @transform_8, window_bounds = array<i64: 512, 128>}, {pipeline_mode = #tpu.pipeline_mode<synchronous>, transform_indices = @transform_9, window_bounds = array<i64: 1, 128>}, {transform_indices = @transform_10, window_bounds = array<i64: 1000, 128>}]} {
    %get3A = arith.constant 0 : index
    %get3A_0 = arith.constant 0 : index
    %get3A_1 = arith.constant 0 : index
    %get3A_2 = vector.load %arg1[%get3A, %get3A_0, %get3A_1] : memref<2x1000x128xf32, #tpu.memory_space<vmem>>, vector<1x1000x128xf32>
    %get3A_3 = vector.shape_cast %get3A_2 : vector<1x1000x128xf32> to vector<1000x128xf32>
    %get3A_4 = arith.constant 1 : index
    %get3A_5 = arith.constant 0 : index
    %get3A_6 = arith.constant 0 : index
    %get3A_7 = vector.load %arg1[%get3A_4, %get3A_5, %get3A_6] : memref<2x1000x128xf32, #tpu.memory_space<vmem>>, vector<1x1000x128xf32>
    %get3A_8 = vector.shape_cast %get3A_7 : vector<1x1000x128xf32> to vector<1000x128xf32>
    %add3A = arith.addf %get3A_3, %get3A_8 : vector<1000x128xf32>
    %get3A_9 = arith.constant 0 : index
    %get3A_10 = arith.constant 0 : index
    %get3A_11 = arith.constant 0 : index
    %get3A_12 = vector.load %arg2[%get3A_9, %get3A_10, %get3A_11] : memref<2x1000x4xf32, #tpu.memory_space<vmem>>, vector<1x1000x4xf32>
    %get3A_13 = vector.shape_cast %get3A_12 : vector<1x1000x4xf32> to vector<1000x4xf32>
    %get3A_14 = arith.constant 1 : index
    %get3A_15 = arith.constant 0 : index
    %get3A_16 = arith.constant 0 : index
    %get3A_17 = vector.load %arg2[%get3A_14, %get3A_15, %get3A_16] : memref<2x1000x4xf32, #tpu.memory_space<vmem>>, vector<1x1000x4xf32>
    %get3A_18 = vector.shape_cast %get3A_17 : vector<1x1000x4xf32> to vector<1000x4xf32>
    %add3A_19 = arith.addf %get3A_13, %get3A_18 : vector<1000x4xf32>
    %add3A_20 = arith.constant 1.000000e-16 : f32
    %add3A_21 = vector.broadcast %add3A_20 : f32 to vector<1000x4xf32>
    %add3A_22 = arith.addf %add3A_19, %add3A_21 : vector<1000x4xf32>
    %div3A = arith.constant 1.000000e+00 : f32
    %div3A_23 = vector.broadcast %div3A : f32 to vector<1000x4xf32>
    %div3A_24 = arith.divf %div3A_23, %add3A_22 : vector<1000x4xf32>
    %slice3A = vector.extract_strided_slice %add3A {offsets = [0, 0], sizes = [1000, 32], strides = [1, 1]} : vector<1000x128xf32> to vector<1000x32xf32>
    %slice3A_25 = vector.extract_strided_slice %div3A_24 {offsets = [0, 0], sizes = [1000, 1], strides = [1, 1]} : vector<1000x4xf32> to vector<1000x1xf32>
    %mul3A = vector.broadcast %slice3A_25 : vector<1000x1xf32> to vector<1000x32xf32>
    %mul3A_26 = arith.mulf %slice3A, %mul3A : vector<1000x32xf32>
    %slice3A_27 = vector.extract_strided_slice %add3A {offsets = [0, 32], sizes = [1000, 32], strides = [1, 1]} : vector<1000x128xf32> to vector<1000x32xf32>
    %slice3A_28 = vector.extract_strided_slice %div3A_24 {offsets = [0, 1], sizes = [1000, 1], strides = [1, 1]} : vector<1000x4xf32> to vector<1000x1xf32>
    %mul3A_29 = vector.broadcast %slice3A_28 : vector<1000x1xf32> to vector<1000x32xf32>
    %mul3A_30 = arith.mulf %slice3A_27, %mul3A_29 : vector<1000x32xf32>
    %slice3A_31 = vector.extract_strided_slice %add3A {offsets = [0, 64], sizes = [1000, 32], strides = [1, 1]} : vector<1000x128xf32> to vector<1000x32xf32>
    %slice3A_32 = vector.extract_strided_slice %div3A_24 {offsets = [0, 2], sizes = [1000, 1], strides = [1, 1]} : vector<1000x4xf32> to vector<1000x1xf32>
    %mul3A_33 = vector.broadcast %slice3A_32 : vector<1000x1xf32> to vector<1000x32xf32>
    %mul3A_34 = arith.mulf %slice3A_31, %mul3A_33 : vector<1000x32xf32>
    %slice3A_35 = vector.extract_strided_slice %add3A {offsets = [0, 96], sizes = [1000, 32], strides = [1, 1]} : vector<1000x128xf32> to vector<1000x32xf32>
    %slice3A_36 = vector.extract_strided_slice %div3A_24 {offsets = [0, 3], sizes = [1000, 1], strides = [1, 1]} : vector<1000x4xf32> to vector<1000x1xf32>
    %mul3A_37 = vector.broadcast %slice3A_36 : vector<1000x1xf32> to vector<1000x32xf32>
    %mul3A_38 = arith.mulf %slice3A_35, %mul3A_37 : vector<1000x32xf32>
    %concatenate3A = tpu.concatenate %mul3A_26, %mul3A_30, %mul3A_34, %mul3A_38 in 1 : vector<1000x32xf32>, vector<1000x32xf32>, vector<1000x32xf32>, vector<1000x32xf32> -> vector<1000x128xf32>
    %get3A_39 = arith.constant 0 : index
    %get3A_40 = arith.constant 0 : index
    %get3A_41 = vector.load %arg4[%get3A_39, %get3A_40] : memref<128x128xf32, #tpu.memory_space<vmem>>, vector<128x128xf32>
    %dot_general3A = arith.constant dense<0.000000e+00> : vector<1000x128xf32>
    %dot_general3A_42 = tpu.matmul %concatenate3A, %get3A_41, %dot_general3A {dimension_numbers = #tpu.dot_dimension_numbers<[1], [0], [0], [1], [0, 0, 1, 1], [], []>, transpose_lhs_hint = false} : vector<1000x128xf32>, vector<128x128xf32>, vector<1000x128xf32> -> vector<1000x128xf32>
    %get3A_43 = arith.constant 0 : index
    %get3A_44 = arith.constant 0 : index
    %get3A_45 = vector.load %arg3[%get3A_43, %get3A_44] : memref<1000x128xf32, #tpu.memory_space<vmem>>, vector<1000x128xf32>
    %add3A_46 = arith.addf %get3A_45, %dot_general3A_42 : vector<1000x128xf32>
    %reduce_sum3A = arith.constant dense<0.000000e+00> : vector<1000xf32>
    %reduce_sum3A_47 = vector.multi_reduction <add>, %add3A_46, %reduce_sum3A [1] : vector<1000x128xf32> to vector<1000xf32>
    %broadcast_in_dim3A = vector.shape_cast %reduce_sum3A_47 : vector<1000xf32> to vector<1000x1xf32>
    %div3A_48 = arith.constant 1.280000e+02 : f32
    %div3A_49 = vector.broadcast %div3A_48 : f32 to vector<1000x1xf32>
    %div3A_50 = arith.divf %broadcast_in_dim3A, %div3A_49 : vector<1000x1xf32>
    %sub3A = vector.broadcast %div3A_50 : vector<1000x1xf32> to vector<1000x128xf32>
    %sub3A_51 = arith.subf %add3A_46, %sub3A : vector<1000x128xf32>
    %integer_pow3A = arith.mulf %sub3A_51, %sub3A_51 : vector<1000x128xf32>
    %reduce_sum3A_52 = arith.constant dense<0.000000e+00> : vector<1000xf32>
    %reduce_sum3A_53 = vector.multi_reduction <add>, %integer_pow3A, %reduce_sum3A_52 [1] : vector<1000x128xf32> to vector<1000xf32>
    %broadcast_in_dim3A_54 = vector.shape_cast %reduce_sum3A_53 : vector<1000xf32> to vector<1000x1xf32>
    %div3A_55 = arith.constant 1.280000e+02 : f32
    %div3A_56 = vector.broadcast %div3A_55 : f32 to vector<1000x1xf32>
    %div3A_57 = arith.divf %broadcast_in_dim3A_54, %div3A_56 : vector<1000x1xf32>
    %sub3A_58 = vector.broadcast %div3A_50 : vector<1000x1xf32> to vector<1000x128xf32>
    %sub3A_59 = arith.subf %add3A_46, %sub3A_58 : vector<1000x128xf32>
    %add3A_60 = arith.constant 9.99999974E-6 : f32
    %add3A_61 = vector.broadcast %add3A_60 : f32 to vector<1000x1xf32>
    %add3A_62 = arith.addf %div3A_57, %add3A_61 : vector<1000x1xf32>
    %rsqrt3A = math.rsqrt %add3A_62 : vector<1000x1xf32>
    %mul3A_63 = vector.broadcast %rsqrt3A : vector<1000x1xf32> to vector<1000x128xf32>
    %mul3A_64 = arith.mulf %sub3A_59, %mul3A_63 : vector<1000x128xf32>
    %get3A_65 = arith.constant 0 : index
    %get3A_66 = arith.constant 0 : index
    %get3A_67 = vector.load %arg5[%get3A_65, %get3A_66] : memref<1x128xf32, #tpu.memory_space<vmem>>, vector<1x128xf32>
    %mul3A_68 = vector.broadcast %get3A_67 : vector<1x128xf32> to vector<1000x128xf32>
    %mul3A_69 = arith.mulf %mul3A_64, %mul3A_68 : vector<1000x128xf32>
    %get3A_70 = arith.constant 0 : index
    %get3A_71 = arith.constant 0 : index
    %get3A_72 = vector.load %arg6[%get3A_70, %get3A_71] : memref<1x128xf32, #tpu.memory_space<vmem>>, vector<1x128xf32>
    %add3A_73 = vector.broadcast %get3A_72 : vector<1x128xf32> to vector<1000x128xf32>
    %add3A_74 = arith.addf %mul3A_69, %add3A_73 : vector<1000x128xf32>
    %get3A_75 = arith.constant 0 : index
    %get3A_76 = arith.constant 0 : index
    %get3A_77 = vector.load %arg7[%get3A_75, %get3A_76] : memref<128x512xf32, #tpu.memory_space<vmem>>, vector<128x512xf32>
    %dot_general3A_78 = arith.constant dense<0.000000e+00> : vector<1000x512xf32>
    %dot_general3A_79 = tpu.matmul %add3A_74, %get3A_77, %dot_general3A_78 {dimension_numbers = #tpu.dot_dimension_numbers<[1], [0], [0], [1], [0, 0, 1, 1], [], []>, transpose_lhs_hint = false} : vector<1000x128xf32>, vector<128x512xf32>, vector<1000x512xf32> -> vector<1000x512xf32>
    %get3A_80 = arith.constant 0 : index
    %get3A_81 = arith.constant 0 : index
    %get3A_82 = vector.load %arg8[%get3A_80, %get3A_81] : memref<1x512xf32, #tpu.memory_space<vmem>>, vector<1x512xf32>
    %add3A_83 = vector.broadcast %get3A_82 : vector<1x512xf32> to vector<1000x512xf32>
    %add3A_84 = arith.addf %dot_general3A_79, %add3A_83 : vector<1000x512xf32>
    %max3A = arith.constant 0.000000e+00 : f32
    %max3A_85 = vector.broadcast %max3A : f32 to vector<1000x512xf32>
    %max3A_86 = arith.maximumf %add3A_84, %max3A_85 : vector<1000x512xf32>
    %get3A_87 = arith.constant 0 : index
    %get3A_88 = arith.constant 0 : index
    %get3A_89 = vector.load %arg9[%get3A_87, %get3A_88] : memref<512x128xf32, #tpu.memory_space<vmem>>, vector<512x128xf32>
    %dot_general3A_90 = arith.constant dense<0.000000e+00> : vector<1000x128xf32>
    %dot_general3A_91 = tpu.matmul %max3A_86, %get3A_89, %dot_general3A_90 {dimension_numbers = #tpu.dot_dimension_numbers<[1], [0], [0], [1], [0, 0, 1, 1], [], []>, transpose_lhs_hint = false} : vector<1000x512xf32>, vector<512x128xf32>, vector<1000x128xf32> -> vector<1000x128xf32>
    %add3A_92 = arith.addf %add3A_46, %dot_general3A_91 : vector<1000x128xf32>
    %get3A_93 = arith.constant 0 : index
    %get3A_94 = arith.constant 0 : index
    %get3A_95 = vector.load %arg10[%get3A_93, %get3A_94] : memref<1x128xf32, #tpu.memory_space<vmem>>, vector<1x128xf32>
    %add3A_96 = vector.broadcast %get3A_95 : vector<1x128xf32> to vector<1000x128xf32>
    %add3A_97 = arith.addf %add3A_92, %add3A_96 : vector<1000x128xf32>
    %swap3A = arith.constant 0 : index
    %swap3A_98 = arith.constant 0 : index
    %swap3A_99 = vector.load %arg11[%swap3A, %swap3A_98] : memref<1000x128xf32, #tpu.memory_space<vmem>>, vector<1000x128xf32>
    tpu.vector_store %arg11[%swap3A, %swap3A_98], %add3A_97 {strides = array<i32>} : memref<1000x128xf32, #tpu.memory_space<vmem>>, vector<1000x128xf32>,
    return
  }
  func.func @transform_0(%arg0: i32) -> (i32, i32, i32) {
    %c0_i32 = arith.constant 0 : i32
    %c0_i32_0 = arith.constant 0 : i32
    %c0_i32_1 = arith.constant 0 : i32
    return %c0_i32, %arg0, %c0_i32_0 : i32, i32, i32
  }
  func.func @transform_1(%arg0: i32) -> (i32, i32, i32) {
    %c0_i32 = arith.constant 0 : i32
    %c0_i32_0 = arith.constant 0 : i32
    %c0_i32_1 = arith.constant 0 : i32
    return %c0_i32, %arg0, %c0_i32_0 : i32, i32, i32
  }
  func.func @transform_2(%arg0: i32) -> (i32, i32) {
    %c0_i32 = arith.constant 0 : i32
    %c0_i32_0 = arith.constant 0 : i32
    return %arg0, %c0_i32 : i32, i32
  }
  func.func @transform_3(%arg0: i32) -> (i32, i32) {
    %c0_i32 = arith.constant 0 : i32
    %c0_i32_0 = arith.constant 0 : i32
    %c0_i32_1 = arith.constant 0 : i32
    return %c0_i32, %c0_i32_0 : i32, i32
  }
  func.func @transform_4(%arg0: i32) -> (i32, i32) {
    %c0_i32 = arith.constant 0 : i32
    %c0_i32_0 = arith.constant 0 : i32
    %c0_i32_1 = arith.constant 0 : i32
    return %c0_i32, %c0_i32_0 : i32, i32
  }
  func.func @transform_5(%arg0: i32) -> (i32, i32) {
    %c0_i32 = arith.constant 0 : i32
    %c0_i32_0 = arith.constant 0 : i32
    %c0_i32_1 = arith.constant 0 : i32
    return %c0_i32, %c0_i32_0 : i32, i32
  }
  func.func @transform_6(%arg0: i32) -> (i32, i32) {
    %c0_i32 = arith.constant 0 : i32
    %c0_i32_0 = arith.constant 0 : i32
    %c0_i32_1 = arith.constant 0 : i32
    return %c0_i32, %c0_i32_0 : i32, i32
  }
  func.func @transform_7(%arg0: i32) -> (i32, i32) {
    %c0_i32 = arith.constant 0 : i32
    %c0_i32_0 = arith.constant 0 : i32
    %c0_i32_1 = arith.constant 0 : i32
    return %c0_i32, %c0_i32_0 : i32, i32
  }
  func.func @transform_8(%arg0: i32) -> (i32, i32) {
    %c0_i32 = arith.constant 0 : i32
    %c0_i32_0 = arith.constant 0 : i32
    %c0_i32_1 = arith.constant 0 : i32
    return %c0_i32, %c0_i32_0 : i32, i32
  }
  func.func @transform_9(%arg0: i32) -> (i32, i32) {
    %c0_i32 = arith.constant 0 : i32
    %c0_i32_0 = arith.constant 0 : i32
    %c0_i32_1 = arith.constant 0 : i32
    return %c0_i32, %c0_i32_0 : i32, i32
  }
  func.func @transform_10(%arg0: i32) -> (i32, i32) {
    %c0_i32 = arith.constant 0 : i32
    %c0_i32_0 = arith.constant 0 : i32
    return %arg0, %c0_i32 : i32, i32
  }
}

</mosaic_0001>

<sc_bundles>
// kernel: kernel.5.cloned.1.call-start
scs
__scs_entry_jumppad:
0x0: {  	(pc) =	sbr.rel $0x88, $3  }
0x1: {  	(tag) =	ssettag $0x0;
	lr =	simm.s32 $0x1  }
0x2: {  	[smem:$0x3F93] =	sst lr;
	_ =	strace $0xD0000000  }
0x3: {  	_ = 	snop  }
0x4: {  	_ = 	snop  }
0x5: {  	_ = 	snop  }
0x6: {  	_ = 	snop  }
0x7: {  	_ = 	snop  }
__scs_overlays_trampoline_lowered:
0x8: {  	[smem:$0x3FA2] =	sst s0  }
0x9: {  	[smem:$0x3FA3] =	sst s1  }
0xa: {  	[smem:$0x3FA4] =	sst s2  }
0xb: {  	[smem:$0x3FA5] =	sst s3  }
0xc: {  	[smem:$0x3FA6] =	sst s4  }
0xd: {  	[smem:$0x3FA7] =	sst s5  }
0xe: {  	[smem:$0x3FA8] =	sst s6  }
0xf: {  	[smem:$0x3FA9] =	sst s7  }
0x10: {  	[smem:$0x3FAA] =	sst s8  }
0x11: {  	[smem:$0x3FAB] =	sst s9;
	s0 =	simm.s32 @!p0 $0x0  }
0x12: {  	s1 =	sld [smem:$0x3F91];
	s0 =	simm.s32 @p0 $0x1  }
0x13: {  	[smem:$0x3FAC] =	sst s0;
	s0 =	simm.s32 @!p1 $0x0  }
0x14: {  	s2 =	sld [smem:$0x3F90];
	s0 =	simm.s32 @p1 $0x1  }
0x15: {  	[smem:$0x3FAD] =	sst s0;
	s0 =	simm.s32 @!p2 $0x0  }
0x16: {  	s3 =	sld [smem:$0x3FDB];
	s0 =	simm.s32 @p2 $0x1  }
0x17: {  	s4 =	simm.s32 $0x1BF5;
	[smem:$0x3FAF] =	sst s0  }
0x18: {  	s0 =	sld [smem:$0x3F92];
	_ =	swait.ge [sflag:s4], $0x0  }
0x19: {  	s7 =	sld [smem:$0x3F93]  }
0x1a: {  	s8 =	sadd.s32 $0xFFFFE003, lr  }
0x1b: {  	s9 =	sadd.s32 $0xFFFFFEF7, lr;
	s5 =	simm.s32 $0xFFFFFFFF;
	p2 =	slt.u32 s8, $0xFFFFF086  }
0x1c: {  	p1 =	slt.u32 s9, $0xF7A;
	s5 =	simm.s32 @!p2 $0x0  }
0x1d: {  	s5 =	simm.s32 @p1 $0x1;
	p0 =	seq.s32 s7, s2  }
0x1e: {  	s7 =	smul.u32 @!p0 $0xF7A, s2;
	p2 =	seq.s32 @!p0 s5, $0x0  }
0x1f: {  	s9 =	smul.u32 $0xF7A, s1;
	s8 =	simm.s32 @!p0 $0x1BF5;
	p2 =	por !p2, p0  }
0x20: {  	[sflag:s8] =	ssyncset.s32 @!p0 $0xFFFFF086;
	s6 =	sadd.s32 @!p0 s3, s7;
	s7 =	simm.s32 @!p0 $0x108  }
0x21: {  	s3 =	sadd.s32 s3, s9;
	s6 =	sadd.s32 @!p0 $0x88, s6;
	s7 =	simm.s32 @p2 $0x1082  }
0x22: {  	[simem:s7], [sflag:s8] =	dma.local @!p0 [hbm:s6], $0xF7A  }
0x23: {  	s9 =	sor.u32 $0xD0000000, s2;
	s6 =	simm.s32 $0x108;
	_ =	swait.ge @!p0 [sflag:s8], $0x0  }
0x24: {  	s3 =	sadd.s32 $0x88, s3;
	s6 =	simm.s32 @!p1 $0x1082;
	[sflag:s4] =	ssyncset.s32 $0xFFFFF086  }
0x25: {  	[simem:s6], [sflag:s4] =	dma.local [hbm:s3], $0xF7A  }
0x26: {  	[smem:$0x3F93] =	sst s1;
	(tag) =	ssettag s2;
	_ =	strace s9  }
0x27: {  	s1 =	sld [smem:$0x3FA3]  }
0x28: {  	s2 =	sld [smem:$0x3FA4]  }
0x29: {  	s4 =	sld [smem:$0x3FA6]  }
0x2a: {  	p0 =	seq.s32 s5, $0x0;
	s5 =	sld [smem:$0x3FA7]  }
0x2b: {  	s6 =	sld [smem:$0x3FA8]  }
0x2c: {  	s7 =	sld [smem:$0x3FA9]  }
0x2d: {  	s3 =	simm.s32 $0x108;
	s8 =	sld [smem:$0x3FAA]  }
0x2e: {  	s3 =	simm.s32 @!p0 $0x1082;
	s9 =	sld [smem:$0x3FAB]  }
0x2f: {  	lr =	sadd.s32 s0, s3;
	s0 =	sld [smem:$0x3FA2]  }
0x30: {  	s3 =	sld [smem:$0x3FA5]  }
0x31: {  	[smem:$0x3FAE] =	sst s10  }
0x32: {  	s10 =	sld [smem:$0x3FAC];
	_ =	sdelay $0x3  }
0x33: {  	p0 =	seq.s32 s10, $0x1;
	s10 =	sld [smem:$0x3FAE];
	_ =	sdelay $0x3  }
0x34: {  	[smem:$0x3FAE] =	sst s10  }
0x35: {  	s10 =	sld [smem:$0x3FAD];
	_ =	sdelay $0x3  }
0x36: {  	p1 =	seq.s32 s10, $0x1;
	s10 =	sld [smem:$0x3FAE];
	_ =	sdelay $0x3  }
0x37: {  	[smem:$0x3FAE] =	sst s10  }
0x38: {  	s10 =	sld [smem:$0x3FAF]  }
0x39: {  	_ = 	snop;
	(pc) =	sbr.ind lr, $3  }
0x3a: {  	_ = 	snop  }
0x3b: {  	_ = 	snop  }
0x3c: {  	p2 =	seq.s32 s10, $0x1;
	s10 =	sld [smem:$0x3FAE]  }
0x3d: {  	_ =	shalt  }
0x3e: {  	_ =	shalt  }
0x3f: {  	_ =	shalt  }
0x40: {  	_ =	shalt  }
0x41: {  	_ =	shalt  }
0x42: {  	_ =	shalt  }
0x43: {  	_ =	shalt  }
0x44: {  	_ =	shalt  }
0x45: {  	_ =	shalt  }
0x46: {  	_ =	shalt  }
0x47: {  	_ =	shalt  }
0x48: {  	_ =	shalt  }
0x49: {  	_ =	shalt  }
0x4a: {  	_ =	shalt  }
0x4b: {  	_ =	shalt  }
0x4c: {  	_ =	shalt  }
0x4d: {  	_ =	shalt  }
0x4e: {  	_ =	shalt  }
0x4f: {  	_ =	shalt  }
0x50: {  	_ =	shalt  }
0x51: {  	_ =	shalt  }
0x52: {  	_ =	shalt  }
0x53: {  	_ =	shalt  }
0x54: {  	_ =	shalt  }
0x55: {  	_ =	shalt  }
0x56: {  	_ =	shalt  }
0x57: {  	_ =	shalt  }
0x58: {  	_ =	shalt  }
0x59: {  	_ =	shalt  }
0x5a: {  	_ =	shalt  }
0x5b: {  	_ =	shalt  }
0x5c: {  	_ =	shalt  }
0x5d: {  	_ =	shalt  }
0x5e: {  	_ =	shalt  }
0x5f: {  	_ =	shalt  }
0x60: {  	_ =	shalt  }
0x61: {  	_ =	shalt  }
0x62: {  	_ =	shalt  }
0x63: {  	_ =	shalt  }
0x64: {  	_ =	shalt  }
0x65: {  	_ =	shalt  }
0x66: {  	_ =	shalt  }
0x67: {  	_ =	shalt  }
0x68: {  	_ =	shalt  }
0x69: {  	_ =	shalt  }
0x6a: {  	_ =	shalt  }
0x6b: {  	_ =	shalt  }
0x6c: {  	_ =	shalt  }
0x6d: {  	_ =	shalt  }
0x6e: {  	_ =	shalt  }
0x6f: {  	_ =	shalt  }
0x70: {  	_ =	shalt  }
0x71: {  	_ =	shalt  }
0x72: {  	_ =	shalt  }
0x73: {  	_ =	shalt  }
0x74: {  	_ =	shalt  }
0x75: {  	_ =	shalt  }
0x76: {  	_ =	shalt  }
0x77: {  	_ =	shalt  }
0x78: {  	_ =	shalt  }
0x79: {  	_ =	shalt  }
0x7a: {  	_ =	shalt  }
0x7b: {  	_ =	shalt  }
0x7c: {  	_ =	shalt  }
0x7d: {  	_ =	shalt  }
0x7e: {  	_ =	shalt  }
0x7f: {  	_ =	shalt  }
0x80: {  	_ =	shalt  }
0x81: {  	_ =	shalt  }
0x82: {  	_ =	shalt  }
0x83: {  	_ =	shalt  }
0x84: {  	_ =	shalt  }
0x85: {  	_ =	shalt  }
0x86: {  	_ =	shalt  }
0x87: {  	_ =	shalt  }
.Lfunc_end0:
.L_simem_size_0:
called_computation_lowered:
.L_overlay_start_0:
0x88: {  	s2 =	sld [smem:$0x3FD9]  }
0x89: {  	s3 =	sld [smem:$0x3FFE];
	_ =	sdelay $0x1  }
0x8a: {  	s1 =	srdreg.scid  }
0x8b: {  	s0 =	sand.u32 $0x1, s1  }
0x8c: {  	s17 =	sshll.u32 s0, $0xA;
	s2 =	sadd.s32 s3, s2  }
0x8d: {  	s2 =	sadd.s32 s2, s17  }
0x8e: {  	[smem:$0x3FBA] =	sst s2  }
0x8f: {  	_ = 	snop  }
0x90: {  	s2 =	sld [smem:$0x3FD0];
	(tm) =	ssettm $0x1  }
0x91: {  	s18 =	sld [smem:$0x3FFB];
	_ =	sdelay $0x3  }
0x92: {  	_ =	strace s18  }
0x93: {  	s3 =	sld [smem:$0x3FFC];
	_ =	sdelay $0x3  }
0x94: {  	_ =	strace s3  }
0x95: {  	s3 =	sld [smem:$0x3FFD];
	_ =	sdelay $0x3  }
0x96: {  	_ =	strace s3  }
0x97: {  	_ =	strace $0x8FFFFFFF  }
0x98: {  	s19 =	sld [smem:$0x3FDB];
	_ =	sdelay $0x1  }
0x99: {  	s4 =	simm.s32 $_scs_section_size  }
0x9a: {  	s5 =	simm.s32 $_size__tile_overlayer_lowered;
	s6 =	simm.s32 $_tile_overlayer_lowered  }
0x9b: {  	s22 =	simm.s32 $0x1BFF;
	s21 =	sshll.u32 s6, $0x1;
	s3 =	sadd.s32 s4, s19  }
0x9c: {  	s7 =	simm.s32 $0x0;
	s20 =	sshll.u32 s5, $0x1;
	s5 =	sadd.s32 s21, s3  }
0x9d: {  	[timem:s7], [sflag:s22] =	dma.local [hbm:s5], s20  }
0x9e: {  	_ =	swait.ge [sflag:s22], s20  }
0x9f: {  	s4 =	ssub.s32 $0x0, s20;
	[sflag:s22] =	ssyncset.done $0x0  }
0xa0: {  	[sflag:s22] =	ssyncadd.s32 s4;
	_ =	sdelay $0x1  }
0xa1: {  	s23 =	simm.s32 $0x1B8B  }
0xa2: {  	_ =	swait.ge [sflag:s23], $0x1  }
0xa3: {  	[sflag:s23] =	ssyncset.done $0x0  }
0xa4: {  	s25 =	simm.s32 $0x1B8E;
	s24 =	sld [smem:$0x3FFE];
	[sflag:s23] =	ssyncadd.s32 $0xFFFFFFFF  }
0xa5: {  	s26 =	simm.s32 $execute0_lowered;
	[smem:$0x3FD2] =	sst s25  }
0xa6: {  	s5 =	sshll.u32 s26, $0x1;
	_ =	strace $0x80000046;
	[dreg:$0x1] =	wrdreg $0xFFFFFFFF  }
0xa7: {  	s28 =	simm.s32 $_size_execute0_lowered;
	s3 =	sadd.s32 s3, s5;
	[dreg:$0x0] =	wrdreg $0x0  }
0xa8: {  	s5 =	sshll.u32 s28, $0x1;
	[dreg:$0x2] =	wrdreg s3  }
0xa9: {  	[dreg:$0x3] =	wrdreg s5  }
0xaa: {  	[dreg:$0x4] =	wrdreg $0xC0  }
0xab: {  	_ =	task [dreg:s7], $0x5FFFF  }
0xac: {  	[dreg:$0x1] =	wrdreg $0xFFFFFFFF  }
0xad: {  	[dreg:$0x0] =	wrdreg $0x60  }
0xae: {  	[dreg:$0x2] =	wrdreg s2  }
0xaf: {  	[dreg:$0x3] =	wrdreg s24  }
0xb0: {  	[dreg:$0x4] =	wrdreg $0xA3800  }
0xb1: {  	[dreg:$0x5] =	wrdreg $0x1E3800  }
0xb2: {  	[dreg:$0x6] =	wrdreg $0x9  }
0xb3: {  	_ =	task.clear_ibuf [dreg:s7], $0x7FFFF;
	_ =	strace $0x90000046  }
0xb4: {  	s29 =	simm.s32 $0x9;
	_ =	strace $0x80000048  }
0xb5: {  	_ =	swait.ge [sflag:s29], $0x1  }
0xb6: {  	[sflag:s29] =	ssyncadd.s32 $0xFFFFFFFF  }
0xb7: {  	_ =	strace $0x90000048  }
0xb8: {  	_ =	sfence  }
0xb9: {  	s30 =	sld [smem:$0x0];
	_ =	sdelay $0x2  }
0xba: {  	s31 =	sshll.u32 s1, $0xD;
	s1 =	sshrl.u32 s1, $0x2  }
0xbb: {  	s3 =	sand.u32 $0x4000, s31;
	s1 =	sadd.s32 s1, s30  }
0xbc: {  	s0 =	sor.u32 s3, s0;
	s1 =	sshll.u32 s1, $0x11  }
0xbd: {  	s0 =	sor.u32 s1, s0  }
0xbe: {  	s0 =	sadd.s32 $0x8F2B, s0  }
0xbf: {  	[sflag:s0] =	ssyncadd.remote.s32 $0x1  }
0xc0: {  	_ =	sfence.sel $0xFFFF  }
0xc1: {  	[dreg:$0x0] =	wrdreg $0xFFFFFFFF;
	(pc) =	sbr.abs _section_cstart, $3  }
0xc2: {  	[dreg:$0x1] =	wrdreg $0xFFFFFFFF  }
0xc3: {  	_ =	task.clear_ibuf [dreg:s7], $0x2FFFF;
	_ =	strace $0x9FFFFFFF  }
0xc4: {  	(tm) =	ssettm $0x7FFFFFFF  }
0xc5: {  	_ =	shalt  }
tec
execute0_lowered:
.L_overlay_start_1:
0x0: {  	(tag) =	ssettag $0x1  }
0x1: {  	s1 =	rddreg [dreg:$0x0]  }
0x2: {  	s0 =	rddreg [dreg:$0x1]  }
0x3: {  	s2 =	rddreg [dreg:$0x2]  }
0x4: {  	s3 =	rddreg [dreg:$0x3]  }
0x5: {  	s4 =	srdreg.scid;
	s5 =	simm.s32 $0x0;
	s22 =	stileid.u32  }
0x6: {  	s31 =	simm.s32 $0x5180;
	s4 =	sand.u32 $0x1, s4;
	s7 =	sadd.s32 $0x66600, s0  }
0x7: {  	s9 =	smul.u32 $0x14000, s22;
	s16 =	sshll.u32 s22, $0x1;
	[smem:$0x7FF] =	sst s5  }
0x8: {  	p0 =	sgt.u32 s22, $0x9;
	s6 =	ssub.s32 $0x2, s4;
	s10 =	smul.u32 $0xA000, s4  }
0x9: {  	s8 =	sshrl.u32 s6, $0x1;
	s11 =	sor.u32 $0x2800, s9;
	s12 =	sadd.s32 $0x5000, s9  }
0xa: {  	s13 =	sadd.s32 $0x7800, s9;
	s18 =	sadd.s32 $0xA000, s9;
	s19 =	sadd.s32 $0xC800, s9  }
0xb: {  	s6 =	ssub.s32 s6, s8;
	s8 =	sor.u32 s4, s16;
	s4 =	smul.u32 $0x140000, s4  }
0xc: {  	s20 =	sadd.s32 $0xF000, s9;
	s29 =	sadd.s32 s11, s2;
	s30 =	sadd.s32 s12, s2  }
0xd: {  	s28 =	smul.u32 $0x2710, s8;
	s8 =	simm.s32 $0x2980;
	s14 =	sadd.s32 s9, s4  }
0xe: {  	s9 =	sadd.s32 $0x11800, s9;
	s15 =	sadd.s32 s4, s11;
	s21 =	sadd.s32 s4, s12  }
0xf: {  	s24 =	sadd.s32 s4, s13;
	s26 =	sadd.s32 s4, s18;
	s13 =	sadd.s32 s13, s2  }
0x10: {  	s18 =	sadd.s32 s18, s2;
	s11 =	simm.s32 $0x7980;
	s12 =	simm.s32 $0x100  }
0x11: {  	s14 =	sshrl.u32 s14, $0x3;
	s17 =	sshrl.u32 s15, $0x3;
	s23 =	sshrl.u32 s21, $0x3  }
0x12: {  	s25 =	sshrl.u32 s24, $0x3;
	s16 =	sshrl.u32 s26, $0x3;
	s14 =	sadd.s32 s7, s14  }
0x13: {  	s26 =	smul.u32 $0x50000, s22;
	s15 =	sadd.s32 $0x3CC00, s0;
	[dreg:$0x5] =	wrdreg s14  }
0x14: {  	s14 =	sadd.s32 s7, s17;
	s17 =	sadd.s32 s4, s19;
	s19 =	sadd.s32 s19, s2  }
0x15: {  	[dreg:$0x6] =	wrdreg s14;
	s14 =	sadd.s32 s7, s23;
	s21 =	sshrl.u32 s17, $0x3  }
0x16: {  	s23 =	sadd.s32 s4, s20;
	s4 =	sadd.s32 s4, s9;
	s17 =	sadd.s32 $0x1E00, s0  }
0x17: {  	s20 =	sadd.s32 s20, s2;
	[dreg:$0x7] =	wrdreg s14;
	s14 =	sadd.s32 s7, s25  }
0x18: {  	s4 =	sshrl.u32 s4, $0x3;
	[dreg:$0x8] =	wrdreg s14;
	s14 =	sadd.s32 s7, s16  }
0x19: {  	s24 =	sshrl.u32 s23, $0x3;
	s4 =	sadd.s32 s7, s4;
	[dreg:$0x9] =	wrdreg s14  }
0x1a: {  	s16 =	sadd.s32 $0xBC00, s0;
	s14 =	sadd.s32 s7, s21;
	[dreg:$0xc] =	wrdreg s4  }
0x1b: {  	s21 =	sshll.u32 s22, $0xC;
	[dreg:$0xa] =	wrdreg s14;
	s14 =	sadd.s32 s7, s24  }
0x1c: {  	s25 =	sadd.s32 s21, s10;
	s10 =	sshrl.u32 s26, $0x2;
	[dreg:$0xb] =	wrdreg s14  }
0x1d: {  	s24 =	sadd.s32 s9, s2;
	_ =	strace $0x80000047;
	[dreg:$0xd] =	wrdreg s13  }
0x1e: {  	s26 =	smax.u32 s6, $0x1;
	s6 =	simm.s32 $0x50;
	[dreg:$0xe] =	wrdreg s18  }
0x1f: {  	s7 =	simm.s32 $0x180;
	s9 =	simm.s32 $0x1;
	[dreg:$0xf] =	wrdreg s19  }
0x20: {  	s4 =	sshrl.u32 s25, $0x3;
	s14 =	sadd.s32 $0x15A00, s0;
	[dreg:$0x10] =	wrdreg s20  }
0x21: {  	s23 =	sadd.s32 s10, s2;
	s10 =	simm.s32 $0x2;
	[dreg:$0x11] =	wrdreg s24  }
0x22: {  	s4 =	sadd.s32 s4, s0;
	s20 =	sadd.s32 s21, s3;
	[dreg:$0x14] =	wrdreg s26  }
0x23: {  	v1 =	vlaneseq.u32;
	s0 =	simm.s32 $0x3;
	s25 =	sadd.s32 $0x63E00, s4;
	[dreg:$0x12] =	wrdreg s20  }
0x24: {  	v0 =	vimm.f32 $0.0e+00;
	v1 =	vmul.u32 $0x80, v1;
	s13 =	simm.s32 $0x0;
	s4 =	simm.s32 $0x80;
	[dreg:$0x13] =	wrdreg s25  }
.LBB2_1:
0x25: {  	s18 =	simm.s32 $0x0;
	s19 =	simm.s32 $0x200  }
.LBB2_2:
0x26: {  	p1 =	sne.s32 s19, $0x9E00;
	[tilespmem:s18+$0x79F0] =	vst v0  }
0x27: {  	[tilespmem:s18+$0x5180] =	vst v0  }
0x28: {  	[tilespmem:s18+$0x7980] =	vst v0  }
0x29: {  	[tilespmem:s18+$0x5190] =	vst v0  }
0x2a: {  	[tilespmem:s18+$0x7990] =	vst v0  }
0x2b: {  	[tilespmem:s18+$0x51A0] =	vst v0  }
0x2c: {  	[tilespmem:s18+$0x79A0] =	vst v0  }
0x2d: {  	[tilespmem:s18+$0x51B0] =	vst v0  }
0x2e: {  	[tilespmem:s18+$0x79B0] =	vst v0  }
0x2f: {  	[tilespmem:s18+$0x51C0] =	vst v0  }
0x30: {  	[tilespmem:s18+$0x79C0] =	vst v0  }
.Ltmp0:
0x31: {  	[tilespmem:s18+$0x51D0] =	vst v0;
	(pc) =	sbr.rel @p1 .LBB2_2-.Ltmp0, $4  }
0x32: {  	[tilespmem:s18+$0x79D0] =	vst v0  }
0x33: {  	[tilespmem:s18+$0x51E0] =	vst v0  }
0x34: {  	[tilespmem:s18+$0x79E0] =	vst v0  }
0x35: {  	[tilespmem:s18+$0x51F0] =	vst v0;
	s18 =	sshra.s32 s19, $0x2;
	s19 =	sadd.s32 $0x200, s19  }
0x36: {  	[tilespmem:s18+$0x79F0] =	vst v0  }
0x37: {  	[tilespmem:s18+$0x5180] =	vst v0  }
0x38: {  	[tilespmem:s18+$0x7980] =	vst v0  }
0x39: {  	[tilespmem:s18+$0x5190] =	vst v0  }
0x3a: {  	[tilespmem:s18+$0x7990] =	vst v0  }
0x3b: {  	[tilespmem:s18+$0x51A0] =	vst v0  }
0x3c: {  	[tilespmem:s18+$0x79A0] =	vst v0  }
0x3d: {  	[tilespmem:s18+$0x51B0] =	vst v0  }
0x3e: {  	[tilespmem:s18+$0x79B0] =	vst v0  }
0x3f: {  	[tilespmem:s18+$0x51C0] =	vst v0  }
0x40: {  	[tilespmem:s18+$0x79C0] =	vst v0  }
0x41: {  	[tilespmem:s18+$0x51D0] =	vst v0  }
0x42: {  	[tilespmem:s18+$0x79D0] =	vst v0  }
0x43: {  	[tilespmem:s18+$0x51E0] =	vst v0  }
0x44: {  	[tilespmem:s18+$0x79E0] =	vst v0  }
0x45: {  	[tilespmem:s18+$0x51F0] =	vst v0  }
0x46: {  	[spmem:s23] =	stream.linear.scatter [tilespmem:s31], [sflag:$0x3], $0x2800, $0x38;
	[tilespmem:$0x1ED80] =	vst v63  }
0x47: {  	_ =	swait.ge [sflag:s0], $0x2800  }
0x48: {  	[sflag:s0] =	ssyncset.done $0x0  }
0x49: {  	[sflag:s0] =	ssyncadd.s32 $0xFFFFD800  }
0x4a: {  	[spmem:s29] =	stream.linear.scatter [tilespmem:s31], [sflag:$0x3], $0x2800, $0x38;
	[tilespmem:$0x1ED80] =	vst v63  }
0x4b: {  	_ =	swait.ge [sflag:s0], $0x2800  }
0x4c: {  	[sflag:s0] =	ssyncset.done $0x0  }
0x4d: {  	[sflag:s0] =	ssyncadd.s32 $0xFFFFD800  }
0x4e: {  	[spmem:s30] =	stream.linear.scatter [tilespmem:s31], [sflag:$0x3], $0x2800, $0x38;
	[tilespmem:$0x1ED80] =	vst v63  }
0x4f: {  	_ =	swait.ge [sflag:s0], $0x2800  }
0x50: {  	[sflag:s0] =	ssyncset.done $0x0  }
0x51: {  	s24 =	smov.u32 s23;
	s23 =	rddreg [dreg:$0xd];
	[sflag:s0] =	ssyncadd.s32 $0xFFFFD800  }
0x52: {  	[spmem:s23] =	stream.linear.scatter [tilespmem:s31], [sflag:$0x3], $0x2800, $0x38;
	[tilespmem:$0x1ED80] =	vst v63  }
0x53: {  	_ =	swait.ge [sflag:s0], $0x2800  }
0x54: {  	[sflag:s0] =	ssyncset.done $0x0  }
0x55: {  	s19 =	rddreg [dreg:$0xe];
	[sflag:s0] =	ssyncadd.s32 $0xFFFFD800  }
0x56: {  	[spmem:s19] =	stream.linear.scatter [tilespmem:s31], [sflag:$0x3], $0x2800, $0x38;
	[tilespmem:$0x1ED80] =	vst v63  }
0x57: {  	_ =	swait.ge [sflag:s0], $0x2800  }
0x58: {  	[sflag:s0] =	ssyncset.done $0x0  }
0x59: {  	s21 =	rddreg [dreg:$0xf];
	[sflag:s0] =	ssyncadd.s32 $0xFFFFD800  }
0x5a: {  	[spmem:s21] =	stream.linear.scatter [tilespmem:s31], [sflag:$0x3], $0x2800, $0x38;
	[tilespmem:$0x1ED80] =	vst v63  }
0x5b: {  	_ =	swait.ge [sflag:s0], $0x2800  }
0x5c: {  	[sflag:s0] =	ssyncset.done $0x0  }
0x5d: {  	s22 =	rddreg [dreg:$0x10];
	[sflag:s0] =	ssyncadd.s32 $0xFFFFD800  }
0x5e: {  	[spmem:s22] =	stream.linear.scatter [tilespmem:s31], [sflag:$0x3], $0x2800, $0x38;
	[tilespmem:$0x1ED80] =	vst v63  }
0x5f: {  	_ =	swait.ge [sflag:s0], $0x2800  }
0x60: {  	[sflag:s0] =	ssyncset.done $0x0  }
0x61: {  	s23 =	rddreg [dreg:$0x11];
	[sflag:s0] =	ssyncadd.s32 $0xFFFFD800  }
0x62: {  	[spmem:s23] =	stream.linear.scatter [tilespmem:s31], [sflag:$0x3], $0x2800, $0x38;
	[tilespmem:$0x1ED80] =	vst v63  }
0x63: {  	_ =	swait.ge [sflag:s0], $0x2800  }
0x64: {  	[sflag:s0] =	ssyncset.done $0x0  }
0x65: {  	s18 =	simm.s32 @!p0 $0x5180;
	[sflag:s0] =	ssyncadd.s32 $0xFFFFD800  }
0x66: {  	[spmem:s20] =	stream.linear.scatter @!p0 [tilespmem:s18], [sflag:$0x3], $0x1000, $0x38;
	[tilespmem:$0x1ED80] =	vst v63  }
0x67: {  	s18 =	simm.s32 @!p0 $0x3  }
0x68: {  	_ =	swait.ge @!p0 [sflag:s18], $0x1000  }
0x69: {  	[sflag:s18] =	ssyncset.done @!p0 $0x0  }
0x6a: {  	s25 =	smov.u32 s29;
	s26 =	smov.u32 s30;
	[sflag:s18] =	ssyncadd.s32 @!p0 $0xFFFFF000  }
0x6b: {  	s29 =	simm.s32 $0x0;
	s30 =	simm.s32 $0x0;
	[bflag:$0x0] =	sbarrier.arrive $0xFFFF  }
.LBB2_4:
0x6c: {  	s18 =	smul.u32 $0x50, s30;
	_ =	sdelay $0x1  }
0x6d: {  	s18 =	sadd.s32 s28, s18  }
0x6e: {  	s18 =	sshrl.u32 s18, $0x3  }
0x6f: {  	s19 =	sadd.s32 s16, s18  }
0x70: {  	[tilespmem:s29], [sflag:$0x3] =	stream.linear.gather [hbm4b:s19+s29], $0x50, $0x38;
	[tilespmem:$0x1ED80] =	vst v63  }
0x71: {  	_ =	swait.ge [sflag:s0], $0x50  }
0x72: {  	[sflag:s0] =	ssyncset.done $0x0  }
0x73: {  	s18 =	sadd.s32 s17, s18;
	[sflag:s0] =	ssyncadd.s32 $0xFFFFFFB0  }
0x74: {  	[tilespmem:s4], [sflag:$0x3] =	stream.linear.gather [hbm4b:s18+s29], $0x50, $0x38;
	[tilespmem:$0x1ED80] =	vst v63  }
0x75: {  	_ =	swait.ge [sflag:s0], $0x50  }
0x76: {  	[sflag:s0] =	ssyncset.done $0x0  }
0x77: {  	[sflag:s0] =	ssyncadd.s32 $0xFFFFFFB0  }
0x78: {  	[tilespmem:s7], [sflag:$0x1] =	stream.indirect.gather [hbm4b:s1+s6], $0x80, s29, s6, $0xb8;
	[tilespmem:$0x1ED80] =	vst v63  }
0x79: {  	_ = 	snop  }
0x7a: {  	[tilespmem:s8], [sflag:$0x2] =	stream.indirect.gather [hbm4b:s14+s6], $0x80, s4, s6, $0xb8;
	[tilespmem:$0x1ED80] =	vst v63  }
0x7b: {  	_ =	swait.ge [sflag:s9], $0x2800  }
0x7c: {  	[sflag:s9] =	ssyncset.done $0x0  }
0x7d: {  	[sflag:s9] =	ssyncadd.s32 $0xFFFFD800  }
0x7e: {  	_ =	swait.ge [sflag:s10], $0x2800  }
0x7f: {  	[sflag:s10] =	ssyncset.done $0x0  }
0x80: {  	[sflag:s10] =	ssyncadd.s32 $0xFFFFD800  }
0x81: {  	v2 =	vmov s29;
	v3 =	vld [tilespmem:s29+$0x0]  }
0x82: {  	v2 =	vshll.u32 v2, $0x7  }
0x83: {  	v2 =	vor.u32 v1, v2;
	_ =	sdelay $0x1  }
0x84: {  	v4 =	vor.u32 $0x1, v2  }
0x85: {  	s18 =	simm.s32 $0x100;
	v5 =	vshrl.u32 v3, $0x5  }
0x86: {  	v6 =	vor.u32 $0x2, v2;
	[tilespmem:s18+$0x0] =	vst v5  }
0x87: {  	v5 =	vld.idx.msk [tilespmem:v2+s7+$0x0], $0xffff  }
0x88: {  	v7 =	vor.u32 $0x3, v2;
	v8 =	vld.idx.msk [tilespmem:v2+s8+$0x0], $0xffff  }
0x89: {  	v9 =	vld.idx.msk [tilespmem:v4+s8+$0x0], $0xffff  }
0x8a: {  	v10 =	vor.u32 $0x4, v2;
	v4 =	vld.idx.msk [tilespmem:v4+s7+$0x0], $0xffff  }
0x8b: {  	v11 =	vld.idx.msk [tilespmem:v6+s8+$0x0], $0xffff  }
0x8c: {  	v12 =	vor.u32 $0x5, v2;
	v6 =	vld.idx.msk [tilespmem:v6+s7+$0x0], $0xffff  }
0x8d: {  	v13 =	vld.idx.msk [tilespmem:v7+s8+$0x0], $0xffff;
	v5 =	vmul.f32 v8, v5  }
0x8e: {  	v62 =	vor.u32 $0x6, v2;
	v7 =	vld.idx.msk [tilespmem:v7+s7+$0x0], $0xffff  }
0x8f: {  	v14 =	vld.idx.msk [tilespmem:v10+s8+$0x0], $0xffff;
	v4 =	vmul.f32 v9, v4;
	v5 =	vadd.f32 $0.0e+00, v5  }
0x90: {  	v63 =	vor.u32 $0x7, v2;
	v10 =	vld.idx.msk [tilespmem:v10+s7+$0x0], $0xffff  }
0x91: {  	v15 =	vld.idx.msk [tilespmem:v12+s8+$0x0], $0xffff;
	v18 =	vmul.f32 v11, v6;
	v4 =	vadd.f32 v4, v5  }
0x92: {  	v19 =	vor.u32 $0x8, v2;
	v20 =	vld.idx.msk [tilespmem:v12+s7+$0x0], $0xffff  }
0x93: {  	v21 =	vld.idx.msk [tilespmem:v62+s8+$0x0], $0xffff;
	v22 =	vmul.f32 v13, v7;
	v4 =	vadd.f32 v18, v4  }
0x94: {  	v23 =	vor.u32 $0x9, v2;
	v8 =	vld.idx.msk [tilespmem:v62+s7+$0x0], $0xffff  }
0x95: {  	v24 =	vld.idx.msk [tilespmem:v63+s8+$0x0], $0xffff;
	v25 =	vmul.f32 v14, v10;
	v4 =	vadd.f32 v22, v4  }
0x96: {  	v26 =	vor.u32 $0xA, v2;
	v9 =	vld.idx.msk [tilespmem:v63+s7+$0x0], $0xffff  }
0x97: {  	v27 =	vld.idx.msk [tilespmem:v19+s8+$0x0], $0xffff;
	v28 =	vmul.f32 v15, v20;
	v4 =	vadd.f32 v25, v4  }
0x98: {  	v29 =	vor.u32 $0xB, v2;
	v6 =	vld.idx.msk [tilespmem:v19+s7+$0x0], $0xffff  }
0x99: {  	v30 =	vld.idx.msk [tilespmem:v23+s8+$0x0], $0xffff;
	v31 =	vmul.f32 v21, v8;
	v4 =	vadd.f32 v28, v4  }
0x9a: {  	v32 =	vor.u32 $0xC, v2;
	v7 =	vld.idx.msk [tilespmem:v23+s7+$0x0], $0xffff  }
0x9b: {  	v33 =	vld.idx.msk [tilespmem:v26+s8+$0x0], $0xffff;
	v34 =	vmul.f32 v24, v9;
	v4 =	vadd.f32 v31, v4  }
0x9c: {  	v35 =	vor.u32 $0xD, v2;
	v10 =	vld.idx.msk [tilespmem:v26+s7+$0x0], $0xffff  }
0x9d: {  	v36 =	vld.idx.msk [tilespmem:v29+s8+$0x0], $0xffff;
	v37 =	vmul.f32 v27, v6;
	v4 =	vadd.f32 v34, v4  }
0x9e: {  	v38 =	vor.u32 $0xE, v2;
	v11 =	vld.idx.msk [tilespmem:v29+s7+$0x0], $0xffff  }
0x9f: {  	v39 =	vld.idx.msk [tilespmem:v32+s8+$0x0], $0xffff;
	v40 =	vmul.f32 v30, v7;
	v4 =	vadd.f32 v37, v4  }
0xa0: {  	v41 =	vor.u32 $0xF, v2;
	v8 =	vld.idx.msk [tilespmem:v32+s7+$0x0], $0xffff  }
0xa1: {  	v42 =	vld.idx.msk [tilespmem:v35+s8+$0x0], $0xffff;
	v43 =	vmul.f32 v33, v10;
	v4 =	vadd.f32 v40, v4  }
0xa2: {  	v44 =	vor.u32 $0x10, v2;
	v9 =	vld.idx.msk [tilespmem:v35+s7+$0x0], $0xffff  }
0xa3: {  	v45 =	vld.idx.msk [tilespmem:v38+s8+$0x0], $0xffff;
	v46 =	vmul.f32 v36, v11;
	v4 =	vadd.f32 v43, v4  }
0xa4: {  	v47 =	vor.u32 $0x11, v2;
	v6 =	vld.idx.msk [tilespmem:v38+s7+$0x0], $0xffff  }
0xa5: {  	v48 =	vld.idx.msk [tilespmem:v41+s8+$0x0], $0xffff;
	v49 =	vmul.f32 v39, v8;
	v4 =	vadd.f32 v46, v4  }
0xa6: {  	v50 =	vor.u32 $0x12, v2;
	v7 =	vld.idx.msk [tilespmem:v41+s7+$0x0], $0xffff  }
0xa7: {  	v51 =	vld.idx.msk [tilespmem:v44+s8+$0x0], $0xffff;
	v52 =	vmul.f32 v42, v9;
	v4 =	vadd.f32 v49, v4  }
0xa8: {  	v53 =	vor.u32 $0x13, v2;
	v10 =	vld.idx.msk [tilespmem:v44+s7+$0x0], $0xffff  }
0xa9: {  	v54 =	vld.idx.msk [tilespmem:v47+s8+$0x0], $0xffff;
	v55 =	vmul.f32 v45, v6;
	v4 =	vadd.f32 v52, v4  }
0xaa: {  	v56 =	vor.u32 $0x14, v2;
	v11 =	vld.idx.msk [tilespmem:v47+s7+$0x0], $0xffff  }
0xab: {  	v57 =	vld.idx.msk [tilespmem:v50+s8+$0x0], $0xffff;
	v58 =	vmul.f32 v48, v7;
	v4 =	vadd.f32 v55, v4  }
0xac: {  	v59 =	vor.u32 $0x15, v2;
	v8 =	vld.idx.msk [tilespmem:v50+s7+$0x0], $0xffff  }
0xad: {  	v60 =	vld.idx.msk [tilespmem:v53+s8+$0x0], $0xffff;
	v61 =	vmul.f32 v51, v10;
	v4 =	vadd.f32 v58, v4  }
0xae: {  	v62 =	vor.u32 $0x16, v2;
	v9 =	vld.idx.msk [tilespmem:v53+s7+$0x0], $0xffff  }
0xaf: {  	v63 =	vld.idx.msk [tilespmem:v56+s8+$0x0], $0xffff;
	v18 =	vmul.f32 v54, v11;
	v4 =	vadd.f32 v61, v4  }
0xb0: {  	v19 =	vor.u32 $0x17, v2;
	v6 =	vld.idx.msk [tilespmem:v56+s7+$0x0], $0xffff  }
0xb1: {  	v20 =	vld.idx.msk [tilespmem:v59+s8+$0x0], $0xffff;
	v21 =	vmul.f32 v57, v8;
	v4 =	vadd.f32 v18, v4  }
0xb2: {  	v22 =	vor.u32 $0x18, v2;
	v7 =	vld.idx.msk [tilespmem:v59+s7+$0x0], $0xffff  }
0xb3: {  	v23 =	vld.idx.msk [tilespmem:v62+s8+$0x0], $0xffff;
	v24 =	vmul.f32 v60, v9;
	v4 =	vadd.f32 v21, v4  }
0xb4: {  	v25 =	vor.u32 $0x19, v2;
	v10 =	vld.idx.msk [tilespmem:v62+s7+$0x0], $0xffff  }
0xb5: {  	v26 =	vld.idx.msk [tilespmem:v19+s8+$0x0], $0xffff;
	v27 =	vmul.f32 v63, v6;
	v4 =	vadd.f32 v24, v4  }
0xb6: {  	v11 =	vld.idx.msk [tilespmem:v19+s7+$0x0], $0xffff;
	v28 =	vor.u32 $0x1A, v2  }
0xb7: {  	v29 =	vld.idx.msk [tilespmem:v22+s8+$0x0], $0xffff;
	v30 =	vmul.f32 v20, v7;
	v4 =	vadd.f32 v27, v4  }
0xb8: {  	v31 =	vor.u32 $0x1B, v2;
	v8 =	vld.idx.msk [tilespmem:v22+s7+$0x0], $0xffff  }
0xb9: {  	v32 =	vld.idx.msk [tilespmem:v25+s8+$0x0], $0xffff;
	v33 =	vmul.f32 v23, v10;
	v4 =	vadd.f32 v30, v4  }
0xba: {  	v9 =	vld.idx.msk [tilespmem:v25+s7+$0x0], $0xffff;
	v34 =	vor.u32 $0x1C, v2  }
0xbb: {  	v36 =	vmul.f32 v26, v11;
	v35 =	vld.idx.msk [tilespmem:v28+s8+$0x0], $0xffff;
	v4 =	vadd.f32 v33, v4  }
0xbc: {  	v6 =	vld.idx.msk [tilespmem:v28+s7+$0x0], $0xffff;
	v37 =	vor.u32 $0x1D, v2  }
0xbd: {  	v38 =	vld.idx.msk [tilespmem:v31+s8+$0x0], $0xffff;
	v39 =	vmul.f32 v29, v8;
	v4 =	vadd.f32 v36, v4  }
0xbe: {  	v7 =	vld.idx.msk [tilespmem:v31+s7+$0x0], $0xffff;
	v40 =	vor.u32 $0x1E, v2  }
0xbf: {  	v42 =	vmul.f32 v32, v9;
	v41 =	vld.idx.msk [tilespmem:v34+s8+$0x0], $0xffff;
	v4 =	vadd.f32 v39, v4  }
0xc0: {  	v10 =	vld.idx.msk [tilespmem:v34+s7+$0x0], $0xffff;
	v43 =	vor.u32 $0x1F, v2  }
0xc1: {  	v45 =	vmul.f32 v35, v6;
	v44 =	vld.idx.msk [tilespmem:v37+s8+$0x0], $0xffff;
	v4 =	vadd.f32 v42, v4  }
0xc2: {  	v46 =	vld.idx.msk [tilespmem:v37+s7+$0x0], $0xffff  }
0xc3: {  	v48 =	vmul.f32 v38, v7;
	v47 =	vld.idx.msk [tilespmem:v40+s8+$0x0], $0xffff;
	v4 =	vadd.f32 v45, v4  }
0xc4: {  	v49 =	vld.idx.msk [tilespmem:v40+s7+$0x0], $0xffff  }
0xc5: {  	v51 =	vmul.f32 v41, v10;
	v50 =	vld.idx.msk [tilespmem:v43+s8+$0x0], $0xffff;
	v4 =	vadd.f32 v48, v4  }
0xc6: {  	v9 =	vld.idx.msk [tilespmem:v43+s7+$0x0], $0xffff  }
0xc7: {  	v52 =	vmul.f32 v44, v46;
	v4 =	vadd.f32 v51, v4;
	_ =	sdelay $0x1  }
0xc8: {  	v53 =	vmul.f32 v47, v49;
	v4 =	vadd.f32 v52, v4;
	_ =	sdelay $0x1  }
0xc9: {  	v54 =	vmul.f32 v50, v9;
	v4 =	vadd.f32 v53, v4;
	_ =	sdelay $0x1  }
0xca: {  	v4 =	vadd.f32 v54, v4;
	_ =	sdelay $0x1  }
0xcb: {  	v4 =	vmul.f32 $1.767766920e-01, v4;
	_ =	sdelay $0x1  }
0xcc: {  	v4 =	vmul.f32 $1.442695020e+00, v4;
	_ =	sdelay $0x1  }
0xcd: {  	(erf) = vpow2.f32 v4;
	_ =	sdelay $0x2  }
0xce: {  	v3 =	vshll.u32 v3, $0x2  }
0xcf: {  	v3 =	vand.u32 $0x7C, v3  }
0xd0: {  	v3 =	vor.u32 v2, v3;
	_ =	sdelay $0x1  }
0xd1: {  	v55 =	vor.u32 $0x20, v2;
	_ =	sdelay $0x1  }
0xd2: {  	v56 =	vor.u32 $0x21, v2;
	v57 =	vpop (erf)  }
0xd3: {  	s19 =	simm.s32 $0xA280;
	[tilespmem:v3+s11+$0x0] =	vst.idx.msk $0xffff, v57  }
0xd4: {  	v58 =	vor.u32 $0x22, v2;
	[tilespmem:s19+$0xFFFFFF00] =	vst v57  }
0xd5: {  	v59 =	vld.idx.msk [tilespmem:v55+s7+$0x0], $0xffff  }
0xd6: {  	v60 =	vor.u32 $0x23, v2;
	v4 =	vld.idx.msk [tilespmem:v55+s8+$0x0], $0xffff  }
0xd7: {  	v61 =	vld.idx.msk [tilespmem:v56+s8+$0x0], $0xffff  }
0xd8: {  	v62 =	vor.u32 $0x24, v2;
	v5 =	vld.idx.msk [tilespmem:v56+s7+$0x0], $0xffff  }
0xd9: {  	v63 =	vld.idx.msk [tilespmem:v58+s8+$0x0], $0xffff  }
0xda: {  	v18 =	vor.u32 $0x25, v2;
	v6 =	vld.idx.msk [tilespmem:v58+s7+$0x0], $0xffff  }
0xdb: {  	v19 =	vld.idx.msk [tilespmem:v60+s8+$0x0], $0xffff;
	v4 =	vmul.f32 v4, v59  }
0xdc: {  	v21 =	vor.u32 $0x26, v2;
	v20 =	vld.idx.msk [tilespmem:v60+s7+$0x0], $0xffff  }
0xdd: {  	v22 =	vld.idx.msk [tilespmem:v62+s8+$0x0], $0xffff;
	v5 =	vmul.f32 v61, v5;
	v4 =	vadd.f32 $0.0e+00, v4  }
0xde: {  	v24 =	vor.u32 $0x27, v2;
	v23 =	vld.idx.msk [tilespmem:v62+s7+$0x0], $0xffff  }
0xdf: {  	v25 =	vld.idx.msk [tilespmem:v18+s8+$0x0], $0xffff;
	v26 =	vmul.f32 v63, v6;
	v4 =	vadd.f32 v5, v4  }
0xe0: {  	v28 =	vor.u32 $0x28, v2;
	v27 =	vld.idx.msk [tilespmem:v18+s7+$0x0], $0xffff  }
0xe1: {  	v29 =	vld.idx.msk [tilespmem:v21+s8+$0x0], $0xffff;
	v30 =	vmul.f32 v19, v20;
	v4 =	vadd.f32 v26, v4  }
0xe2: {  	v32 =	vor.u32 $0x29, v2;
	v31 =	vld.idx.msk [tilespmem:v21+s7+$0x0], $0xffff  }
0xe3: {  	v33 =	vld.idx.msk [tilespmem:v24+s8+$0x0], $0xffff;
	v34 =	vmul.f32 v22, v23;
	v4 =	vadd.f32 v30, v4  }
0xe4: {  	v36 =	vor.u32 $0x2A, v2;
	v35 =	vld.idx.msk [tilespmem:v24+s7+$0x0], $0xffff  }
0xe5: {  	v37 =	vld.idx.msk [tilespmem:v28+s8+$0x0], $0xffff;
	v38 =	vmul.f32 v25, v27;
	v4 =	vadd.f32 v34, v4  }
0xe6: {  	v40 =	vor.u32 $0x2B, v2;
	v39 =	vld.idx.msk [tilespmem:v28+s7+$0x0], $0xffff  }
0xe7: {  	v41 =	vld.idx.msk [tilespmem:v32+s8+$0x0], $0xffff;
	v42 =	vmul.f32 v29, v31;
	v4 =	vadd.f32 v38, v4  }
0xe8: {  	v44 =	vor.u32 $0x2C, v2;
	v43 =	vld.idx.msk [tilespmem:v32+s7+$0x0], $0xffff  }
0xe9: {  	v45 =	vld.idx.msk [tilespmem:v36+s8+$0x0], $0xffff;
	v46 =	vmul.f32 v33, v35;
	v4 =	vadd.f32 v42, v4  }
0xea: {  	v48 =	vor.u32 $0x2D, v2;
	v47 =	vld.idx.msk [tilespmem:v36+s7+$0x0], $0xffff  }
0xeb: {  	v49 =	vld.idx.msk [tilespmem:v40+s8+$0x0], $0xffff;
	v50 =	vmul.f32 v37, v39;
	v4 =	vadd.f32 v46, v4  }
0xec: {  	v52 =	vor.u32 $0x2E, v2;
	v51 =	vld.idx.msk [tilespmem:v40+s7+$0x0], $0xffff  }
0xed: {  	v53 =	vld.idx.msk [tilespmem:v44+s8+$0x0], $0xffff;
	v54 =	vmul.f32 v41, v43;
	v4 =	vadd.f32 v50, v4  }
0xee: {  	v55 =	vld.idx.msk [tilespmem:v44+s7+$0x0], $0xffff;
	v56 =	vor.u32 $0x2F, v2  }
0xef: {  	v57 =	vld.idx.msk [tilespmem:v48+s8+$0x0], $0xffff;
	v58 =	vmul.f32 v45, v47;
	v4 =	vadd.f32 v54, v4  }
0xf0: {  	v60 =	vor.u32 $0x30, v2;
	v59 =	vld.idx.msk [tilespmem:v48+s7+$0x0], $0xffff  }
0xf1: {  	v61 =	vld.idx.msk [tilespmem:v52+s8+$0x0], $0xffff;
	v62 =	vmul.f32 v49, v51;
	v4 =	vadd.f32 v58, v4  }
0xf2: {  	v18 =	vor.u32 $0x31, v2;
	v63 =	vld.idx.msk [tilespmem:v52+s7+$0x0], $0xffff  }
0xf3: {  	v19 =	vld.idx.msk [tilespmem:v56+s8+$0x0], $0xffff;
	v20 =	vmul.f32 v53, v55;
	v4 =	vadd.f32 v62, v4  }
0xf4: {  	v21 =	vld.idx.msk [tilespmem:v56+s7+$0x0], $0xffff;
	v22 =	vor.u32 $0x32, v2  }
0xf5: {  	v23 =	vld.idx.msk [tilespmem:v60+s8+$0x0], $0xffff;
	v24 =	vmul.f32 v57, v59;
	v4 =	vadd.f32 v20, v4  }
0xf6: {  	v25 =	vld.idx.msk [tilespmem:v60+s7+$0x0], $0xffff;
	v26 =	vor.u32 $0x33, v2  }
0xf7: {  	v27 =	vld.idx.msk [tilespmem:v18+s8+$0x0], $0xffff;
	v28 =	vmul.f32 v61, v63;
	v4 =	vadd.f32 v24, v4  }
0xf8: {  	v29 =	vld.idx.msk [tilespmem:v18+s7+$0x0], $0xffff;
	v30 =	vor.u32 $0x34, v2  }
0xf9: {  	v31 =	vld.idx.msk [tilespmem:v22+s8+$0x0], $0xffff;
	v32 =	vmul.f32 v19, v21;
	v4 =	vadd.f32 v28, v4  }
0xfa: {  	v33 =	vld.idx.msk [tilespmem:v22+s7+$0x0], $0xffff;
	v34 =	vor.u32 $0x35, v2  }
0xfb: {  	v36 =	vmul.f32 v23, v25;
	v35 =	vld.idx.msk [tilespmem:v26+s8+$0x0], $0xffff;
	v4 =	vadd.f32 v32, v4  }
0xfc: {  	v37 =	vld.idx.msk [tilespmem:v26+s7+$0x0], $0xffff;
	v38 =	vor.u32 $0x36, v2  }
0xfd: {  	v40 =	vmul.f32 v27, v29;
	v39 =	vld.idx.msk [tilespmem:v30+s8+$0x0], $0xffff;
	v4 =	vadd.f32 v36, v4  }
0xfe: {  	v41 =	vld.idx.msk [tilespmem:v30+s7+$0x0], $0xffff;
	v42 =	vor.u32 $0x37, v2  }
0xff: {  	v44 =	vmul.f32 v31, v33;
	v43 =	vld.idx.msk [tilespmem:v34+s8+$0x0], $0xffff;
	v4 =	vadd.f32 v40, v4  }
0x100: {  	v45 =	vld.idx.msk [tilespmem:v34+s7+$0x0], $0xffff;
	v46 =	vor.u32 $0x38, v2  }
0x101: {  	v48 =	vmul.f32 v35, v37;
	v47 =	vld.idx.msk [tilespmem:v38+s8+$0x0], $0xffff;
	v4 =	vadd.f32 v44, v4  }
0x102: {  	v49 =	vld.idx.msk [tilespmem:v38+s7+$0x0], $0xffff;
	v50 =	vor.u32 $0x39, v2  }
0x103: {  	v52 =	vmul.f32 v39, v41;
	v51 =	vld.idx.msk [tilespmem:v42+s8+$0x0], $0xffff;
	v4 =	vadd.f32 v48, v4  }
0x104: {  	v53 =	vld.idx.msk [tilespmem:v42+s7+$0x0], $0xffff;
	v54 =	vor.u32 $0x3A, v2  }
0x105: {  	v56 =	vmul.f32 v43, v45;
	v55 =	vld.idx.msk [tilespmem:v46+s8+$0x0], $0xffff;
	v4 =	vadd.f32 v52, v4  }
0x106: {  	v57 =	vld.idx.msk [tilespmem:v46+s7+$0x0], $0xffff;
	v58 =	vor.u32 $0x3B, v2  }
0x107: {  	v60 =	vmul.f32 v47, v49;
	v59 =	vld.idx.msk [tilespmem:v50+s8+$0x0], $0xffff;
	v4 =	vadd.f32 v56, v4  }
0x108: {  	v61 =	vld.idx.msk [tilespmem:v50+s7+$0x0], $0xffff;
	v62 =	vor.u32 $0x3C, v2  }
0x109: {  	v17 =	vmul.f32 v51, v53;
	v63 =	vld.idx.msk [tilespmem:v54+s8+$0x0], $0xffff;
	v4 =	vadd.f32 v60, v4  }
0x10a: {  	v19 =	vor.u32 $0x3D, v2;
	v18 =	vld.idx.msk [tilespmem:v54+s7+$0x0], $0xffff  }
0x10b: {  	v21 =	vmul.f32 v55, v57;
	v20 =	vld.idx.msk [tilespmem:v58+s8+$0x0], $0xffff;
	v4 =	vadd.f32 v17, v4  }
0x10c: {  	v23 =	vor.u32 $0x3E, v2;
	v22 =	vld.idx.msk [tilespmem:v58+s7+$0x0], $0xffff  }
0x10d: {  	v25 =	vmul.f32 v59, v61;
	v24 =	vld.idx.msk [tilespmem:v62+s8+$0x0], $0xffff;
	v4 =	vadd.f32 v21, v4  }
0x10e: {  	v27 =	vor.u32 $0x3F, v2;
	v26 =	vld.idx.msk [tilespmem:v62+s7+$0x0], $0xffff  }
0x10f: {  	v30 =	vld.idx.msk [tilespmem:v19+s7+$0x0], $0xffff;
	v29 =	vmul.f32 v63, v18;
	v4 =	vadd.f32 v25, v4  }
0x110: {  	v28 =	vld.idx.msk [tilespmem:v19+s8+$0x0], $0xffff  }
0x111: {  	v31 =	vld.idx.msk [tilespmem:v23+s8+$0x0], $0xffff;
	v32 =	vmul.f32 v20, v22;
	v4 =	vadd.f32 v29, v4  }
0x112: {  	v33 =	vld.idx.msk [tilespmem:v23+s7+$0x0], $0xffff  }
0x113: {  	v34 =	vld.idx.msk [tilespmem:v27+s8+$0x0], $0xffff;
	v35 =	vmul.f32 v24, v26;
	v4 =	vadd.f32 v32, v4  }
0x114: {  	v36 =	vld.idx.msk [tilespmem:v27+s7+$0x0], $0xffff  }
0x115: {  	v37 =	vmul.f32 v28, v30;
	v4 =	vadd.f32 v35, v4;
	_ =	sdelay $0x1  }
0x116: {  	v38 =	vmul.f32 v31, v33;
	v4 =	vadd.f32 v37, v4;
	_ =	sdelay $0x1  }
0x117: {  	v39 =	vmul.f32 v34, v36;
	v4 =	vadd.f32 v38, v4;
	_ =	sdelay $0x1  }
0x118: {  	v4 =	vadd.f32 v39, v4;
	_ =	sdelay $0x1  }
0x119: {  	v4 =	vmul.f32 $1.767766920e-01, v4;
	_ =	sdelay $0x1  }
0x11a: {  	v4 =	vmul.f32 $1.442695020e+00, v4;
	_ =	sdelay $0x1  }
0x11b: {  	(erf) = vpow2.f32 v4;
	_ =	sdelay $0x4  }
0x11c: {  	v40 =	vor.u32 $0x1, v3;
	_ =	sdelay $0x1  }
0x11d: {  	v41 =	vor.u32 $0x40, v2;
	_ =	sdelay $0x1  }
0x11e: {  	v42 =	vor.u32 $0x41, v2;
	v43 =	vpop (erf)  }
0x11f: {  	[tilespmem:v40+s11+$0x0] =	vst.idx.msk $0xffff, v43  }
0x120: {  	v44 =	vor.u32 $0x42, v2;
	[tilespmem:s19+$0xFFFFFF80] =	vst v43  }
0x121: {  	v7 =	vld.idx.msk [tilespmem:v41+s7+$0x0], $0xffff  }
0x122: {  	v45 =	vor.u32 $0x43, v2;
	v5 =	vld.idx.msk [tilespmem:v41+s8+$0x0], $0xffff  }
0x123: {  	v46 =	vld.idx.msk [tilespmem:v42+s7+$0x0], $0xffff  }
0x124: {  	v47 =	vor.u32 $0x44, v2;
	v6 =	vld.idx.msk [tilespmem:v42+s8+$0x0], $0xffff  }
0x125: {  	v48 =	vld.idx.msk [tilespmem:v44+s7+$0x0], $0xffff  }
0x126: {  	v49 =	vor.u32 $0x45, v2;
	v4 =	vld.idx.msk [tilespmem:v44+s8+$0x0], $0xffff  }
0x127: {  	v50 =	vld.idx.msk [tilespmem:v45+s7+$0x0], $0xffff;
	v5 =	vmul.f32 v5, v7  }
0x128: {  	v52 =	vor.u32 $0x46, v2;
	v51 =	vld.idx.msk [tilespmem:v45+s8+$0x0], $0xffff  }
0x129: {  	v53 =	vld.idx.msk [tilespmem:v47+s7+$0x0], $0xffff;
	v6 =	vmul.f32 v6, v46;
	v5 =	vadd.f32 $0.0e+00, v5  }
0x12a: {  	v55 =	vor.u32 $0x47, v2;
	v54 =	vld.idx.msk [tilespmem:v47+s8+$0x0], $0xffff  }
0x12b: {  	v56 =	vld.idx.msk [tilespmem:v49+s7+$0x0], $0xffff;
	v4 =	vmul.f32 v4, v48;
	v5 =	vadd.f32 v6, v5  }
0x12c: {  	v58 =	vor.u32 $0x48, v2;
	v57 =	vld.idx.msk [tilespmem:v49+s8+$0x0], $0xffff  }
0x12d: {  	v59 =	vld.idx.msk [tilespmem:v52+s7+$0x0], $0xffff;
	v60 =	vmul.f32 v51, v50;
	v4 =	vadd.f32 v4, v5  }
0x12e: {  	v62 =	vor.u32 $0x49, v2;
	v61 =	vld.idx.msk [tilespmem:v52+s8+$0x0], $0xffff  }
0x12f: {  	v63 =	vld.idx.msk [tilespmem:v55+s7+$0x0], $0xffff;
	v17 =	vmul.f32 v54, v53;
	v4 =	vadd.f32 v60, v4  }
0x130: {  	v19 =	vor.u32 $0x4A, v2;
	v18 =	vld.idx.msk [tilespmem:v55+s8+$0x0], $0xffff  }
0x131: {  	v20 =	vld.idx.msk [tilespmem:v58+s7+$0x0], $0xffff;
	v21 =	vmul.f32 v57, v56;
	v4 =	vadd.f32 v17, v4  }
0x132: {  	v23 =	vor.u32 $0x4B, v2;
	v22 =	vld.idx.msk [tilespmem:v58+s8+$0x0], $0xffff  }
0x133: {  	v24 =	vld.idx.msk [tilespmem:v62+s7+$0x0], $0xffff;
	v25 =	vmul.f32 v61, v59;
	v4 =	vadd.f32 v21, v4  }
0x134: {  	v27 =	vor.u32 $0x4C, v2;
	v26 =	vld.idx.msk [tilespmem:v62+s8+$0x0], $0xffff  }
0x135: {  	v28 =	vld.idx.msk [tilespmem:v19+s7+$0x0], $0xffff;
	v29 =	vmul.f32 v18, v63;
	v4 =	vadd.f32 v25, v4  }
0x136: {  	v31 =	vor.u32 $0x4D, v2;
	v30 =	vld.idx.msk [tilespmem:v19+s8+$0x0], $0xffff  }
0x137: {  	v32 =	vld.idx.msk [tilespmem:v23+s7+$0x0], $0xffff;
	v33 =	vmul.f32 v22, v20;
	v4 =	vadd.f32 v29, v4  }
0x138: {  	v35 =	vor.u32 $0x4E, v2;
	v34 =	vld.idx.msk [tilespmem:v23+s8+$0x0], $0xffff  }
0x139: {  	v36 =	vld.idx.msk [tilespmem:v27+s7+$0x0], $0xffff;
	v37 =	vmul.f32 v26, v24;
	v4 =	vadd.f32 v33, v4  }
0x13a: {  	v39 =	vor.u32 $0x4F, v2;
	v38 =	vld.idx.msk [tilespmem:v27+s8+$0x0], $0xffff  }
0x13b: {  	v40 =	vld.idx.msk [tilespmem:v31+s7+$0x0], $0xffff;
	v41 =	vmul.f32 v30, v28;
	v4 =	vadd.f32 v37, v4  }
0x13c: {  	v43 =	vor.u32 $0x50, v2;
	v42 =	vld.idx.msk [tilespmem:v31+s8+$0x0], $0xffff  }
0x13d: {  	v44 =	vld.idx.msk [tilespmem:v35+s7+$0x0], $0xffff;
	v45 =	vmul.f32 v34, v32;
	v4 =	vadd.f32 v41, v4  }
0x13e: {  	v47 =	vor.u32 $0x51, v2;
	v46 =	vld.idx.msk [tilespmem:v35+s8+$0x0], $0xffff  }
0x13f: {  	v48 =	vld.idx.msk [tilespmem:v39+s7+$0x0], $0xffff;
	v49 =	vmul.f32 v38, v36;
	v4 =	vadd.f32 v45, v4  }
0x140: {  	v50 =	vld.idx.msk [tilespmem:v39+s8+$0x0], $0xffff;
	v51 =	vor.u32 $0x52, v2  }
0x141: {  	v52 =	vld.idx.msk [tilespmem:v43+s7+$0x0], $0xffff;
	v53 =	vmul.f32 v42, v40;
	v4 =	vadd.f32 v49, v4  }
0x142: {  	v55 =	vor.u32 $0x53, v2;
	v54 =	vld.idx.msk [tilespmem:v43+s8+$0x0], $0xffff  }
0x143: {  	v56 =	vld.idx.msk [tilespmem:v47+s7+$0x0], $0xffff;
	v57 =	vmul.f32 v46, v44;
	v4 =	vadd.f32 v53, v4  }
0x144: {  	v58 =	vld.idx.msk [tilespmem:v47+s8+$0x0], $0xffff;
	v59 =	vor.u32 $0x54, v2  }
0x145: {  	v61 =	vmul.f32 v50, v48;
	v62 =	vld.idx.msk [tilespmem:v51+s8+$0x0], $0xffff;
	v4 =	vadd.f32 v57, v4  }
0x146: {  	v63 =	vor.u32 $0x55, v2;
	v60 =	vld.idx.msk [tilespmem:v51+s7+$0x0], $0xffff  }
0x147: {  	v18 =	vld.idx.msk [tilespmem:v55+s7+$0x0], $0xffff;
	v19 =	vmul.f32 v54, v52;
	v4 =	vadd.f32 v61, v4  }
0x148: {  	v20 =	vld.idx.msk [tilespmem:v55+s8+$0x0], $0xffff;
	v21 =	vor.u32 $0x56, v2  }
0x149: {  	v22 =	vld.idx.msk [tilespmem:v59+s7+$0x0], $0xffff;
	v23 =	vmul.f32 v58, v56;
	v4 =	vadd.f32 v19, v4  }
0x14a: {  	v24 =	vld.idx.msk [tilespmem:v59+s8+$0x0], $0xffff;
	v25 =	vor.u32 $0x57, v2  }
0x14b: {  	v26 =	vld.idx.msk [tilespmem:v63+s7+$0x0], $0xffff;
	v27 =	vmul.f32 v62, v60;
	v4 =	vadd.f32 v23, v4  }
0x14c: {  	v28 =	vld.idx.msk [tilespmem:v63+s8+$0x0], $0xffff;
	v29 =	vor.u32 $0x58, v2  }
0x14d: {  	v31 =	vmul.f32 v20, v18;
	v30 =	vld.idx.msk [tilespmem:v21+s7+$0x0], $0xffff;
	v4 =	vadd.f32 v27, v4  }
0x14e: {  	v32 =	vld.idx.msk [tilespmem:v21+s8+$0x0], $0xffff;
	v33 =	vor.u32 $0x59, v2  }
0x14f: {  	v35 =	vmul.f32 v24, v22;
	v34 =	vld.idx.msk [tilespmem:v25+s7+$0x0], $0xffff;
	v4 =	vadd.f32 v31, v4  }
0x150: {  	v36 =	vld.idx.msk [tilespmem:v25+s8+$0x0], $0xffff;
	v37 =	vor.u32 $0x5A, v2  }
0x151: {  	v39 =	vmul.f32 v28, v26;
	v38 =	vld.idx.msk [tilespmem:v29+s7+$0x0], $0xffff;
	v4 =	vadd.f32 v35, v4  }
0x152: {  	v40 =	vld.idx.msk [tilespmem:v29+s8+$0x0], $0xffff;
	v41 =	vor.u32 $0x5B, v2  }
0x153: {  	v43 =	vmul.f32 v32, v30;
	v42 =	vld.idx.msk [tilespmem:v33+s7+$0x0], $0xffff;
	v4 =	vadd.f32 v39, v4  }
0x154: {  	v44 =	vld.idx.msk [tilespmem:v33+s8+$0x0], $0xffff;
	v45 =	vor.u32 $0x5C, v2  }
0x155: {  	v47 =	vmul.f32 v36, v34;
	v46 =	vld.idx.msk [tilespmem:v37+s7+$0x0], $0xffff;
	v4 =	vadd.f32 v43, v4  }
0x156: {  	v48 =	vld.idx.msk [tilespmem:v37+s8+$0x0], $0xffff;
	v49 =	vor.u32 $0x5D, v2  }
0x157: {  	v51 =	vmul.f32 v40, v38;
	v50 =	vld.idx.msk [tilespmem:v41+s7+$0x0], $0xffff;
	v4 =	vadd.f32 v47, v4  }
0x158: {  	v52 =	vld.idx.msk [tilespmem:v41+s8+$0x0], $0xffff;
	v53 =	vor.u32 $0x5E, v2  }
0x159: {  	v55 =	vmul.f32 v44, v42;
	v54 =	vld.idx.msk [tilespmem:v45+s7+$0x0], $0xffff;
	v4 =	vadd.f32 v51, v4  }
0x15a: {  	v56 =	vld.idx.msk [tilespmem:v45+s8+$0x0], $0xffff;
	v57 =	vor.u32 $0x5F, v2  }
0x15b: {  	v59 =	vmul.f32 v48, v46;
	v58 =	vld.idx.msk [tilespmem:v49+s7+$0x0], $0xffff;
	v4 =	vadd.f32 v55, v4  }
0x15c: {  	v60 =	vld.idx.msk [tilespmem:v49+s8+$0x0], $0xffff  }
0x15d: {  	v62 =	vmul.f32 v52, v50;
	v61 =	vld.idx.msk [tilespmem:v53+s7+$0x0], $0xffff;
	v4 =	vadd.f32 v59, v4  }
0x15e: {  	v63 =	vld.idx.msk [tilespmem:v53+s8+$0x0], $0xffff  }
0x15f: {  	v13 =	vmul.f32 v56, v54;
	v12 =	vld.idx.msk [tilespmem:v57+s7+$0x0], $0xffff;
	v4 =	vadd.f32 v62, v4  }
0x160: {  	v14 =	vld.idx.msk [tilespmem:v57+s8+$0x0], $0xffff  }
0x161: {  	v16 =	vmul.f32 v60, v58;
	v4 =	vadd.f32 v13, v4;
	_ =	sdelay $0x1  }
0x162: {  	v17 =	vmul.f32 v63, v61;
	v4 =	vadd.f32 v16, v4;
	_ =	sdelay $0x1  }
0x163: {  	v18 =	vmul.f32 v14, v12;
	v4 =	vadd.f32 v17, v4;
	_ =	sdelay $0x1  }
0x164: {  	v4 =	vadd.f32 v18, v4;
	_ =	sdelay $0x1  }
0x165: {  	v4 =	vmul.f32 $1.767766920e-01, v4;
	_ =	sdelay $0x1  }
0x166: {  	v4 =	vmul.f32 $1.442695020e+00, v4;
	_ =	sdelay $0x1  }
0x167: {  	(erf) = vpow2.f32 v4;
	_ =	sdelay $0x4  }
0x168: {  	v19 =	vor.u32 $0x2, v3;
	_ =	sdelay $0x1  }
0x169: {  	v20 =	vor.u32 $0x60, v2;
	_ =	sdelay $0x1  }
0x16a: {  	v21 =	vor.u32 $0x61, v2;
	v22 =	vpop (erf)  }
0x16b: {  	[tilespmem:v19+s11+$0x0] =	vst.idx.msk $0xffff, v22  }
0x16c: {  	v23 =	vor.u32 $0x62, v2;
	[tilespmem:s19+$0x0] =	vst v22  }
0x16d: {  	v7 =	vld.idx.msk [tilespmem:v20+s7+$0x0], $0xffff  }
0x16e: {  	v24 =	vor.u32 $0x63, v2;
	v5 =	vld.idx.msk [tilespmem:v20+s8+$0x0], $0xffff  }
0x16f: {  	v25 =	vld.idx.msk [tilespmem:v21+s8+$0x0], $0xffff  }
0x170: {  	v26 =	vor.u32 $0x64, v2;
	v6 =	vld.idx.msk [tilespmem:v21+s7+$0x0], $0xffff  }
0x171: {  	v27 =	vld.idx.msk [tilespmem:v23+s7+$0x0], $0xffff  }
0x172: {  	v28 =	vor.u32 $0x65, v2;
	v4 =	vld.idx.msk [tilespmem:v23+s8+$0x0], $0xffff  }
0x173: {  	v29 =	vld.idx.msk [tilespmem:v24+s7+$0x0], $0xffff;
	v5 =	vmul.f32 v5, v7  }
0x174: {  	v31 =	vor.u32 $0x66, v2;
	v30 =	vld.idx.msk [tilespmem:v24+s8+$0x0], $0xffff  }
0x175: {  	v32 =	vld.idx.msk [tilespmem:v26+s7+$0x0], $0xffff;
	v6 =	vmul.f32 v25, v6;
	v5 =	vadd.f32 $0.0e+00, v5  }
0x176: {  	v34 =	vor.u32 $0x67, v2;
	v33 =	vld.idx.msk [tilespmem:v26+s8+$0x0], $0xffff  }
0x177: {  	v35 =	vld.idx.msk [tilespmem:v28+s7+$0x0], $0xffff;
	v4 =	vmul.f32 v4, v27;
	v5 =	vadd.f32 v6, v5  }
0x178: {  	v37 =	vor.u32 $0x68, v2;
	v36 =	vld.idx.msk [tilespmem:v28+s8+$0x0], $0xffff  }
0x179: {  	v38 =	vld.idx.msk [tilespmem:v31+s7+$0x0], $0xffff;
	v7 =	vmul.f32 v30, v29;
	v4 =	vadd.f32 v4, v5  }
0x17a: {  	v40 =	vor.u32 $0x69, v2;
	v39 =	vld.idx.msk [tilespmem:v31+s8+$0x0], $0xffff  }
0x17b: {  	v41 =	vld.idx.msk [tilespmem:v34+s7+$0x0], $0xffff;
	v9 =	vmul.f32 v33, v32;
	v4 =	vadd.f32 v7, v4  }
0x17c: {  	v43 =	vor.u32 $0x6A, v2;
	v42 =	vld.idx.msk [tilespmem:v34+s8+$0x0], $0xffff  }
0x17d: {  	v44 =	vld.idx.msk [tilespmem:v37+s7+$0x0], $0xffff;
	v6 =	vmul.f32 v36, v35;
	v4 =	vadd.f32 v9, v4  }
0x17e: {  	v46 =	vor.u32 $0x6B, v2;
	v45 =	vld.idx.msk [tilespmem:v37+s8+$0x0], $0xffff  }
0x17f: {  	v47 =	vld.idx.msk [tilespmem:v40+s7+$0x0], $0xffff;
	v5 =	vmul.f32 v39, v38;
	v4 =	vadd.f32 v6, v4  }
0x180: {  	v49 =	vor.u32 $0x6C, v2;
	v48 =	vld.idx.msk [tilespmem:v40+s8+$0x0], $0xffff  }
0x181: {  	v50 =	vld.idx.msk [tilespmem:v43+s7+$0x0], $0xffff;
	v7 =	vmul.f32 v42, v41;
	v4 =	vadd.f32 v5, v4  }
0x182: {  	v52 =	vor.u32 $0x6D, v2;
	v51 =	vld.idx.msk [tilespmem:v43+s8+$0x0], $0xffff  }
0x183: {  	v53 =	vld.idx.msk [tilespmem:v46+s7+$0x0], $0xffff;
	v9 =	vmul.f32 v45, v44;
	v4 =	vadd.f32 v7, v4  }
0x184: {  	v55 =	vor.u32 $0x6E, v2;
	v54 =	vld.idx.msk [tilespmem:v46+s8+$0x0], $0xffff  }
0x185: {  	v56 =	vld.idx.msk [tilespmem:v49+s7+$0x0], $0xffff;
	v6 =	vmul.f32 v48, v47;
	v4 =	vadd.f32 v9, v4  }
0x186: {  	v57 =	vor.u32 $0x6F, v2;
	v8 =	vld.idx.msk [tilespmem:v49+s8+$0x0], $0xffff  }
0x187: {  	v58 =	vld.idx.msk [tilespmem:v52+s7+$0x0], $0xffff;
	v5 =	vmul.f32 v51, v50;
	v4 =	vadd.f32 v6, v4  }
0x188: {  	v60 =	vor.u32 $0x70, v2;
	v59 =	vld.idx.msk [tilespmem:v52+s8+$0x0], $0xffff  }
0x189: {  	v61 =	vld.idx.msk [tilespmem:v55+s7+$0x0], $0xffff;
	v7 =	vmul.f32 v54, v53;
	v4 =	vadd.f32 v5, v4  }
0x18a: {  	v63 =	vor.u32 $0x71, v2;
	v62 =	vld.idx.msk [tilespmem:v55+s8+$0x0], $0xffff  }
0x18b: {  	v18 =	vld.idx.msk [tilespmem:v57+s7+$0x0], $0xffff;
	v8 =	vmul.f32 v8, v56;
	v4 =	vadd.f32 v7, v4  }
0x18c: {  	v19 =	vld.idx.msk [tilespmem:v57+s8+$0x0], $0xffff;
	v20 =	vor.u32 $0x72, v2  }
0x18d: {  	v21 =	vld.idx.msk [tilespmem:v60+s7+$0x0], $0xffff;
	v6 =	vmul.f32 v59, v58;
	v4 =	vadd.f32 v8, v4  }
0x18e: {  	v22 =	vld.idx.msk [tilespmem:v60+s8+$0x0], $0xffff;
	v23 =	vor.u32 $0x73, v2  }
0x18f: {  	v24 =	vld.idx.msk [tilespmem:v63+s7+$0x0], $0xffff;
	v5 =	vmul.f32 v62, v61;
	v4 =	vadd.f32 v6, v4  }
0x190: {  	v26 =	vor.u32 $0x74, v2;
	v25 =	vld.idx.msk [tilespmem:v63+s8+$0x0], $0xffff  }
0x191: {  	v27 =	vld.idx.msk [tilespmem:v20+s7+$0x0], $0xffff;
	v7 =	vmul.f32 v19, v18;
	v4 =	vadd.f32 v5, v4  }
0x192: {  	v28 =	vld.idx.msk [tilespmem:v20+s8+$0x0], $0xffff;
	v29 =	vor.u32 $0x75, v2  }
0x193: {  	v30 =	vld.idx.msk [tilespmem:v23+s7+$0x0], $0xffff;
	v8 =	vmul.f32 v22, v21;
	v4 =	vadd.f32 v7, v4  }
0x194: {  	v31 =	vld.idx.msk [tilespmem:v23+s8+$0x0], $0xffff;
	v32 =	vor.u32 $0x76, v2  }
0x195: {  	v33 =	vld.idx.msk [tilespmem:v26+s7+$0x0], $0xffff;
	v6 =	vmul.f32 v25, v24;
	v4 =	vadd.f32 v8, v4  }
0x196: {  	v34 =	vld.idx.msk [tilespmem:v26+s8+$0x0], $0xffff;
	v35 =	vor.u32 $0x77, v2  }
0x197: {  	v36 =	vld.idx.msk [tilespmem:v29+s7+$0x0], $0xffff;
	v5 =	vmul.f32 v28, v27;
	v4 =	vadd.f32 v6, v4  }
0x198: {  	v37 =	vld.idx.msk [tilespmem:v29+s8+$0x0], $0xffff;
	v38 =	vor.u32 $0x78, v2  }
0x199: {  	v40 =	vld.idx.msk [tilespmem:v32+s8+$0x0], $0xffff;
	v7 =	vmul.f32 v31, v30;
	v4 =	vadd.f32 v5, v4  }
0x19a: {  	v39 =	vld.idx.msk [tilespmem:v32+s7+$0x0], $0xffff;
	v41 =	vor.u32 $0x79, v2  }
0x19b: {  	v42 =	vld.idx.msk [tilespmem:v35+s7+$0x0], $0xffff;
	v8 =	vmul.f32 v34, v33;
	v4 =	vadd.f32 v7, v4  }
0x19c: {  	v43 =	vld.idx.msk [tilespmem:v35+s8+$0x0], $0xffff;
	v44 =	vor.u32 $0x7A, v2  }
0x19d: {  	v45 =	vld.idx.msk [tilespmem:v38+s7+$0x0], $0xffff;
	v6 =	vmul.f32 v37, v36;
	v4 =	vadd.f32 v8, v4  }
0x19e: {  	v46 =	vld.idx.msk [tilespmem:v38+s8+$0x0], $0xffff;
	v47 =	vor.u32 $0x7B, v2  }
0x19f: {  	v48 =	vld.idx.msk [tilespmem:v41+s7+$0x0], $0xffff;
	v5 =	vmul.f32 v40, v39;
	v4 =	vadd.f32 v6, v4  }
0x1a0: {  	v49 =	vld.idx.msk [tilespmem:v41+s8+$0x0], $0xffff;
	v50 =	vor.u32 $0x7C, v2  }
0x1a1: {  	v51 =	vld.idx.msk [tilespmem:v44+s7+$0x0], $0xffff;
	v7 =	vmul.f32 v43, v42;
	v4 =	vadd.f32 v5, v4  }
0x1a2: {  	v52 =	vld.idx.msk [tilespmem:v44+s8+$0x0], $0xffff;
	v53 =	vor.u32 $0x7D, v2  }
0x1a3: {  	v54 =	vld.idx.msk [tilespmem:v47+s7+$0x0], $0xffff;
	v8 =	vmul.f32 v46, v45;
	v4 =	vadd.f32 v7, v4  }
0x1a4: {  	v56 =	vor.u32 $0x7E, v2;
	v55 =	vld.idx.msk [tilespmem:v47+s8+$0x0], $0xffff  }
0x1a5: {  	v57 =	vld.idx.msk [tilespmem:v50+s7+$0x0], $0xffff;
	v6 =	vmul.f32 v49, v48;
	v4 =	vadd.f32 v8, v4  }
0x1a6: {  	v2 =	vor.u32 $0x7F, v2;
	v58 =	vld.idx.msk [tilespmem:v50+s8+$0x0], $0xffff  }
0x1a7: {  	v59 =	vld.idx.msk [tilespmem:v53+s7+$0x0], $0xffff;
	v5 =	vmul.f32 v52, v51;
	v4 =	vadd.f32 v6, v4  }
0x1a8: {  	v60 =	vld.idx.msk [tilespmem:v53+s8+$0x0], $0xffff  }
0x1a9: {  	v61 =	vld.idx.msk [tilespmem:v56+s7+$0x0], $0xffff;
	v7 =	vmul.f32 v55, v54;
	v4 =	vadd.f32 v5, v4  }
0x1aa: {  	v62 =	vld.idx.msk [tilespmem:v56+s8+$0x0], $0xffff  }
0x1ab: {  	v63 =	vld.idx.msk [tilespmem:v2+s7+$0x0], $0xffff;
	v8 =	vmul.f32 v58, v57;
	v4 =	vadd.f32 v7, v4  }
0x1ac: {  	v2 =	vld.idx.msk [tilespmem:v2+s8+$0x0], $0xffff  }
0x1ad: {  	v6 =	vmul.f32 v60, v59;
	v4 =	vadd.f32 v8, v4;
	_ =	sdelay $0x1  }
0x1ae: {  	v5 =	vmul.f32 v62, v61;
	v4 =	vadd.f32 v6, v4;
	_ =	sdelay $0x1  }
0x1af: {  	v2 =	vmul.f32 v2, v63;
	v4 =	vadd.f32 v5, v4;
	_ =	sdelay $0x1  }
0x1b0: {  	v2 =	vadd.f32 v2, v4;
	_ =	sdelay $0x1  }
0x1b1: {  	v2 =	vmul.f32 $1.767766920e-01, v2;
	_ =	sdelay $0x1  }
0x1b2: {  	v2 =	vmul.f32 $1.442695020e+00, v2;
	_ =	sdelay $0x1  }
0x1b3: {  	(erf) = vpow2.f32 v2;
	_ =	sdelay $0x3  }
0x1b4: {  	s20 =	simm.s32 $0x10;
	s22 =	simm.s32 $0x0;
	s21 =	simm.s32 $0xA280;
	v2 =	vor.u32 $0x3, v3  }
.LBB2_5:
0x1b5: {  	s18 =	sadd.s32 $0x10, s18;
	s19 =	sadd.s32 $0x10, s19;
	s22 =	sadd.s32 $0x10, s22  }
0x1b6: {  	p1 =	sne.s32 s20, $0x40;
	s23 =	smov.u32 s20;
	s20 =	sadd.s32 $0x10, s20  }
0x1b7: {  	_ =	sdelay $0x1  }
0x1b8: {  	v3 =	vpop (erf)  }
0x1b9: {  	[tilespmem:v2+s11+$0x0] =	vst.idx.msk $0xffff, v3  }
0x1ba: {  	v2 =	vmov s23;
	[tilespmem:s21+$0x80] =	vst v3;
	s21 =	smov.u32 s19  }
0x1bb: {  	v2 =	vshll.u32 v2, $0x7;
	v3 =	vld [tilespmem:s22+$0x0]  }
0x1bc: {  	v2 =	vor.u32 v1, v2  }
0x1bd: {  	v4 =	vor.u32 $0x1, v2;
	v5 =	vor.u32 $0x2, v2;
	v16 =	vor.u32 $0x3, v2  }
0x1be: {  	v17 =	vor.u32 $0x4, v2;
	v18 =	vor.u32 $0x5, v2;
	v19 =	vor.u32 $0x6, v2  }
0x1bf: {  	v20 =	vor.u32 $0x7, v2;
	v21 =	vor.u32 $0x8, v2;
	v22 =	vor.u32 $0x9, v2  }
0x1c0: {  	v23 =	vor.u32 $0xA, v2;
	v24 =	vor.u32 $0xB, v2;
	v6 =	vshrl.u32 v3, $0x5  }
0x1c1: {  	v25 =	vor.u32 $0xC, v2;
	v26 =	vor.u32 $0xD, v2;
	v27 =	vor.u32 $0xE, v2;
	[tilespmem:s18+$0x0] =	vst v6  }
0x1c2: {  	v29 =	vor.u32 $0xF, v2;
	v30 =	vor.u32 $0x10, v2;
	v31 =	vor.u32 $0x11, v2;
	v28 =	vld.idx.msk [tilespmem:v2+s7+$0x0], $0xffff  }
0x1c3: {  	v33 =	vor.u32 $0x12, v2;
	v34 =	vor.u32 $0x13, v2;
	v15 =	vor.u32 $0x14, v2;
	v32 =	vld.idx.msk [tilespmem:v2+s8+$0x0], $0xffff  }
0x1c4: {  	v14 =	vor.u32 $0x15, v2;
	v13 =	vor.u32 $0x16, v2;
	v12 =	vor.u32 $0x17, v2;
	v35 =	vld.idx.msk [tilespmem:v4+s8+$0x0], $0xffff  }
0x1c5: {  	v11 =	vor.u32 $0x18, v2;
	v10 =	vor.u32 $0x19, v2;
	v9 =	vor.u32 $0x1A, v2;
	v36 =	vld.idx.msk [tilespmem:v4+s7+$0x0], $0xffff  }
0x1c6: {  	v8 =	vor.u32 $0x1B, v2;
	v7 =	vor.u32 $0x1C, v2;
	v6 =	vor.u32 $0x1D, v2;
	v37 =	vld.idx.msk [tilespmem:v5+s8+$0x0], $0xffff  }
0x1c7: {  	v3 =	vshll.u32 v3, $0x2;
	v4 =	vor.u32 $0x1F, v2;
	v38 =	vld.idx.msk [tilespmem:v5+s7+$0x0], $0xffff;
	v5 =	vor.u32 $0x1E, v2  }
0x1c8: {  	v3 =	vand.u32 $0x7C, v3;
	v39 =	vld.idx.msk [tilespmem:v16+s8+$0x0], $0xffff  }
0x1c9: {  	v3 =	vor.u32 v2, v3;
	v28 =	vmul.f32 v32, v28;
	v16 =	vld.idx.msk [tilespmem:v16+s7+$0x0], $0xffff  }
0x1ca: {  	v32 =	vld.idx.msk [tilespmem:v17+s8+$0x0], $0xffff  }
0x1cb: {  	v28 =	vadd.f32 $0.0e+00, v28;
	v35 =	vmul.f32 v35, v36;
	v17 =	vld.idx.msk [tilespmem:v17+s7+$0x0], $0xffff  }
0x1cc: {  	v36 =	vld.idx.msk [tilespmem:v18+s8+$0x0], $0xffff  }
0x1cd: {  	v28 =	vadd.f32 v35, v28;
	v35 =	vmul.f32 v37, v38;
	v18 =	vld.idx.msk [tilespmem:v18+s7+$0x0], $0xffff  }
0x1ce: {  	v37 =	vld.idx.msk [tilespmem:v19+s8+$0x0], $0xffff  }
0x1cf: {  	v28 =	vadd.f32 v35, v28;
	v16 =	vmul.f32 v39, v16;
	v19 =	vld.idx.msk [tilespmem:v19+s7+$0x0], $0xffff  }
0x1d0: {  	v35 =	vld.idx.msk [tilespmem:v20+s8+$0x0], $0xffff  }
0x1d1: {  	v16 =	vadd.f32 v16, v28;
	v17 =	vmul.f32 v32, v17;
	v20 =	vld.idx.msk [tilespmem:v20+s7+$0x0], $0xffff  }
0x1d2: {  	v28 =	vld.idx.msk [tilespmem:v21+s8+$0x0], $0xffff  }
0x1d3: {  	v16 =	vadd.f32 v17, v16;
	v17 =	vmul.f32 v36, v18;
	v18 =	vld.idx.msk [tilespmem:v21+s7+$0x0], $0xffff  }
0x1d4: {  	v21 =	vld.idx.msk [tilespmem:v22+s8+$0x0], $0xffff  }
0x1d5: {  	v16 =	vadd.f32 v17, v16;
	v17 =	vmul.f32 v37, v19;
	v19 =	vld.idx.msk [tilespmem:v22+s7+$0x0], $0xffff  }
0x1d6: {  	v22 =	vld.idx.msk [tilespmem:v23+s8+$0x0], $0xffff  }
0x1d7: {  	v16 =	vadd.f32 v17, v16;
	v17 =	vmul.f32 v35, v20;
	v20 =	vld.idx.msk [tilespmem:v23+s7+$0x0], $0xffff  }
0x1d8: {  	v23 =	vld.idx.msk [tilespmem:v24+s8+$0x0], $0xffff  }
0x1d9: {  	v16 =	vadd.f32 v17, v16;
	v17 =	vmul.f32 v28, v18;
	v18 =	vld.idx.msk [tilespmem:v24+s7+$0x0], $0xffff  }
0x1da: {  	v24 =	vld.idx.msk [tilespmem:v25+s8+$0x0], $0xffff  }
0x1db: {  	v16 =	vadd.f32 v17, v16;
	v17 =	vmul.f32 v21, v19;
	v19 =	vld.idx.msk [tilespmem:v25+s7+$0x0], $0xffff  }
0x1dc: {  	v21 =	vld.idx.msk [tilespmem:v26+s8+$0x0], $0xffff  }
0x1dd: {  	v16 =	vadd.f32 v17, v16;
	v17 =	vmul.f32 v22, v20;
	v20 =	vld.idx.msk [tilespmem:v26+s7+$0x0], $0xffff  }
0x1de: {  	v22 =	vld.idx.msk [tilespmem:v27+s8+$0x0], $0xffff  }
0x1df: {  	v16 =	vadd.f32 v17, v16;
	v17 =	vmul.f32 v23, v18;
	v18 =	vld.idx.msk [tilespmem:v27+s7+$0x0], $0xffff  }
0x1e0: {  	v23 =	vld.idx.msk [tilespmem:v29+s8+$0x0], $0xffff  }
0x1e1: {  	v16 =	vadd.f32 v17, v16;
	v17 =	vmul.f32 v24, v19;
	v19 =	vld.idx.msk [tilespmem:v29+s7+$0x0], $0xffff  }
0x1e2: {  	v24 =	vld.idx.msk [tilespmem:v30+s8+$0x0], $0xffff  }
0x1e3: {  	v16 =	vadd.f32 v17, v16;
	v17 =	vmul.f32 v21, v20;
	v20 =	vld.idx.msk [tilespmem:v30+s7+$0x0], $0xffff  }
0x1e4: {  	v21 =	vld.idx.msk [tilespmem:v31+s8+$0x0], $0xffff  }
0x1e5: {  	v16 =	vadd.f32 v17, v16;
	v17 =	vmul.f32 v22, v18;
	v18 =	vld.idx.msk [tilespmem:v31+s7+$0x0], $0xffff  }
0x1e6: {  	v22 =	vld.idx.msk [tilespmem:v33+s8+$0x0], $0xffff  }
0x1e7: {  	v16 =	vadd.f32 v17, v16;
	v17 =	vmul.f32 v23, v19;
	v19 =	vld.idx.msk [tilespmem:v33+s7+$0x0], $0xffff  }
0x1e8: {  	v23 =	vld.idx.msk [tilespmem:v34+s8+$0x0], $0xffff  }
0x1e9: {  	v16 =	vadd.f32 v17, v16;
	v17 =	vmul.f32 v24, v20;
	v20 =	vld.idx.msk [tilespmem:v34+s7+$0x0], $0xffff  }
0x1ea: {  	v24 =	vld.idx.msk [tilespmem:v15+s8+$0x0], $0xffff  }
0x1eb: {  	v16 =	vadd.f32 v17, v16;
	v17 =	vmul.f32 v21, v18;
	v15 =	vld.idx.msk [tilespmem:v15+s7+$0x0], $0xffff  }
0x1ec: {  	v18 =	vld.idx.msk [tilespmem:v14+s8+$0x0], $0xffff  }
0x1ed: {  	v16 =	vadd.f32 v17, v16;
	v17 =	vmul.f32 v22, v19;
	v14 =	vld.idx.msk [tilespmem:v14+s7+$0x0], $0xffff  }
0x1ee: {  	v19 =	vld.idx.msk [tilespmem:v13+s8+$0x0], $0xffff  }
0x1ef: {  	v16 =	vadd.f32 v17, v16;
	v17 =	vmul.f32 v23, v20;
	v13 =	vld.idx.msk [tilespmem:v13+s7+$0x0], $0xffff  }
0x1f0: {  	v20 =	vld.idx.msk [tilespmem:v12+s8+$0x0], $0xffff  }
0x1f1: {  	v16 =	vadd.f32 v17, v16;
	v15 =	vmul.f32 v24, v15;
	v12 =	vld.idx.msk [tilespmem:v12+s7+$0x0], $0xffff  }
0x1f2: {  	v17 =	vld.idx.msk [tilespmem:v11+s8+$0x0], $0xffff  }
0x1f3: {  	v15 =	vadd.f32 v15, v16;
	v14 =	vmul.f32 v18, v14;
	v11 =	vld.idx.msk [tilespmem:v11+s7+$0x0], $0xffff  }
0x1f4: {  	v16 =	vld.idx.msk [tilespmem:v10+s8+$0x0], $0xffff  }
0x1f5: {  	v14 =	vadd.f32 v14, v15;
	v13 =	vmul.f32 v19, v13;
	v10 =	vld.idx.msk [tilespmem:v10+s7+$0x0], $0xffff  }
0x1f6: {  	v15 =	vld.idx.msk [tilespmem:v9+s8+$0x0], $0xffff  }
0x1f7: {  	v13 =	vadd.f32 v13, v14;
	v12 =	vmul.f32 v20, v12;
	v9 =	vld.idx.msk [tilespmem:v9+s7+$0x0], $0xffff  }
0x1f8: {  	v14 =	vld.idx.msk [tilespmem:v8+s8+$0x0], $0xffff  }
0x1f9: {  	v12 =	vadd.f32 v12, v13;
	v11 =	vmul.f32 v17, v11;
	v8 =	vld.idx.msk [tilespmem:v8+s7+$0x0], $0xffff  }
0x1fa: {  	v13 =	vld.idx.msk [tilespmem:v7+s8+$0x0], $0xffff  }
0x1fb: {  	v11 =	vadd.f32 v11, v12;
	v10 =	vmul.f32 v16, v10;
	v7 =	vld.idx.msk [tilespmem:v7+s7+$0x0], $0xffff  }
0x1fc: {  	v12 =	vld.idx.msk [tilespmem:v6+s8+$0x0], $0xffff  }
0x1fd: {  	v10 =	vadd.f32 v10, v11;
	v9 =	vmul.f32 v15, v9;
	v6 =	vld.idx.msk [tilespmem:v6+s7+$0x0], $0xffff  }
0x1fe: {  	v11 =	vld.idx.msk [tilespmem:v5+s8+$0x0], $0xffff  }
0x1ff: {  	v9 =	vadd.f32 v9, v10;
	v8 =	vmul.f32 v14, v8;
	v5 =	vld.idx.msk [tilespmem:v5+s7+$0x0], $0xffff  }
0x200: {  	v10 =	vld.idx.msk [tilespmem:v4+s8+$0x0], $0xffff  }
0x201: {  	v8 =	vadd.f32 v8, v9;
	v7 =	vmul.f32 v13, v7;
	v4 =	vld.idx.msk [tilespmem:v4+s7+$0x0], $0xffff;
	_ =	sdelay $0x1  }
0x202: {  	v7 =	vadd.f32 v7, v8;
	v6 =	vmul.f32 v12, v6;
	_ =	sdelay $0x1  }
0x203: {  	v6 =	vadd.f32 v6, v7;
	v5 =	vmul.f32 v11, v5;
	_ =	sdelay $0x1  }
0x204: {  	v5 =	vadd.f32 v5, v6;
	v4 =	vmul.f32 v10, v4;
	_ =	sdelay $0x1  }
0x205: {  	v4 =	vadd.f32 v4, v5;
	_ =	sdelay $0x1  }
0x206: {  	v4 =	vmul.f32 $1.767766920e-01, v4;
	_ =	sdelay $0x1  }
0x207: {  	v4 =	vmul.f32 $1.442695020e+00, v4;
	_ =	sdelay $0x1  }
0x208: {  	(erf) = vpow2.f32 v4;
	_ =	sdelay $0x6  }
0x209: {  	v4 =	vor.u32 $0x20, v2;
	_ =	sdelay $0x1  }
0x20a: {  	v5 =	vor.u32 $0x21, v2;
	v6 =	vpop (erf)  }
0x20b: {  	[tilespmem:v3+s11+$0x0] =	vst.idx.msk $0xffff, v6  }
0x20c: {  	[tilespmem:s19+$0xFFFFFF00] =	vst v6;
	v6 =	vor.u32 $0x22, v2  }
0x20d: {  	v7 =	vld.idx.msk [tilespmem:v4+s7+$0x0], $0xffff  }
0x20e: {  	v8 =	vor.u32 $0x23, v2;
	v4 =	vld.idx.msk [tilespmem:v4+s8+$0x0], $0xffff  }
0x20f: {  	v9 =	vld.idx.msk [tilespmem:v5+s8+$0x0], $0xffff  }
0x210: {  	v10 =	vor.u32 $0x24, v2;
	v5 =	vld.idx.msk [tilespmem:v5+s7+$0x0], $0xffff  }
0x211: {  	v11 =	vld.idx.msk [tilespmem:v6+s8+$0x0], $0xffff  }
0x212: {  	v12 =	vor.u32 $0x25, v2;
	v6 =	vld.idx.msk [tilespmem:v6+s7+$0x0], $0xffff  }
0x213: {  	v13 =	vld.idx.msk [tilespmem:v8+s8+$0x0], $0xffff  }
0x214: {  	v4 =	vmul.f32 v4, v7;
	v7 =	vld.idx.msk [tilespmem:v8+s7+$0x0], $0xffff;
	v8 =	vor.u32 $0x26, v2  }
0x215: {  	v14 =	vld.idx.msk [tilespmem:v10+s8+$0x0], $0xffff  }
0x216: {  	v4 =	vadd.f32 $0.0e+00, v4;
	v5 =	vmul.f32 v9, v5;
	v9 =	vld.idx.msk [tilespmem:v10+s7+$0x0], $0xffff;
	v10 =	vor.u32 $0x27, v2  }
0x217: {  	v15 =	vld.idx.msk [tilespmem:v12+s8+$0x0], $0xffff  }
0x218: {  	v4 =	vadd.f32 v5, v4;
	v5 =	vmul.f32 v11, v6;
	v11 =	vor.u32 $0x28, v2;
	v6 =	vld.idx.msk [tilespmem:v12+s7+$0x0], $0xffff  }
0x219: {  	v12 =	vld.idx.msk [tilespmem:v8+s8+$0x0], $0xffff  }
0x21a: {  	v4 =	vadd.f32 v5, v4;
	v5 =	vmul.f32 v13, v7;
	v7 =	vld.idx.msk [tilespmem:v8+s7+$0x0], $0xffff;
	v8 =	vor.u32 $0x29, v2  }
0x21b: {  	v13 =	vld.idx.msk [tilespmem:v10+s8+$0x0], $0xffff  }
0x21c: {  	v4 =	vadd.f32 v5, v4;
	v5 =	vmul.f32 v14, v9;
	v9 =	vld.idx.msk [tilespmem:v10+s7+$0x0], $0xffff;
	v10 =	vor.u32 $0x2A, v2  }
0x21d: {  	v14 =	vld.idx.msk [tilespmem:v11+s8+$0x0], $0xffff  }
0x21e: {  	v4 =	vadd.f32 v5, v4;
	v5 =	vmul.f32 v15, v6;
	v6 =	vld.idx.msk [tilespmem:v11+s7+$0x0], $0xffff;
	v11 =	vor.u32 $0x2B, v2  }
0x21f: {  	v15 =	vld.idx.msk [tilespmem:v8+s8+$0x0], $0xffff  }
0x220: {  	v4 =	vadd.f32 v5, v4;
	v5 =	vmul.f32 v12, v7;
	v7 =	vld.idx.msk [tilespmem:v8+s7+$0x0], $0xffff;
	v8 =	vor.u32 $0x2C, v2  }
0x221: {  	v12 =	vld.idx.msk [tilespmem:v10+s8+$0x0], $0xffff  }
0x222: {  	v4 =	vadd.f32 v5, v4;
	v5 =	vmul.f32 v13, v9;
	v9 =	vld.idx.msk [tilespmem:v10+s7+$0x0], $0xffff;
	v10 =	vor.u32 $0x2D, v2  }
0x223: {  	v13 =	vld.idx.msk [tilespmem:v11+s8+$0x0], $0xffff  }
0x224: {  	v4 =	vadd.f32 v5, v4;
	v5 =	vmul.f32 v14, v6;
	v6 =	vld.idx.msk [tilespmem:v11+s7+$0x0], $0xffff;
	v11 =	vor.u32 $0x2E, v2  }
0x225: {  	v14 =	vld.idx.msk [tilespmem:v8+s8+$0x0], $0xffff  }
0x226: {  	v4 =	vadd.f32 v5, v4;
	v5 =	vmul.f32 v15, v7;
	v7 =	vld.idx.msk [tilespmem:v8+s7+$0x0], $0xffff;
	v8 =	vor.u32 $0x2F, v2  }
0x227: {  	v15 =	vld.idx.msk [tilespmem:v10+s8+$0x0], $0xffff  }
0x228: {  	v4 =	vadd.f32 v5, v4;
	v5 =	vmul.f32 v12, v9;
	v9 =	vld.idx.msk [tilespmem:v10+s7+$0x0], $0xffff;
	v10 =	vor.u32 $0x30, v2  }
0x229: {  	v12 =	vld.idx.msk [tilespmem:v11+s8+$0x0], $0xffff  }
0x22a: {  	v4 =	vadd.f32 v5, v4;
	v5 =	vmul.f32 v13, v6;
	v6 =	vld.idx.msk [tilespmem:v11+s7+$0x0], $0xffff;
	v11 =	vor.u32 $0x31, v2  }
0x22b: {  	v13 =	vld.idx.msk [tilespmem:v8+s8+$0x0], $0xffff  }
0x22c: {  	v4 =	vadd.f32 v5, v4;
	v5 =	vmul.f32 v14, v7;
	v7 =	vld.idx.msk [tilespmem:v8+s7+$0x0], $0xffff;
	v8 =	vor.u32 $0x32, v2  }
0x22d: {  	v14 =	vld.idx.msk [tilespmem:v10+s8+$0x0], $0xffff  }
0x22e: {  	v4 =	vadd.f32 v5, v4;
	v5 =	vmul.f32 v15, v9;
	v9 =	vld.idx.msk [tilespmem:v10+s7+$0x0], $0xffff;
	v10 =	vor.u32 $0x33, v2  }
0x22f: {  	v15 =	vld.idx.msk [tilespmem:v11+s8+$0x0], $0xffff  }
0x230: {  	v4 =	vadd.f32 v5, v4;
	v5 =	vmul.f32 v12, v6;
	v6 =	vld.idx.msk [tilespmem:v11+s7+$0x0], $0xffff;
	v11 =	vor.u32 $0x34, v2  }
0x231: {  	v12 =	vld.idx.msk [tilespmem:v8+s8+$0x0], $0xffff  }
0x232: {  	v4 =	vadd.f32 v5, v4;
	v5 =	vmul.f32 v13, v7;
	v7 =	vld.idx.msk [tilespmem:v8+s7+$0x0], $0xffff;
	v8 =	vor.u32 $0x35, v2  }
0x233: {  	v13 =	vld.idx.msk [tilespmem:v10+s8+$0x0], $0xffff  }
0x234: {  	v4 =	vadd.f32 v5, v4;
	v5 =	vmul.f32 v14, v9;
	v9 =	vld.idx.msk [tilespmem:v10+s7+$0x0], $0xffff;
	v10 =	vor.u32 $0x36, v2  }
0x235: {  	v14 =	vld.idx.msk [tilespmem:v11+s8+$0x0], $0xffff  }
0x236: {  	v4 =	vadd.f32 v5, v4;
	v5 =	vmul.f32 v15, v6;
	v6 =	vld.idx.msk [tilespmem:v11+s7+$0x0], $0xffff;
	v11 =	vor.u32 $0x37, v2  }
0x237: {  	v15 =	vld.idx.msk [tilespmem:v8+s8+$0x0], $0xffff  }
0x238: {  	v4 =	vadd.f32 v5, v4;
	v5 =	vmul.f32 v12, v7;
	v7 =	vld.idx.msk [tilespmem:v8+s7+$0x0], $0xffff;
	v8 =	vor.u32 $0x38, v2  }
0x239: {  	v12 =	vld.idx.msk [tilespmem:v10+s8+$0x0], $0xffff  }
0x23a: {  	v4 =	vadd.f32 v5, v4;
	v5 =	vmul.f32 v13, v9;
	v9 =	vld.idx.msk [tilespmem:v10+s7+$0x0], $0xffff;
	v10 =	vor.u32 $0x39, v2  }
0x23b: {  	v13 =	vld.idx.msk [tilespmem:v11+s8+$0x0], $0xffff  }
0x23c: {  	v4 =	vadd.f32 v5, v4;
	v5 =	vmul.f32 v14, v6;
	v6 =	vld.idx.msk [tilespmem:v11+s7+$0x0], $0xffff;
	v11 =	vor.u32 $0x3A, v2  }
0x23d: {  	v14 =	vld.idx.msk [tilespmem:v8+s8+$0x0], $0xffff  }
0x23e: {  	v4 =	vadd.f32 v5, v4;
	v5 =	vmul.f32 v15, v7;
	v7 =	vld.idx.msk [tilespmem:v8+s7+$0x0], $0xffff;
	v8 =	vor.u32 $0x3B, v2  }
0x23f: {  	v15 =	vld.idx.msk [tilespmem:v10+s8+$0x0], $0xffff  }
0x240: {  	v4 =	vadd.f32 v5, v4;
	v5 =	vmul.f32 v12, v9;
	v9 =	vld.idx.msk [tilespmem:v10+s7+$0x0], $0xffff;
	v10 =	vor.u32 $0x3C, v2  }
0x241: {  	v12 =	vld.idx.msk [tilespmem:v11+s8+$0x0], $0xffff  }
0x242: {  	v4 =	vadd.f32 v5, v4;
	v5 =	vmul.f32 v13, v6;
	v6 =	vld.idx.msk [tilespmem:v11+s7+$0x0], $0xffff;
	v11 =	vor.u32 $0x3D, v2  }
0x243: {  	v13 =	vld.idx.msk [tilespmem:v8+s8+$0x0], $0xffff  }
0x244: {  	v4 =	vadd.f32 v5, v4;
	v5 =	vmul.f32 v14, v7;
	v7 =	vld.idx.msk [tilespmem:v8+s7+$0x0], $0xffff;
	v8 =	vor.u32 $0x3E, v2  }
0x245: {  	v14 =	vld.idx.msk [tilespmem:v10+s8+$0x0], $0xffff  }
0x246: {  	v4 =	vadd.f32 v5, v4;
	v5 =	vmul.f32 v15, v9;
	v9 =	vld.idx.msk [tilespmem:v10+s7+$0x0], $0xffff;
	v10 =	vor.u32 $0x3F, v2  }
0x247: {  	v15 =	vld.idx.msk [tilespmem:v11+s8+$0x0], $0xffff  }
0x248: {  	v4 =	vadd.f32 v5, v4;
	v5 =	vmul.f32 v12, v6;
	v6 =	vld.idx.msk [tilespmem:v11+s7+$0x0], $0xffff  }
0x249: {  	v11 =	vld.idx.msk [tilespmem:v8+s8+$0x0], $0xffff  }
0x24a: {  	v4 =	vadd.f32 v5, v4;
	v5 =	vmul.f32 v13, v7;
	v7 =	vld.idx.msk [tilespmem:v8+s7+$0x0], $0xffff  }
0x24b: {  	v8 =	vld.idx.msk [tilespmem:v10+s8+$0x0], $0xffff  }
0x24c: {  	v4 =	vadd.f32 v5, v4;
	v5 =	vmul.f32 v14, v9;
	v9 =	vld.idx.msk [tilespmem:v10+s7+$0x0], $0xffff;
	_ =	sdelay $0x1  }
0x24d: {  	v4 =	vadd.f32 v5, v4;
	v5 =	vmul.f32 v15, v6;
	_ =	sdelay $0x1  }
0x24e: {  	v4 =	vadd.f32 v5, v4;
	v5 =	vmul.f32 v11, v7;
	_ =	sdelay $0x1  }
0x24f: {  	v4 =	vadd.f32 v5, v4;
	v5 =	vmul.f32 v8, v9;
	_ =	sdelay $0x1  }
0x250: {  	v4 =	vadd.f32 v5, v4;
	_ =	sdelay $0x1  }
0x251: {  	v4 =	vmul.f32 $1.767766920e-01, v4;
	_ =	sdelay $0x1  }
0x252: {  	v4 =	vmul.f32 $1.442695020e+00, v4;
	_ =	sdelay $0x1  }
0x253: {  	(erf) = vpow2.f32 v4;
	_ =	sdelay $0x4  }
0x254: {  	v4 =	vor.u32 $0x1, v3;
	_ =	sdelay $0x1  }
0x255: {  	v5 =	vor.u32 $0x40, v2;
	_ =	sdelay $0x1  }
0x256: {  	v6 =	vor.u32 $0x41, v2;
	v7 =	vpop (erf)  }
0x257: {  	[tilespmem:v4+s11+$0x0] =	vst.idx.msk $0xffff, v7  }
0x258: {  	v4 =	vor.u32 $0x42, v2;
	[tilespmem:s19+$0xFFFFFF80] =	vst v7  }
0x259: {  	v7 =	vld.idx.msk [tilespmem:v5+s7+$0x0], $0xffff  }
0x25a: {  	v8 =	vor.u32 $0x43, v2;
	v5 =	vld.idx.msk [tilespmem:v5+s8+$0x0], $0xffff  }
0x25b: {  	v9 =	vld.idx.msk [tilespmem:v6+s7+$0x0], $0xffff  }
0x25c: {  	v10 =	vor.u32 $0x44, v2;
	v6 =	vld.idx.msk [tilespmem:v6+s8+$0x0], $0xffff  }
0x25d: {  	v11 =	vld.idx.msk [tilespmem:v4+s7+$0x0], $0xffff  }
0x25e: {  	v12 =	vor.u32 $0x45, v2;
	v4 =	vld.idx.msk [tilespmem:v4+s8+$0x0], $0xffff  }
0x25f: {  	v13 =	vld.idx.msk [tilespmem:v8+s7+$0x0], $0xffff  }
0x260: {  	v5 =	vmul.f32 v5, v7;
	v7 =	vld.idx.msk [tilespmem:v8+s8+$0x0], $0xffff;
	v8 =	vor.u32 $0x46, v2  }
0x261: {  	v14 =	vld.idx.msk [tilespmem:v10+s7+$0x0], $0xffff  }
0x262: {  	v5 =	vadd.f32 $0.0e+00, v5;
	v6 =	vmul.f32 v6, v9;
	v9 =	vld.idx.msk [tilespmem:v10+s8+$0x0], $0xffff;
	v10 =	vor.u32 $0x47, v2  }
0x263: {  	v15 =	vld.idx.msk [tilespmem:v12+s7+$0x0], $0xffff  }
0x264: {  	v5 =	vadd.f32 v6, v5;
	v4 =	vmul.f32 v4, v11;
	v11 =	vor.u32 $0x48, v2;
	v6 =	vld.idx.msk [tilespmem:v12+s8+$0x0], $0xffff  }
0x265: {  	v12 =	vld.idx.msk [tilespmem:v8+s7+$0x0], $0xffff  }
0x266: {  	v4 =	vadd.f32 v4, v5;
	v5 =	vmul.f32 v7, v13;
	v7 =	vld.idx.msk [tilespmem:v8+s8+$0x0], $0xffff;
	v8 =	vor.u32 $0x49, v2  }
0x267: {  	v13 =	vld.idx.msk [tilespmem:v10+s7+$0x0], $0xffff  }
0x268: {  	v4 =	vadd.f32 v5, v4;
	v5 =	vmul.f32 v9, v14;
	v9 =	vld.idx.msk [tilespmem:v10+s8+$0x0], $0xffff;
	v10 =	vor.u32 $0x4A, v2  }
0x269: {  	v14 =	vld.idx.msk [tilespmem:v11+s7+$0x0], $0xffff  }
0x26a: {  	v4 =	vadd.f32 v5, v4;
	v5 =	vmul.f32 v6, v15;
	v6 =	vld.idx.msk [tilespmem:v11+s8+$0x0], $0xffff;
	v11 =	vor.u32 $0x4B, v2  }
0x26b: {  	v15 =	vld.idx.msk [tilespmem:v8+s7+$0x0], $0xffff  }
0x26c: {  	v4 =	vadd.f32 v5, v4;
	v5 =	vmul.f32 v7, v12;
	v7 =	vld.idx.msk [tilespmem:v8+s8+$0x0], $0xffff;
	v8 =	vor.u32 $0x4C, v2  }
0x26d: {  	v12 =	vld.idx.msk [tilespmem:v10+s7+$0x0], $0xffff  }
0x26e: {  	v4 =	vadd.f32 v5, v4;
	v5 =	vmul.f32 v9, v13;
	v9 =	vld.idx.msk [tilespmem:v10+s8+$0x0], $0xffff;
	v10 =	vor.u32 $0x4D, v2  }
0x26f: {  	v13 =	vld.idx.msk [tilespmem:v11+s7+$0x0], $0xffff  }
0x270: {  	v4 =	vadd.f32 v5, v4;
	v5 =	vmul.f32 v6, v14;
	v6 =	vld.idx.msk [tilespmem:v11+s8+$0x0], $0xffff;
	v11 =	vor.u32 $0x4E, v2  }
0x271: {  	v14 =	vld.idx.msk [tilespmem:v8+s7+$0x0], $0xffff  }
0x272: {  	v4 =	vadd.f32 v5, v4;
	v5 =	vmul.f32 v7, v15;
	v7 =	vld.idx.msk [tilespmem:v8+s8+$0x0], $0xffff;
	v8 =	vor.u32 $0x4F, v2  }
0x273: {  	v15 =	vld.idx.msk [tilespmem:v10+s7+$0x0], $0xffff  }
0x274: {  	v4 =	vadd.f32 v5, v4;
	v5 =	vmul.f32 v9, v12;
	v9 =	vld.idx.msk [tilespmem:v10+s8+$0x0], $0xffff;
	v10 =	vor.u32 $0x50, v2  }
0x275: {  	v12 =	vld.idx.msk [tilespmem:v11+s7+$0x0], $0xffff  }
0x276: {  	v4 =	vadd.f32 v5, v4;
	v5 =	vmul.f32 v6, v13;
	v6 =	vld.idx.msk [tilespmem:v11+s8+$0x0], $0xffff;
	v11 =	vor.u32 $0x51, v2  }
0x277: {  	v13 =	vld.idx.msk [tilespmem:v8+s7+$0x0], $0xffff  }
0x278: {  	v4 =	vadd.f32 v5, v4;
	v5 =	vmul.f32 v7, v14;
	v7 =	vld.idx.msk [tilespmem:v8+s8+$0x0], $0xffff;
	v8 =	vor.u32 $0x52, v2  }
0x279: {  	v14 =	vld.idx.msk [tilespmem:v10+s7+$0x0], $0xffff  }
0x27a: {  	v4 =	vadd.f32 v5, v4;
	v5 =	vmul.f32 v9, v15;
	v9 =	vld.idx.msk [tilespmem:v10+s8+$0x0], $0xffff;
	v10 =	vor.u32 $0x53, v2  }
0x27b: {  	v15 =	vld.idx.msk [tilespmem:v11+s7+$0x0], $0xffff  }
0x27c: {  	v4 =	vadd.f32 v5, v4;
	v5 =	vmul.f32 v6, v12;
	v6 =	vld.idx.msk [tilespmem:v11+s8+$0x0], $0xffff;
	v11 =	vor.u32 $0x54, v2  }
0x27d: {  	v12 =	vld.idx.msk [tilespmem:v8+s7+$0x0], $0xffff  }
0x27e: {  	v4 =	vadd.f32 v5, v4;
	v5 =	vmul.f32 v7, v13;
	v7 =	vld.idx.msk [tilespmem:v8+s8+$0x0], $0xffff;
	v8 =	vor.u32 $0x55, v2  }
0x27f: {  	v13 =	vld.idx.msk [tilespmem:v10+s7+$0x0], $0xffff  }
0x280: {  	v4 =	vadd.f32 v5, v4;
	v5 =	vmul.f32 v9, v14;
	v9 =	vld.idx.msk [tilespmem:v10+s8+$0x0], $0xffff;
	v10 =	vor.u32 $0x56, v2  }
0x281: {  	v14 =	vld.idx.msk [tilespmem:v11+s7+$0x0], $0xffff  }
0x282: {  	v4 =	vadd.f32 v5, v4;
	v5 =	vmul.f32 v6, v15;
	v6 =	vld.idx.msk [tilespmem:v11+s8+$0x0], $0xffff;
	v11 =	vor.u32 $0x57, v2  }
0x283: {  	v15 =	vld.idx.msk [tilespmem:v8+s7+$0x0], $0xffff  }
0x284: {  	v4 =	vadd.f32 v5, v4;
	v5 =	vmul.f32 v7, v12;
	v7 =	vld.idx.msk [tilespmem:v8+s8+$0x0], $0xffff;
	v8 =	vor.u32 $0x58, v2  }
0x285: {  	v12 =	vld.idx.msk [tilespmem:v10+s7+$0x0], $0xffff  }
0x286: {  	v4 =	vadd.f32 v5, v4;
	v5 =	vmul.f32 v9, v13;
	v9 =	vld.idx.msk [tilespmem:v10+s8+$0x0], $0xffff;
	v10 =	vor.u32 $0x59, v2  }
0x287: {  	v13 =	vld.idx.msk [tilespmem:v11+s7+$0x0], $0xffff  }
0x288: {  	v4 =	vadd.f32 v5, v4;
	v5 =	vmul.f32 v6, v14;
	v6 =	vld.idx.msk [tilespmem:v11+s8+$0x0], $0xffff;
	v11 =	vor.u32 $0x5A, v2  }
0x289: {  	v14 =	vld.idx.msk [tilespmem:v8+s7+$0x0], $0xffff  }
0x28a: {  	v4 =	vadd.f32 v5, v4;
	v5 =	vmul.f32 v7, v15;
	v7 =	vld.idx.msk [tilespmem:v8+s8+$0x0], $0xffff;
	v8 =	vor.u32 $0x5B, v2  }
0x28b: {  	v15 =	vld.idx.msk [tilespmem:v10+s7+$0x0], $0xffff  }
0x28c: {  	v4 =	vadd.f32 v5, v4;
	v5 =	vmul.f32 v9, v12;
	v9 =	vld.idx.msk [tilespmem:v10+s8+$0x0], $0xffff;
	v10 =	vor.u32 $0x5C, v2  }
0x28d: {  	v12 =	vld.idx.msk [tilespmem:v11+s7+$0x0], $0xffff  }
0x28e: {  	v4 =	vadd.f32 v5, v4;
	v5 =	vmul.f32 v6, v13;
	v6 =	vld.idx.msk [tilespmem:v11+s8+$0x0], $0xffff;
	v11 =	vor.u32 $0x5D, v2  }
0x28f: {  	v13 =	vld.idx.msk [tilespmem:v8+s7+$0x0], $0xffff  }
0x290: {  	v4 =	vadd.f32 v5, v4;
	v5 =	vmul.f32 v7, v14;
	v7 =	vld.idx.msk [tilespmem:v8+s8+$0x0], $0xffff;
	v8 =	vor.u32 $0x5E, v2  }
0x291: {  	v14 =	vld.idx.msk [tilespmem:v10+s7+$0x0], $0xffff  }
0x292: {  	v4 =	vadd.f32 v5, v4;
	v5 =	vmul.f32 v9, v15;
	v9 =	vld.idx.msk [tilespmem:v10+s8+$0x0], $0xffff;
	v10 =	vor.u32 $0x5F, v2  }
0x293: {  	v15 =	vld.idx.msk [tilespmem:v11+s7+$0x0], $0xffff  }
0x294: {  	v4 =	vadd.f32 v5, v4;
	v5 =	vmul.f32 v6, v12;
	v6 =	vld.idx.msk [tilespmem:v11+s8+$0x0], $0xffff  }
0x295: {  	v11 =	vld.idx.msk [tilespmem:v8+s7+$0x0], $0xffff  }
0x296: {  	v4 =	vadd.f32 v5, v4;
	v5 =	vmul.f32 v7, v13;
	v7 =	vld.idx.msk [tilespmem:v8+s8+$0x0], $0xffff  }
0x297: {  	v8 =	vld.idx.msk [tilespmem:v10+s7+$0x0], $0xffff  }
0x298: {  	v4 =	vadd.f32 v5, v4;
	v5 =	vmul.f32 v9, v14;
	v9 =	vld.idx.msk [tilespmem:v10+s8+$0x0], $0xffff;
	_ =	sdelay $0x1  }
0x299: {  	v4 =	vadd.f32 v5, v4;
	v5 =	vmul.f32 v6, v15;
	_ =	sdelay $0x1  }
0x29a: {  	v4 =	vadd.f32 v5, v4;
	v5 =	vmul.f32 v7, v11;
	_ =	sdelay $0x1  }
0x29b: {  	v4 =	vadd.f32 v5, v4;
	v5 =	vmul.f32 v9, v8;
	_ =	sdelay $0x1  }
0x29c: {  	v4 =	vadd.f32 v5, v4;
	_ =	sdelay $0x1  }
0x29d: {  	v4 =	vmul.f32 $1.767766920e-01, v4;
	_ =	sdelay $0x1  }
0x29e: {  	v4 =	vmul.f32 $1.442695020e+00, v4;
	_ =	sdelay $0x1  }
0x29f: {  	(erf) = vpow2.f32 v4;
	_ =	sdelay $0x4  }
0x2a0: {  	v4 =	vor.u32 $0x2, v3;
	_ =	sdelay $0x1  }
0x2a1: {  	v5 =	vor.u32 $0x60, v2  }
0x2a2: {  	v6 =	vor.u32 $0x61, v2  }
0x2a3: {  	v7 =	vpop (erf)  }
0x2a4: {  	[tilespmem:v4+s11+$0x0] =	vst.idx.msk $0xffff, v7  }
0x2a5: {  	v4 =	vor.u32 $0x62, v2;
	[tilespmem:s19+$0x0] =	vst v7  }
0x2a6: {  	v7 =	vld.idx.msk [tilespmem:v5+s7+$0x0], $0xffff  }
0x2a7: {  	v9 =	vor.u32 $0x63, v2;
	v8 =	vld.idx.msk [tilespmem:v6+s8+$0x0], $0xffff  }
0x2a8: {  	v5 =	vld.idx.msk [tilespmem:v5+s8+$0x0], $0xffff  }
0x2a9: {  	v10 =	vor.u32 $0x64, v2;
	v6 =	vld.idx.msk [tilespmem:v6+s7+$0x0], $0xffff  }
0x2aa: {  	v11 =	vld.idx.msk [tilespmem:v4+s7+$0x0], $0xffff  }
0x2ab: {  	v12 =	vor.u32 $0x65, v2;
	v4 =	vld.idx.msk [tilespmem:v4+s8+$0x0], $0xffff  }
0x2ac: {  	v13 =	vld.idx.msk [tilespmem:v9+s7+$0x0], $0xffff  }
0x2ad: {  	v14 =	vor.u32 $0x66, v2;
	v9 =	vld.idx.msk [tilespmem:v9+s8+$0x0], $0xffff  }
0x2ae: {  	v5 =	vmul.f32 v5, v7;
	v7 =	vld.idx.msk [tilespmem:v10+s7+$0x0], $0xffff  }
0x2af: {  	v6 =	vmul.f32 v8, v6;
	v8 =	vld.idx.msk [tilespmem:v10+s8+$0x0], $0xffff;
	v10 =	vor.u32 $0x67, v2  }
0x2b0: {  	v5 =	vadd.f32 $0.0e+00, v5;
	v15 =	vld.idx.msk [tilespmem:v12+s7+$0x0], $0xffff  }
0x2b1: {  	v4 =	vmul.f32 v4, v11;
	v11 =	vld.idx.msk [tilespmem:v12+s8+$0x0], $0xffff;
	v12 =	vor.u32 $0x68, v2  }
0x2b2: {  	v5 =	vadd.f32 v6, v5;
	v6 =	vld.idx.msk [tilespmem:v14+s7+$0x0], $0xffff  }
0x2b3: {  	v9 =	vmul.f32 v9, v13;
	v13 =	vld.idx.msk [tilespmem:v14+s8+$0x0], $0xffff;
	v14 =	vor.u32 $0x69, v2  }
0x2b4: {  	v4 =	vadd.f32 v4, v5;
	v5 =	vld.idx.msk [tilespmem:v10+s7+$0x0], $0xffff  }
0x2b5: {  	v7 =	vmul.f32 v8, v7;
	v8 =	vld.idx.msk [tilespmem:v10+s8+$0x0], $0xffff;
	v10 =	vor.u32 $0x6A, v2  }
0x2b6: {  	v4 =	vadd.f32 v9, v4;
	v9 =	vld.idx.msk [tilespmem:v12+s7+$0x0], $0xffff  }
0x2b7: {  	v11 =	vmul.f32 v11, v15;
	v15 =	vor.u32 $0x6B, v2;
	v12 =	vld.idx.msk [tilespmem:v12+s8+$0x0], $0xffff  }
0x2b8: {  	v4 =	vadd.f32 v7, v4;
	v7 =	vld.idx.msk [tilespmem:v14+s7+$0x0], $0xffff  }
0x2b9: {  	v6 =	vmul.f32 v13, v6;
	v13 =	vld.idx.msk [tilespmem:v14+s8+$0x0], $0xffff;
	v14 =	vor.u32 $0x6C, v2  }
0x2ba: {  	v4 =	vadd.f32 v11, v4;
	v11 =	vld.idx.msk [tilespmem:v10+s7+$0x0], $0xffff  }
0x2bb: {  	v5 =	vmul.f32 v8, v5;
	v8 =	vld.idx.msk [tilespmem:v10+s8+$0x0], $0xffff;
	v10 =	vor.u32 $0x6D, v2  }
0x2bc: {  	v4 =	vadd.f32 v6, v4;
	v6 =	vld.idx.msk [tilespmem:v15+s7+$0x0], $0xffff  }
0x2bd: {  	v9 =	vmul.f32 v12, v9;
	v12 =	vld.idx.msk [tilespmem:v15+s8+$0x0], $0xffff;
	v15 =	vor.u32 $0x6E, v2  }
0x2be: {  	v4 =	vadd.f32 v5, v4;
	v5 =	vld.idx.msk [tilespmem:v14+s7+$0x0], $0xffff  }
0x2bf: {  	v7 =	vmul.f32 v13, v7;
	v13 =	vld.idx.msk [tilespmem:v14+s8+$0x0], $0xffff;
	v14 =	vor.u32 $0x6F, v2  }
0x2c0: {  	v4 =	vadd.f32 v9, v4;
	v9 =	vld.idx.msk [tilespmem:v10+s7+$0x0], $0xffff  }
0x2c1: {  	v8 =	vmul.f32 v8, v11;
	v11 =	vor.u32 $0x70, v2;
	v10 =	vld.idx.msk [tilespmem:v10+s8+$0x0], $0xffff  }
0x2c2: {  	v4 =	vadd.f32 v7, v4;
	v7 =	vld.idx.msk [tilespmem:v15+s7+$0x0], $0xffff  }
0x2c3: {  	v6 =	vmul.f32 v12, v6;
	v12 =	vld.idx.msk [tilespmem:v15+s8+$0x0], $0xffff;
	v15 =	vor.u32 $0x71, v2  }
0x2c4: {  	v4 =	vadd.f32 v8, v4;
	v8 =	vld.idx.msk [tilespmem:v14+s7+$0x0], $0xffff  }
0x2c5: {  	v5 =	vmul.f32 v13, v5;
	v13 =	vld.idx.msk [tilespmem:v14+s8+$0x0], $0xffff;
	v14 =	vor.u32 $0x72, v2  }
0x2c6: {  	v4 =	vadd.f32 v6, v4;
	v6 =	vld.idx.msk [tilespmem:v11+s7+$0x0], $0xffff  }
0x2c7: {  	v9 =	vmul.f32 v10, v9;
	v10 =	vld.idx.msk [tilespmem:v11+s8+$0x0], $0xffff;
	v11 =	vor.u32 $0x73, v2  }
0x2c8: {  	v4 =	vadd.f32 v5, v4;
	v5 =	vld.idx.msk [tilespmem:v15+s7+$0x0], $0xffff  }
0x2c9: {  	v7 =	vmul.f32 v12, v7;
	v12 =	vld.idx.msk [tilespmem:v15+s8+$0x0], $0xffff;
	v15 =	vor.u32 $0x74, v2  }
0x2ca: {  	v4 =	vadd.f32 v9, v4;
	v9 =	vld.idx.msk [tilespmem:v14+s7+$0x0], $0xffff  }
0x2cb: {  	v8 =	vmul.f32 v13, v8;
	v13 =	vld.idx.msk [tilespmem:v14+s8+$0x0], $0xffff;
	v14 =	vor.u32 $0x75, v2  }
0x2cc: {  	v4 =	vadd.f32 v7, v4;
	v7 =	vld.idx.msk [tilespmem:v11+s7+$0x0], $0xffff  }
0x2cd: {  	v6 =	vmul.f32 v10, v6;
	v10 =	vld.idx.msk [tilespmem:v11+s8+$0x0], $0xffff;
	v11 =	vor.u32 $0x76, v2  }
0x2ce: {  	v4 =	vadd.f32 v8, v4;
	v8 =	vld.idx.msk [tilespmem:v15+s7+$0x0], $0xffff  }
0x2cf: {  	v5 =	vmul.f32 v12, v5;
	v12 =	vld.idx.msk [tilespmem:v15+s8+$0x0], $0xffff;
	v15 =	vor.u32 $0x77, v2  }
0x2d0: {  	v4 =	vadd.f32 v6, v4;
	v6 =	vld.idx.msk [tilespmem:v14+s7+$0x0], $0xffff  }
0x2d1: {  	v9 =	vmul.f32 v13, v9;
	v13 =	vld.idx.msk [tilespmem:v14+s8+$0x0], $0xffff;
	v14 =	vor.u32 $0x78, v2  }
0x2d2: {  	v4 =	vadd.f32 v5, v4;
	v5 =	vld.idx.msk [tilespmem:v11+s7+$0x0], $0xffff  }
0x2d3: {  	v7 =	vmul.f32 v10, v7;
	v10 =	vld.idx.msk [tilespmem:v11+s8+$0x0], $0xffff;
	v11 =	vor.u32 $0x79, v2  }
0x2d4: {  	v4 =	vadd.f32 v9, v4;
	v9 =	vld.idx.msk [tilespmem:v15+s7+$0x0], $0xffff  }
0x2d5: {  	v8 =	vmul.f32 v12, v8;
	v12 =	vld.idx.msk [tilespmem:v15+s8+$0x0], $0xffff;
	v15 =	vor.u32 $0x7A, v2  }
0x2d6: {  	v4 =	vadd.f32 v7, v4;
	v7 =	vld.idx.msk [tilespmem:v14+s7+$0x0], $0xffff  }
0x2d7: {  	v6 =	vmul.f32 v13, v6;
	v13 =	vld.idx.msk [tilespmem:v14+s8+$0x0], $0xffff;
	v14 =	vor.u32 $0x7B, v2  }
0x2d8: {  	v4 =	vadd.f32 v8, v4;
	v8 =	vld.idx.msk [tilespmem:v11+s7+$0x0], $0xffff  }
0x2d9: {  	v5 =	vmul.f32 v10, v5;
	v10 =	vld.idx.msk [tilespmem:v11+s8+$0x0], $0xffff;
	v11 =	vor.u32 $0x7C, v2  }
0x2da: {  	v4 =	vadd.f32 v6, v4;
	v6 =	vld.idx.msk [tilespmem:v15+s7+$0x0], $0xffff  }
0x2db: {  	v9 =	vmul.f32 v12, v9;
	v12 =	vld.idx.msk [tilespmem:v15+s8+$0x0], $0xffff;
	v15 =	vor.u32 $0x7D, v2  }
0x2dc: {  	v4 =	vadd.f32 v5, v4;
	v5 =	vld.idx.msk [tilespmem:v14+s7+$0x0], $0xffff  }
0x2dd: {  	v7 =	vmul.f32 v13, v7;
	v13 =	vld.idx.msk [tilespmem:v14+s8+$0x0], $0xffff;
	v14 =	vor.u32 $0x7E, v2  }
0x2de: {  	v4 =	vadd.f32 v9, v4;
	v9 =	vld.idx.msk [tilespmem:v11+s7+$0x0], $0xffff  }
0x2df: {  	v2 =	vor.u32 $0x7F, v2;
	v8 =	vmul.f32 v10, v8;
	v10 =	vld.idx.msk [tilespmem:v11+s8+$0x0], $0xffff  }
0x2e0: {  	v4 =	vadd.f32 v7, v4;
	v7 =	vld.idx.msk [tilespmem:v15+s7+$0x0], $0xffff  }
0x2e1: {  	v6 =	vmul.f32 v12, v6;
	v11 =	vld.idx.msk [tilespmem:v15+s8+$0x0], $0xffff  }
0x2e2: {  	v4 =	vadd.f32 v8, v4;
	v8 =	vld.idx.msk [tilespmem:v14+s7+$0x0], $0xffff  }
0x2e3: {  	v5 =	vmul.f32 v13, v5;
	v12 =	vld.idx.msk [tilespmem:v14+s8+$0x0], $0xffff  }
0x2e4: {  	v4 =	vadd.f32 v6, v4;
	v6 =	vld.idx.msk [tilespmem:v2+s7+$0x0], $0xffff  }
0x2e5: {  	v9 =	vmul.f32 v10, v9;
	v2 =	vld.idx.msk [tilespmem:v2+s8+$0x0], $0xffff  }
0x2e6: {  	v4 =	vadd.f32 v5, v4  }
0x2e7: {  	v5 =	vmul.f32 v11, v7  }
0x2e8: {  	v4 =	vadd.f32 v9, v4  }
0x2e9: {  	v7 =	vmul.f32 v12, v8  }
0x2ea: {  	v4 =	vadd.f32 v5, v4  }
0x2eb: {  	v2 =	vmul.f32 v2, v6  }
0x2ec: {  	v4 =	vadd.f32 v7, v4;
	_ =	sdelay $0x1  }
0x2ed: {  	v2 =	vadd.f32 v2, v4;
	_ =	sdelay $0x1  }
0x2ee: {  	v2 =	vmul.f32 $1.767766920e-01, v2;
	_ =	sdelay $0x1  }
0x2ef: {  	v2 =	vmul.f32 $1.442695020e+00, v2;
	_ =	sdelay $0x1  }
.Ltmp1:
0x2f0: {  	(erf) = vpow2.f32 v2;
	(pc) =	sbr.rel @p1 .LBB2_5-.Ltmp1, $2  }
0x2f1: {  	_ =	sdelay $0x2  }
0x2f2: {  	v2 =	vor.u32 $0x3, v3  }
0x2f3: {  	_ =	sdelay $0x3  }
0x2f4: {  	v3 =	vpop (erf)  }
0x2f5: {  	[tilespmem:v2+s11+$0x0] =	vst.idx.msk $0xffff, v3  }
0x2f6: {  	[tilespmem:s21+$0x80] =	vst v3  }
0x2f7: {  	[tilespmem:s8], [sflag:$0x2] =	stream.indirect.gather [hbm4b:s15+s6], $0x80, s4, s6, $0xb8;
	[tilespmem:$0x1ED80] =	vst v63  }
0x2f8: {  	_ =	swait.ge [sflag:s10], $0x2800  }
0x2f9: {  	[sflag:s10] =	ssyncset.done $0x0  }
0x2fa: {  	s18 =	simm.s32 $0x0;
	s19 =	simm.s32 $0xA280;
	[sflag:s10] =	ssyncadd.s32 $0xFFFFD800  }
.LBB2_7:
0x2fb: {  	v2 =	vmov s18  }
0x2fc: {  	v2 =	vshll.u32 v2, $0x7  }
0x2fd: {  	v2 =	vor.u32 v1, v2;
	_ =	sdelay $0x3  }
0x2fe: {  	v3 =	vld [tilespmem:s19+$0xFFFFFF00]  }
0x2ff: {  	v4 =	vld.idx.msk [tilespmem:v2+s8+$0x0], $0xffff;
	_ =	sdelay $0x2  }
0x300: {  	v5 =	vor.u32 $0x1, v2;
	_ =	sdelay $0x1  }
0x301: {  	v4 =	vmul.f32 v4, v3;
	_ =	sdelay $0x1  }
0x302: {  	[tilespmem:v2+s31+$0x0] =	vst.idx.msk $0xffff, v4  }
0x303: {  	v4 =	vld.idx.msk [tilespmem:v5+s8+$0x0], $0xffff;
	_ =	sdelay $0x2  }
0x304: {  	v6 =	vor.u32 $0x2, v2;
	_ =	sdelay $0x1  }
0x305: {  	v4 =	vmul.f32 v4, v3;
	_ =	sdelay $0x1  }
0x306: {  	[tilespmem:v5+s31+$0x0] =	vst.idx.msk $0xffff, v4  }
0x307: {  	v4 =	vld.idx.msk [tilespmem:v6+s8+$0x0], $0xffff;
	_ =	sdelay $0x2  }
0x308: {  	v47 =	vor.u32 $0x3, v2;
	_ =	sdelay $0x1  }
0x309: {  	v4 =	vmul.f32 v4, v3;
	_ =	sdelay $0x1  }
0x30a: {  	[tilespmem:v6+s31+$0x0] =	vst.idx.msk $0xffff, v4  }
0x30b: {  	v4 =	vld.idx.msk [tilespmem:v47+s8+$0x0], $0xffff;
	_ =	sdelay $0x2  }
0x30c: {  	v48 =	vor.u32 $0x4, v2;
	_ =	sdelay $0x1  }
0x30d: {  	v4 =	vmul.f32 v4, v3;
	_ =	sdelay $0x1  }
0x30e: {  	[tilespmem:v47+s31+$0x0] =	vst.idx.msk $0xffff, v4  }
0x30f: {  	v4 =	vld.idx.msk [tilespmem:v48+s8+$0x0], $0xffff;
	_ =	sdelay $0x2  }
0x310: {  	v49 =	vor.u32 $0x5, v2;
	_ =	sdelay $0x1  }
0x311: {  	v4 =	vmul.f32 v4, v3;
	_ =	sdelay $0x1  }
0x312: {  	[tilespmem:v48+s31+$0x0] =	vst.idx.msk $0xffff, v4  }
0x313: {  	v4 =	vld.idx.msk [tilespmem:v49+s8+$0x0], $0xffff;
	_ =	sdelay $0x2  }
0x314: {  	v50 =	vor.u32 $0x6, v2;
	_ =	sdelay $0x1  }
0x315: {  	v4 =	vmul.f32 v4, v3;
	_ =	sdelay $0x1  }
0x316: {  	[tilespmem:v49+s31+$0x0] =	vst.idx.msk $0xffff, v4  }
0x317: {  	v4 =	vld.idx.msk [tilespmem:v50+s8+$0x0], $0xffff;
	_ =	sdelay $0x2  }
0x318: {  	v51 =	vor.u32 $0x7, v2;
	_ =	sdelay $0x1  }
0x319: {  	v4 =	vmul.f32 v4, v3;
	_ =	sdelay $0x1  }
0x31a: {  	[tilespmem:v50+s31+$0x0] =	vst.idx.msk $0xffff, v4  }
0x31b: {  	v4 =	vld.idx.msk [tilespmem:v51+s8+$0x0], $0xffff;
	_ =	sdelay $0x2  }
0x31c: {  	v52 =	vor.u32 $0x8, v2;
	_ =	sdelay $0x1  }
0x31d: {  	v4 =	vmul.f32 v4, v3;
	_ =	sdelay $0x1  }
0x31e: {  	[tilespmem:v51+s31+$0x0] =	vst.idx.msk $0xffff, v4  }
0x31f: {  	v4 =	vld.idx.msk [tilespmem:v52+s8+$0x0], $0xffff;
	_ =	sdelay $0x2  }
0x320: {  	v53 =	vor.u32 $0x9, v2;
	_ =	sdelay $0x1  }
0x321: {  	v4 =	vmul.f32 v4, v3;
	_ =	sdelay $0x1  }
0x322: {  	[tilespmem:v52+s31+$0x0] =	vst.idx.msk $0xffff, v4  }
0x323: {  	v4 =	vld.idx.msk [tilespmem:v53+s8+$0x0], $0xffff;
	_ =	sdelay $0x2  }
0x324: {  	v54 =	vor.u32 $0xA, v2;
	_ =	sdelay $0x1  }
0x325: {  	v4 =	vmul.f32 v4, v3;
	_ =	sdelay $0x1  }
0x326: {  	[tilespmem:v53+s31+$0x0] =	vst.idx.msk $0xffff, v4  }
0x327: {  	v4 =	vld.idx.msk [tilespmem:v54+s8+$0x0], $0xffff;
	_ =	sdelay $0x2  }
0x328: {  	v55 =	vor.u32 $0xB, v2;
	_ =	sdelay $0x1  }
0x329: {  	v4 =	vmul.f32 v4, v3;
	_ =	sdelay $0x1  }
0x32a: {  	[tilespmem:v54+s31+$0x0] =	vst.idx.msk $0xffff, v4  }
0x32b: {  	v4 =	vld.idx.msk [tilespmem:v55+s8+$0x0], $0xffff;
	_ =	sdelay $0x2  }
0x32c: {  	v56 =	vor.u32 $0xC, v2;
	_ =	sdelay $0x1  }
0x32d: {  	v4 =	vmul.f32 v4, v3;
	_ =	sdelay $0x1  }
0x32e: {  	[tilespmem:v55+s31+$0x0] =	vst.idx.msk $0xffff, v4  }
0x32f: {  	v4 =	vld.idx.msk [tilespmem:v56+s8+$0x0], $0xffff;
	_ =	sdelay $0x2  }
0x330: {  	v57 =	vor.u32 $0xD, v2;
	_ =	sdelay $0x1  }
0x331: {  	v4 =	vmul.f32 v4, v3;
	_ =	sdelay $0x1  }
0x332: {  	[tilespmem:v56+s31+$0x0] =	vst.idx.msk $0xffff, v4  }
0x333: {  	v4 =	vld.idx.msk [tilespmem:v57+s8+$0x0], $0xffff;
	_ =	sdelay $0x2  }
0x334: {  	v58 =	vor.u32 $0xE, v2;
	_ =	sdelay $0x1  }
0x335: {  	v4 =	vmul.f32 v4, v3;
	_ =	sdelay $0x1  }
0x336: {  	[tilespmem:v57+s31+$0x0] =	vst.idx.msk $0xffff, v4  }
0x337: {  	v4 =	vld.idx.msk [tilespmem:v58+s8+$0x0], $0xffff;
	_ =	sdelay $0x2  }
0x338: {  	v59 =	vor.u32 $0xF, v2;
	_ =	sdelay $0x1  }
0x339: {  	v4 =	vmul.f32 v4, v3;
	_ =	sdelay $0x1  }
0x33a: {  	[tilespmem:v58+s31+$0x0] =	vst.idx.msk $0xffff, v4  }
0x33b: {  	v4 =	vld.idx.msk [tilespmem:v59+s8+$0x0], $0xffff;
	_ =	sdelay $0x2  }
0x33c: {  	v60 =	vor.u32 $0x10, v2;
	_ =	sdelay $0x1  }
0x33d: {  	v4 =	vmul.f32 v4, v3;
	_ =	sdelay $0x1  }
0x33e: {  	[tilespmem:v59+s31+$0x0] =	vst.idx.msk $0xffff, v4  }
0x33f: {  	v4 =	vld.idx.msk [tilespmem:v60+s8+$0x0], $0xffff;
	_ =	sdelay $0x2  }
0x340: {  	v61 =	vor.u32 $0x11, v2;
	_ =	sdelay $0x1  }
0x341: {  	v4 =	vmul.f32 v4, v3;
	_ =	sdelay $0x1  }
0x342: {  	[tilespmem:v60+s31+$0x0] =	vst.idx.msk $0xffff, v4  }
0x343: {  	v4 =	vld.idx.msk [tilespmem:v61+s8+$0x0], $0xffff;
	_ =	sdelay $0x2  }
0x344: {  	v62 =	vor.u32 $0x12, v2;
	_ =	sdelay $0x1  }
0x345: {  	v4 =	vmul.f32 v4, v3;
	_ =	sdelay $0x1  }
0x346: {  	[tilespmem:v61+s31+$0x0] =	vst.idx.msk $0xffff, v4  }
0x347: {  	v4 =	vld.idx.msk [tilespmem:v62+s8+$0x0], $0xffff;
	_ =	sdelay $0x2  }
0x348: {  	v63 =	vor.u32 $0x13, v2;
	_ =	sdelay $0x1  }
0x349: {  	v4 =	vmul.f32 v4, v3;
	_ =	sdelay $0x1  }
0x34a: {  	[tilespmem:v62+s31+$0x0] =	vst.idx.msk $0xffff, v4  }
0x34b: {  	v4 =	vld.idx.msk [tilespmem:v63+s8+$0x0], $0xffff;
	_ =	sdelay $0x2  }
0x34c: {  	v9 =	vor.u32 $0x14, v2;
	_ =	sdelay $0x1  }
0x34d: {  	v4 =	vmul.f32 v4, v3;
	_ =	sdelay $0x1  }
0x34e: {  	[tilespmem:v63+s31+$0x0] =	vst.idx.msk $0xffff, v4  }
0x34f: {  	v4 =	vld.idx.msk [tilespmem:v9+s8+$0x0], $0xffff;
	_ =	sdelay $0x2  }
0x350: {  	v10 =	vor.u32 $0x15, v2;
	_ =	sdelay $0x1  }
0x351: {  	v4 =	vmul.f32 v4, v3;
	_ =	sdelay $0x1  }
0x352: {  	[tilespmem:v9+s31+$0x0] =	vst.idx.msk $0xffff, v4  }
0x353: {  	v4 =	vld.idx.msk [tilespmem:v10+s8+$0x0], $0xffff;
	_ =	sdelay $0x2  }
0x354: {  	v11 =	vor.u32 $0x16, v2;
	_ =	sdelay $0x1  }
0x355: {  	v4 =	vmul.f32 v4, v3;
	_ =	sdelay $0x1  }
0x356: {  	[tilespmem:v10+s31+$0x0] =	vst.idx.msk $0xffff, v4  }
0x357: {  	v4 =	vld.idx.msk [tilespmem:v11+s8+$0x0], $0xffff;
	_ =	sdelay $0x2  }
0x358: {  	v12 =	vor.u32 $0x17, v2;
	_ =	sdelay $0x1  }
0x359: {  	v4 =	vmul.f32 v4, v3;
	_ =	sdelay $0x1  }
0x35a: {  	[tilespmem:v11+s31+$0x0] =	vst.idx.msk $0xffff, v4  }
0x35b: {  	v4 =	vld.idx.msk [tilespmem:v12+s8+$0x0], $0xffff;
	_ =	sdelay $0x2  }
0x35c: {  	v13 =	vor.u32 $0x18, v2;
	_ =	sdelay $0x1  }
0x35d: {  	v4 =	vmul.f32 v4, v3;
	_ =	sdelay $0x1  }
0x35e: {  	[tilespmem:v12+s31+$0x0] =	vst.idx.msk $0xffff, v4  }
0x35f: {  	v4 =	vld.idx.msk [tilespmem:v13+s8+$0x0], $0xffff;
	_ =	sdelay $0x2  }
0x360: {  	v14 =	vor.u32 $0x19, v2;
	_ =	sdelay $0x1  }
0x361: {  	v4 =	vmul.f32 v4, v3;
	_ =	sdelay $0x1  }
0x362: {  	[tilespmem:v13+s31+$0x0] =	vst.idx.msk $0xffff, v4  }
0x363: {  	v4 =	vld.idx.msk [tilespmem:v14+s8+$0x0], $0xffff;
	_ =	sdelay $0x2  }
0x364: {  	v15 =	vor.u32 $0x1A, v2;
	_ =	sdelay $0x1  }
0x365: {  	v4 =	vmul.f32 v4, v3;
	_ =	sdelay $0x1  }
0x366: {  	[tilespmem:v14+s31+$0x0] =	vst.idx.msk $0xffff, v4  }
0x367: {  	v4 =	vld.idx.msk [tilespmem:v15+s8+$0x0], $0xffff;
	_ =	sdelay $0x2  }
0x368: {  	v16 =	vor.u32 $0x1B, v2;
	_ =	sdelay $0x1  }
0x369: {  	v4 =	vmul.f32 v4, v3;
	_ =	sdelay $0x1  }
0x36a: {  	[tilespmem:v15+s31+$0x0] =	vst.idx.msk $0xffff, v4  }
0x36b: {  	v4 =	vld.idx.msk [tilespmem:v16+s8+$0x0], $0xffff;
	_ =	sdelay $0x2  }
0x36c: {  	v17 =	vor.u32 $0x1C, v2;
	_ =	sdelay $0x1  }
0x36d: {  	v4 =	vmul.f32 v4, v3;
	_ =	sdelay $0x1  }
0x36e: {  	[tilespmem:v16+s31+$0x0] =	vst.idx.msk $0xffff, v4  }
0x36f: {  	v4 =	vld.idx.msk [tilespmem:v17+s8+$0x0], $0xffff;
	_ =	sdelay $0x2  }
0x370: {  	v18 =	vor.u32 $0x1D, v2;
	_ =	sdelay $0x1  }
0x371: {  	v4 =	vmul.f32 v4, v3;
	_ =	sdelay $0x1  }
0x372: {  	[tilespmem:v17+s31+$0x0] =	vst.idx.msk $0xffff, v4  }
0x373: {  	v4 =	vld.idx.msk [tilespmem:v18+s8+$0x0], $0xffff;
	_ =	sdelay $0x2  }
0x374: {  	v19 =	vor.u32 $0x1E, v2;
	_ =	sdelay $0x1  }
0x375: {  	v4 =	vmul.f32 v4, v3;
	_ =	sdelay $0x1  }
0x376: {  	[tilespmem:v18+s31+$0x0] =	vst.idx.msk $0xffff, v4  }
0x377: {  	v4 =	vld.idx.msk [tilespmem:v19+s8+$0x0], $0xffff;
	_ =	sdelay $0x2  }
0x378: {  	v20 =	vor.u32 $0x1F, v2;
	_ =	sdelay $0x1  }
0x379: {  	v4 =	vmul.f32 v4, v3;
	_ =	sdelay $0x1  }
0x37a: {  	[tilespmem:v19+s31+$0x0] =	vst.idx.msk $0xffff, v4  }
0x37b: {  	v4 =	vld.idx.msk [tilespmem:v20+s8+$0x0], $0xffff;
	_ =	sdelay $0x3  }
0x37c: {  	v21 =	vor.u32 $0x20, v2  }
0x37d: {  	v3 =	vmul.f32 v4, v3;
	_ =	sdelay $0x1  }
0x37e: {  	[tilespmem:v20+s31+$0x0] =	vst.idx.msk $0xffff, v3  }
0x37f: {  	v3 =	vld [tilespmem:s19+$0xFFFFFF80]  }
0x380: {  	v22 =	vld.idx.msk [tilespmem:v21+s8+$0x0], $0xffff;
	_ =	sdelay $0x2  }
0x381: {  	v23 =	vor.u32 $0x21, v2;
	_ =	sdelay $0x1  }
0x382: {  	v4 =	vmul.f32 v22, v3;
	_ =	sdelay $0x1  }
0x383: {  	[tilespmem:v21+s31+$0x0] =	vst.idx.msk $0xffff, v4  }
0x384: {  	v4 =	vld.idx.msk [tilespmem:v23+s8+$0x0], $0xffff;
	_ =	sdelay $0x2  }
0x385: {  	v24 =	vor.u32 $0x22, v2;
	_ =	sdelay $0x1  }
0x386: {  	v4 =	vmul.f32 v4, v3;
	_ =	sdelay $0x1  }
0x387: {  	[tilespmem:v23+s31+$0x0] =	vst.idx.msk $0xffff, v4  }
0x388: {  	v4 =	vld.idx.msk [tilespmem:v24+s8+$0x0], $0xffff;
	_ =	sdelay $0x2  }
0x389: {  	v25 =	vor.u32 $0x23, v2;
	_ =	sdelay $0x1  }
0x38a: {  	v4 =	vmul.f32 v4, v3;
	_ =	sdelay $0x1  }
0x38b: {  	[tilespmem:v24+s31+$0x0] =	vst.idx.msk $0xffff, v4  }
0x38c: {  	v4 =	vld.idx.msk [tilespmem:v25+s8+$0x0], $0xffff;
	_ =	sdelay $0x2  }
0x38d: {  	v26 =	vor.u32 $0x24, v2;
	_ =	sdelay $0x1  }
0x38e: {  	v4 =	vmul.f32 v4, v3;
	_ =	sdelay $0x1  }
0x38f: {  	[tilespmem:v25+s31+$0x0] =	vst.idx.msk $0xffff, v4  }
0x390: {  	v4 =	vld.idx.msk [tilespmem:v26+s8+$0x0], $0xffff;
	_ =	sdelay $0x2  }
0x391: {  	v27 =	vor.u32 $0x25, v2;
	_ =	sdelay $0x1  }
0x392: {  	v4 =	vmul.f32 v4, v3;
	_ =	sdelay $0x1  }
0x393: {  	[tilespmem:v26+s31+$0x0] =	vst.idx.msk $0xffff, v4  }
0x394: {  	v4 =	vld.idx.msk [tilespmem:v27+s8+$0x0], $0xffff;
	_ =	sdelay $0x2  }
0x395: {  	v28 =	vor.u32 $0x26, v2;
	_ =	sdelay $0x1  }
0x396: {  	v4 =	vmul.f32 v4, v3;
	_ =	sdelay $0x1  }
0x397: {  	[tilespmem:v27+s31+$0x0] =	vst.idx.msk $0xffff, v4  }
0x398: {  	v4 =	vld.idx.msk [tilespmem:v28+s8+$0x0], $0xffff;
	_ =	sdelay $0x2  }
0x399: {  	v29 =	vor.u32 $0x27, v2;
	_ =	sdelay $0x1  }
0x39a: {  	v4 =	vmul.f32 v4, v3;
	_ =	sdelay $0x1  }
0x39b: {  	[tilespmem:v28+s31+$0x0] =	vst.idx.msk $0xffff, v4  }
0x39c: {  	v4 =	vld.idx.msk [tilespmem:v29+s8+$0x0], $0xffff;
	_ =	sdelay $0x2  }
0x39d: {  	v30 =	vor.u32 $0x28, v2;
	_ =	sdelay $0x1  }
0x39e: {  	v4 =	vmul.f32 v4, v3;
	_ =	sdelay $0x1  }
0x39f: {  	[tilespmem:v29+s31+$0x0] =	vst.idx.msk $0xffff, v4  }
0x3a0: {  	v4 =	vld.idx.msk [tilespmem:v30+s8+$0x0], $0xffff;
	_ =	sdelay $0x2  }
0x3a1: {  	v31 =	vor.u32 $0x29, v2;
	_ =	sdelay $0x1  }
0x3a2: {  	v4 =	vmul.f32 v4, v3;
	_ =	sdelay $0x1  }
0x3a3: {  	[tilespmem:v30+s31+$0x0] =	vst.idx.msk $0xffff, v4  }
0x3a4: {  	v4 =	vld.idx.msk [tilespmem:v31+s8+$0x0], $0xffff;
	_ =	sdelay $0x2  }
0x3a5: {  	v32 =	vor.u32 $0x2A, v2;
	_ =	sdelay $0x1  }
0x3a6: {  	v4 =	vmul.f32 v4, v3;
	_ =	sdelay $0x1  }
0x3a7: {  	[tilespmem:v31+s31+$0x0] =	vst.idx.msk $0xffff, v4  }
0x3a8: {  	v4 =	vld.idx.msk [tilespmem:v32+s8+$0x0], $0xffff;
	_ =	sdelay $0x2  }
0x3a9: {  	v33 =	vor.u32 $0x2B, v2;
	_ =	sdelay $0x1  }
0x3aa: {  	v4 =	vmul.f32 v4, v3;
	_ =	sdelay $0x1  }
0x3ab: {  	[tilespmem:v32+s31+$0x0] =	vst.idx.msk $0xffff, v4  }
0x3ac: {  	v4 =	vld.idx.msk [tilespmem:v33+s8+$0x0], $0xffff;
	_ =	sdelay $0x2  }
0x3ad: {  	v34 =	vor.u32 $0x2C, v2;
	_ =	sdelay $0x1  }
0x3ae: {  	v4 =	vmul.f32 v4, v3;
	_ =	sdelay $0x1  }
0x3af: {  	[tilespmem:v33+s31+$0x0] =	vst.idx.msk $0xffff, v4  }
0x3b0: {  	v4 =	vld.idx.msk [tilespmem:v34+s8+$0x0], $0xffff;
	_ =	sdelay $0x2  }
0x3b1: {  	v35 =	vor.u32 $0x2D, v2;
	_ =	sdelay $0x1  }
0x3b2: {  	v4 =	vmul.f32 v4, v3;
	_ =	sdelay $0x1  }
0x3b3: {  	[tilespmem:v34+s31+$0x0] =	vst.idx.msk $0xffff, v4  }
0x3b4: {  	v4 =	vld.idx.msk [tilespmem:v35+s8+$0x0], $0xffff;
	_ =	sdelay $0x2  }
0x3b5: {  	v36 =	vor.u32 $0x2E, v2;
	_ =	sdelay $0x1  }
0x3b6: {  	v4 =	vmul.f32 v4, v3;
	_ =	sdelay $0x1  }
0x3b7: {  	[tilespmem:v35+s31+$0x0] =	vst.idx.msk $0xffff, v4  }
0x3b8: {  	v4 =	vld.idx.msk [tilespmem:v36+s8+$0x0], $0xffff;
	_ =	sdelay $0x2  }
0x3b9: {  	v37 =	vor.u32 $0x2F, v2;
	_ =	sdelay $0x1  }
0x3ba: {  	v4 =	vmul.f32 v4, v3;
	_ =	sdelay $0x1  }
0x3bb: {  	[tilespmem:v36+s31+$0x0] =	vst.idx.msk $0xffff, v4  }
0x3bc: {  	v4 =	vld.idx.msk [tilespmem:v37+s8+$0x0], $0xffff;
	_ =	sdelay $0x2  }
0x3bd: {  	v38 =	vor.u32 $0x30, v2;
	_ =	sdelay $0x1  }
0x3be: {  	v4 =	vmul.f32 v4, v3;
	_ =	sdelay $0x1  }
0x3bf: {  	[tilespmem:v37+s31+$0x0] =	vst.idx.msk $0xffff, v4  }
0x3c0: {  	v4 =	vld.idx.msk [tilespmem:v38+s8+$0x0], $0xffff;
	_ =	sdelay $0x2  }
0x3c1: {  	v39 =	vor.u32 $0x31, v2;
	_ =	sdelay $0x1  }
0x3c2: {  	v4 =	vmul.f32 v4, v3;
	_ =	sdelay $0x1  }
0x3c3: {  	[tilespmem:v38+s31+$0x0] =	vst.idx.msk $0xffff, v4  }
0x3c4: {  	v4 =	vld.idx.msk [tilespmem:v39+s8+$0x0], $0xffff;
	_ =	sdelay $0x2  }
0x3c5: {  	v40 =	vor.u32 $0x32, v2;
	_ =	sdelay $0x1  }
0x3c6: {  	v4 =	vmul.f32 v4, v3;
	_ =	sdelay $0x1  }
0x3c7: {  	[tilespmem:v39+s31+$0x0] =	vst.idx.msk $0xffff, v4  }
0x3c8: {  	v4 =	vld.idx.msk [tilespmem:v40+s8+$0x0], $0xffff;
	_ =	sdelay $0x2  }
0x3c9: {  	v41 =	vor.u32 $0x33, v2;
	_ =	sdelay $0x1  }
0x3ca: {  	v4 =	vmul.f32 v4, v3;
	_ =	sdelay $0x1  }
0x3cb: {  	[tilespmem:v40+s31+$0x0] =	vst.idx.msk $0xffff, v4  }
0x3cc: {  	v4 =	vld.idx.msk [tilespmem:v41+s8+$0x0], $0xffff;
	_ =	sdelay $0x2  }
0x3cd: {  	v42 =	vor.u32 $0x34, v2;
	_ =	sdelay $0x1  }
0x3ce: {  	v4 =	vmul.f32 v4, v3;
	_ =	sdelay $0x1  }
0x3cf: {  	[tilespmem:v41+s31+$0x0] =	vst.idx.msk $0xffff, v4  }
0x3d0: {  	v4 =	vld.idx.msk [tilespmem:v42+s8+$0x0], $0xffff;
	_ =	sdelay $0x2  }
0x3d1: {  	v43 =	vor.u32 $0x35, v2;
	_ =	sdelay $0x1  }
0x3d2: {  	v4 =	vmul.f32 v4, v3;
	_ =	sdelay $0x1  }
0x3d3: {  	[tilespmem:v42+s31+$0x0] =	vst.idx.msk $0xffff, v4  }
0x3d4: {  	v4 =	vld.idx.msk [tilespmem:v43+s8+$0x0], $0xffff;
	_ =	sdelay $0x2  }
0x3d5: {  	v44 =	vor.u32 $0x36, v2;
	_ =	sdelay $0x1  }
0x3d6: {  	v4 =	vmul.f32 v4, v3;
	_ =	sdelay $0x1  }
0x3d7: {  	[tilespmem:v43+s31+$0x0] =	vst.idx.msk $0xffff, v4  }
0x3d8: {  	v4 =	vld.idx.msk [tilespmem:v44+s8+$0x0], $0xffff;
	_ =	sdelay $0x2  }
0x3d9: {  	v45 =	vor.u32 $0x37, v2;
	_ =	sdelay $0x1  }
0x3da: {  	v4 =	vmul.f32 v4, v3;
	_ =	sdelay $0x1  }
0x3db: {  	[tilespmem:v44+s31+$0x0] =	vst.idx.msk $0xffff, v4  }
0x3dc: {  	v4 =	vld.idx.msk [tilespmem:v45+s8+$0x0], $0xffff;
	_ =	sdelay $0x2  }
0x3dd: {  	v46 =	vor.u32 $0x38, v2;
	_ =	sdelay $0x1  }
0x3de: {  	v4 =	vmul.f32 v4, v3;
	_ =	sdelay $0x1  }
0x3df: {  	[tilespmem:v45+s31+$0x0] =	vst.idx.msk $0xffff, v4  }
0x3e0: {  	v4 =	vld.idx.msk [tilespmem:v46+s8+$0x0], $0xffff;
	_ =	sdelay $0x2  }
0x3e1: {  	v47 =	vor.u32 $0x39, v2;
	_ =	sdelay $0x1  }
0x3e2: {  	v4 =	vmul.f32 v4, v3;
	_ =	sdelay $0x1  }
0x3e3: {  	[tilespmem:v46+s31+$0x0] =	vst.idx.msk $0xffff, v4  }
0x3e4: {  	v4 =	vld.idx.msk [tilespmem:v47+s8+$0x0], $0xffff;
	_ =	sdelay $0x2  }
0x3e5: {  	v48 =	vor.u32 $0x3A, v2;
	_ =	sdelay $0x1  }
0x3e6: {  	v4 =	vmul.f32 v4, v3;
	_ =	sdelay $0x1  }
0x3e7: {  	[tilespmem:v47+s31+$0x0] =	vst.idx.msk $0xffff, v4  }
0x3e8: {  	v4 =	vld.idx.msk [tilespmem:v48+s8+$0x0], $0xffff;
	_ =	sdelay $0x2  }
0x3e9: {  	v49 =	vor.u32 $0x3B, v2;
	_ =	sdelay $0x1  }
0x3ea: {  	v4 =	vmul.f32 v4, v3;
	_ =	sdelay $0x1  }
0x3eb: {  	[tilespmem:v48+s31+$0x0] =	vst.idx.msk $0xffff, v4  }
0x3ec: {  	v4 =	vld.idx.msk [tilespmem:v49+s8+$0x0], $0xffff;
	_ =	sdelay $0x2  }
0x3ed: {  	v50 =	vor.u32 $0x3C, v2;
	_ =	sdelay $0x1  }
0x3ee: {  	v4 =	vmul.f32 v4, v3;
	_ =	sdelay $0x1  }
0x3ef: {  	[tilespmem:v49+s31+$0x0] =	vst.idx.msk $0xffff, v4  }
0x3f0: {  	v4 =	vld.idx.msk [tilespmem:v50+s8+$0x0], $0xffff;
	_ =	sdelay $0x2  }
0x3f1: {  	v51 =	vor.u32 $0x3D, v2;
	_ =	sdelay $0x1  }
0x3f2: {  	v4 =	vmul.f32 v4, v3;
	_ =	sdelay $0x1  }
0x3f3: {  	[tilespmem:v50+s31+$0x0] =	vst.idx.msk $0xffff, v4  }
0x3f4: {  	v4 =	vld.idx.msk [tilespmem:v51+s8+$0x0], $0xffff;
	_ =	sdelay $0x2  }
0x3f5: {  	v52 =	vor.u32 $0x3E, v2;
	_ =	sdelay $0x1  }
0x3f6: {  	v4 =	vmul.f32 v4, v3;
	_ =	sdelay $0x1  }
0x3f7: {  	[tilespmem:v51+s31+$0x0] =	vst.idx.msk $0xffff, v4  }
0x3f8: {  	v4 =	vld.idx.msk [tilespmem:v52+s8+$0x0], $0xffff;
	_ =	sdelay $0x2  }
0x3f9: {  	v53 =	vor.u32 $0x3F, v2;
	_ =	sdelay $0x1  }
0x3fa: {  	v4 =	vmul.f32 v4, v3;
	_ =	sdelay $0x1  }
0x3fb: {  	[tilespmem:v52+s31+$0x0] =	vst.idx.msk $0xffff, v4  }
0x3fc: {  	v4 =	vld.idx.msk [tilespmem:v53+s8+$0x0], $0xffff;
	_ =	sdelay $0x3  }
0x3fd: {  	v54 =	vor.u32 $0x40, v2  }
0x3fe: {  	v3 =	vmul.f32 v4, v3;
	_ =	sdelay $0x1  }
0x3ff: {  	[tilespmem:v53+s31+$0x0] =	vst.idx.msk $0xffff, v3  }
0x400: {  	v3 =	vld [tilespmem:s19+$0x0]  }
0x401: {  	v55 =	vld.idx.msk [tilespmem:v54+s8+$0x0], $0xffff;
	_ =	sdelay $0x2  }
0x402: {  	v56 =	vor.u32 $0x41, v2;
	_ =	sdelay $0x1  }
0x403: {  	v4 =	vmul.f32 v55, v3;
	_ =	sdelay $0x1  }
0x404: {  	[tilespmem:v54+s31+$0x0] =	vst.idx.msk $0xffff, v4  }
0x405: {  	v4 =	vld.idx.msk [tilespmem:v56+s8+$0x0], $0xffff;
	_ =	sdelay $0x2  }
0x406: {  	v57 =	vor.u32 $0x42, v2;
	_ =	sdelay $0x1  }
0x407: {  	v4 =	vmul.f32 v4, v3;
	_ =	sdelay $0x1  }
0x408: {  	[tilespmem:v56+s31+$0x0] =	vst.idx.msk $0xffff, v4  }
0x409: {  	v4 =	vld.idx.msk [tilespmem:v57+s8+$0x0], $0xffff;
	_ =	sdelay $0x2  }
0x40a: {  	v58 =	vor.u32 $0x43, v2;
	_ =	sdelay $0x1  }
0x40b: {  	v4 =	vmul.f32 v4, v3;
	_ =	sdelay $0x1  }
0x40c: {  	[tilespmem:v57+s31+$0x0] =	vst.idx.msk $0xffff, v4  }
0x40d: {  	v4 =	vld.idx.msk [tilespmem:v58+s8+$0x0], $0xffff;
	_ =	sdelay $0x2  }
0x40e: {  	v59 =	vor.u32 $0x44, v2;
	_ =	sdelay $0x1  }
0x40f: {  	v4 =	vmul.f32 v4, v3;
	_ =	sdelay $0x1  }
0x410: {  	[tilespmem:v58+s31+$0x0] =	vst.idx.msk $0xffff, v4  }
0x411: {  	v4 =	vld.idx.msk [tilespmem:v59+s8+$0x0], $0xffff;
	_ =	sdelay $0x2  }
0x412: {  	v60 =	vor.u32 $0x45, v2;
	_ =	sdelay $0x1  }
0x413: {  	v4 =	vmul.f32 v4, v3;
	_ =	sdelay $0x1  }
0x414: {  	[tilespmem:v59+s31+$0x0] =	vst.idx.msk $0xffff, v4  }
0x415: {  	v4 =	vld.idx.msk [tilespmem:v60+s8+$0x0], $0xffff;
	_ =	sdelay $0x2  }
0x416: {  	v61 =	vor.u32 $0x46, v2;
	_ =	sdelay $0x1  }
0x417: {  	v4 =	vmul.f32 v4, v3;
	_ =	sdelay $0x1  }
0x418: {  	[tilespmem:v60+s31+$0x0] =	vst.idx.msk $0xffff, v4  }
0x419: {  	v4 =	vld.idx.msk [tilespmem:v61+s8+$0x0], $0xffff;
	_ =	sdelay $0x2  }
0x41a: {  	v62 =	vor.u32 $0x47, v2;
	_ =	sdelay $0x1  }
0x41b: {  	v4 =	vmul.f32 v4, v3;
	_ =	sdelay $0x1  }
0x41c: {  	[tilespmem:v61+s31+$0x0] =	vst.idx.msk $0xffff, v4  }
0x41d: {  	v4 =	vld.idx.msk [tilespmem:v62+s8+$0x0], $0xffff;
	_ =	sdelay $0x2  }
0x41e: {  	v63 =	vor.u32 $0x48, v2;
	_ =	sdelay $0x1  }
0x41f: {  	v4 =	vmul.f32 v4, v3;
	_ =	sdelay $0x1  }
0x420: {  	[tilespmem:v62+s31+$0x0] =	vst.idx.msk $0xffff, v4  }
0x421: {  	v4 =	vld.idx.msk [tilespmem:v63+s8+$0x0], $0xffff;
	_ =	sdelay $0x2  }
0x422: {  	v9 =	vor.u32 $0x49, v2;
	_ =	sdelay $0x1  }
0x423: {  	v4 =	vmul.f32 v4, v3;
	_ =	sdelay $0x1  }
0x424: {  	[tilespmem:v63+s31+$0x0] =	vst.idx.msk $0xffff, v4  }
0x425: {  	v4 =	vld.idx.msk [tilespmem:v9+s8+$0x0], $0xffff;
	_ =	sdelay $0x2  }
0x426: {  	v10 =	vor.u32 $0x4A, v2;
	_ =	sdelay $0x1  }
0x427: {  	v4 =	vmul.f32 v4, v3;
	_ =	sdelay $0x1  }
0x428: {  	[tilespmem:v9+s31+$0x0] =	vst.idx.msk $0xffff, v4  }
0x429: {  	v4 =	vld.idx.msk [tilespmem:v10+s8+$0x0], $0xffff;
	_ =	sdelay $0x2  }
0x42a: {  	v11 =	vor.u32 $0x4B, v2;
	_ =	sdelay $0x1  }
0x42b: {  	v4 =	vmul.f32 v4, v3;
	_ =	sdelay $0x1  }
0x42c: {  	[tilespmem:v10+s31+$0x0] =	vst.idx.msk $0xffff, v4  }
0x42d: {  	v4 =	vld.idx.msk [tilespmem:v11+s8+$0x0], $0xffff;
	_ =	sdelay $0x2  }
0x42e: {  	v12 =	vor.u32 $0x4C, v2;
	_ =	sdelay $0x1  }
0x42f: {  	v4 =	vmul.f32 v4, v3;
	_ =	sdelay $0x1  }
0x430: {  	[tilespmem:v11+s31+$0x0] =	vst.idx.msk $0xffff, v4  }
0x431: {  	v4 =	vld.idx.msk [tilespmem:v12+s8+$0x0], $0xffff;
	_ =	sdelay $0x2  }
0x432: {  	v13 =	vor.u32 $0x4D, v2;
	_ =	sdelay $0x1  }
0x433: {  	v4 =	vmul.f32 v4, v3;
	_ =	sdelay $0x1  }
0x434: {  	[tilespmem:v12+s31+$0x0] =	vst.idx.msk $0xffff, v4  }
0x435: {  	v4 =	vld.idx.msk [tilespmem:v13+s8+$0x0], $0xffff;
	_ =	sdelay $0x2  }
0x436: {  	v14 =	vor.u32 $0x4E, v2;
	_ =	sdelay $0x1  }
0x437: {  	v4 =	vmul.f32 v4, v3;
	_ =	sdelay $0x1  }
0x438: {  	[tilespmem:v13+s31+$0x0] =	vst.idx.msk $0xffff, v4  }
0x439: {  	v4 =	vld.idx.msk [tilespmem:v14+s8+$0x0], $0xffff;
	_ =	sdelay $0x2  }
0x43a: {  	v15 =	vor.u32 $0x4F, v2;
	_ =	sdelay $0x1  }
0x43b: {  	v4 =	vmul.f32 v4, v3;
	_ =	sdelay $0x1  }
0x43c: {  	[tilespmem:v14+s31+$0x0] =	vst.idx.msk $0xffff, v4  }
0x43d: {  	v4 =	vld.idx.msk [tilespmem:v15+s8+$0x0], $0xffff;
	_ =	sdelay $0x2  }
0x43e: {  	v16 =	vor.u32 $0x50, v2;
	_ =	sdelay $0x1  }
0x43f: {  	v4 =	vmul.f32 v4, v3;
	_ =	sdelay $0x1  }
0x440: {  	[tilespmem:v15+s31+$0x0] =	vst.idx.msk $0xffff, v4  }
0x441: {  	v4 =	vld.idx.msk [tilespmem:v16+s8+$0x0], $0xffff;
	_ =	sdelay $0x2  }
0x442: {  	v17 =	vor.u32 $0x51, v2;
	_ =	sdelay $0x1  }
0x443: {  	v4 =	vmul.f32 v4, v3;
	_ =	sdelay $0x1  }
0x444: {  	[tilespmem:v16+s31+$0x0] =	vst.idx.msk $0xffff, v4  }
0x445: {  	v4 =	vld.idx.msk [tilespmem:v17+s8+$0x0], $0xffff;
	_ =	sdelay $0x2  }
0x446: {  	v18 =	vor.u32 $0x52, v2;
	_ =	sdelay $0x1  }
0x447: {  	v4 =	vmul.f32 v4, v3;
	_ =	sdelay $0x1  }
0x448: {  	[tilespmem:v17+s31+$0x0] =	vst.idx.msk $0xffff, v4  }
0x449: {  	v4 =	vld.idx.msk [tilespmem:v18+s8+$0x0], $0xffff;
	_ =	sdelay $0x2  }
0x44a: {  	v19 =	vor.u32 $0x53, v2;
	_ =	sdelay $0x1  }
0x44b: {  	v4 =	vmul.f32 v4, v3;
	_ =	sdelay $0x1  }
0x44c: {  	[tilespmem:v18+s31+$0x0] =	vst.idx.msk $0xffff, v4  }
0x44d: {  	v4 =	vld.idx.msk [tilespmem:v19+s8+$0x0], $0xffff;
	_ =	sdelay $0x2  }
0x44e: {  	v20 =	vor.u32 $0x54, v2;
	_ =	sdelay $0x1  }
0x44f: {  	v4 =	vmul.f32 v4, v3;
	_ =	sdelay $0x1  }
0x450: {  	[tilespmem:v19+s31+$0x0] =	vst.idx.msk $0xffff, v4  }
0x451: {  	v4 =	vld.idx.msk [tilespmem:v20+s8+$0x0], $0xffff;
	_ =	sdelay $0x2  }
0x452: {  	v21 =	vor.u32 $0x55, v2;
	_ =	sdelay $0x1  }
0x453: {  	v4 =	vmul.f32 v4, v3;
	_ =	sdelay $0x1  }
0x454: {  	[tilespmem:v20+s31+$0x0] =	vst.idx.msk $0xffff, v4  }
0x455: {  	v4 =	vld.idx.msk [tilespmem:v21+s8+$0x0], $0xffff;
	_ =	sdelay $0x2  }
0x456: {  	v22 =	vor.u32 $0x56, v2;
	_ =	sdelay $0x1  }
0x457: {  	v4 =	vmul.f32 v4, v3;
	_ =	sdelay $0x1  }
0x458: {  	[tilespmem:v21+s31+$0x0] =	vst.idx.msk $0xffff, v4  }
0x459: {  	v4 =	vld.idx.msk [tilespmem:v22+s8+$0x0], $0xffff;
	_ =	sdelay $0x2  }
0x45a: {  	v23 =	vor.u32 $0x57, v2;
	_ =	sdelay $0x1  }
0x45b: {  	v4 =	vmul.f32 v4, v3;
	_ =	sdelay $0x1  }
0x45c: {  	[tilespmem:v22+s31+$0x0] =	vst.idx.msk $0xffff, v4  }
0x45d: {  	v4 =	vld.idx.msk [tilespmem:v23+s8+$0x0], $0xffff;
	_ =	sdelay $0x2  }
0x45e: {  	v24 =	vor.u32 $0x58, v2;
	_ =	sdelay $0x1  }
0x45f: {  	v4 =	vmul.f32 v4, v3;
	_ =	sdelay $0x1  }
0x460: {  	[tilespmem:v23+s31+$0x0] =	vst.idx.msk $0xffff, v4  }
0x461: {  	v4 =	vld.idx.msk [tilespmem:v24+s8+$0x0], $0xffff;
	_ =	sdelay $0x2  }
0x462: {  	v25 =	vor.u32 $0x59, v2;
	_ =	sdelay $0x1  }
0x463: {  	v4 =	vmul.f32 v4, v3;
	_ =	sdelay $0x1  }
0x464: {  	[tilespmem:v24+s31+$0x0] =	vst.idx.msk $0xffff, v4  }
0x465: {  	v4 =	vld.idx.msk [tilespmem:v25+s8+$0x0], $0xffff;
	_ =	sdelay $0x2  }
0x466: {  	v26 =	vor.u32 $0x5A, v2;
	_ =	sdelay $0x1  }
0x467: {  	v4 =	vmul.f32 v4, v3;
	_ =	sdelay $0x1  }
0x468: {  	[tilespmem:v25+s31+$0x0] =	vst.idx.msk $0xffff, v4  }
0x469: {  	v4 =	vld.idx.msk [tilespmem:v26+s8+$0x0], $0xffff;
	_ =	sdelay $0x2  }
0x46a: {  	v27 =	vor.u32 $0x5B, v2;
	_ =	sdelay $0x1  }
0x46b: {  	v4 =	vmul.f32 v4, v3;
	_ =	sdelay $0x1  }
0x46c: {  	[tilespmem:v26+s31+$0x0] =	vst.idx.msk $0xffff, v4  }
0x46d: {  	v4 =	vld.idx.msk [tilespmem:v27+s8+$0x0], $0xffff;
	_ =	sdelay $0x2  }
0x46e: {  	v28 =	vor.u32 $0x5C, v2;
	_ =	sdelay $0x1  }
0x46f: {  	v4 =	vmul.f32 v4, v3;
	_ =	sdelay $0x1  }
0x470: {  	[tilespmem:v27+s31+$0x0] =	vst.idx.msk $0xffff, v4  }
0x471: {  	v4 =	vld.idx.msk [tilespmem:v28+s8+$0x0], $0xffff;
	_ =	sdelay $0x2  }
0x472: {  	v29 =	vor.u32 $0x5D, v2;
	_ =	sdelay $0x1  }
0x473: {  	v4 =	vmul.f32 v4, v3;
	_ =	sdelay $0x1  }
0x474: {  	[tilespmem:v28+s31+$0x0] =	vst.idx.msk $0xffff, v4  }
0x475: {  	v4 =	vld.idx.msk [tilespmem:v29+s8+$0x0], $0xffff;
	_ =	sdelay $0x2  }
0x476: {  	v30 =	vor.u32 $0x5E, v2;
	_ =	sdelay $0x1  }
0x477: {  	v4 =	vmul.f32 v4, v3;
	_ =	sdelay $0x1  }
0x478: {  	[tilespmem:v29+s31+$0x0] =	vst.idx.msk $0xffff, v4  }
0x479: {  	v4 =	vld.idx.msk [tilespmem:v30+s8+$0x0], $0xffff;
	_ =	sdelay $0x2  }
0x47a: {  	v31 =	vor.u32 $0x5F, v2;
	_ =	sdelay $0x1  }
0x47b: {  	v4 =	vmul.f32 v4, v3;
	_ =	sdelay $0x1  }
0x47c: {  	[tilespmem:v30+s31+$0x0] =	vst.idx.msk $0xffff, v4  }
0x47d: {  	v4 =	vld.idx.msk [tilespmem:v31+s8+$0x0], $0xffff;
	_ =	sdelay $0x3  }
0x47e: {  	v32 =	vor.u32 $0x60, v2  }
0x47f: {  	v3 =	vmul.f32 v4, v3;
	_ =	sdelay $0x1  }
0x480: {  	[tilespmem:v31+s31+$0x0] =	vst.idx.msk $0xffff, v3  }
0x481: {  	v3 =	vld [tilespmem:s19+$0x80]  }
0x482: {  	v33 =	vld.idx.msk [tilespmem:v32+s8+$0x0], $0xffff;
	_ =	sdelay $0x2  }
0x483: {  	v34 =	vor.u32 $0x61, v2;
	_ =	sdelay $0x1  }
0x484: {  	v4 =	vmul.f32 v33, v3;
	_ =	sdelay $0x1  }
0x485: {  	[tilespmem:v32+s31+$0x0] =	vst.idx.msk $0xffff, v4  }
0x486: {  	v4 =	vld.idx.msk [tilespmem:v34+s8+$0x0], $0xffff;
	_ =	sdelay $0x2  }
0x487: {  	v35 =	vor.u32 $0x62, v2;
	_ =	sdelay $0x1  }
0x488: {  	v4 =	vmul.f32 v4, v3;
	_ =	sdelay $0x1  }
0x489: {  	[tilespmem:v34+s31+$0x0] =	vst.idx.msk $0xffff, v4  }
0x48a: {  	v4 =	vld.idx.msk [tilespmem:v35+s8+$0x0], $0xffff;
	_ =	sdelay $0x2  }
0x48b: {  	v36 =	vor.u32 $0x63, v2;
	_ =	sdelay $0x1  }
0x48c: {  	v4 =	vmul.f32 v4, v3;
	_ =	sdelay $0x1  }
0x48d: {  	[tilespmem:v35+s31+$0x0] =	vst.idx.msk $0xffff, v4  }
0x48e: {  	v4 =	vld.idx.msk [tilespmem:v36+s8+$0x0], $0xffff;
	_ =	sdelay $0x2  }
0x48f: {  	v37 =	vor.u32 $0x64, v2;
	_ =	sdelay $0x1  }
0x490: {  	v4 =	vmul.f32 v4, v3;
	_ =	sdelay $0x1  }
0x491: {  	[tilespmem:v36+s31+$0x0] =	vst.idx.msk $0xffff, v4  }
0x492: {  	v4 =	vld.idx.msk [tilespmem:v37+s8+$0x0], $0xffff;
	_ =	sdelay $0x2  }
0x493: {  	v38 =	vor.u32 $0x65, v2;
	_ =	sdelay $0x1  }
0x494: {  	v4 =	vmul.f32 v4, v3;
	_ =	sdelay $0x1  }
0x495: {  	[tilespmem:v37+s31+$0x0] =	vst.idx.msk $0xffff, v4  }
0x496: {  	v4 =	vld.idx.msk [tilespmem:v38+s8+$0x0], $0xffff;
	_ =	sdelay $0x2  }
0x497: {  	v39 =	vor.u32 $0x66, v2;
	_ =	sdelay $0x1  }
0x498: {  	v4 =	vmul.f32 v4, v3;
	_ =	sdelay $0x1  }
0x499: {  	[tilespmem:v38+s31+$0x0] =	vst.idx.msk $0xffff, v4  }
0x49a: {  	v4 =	vld.idx.msk [tilespmem:v39+s8+$0x0], $0xffff;
	_ =	sdelay $0x2  }
0x49b: {  	v40 =	vor.u32 $0x67, v2;
	_ =	sdelay $0x1  }
0x49c: {  	v4 =	vmul.f32 v4, v3;
	_ =	sdelay $0x1  }
0x49d: {  	[tilespmem:v39+s31+$0x0] =	vst.idx.msk $0xffff, v4  }
0x49e: {  	v4 =	vld.idx.msk [tilespmem:v40+s8+$0x0], $0xffff;
	_ =	sdelay $0x2  }
0x49f: {  	v41 =	vor.u32 $0x68, v2;
	_ =	sdelay $0x1  }
0x4a0: {  	v4 =	vmul.f32 v4, v3;
	_ =	sdelay $0x1  }
0x4a1: {  	[tilespmem:v40+s31+$0x0] =	vst.idx.msk $0xffff, v4  }
0x4a2: {  	v4 =	vld.idx.msk [tilespmem:v41+s8+$0x0], $0xffff;
	_ =	sdelay $0x2  }
0x4a3: {  	v42 =	vor.u32 $0x69, v2;
	_ =	sdelay $0x1  }
0x4a4: {  	v4 =	vmul.f32 v4, v3;
	_ =	sdelay $0x1  }
0x4a5: {  	[tilespmem:v41+s31+$0x0] =	vst.idx.msk $0xffff, v4  }
0x4a6: {  	v4 =	vld.idx.msk [tilespmem:v42+s8+$0x0], $0xffff;
	_ =	sdelay $0x2  }
0x4a7: {  	v43 =	vor.u32 $0x6A, v2;
	_ =	sdelay $0x1  }
0x4a8: {  	v4 =	vmul.f32 v4, v3;
	_ =	sdelay $0x1  }
0x4a9: {  	[tilespmem:v42+s31+$0x0] =	vst.idx.msk $0xffff, v4  }
0x4aa: {  	v4 =	vld.idx.msk [tilespmem:v43+s8+$0x0], $0xffff;
	_ =	sdelay $0x2  }
0x4ab: {  	v44 =	vor.u32 $0x6B, v2;
	_ =	sdelay $0x1  }
0x4ac: {  	v4 =	vmul.f32 v4, v3;
	_ =	sdelay $0x1  }
0x4ad: {  	[tilespmem:v43+s31+$0x0] =	vst.idx.msk $0xffff, v4  }
0x4ae: {  	v4 =	vld.idx.msk [tilespmem:v44+s8+$0x0], $0xffff;
	_ =	sdelay $0x2  }
0x4af: {  	v45 =	vor.u32 $0x6C, v2;
	_ =	sdelay $0x1  }
0x4b0: {  	v4 =	vmul.f32 v4, v3;
	_ =	sdelay $0x1  }
0x4b1: {  	[tilespmem:v44+s31+$0x0] =	vst.idx.msk $0xffff, v4  }
0x4b2: {  	v4 =	vld.idx.msk [tilespmem:v45+s8+$0x0], $0xffff;
	_ =	sdelay $0x2  }
0x4b3: {  	v46 =	vor.u32 $0x6D, v2;
	_ =	sdelay $0x1  }
0x4b4: {  	v4 =	vmul.f32 v4, v3;
	_ =	sdelay $0x1  }
0x4b5: {  	[tilespmem:v45+s31+$0x0] =	vst.idx.msk $0xffff, v4  }
0x4b6: {  	v4 =	vld.idx.msk [tilespmem:v46+s8+$0x0], $0xffff;
	_ =	sdelay $0x2  }
0x4b7: {  	v47 =	vor.u32 $0x6E, v2;
	_ =	sdelay $0x1  }
0x4b8: {  	v4 =	vmul.f32 v4, v3;
	_ =	sdelay $0x1  }
0x4b9: {  	[tilespmem:v46+s31+$0x0] =	vst.idx.msk $0xffff, v4  }
0x4ba: {  	v4 =	vld.idx.msk [tilespmem:v47+s8+$0x0], $0xffff;
	_ =	sdelay $0x2  }
0x4bb: {  	v48 =	vor.u32 $0x6F, v2;
	_ =	sdelay $0x1  }
0x4bc: {  	v4 =	vmul.f32 v4, v3;
	_ =	sdelay $0x1  }
0x4bd: {  	[tilespmem:v47+s31+$0x0] =	vst.idx.msk $0xffff, v4  }
0x4be: {  	v4 =	vld.idx.msk [tilespmem:v48+s8+$0x0], $0xffff;
	_ =	sdelay $0x2  }
0x4bf: {  	v49 =	vor.u32 $0x70, v2;
	_ =	sdelay $0x1  }
0x4c0: {  	v4 =	vmul.f32 v4, v3;
	_ =	sdelay $0x1  }
0x4c1: {  	[tilespmem:v48+s31+$0x0] =	vst.idx.msk $0xffff, v4  }
0x4c2: {  	v4 =	vld.idx.msk [tilespmem:v49+s8+$0x0], $0xffff;
	_ =	sdelay $0x2  }
0x4c3: {  	v50 =	vor.u32 $0x71, v2;
	_ =	sdelay $0x1  }
0x4c4: {  	v4 =	vmul.f32 v4, v3;
	_ =	sdelay $0x1  }
0x4c5: {  	[tilespmem:v49+s31+$0x0] =	vst.idx.msk $0xffff, v4  }
0x4c6: {  	v4 =	vld.idx.msk [tilespmem:v50+s8+$0x0], $0xffff;
	_ =	sdelay $0x2  }
0x4c7: {  	v51 =	vor.u32 $0x72, v2;
	_ =	sdelay $0x1  }
0x4c8: {  	v4 =	vmul.f32 v4, v3;
	_ =	sdelay $0x1  }
0x4c9: {  	[tilespmem:v50+s31+$0x0] =	vst.idx.msk $0xffff, v4  }
0x4ca: {  	v4 =	vld.idx.msk [tilespmem:v51+s8+$0x0], $0xffff;
	_ =	sdelay $0x2  }
0x4cb: {  	v52 =	vor.u32 $0x73, v2;
	_ =	sdelay $0x1  }
0x4cc: {  	v4 =	vmul.f32 v4, v3;
	_ =	sdelay $0x1  }
0x4cd: {  	[tilespmem:v51+s31+$0x0] =	vst.idx.msk $0xffff, v4  }
0x4ce: {  	v4 =	vld.idx.msk [tilespmem:v52+s8+$0x0], $0xffff;
	_ =	sdelay $0x2  }
0x4cf: {  	v53 =	vor.u32 $0x74, v2;
	_ =	sdelay $0x1  }
0x4d0: {  	v4 =	vmul.f32 v4, v3;
	_ =	sdelay $0x1  }
0x4d1: {  	[tilespmem:v52+s31+$0x0] =	vst.idx.msk $0xffff, v4  }
0x4d2: {  	v4 =	vld.idx.msk [tilespmem:v53+s8+$0x0], $0xffff;
	_ =	sdelay $0x2  }
0x4d3: {  	v54 =	vor.u32 $0x75, v2;
	_ =	sdelay $0x1  }
0x4d4: {  	v4 =	vmul.f32 v4, v3;
	_ =	sdelay $0x1  }
0x4d5: {  	[tilespmem:v53+s31+$0x0] =	vst.idx.msk $0xffff, v4  }
0x4d6: {  	v4 =	vld.idx.msk [tilespmem:v54+s8+$0x0], $0xffff;
	_ =	sdelay $0x2  }
0x4d7: {  	v55 =	vor.u32 $0x76, v2;
	_ =	sdelay $0x1  }
0x4d8: {  	v4 =	vmul.f32 v4, v3;
	_ =	sdelay $0x1  }
0x4d9: {  	[tilespmem:v54+s31+$0x0] =	vst.idx.msk $0xffff, v4  }
0x4da: {  	v4 =	vld.idx.msk [tilespmem:v55+s8+$0x0], $0xffff;
	_ =	sdelay $0x2  }
0x4db: {  	v56 =	vor.u32 $0x77, v2;
	_ =	sdelay $0x1  }
0x4dc: {  	v4 =	vmul.f32 v4, v3;
	_ =	sdelay $0x1  }
0x4dd: {  	[tilespmem:v55+s31+$0x0] =	vst.idx.msk $0xffff, v4  }
0x4de: {  	v4 =	vld.idx.msk [tilespmem:v56+s8+$0x0], $0xffff;
	_ =	sdelay $0x2  }
0x4df: {  	v57 =	vor.u32 $0x78, v2;
	_ =	sdelay $0x1  }
0x4e0: {  	v4 =	vmul.f32 v4, v3;
	_ =	sdelay $0x1  }
0x4e1: {  	[tilespmem:v56+s31+$0x0] =	vst.idx.msk $0xffff, v4  }
0x4e2: {  	v4 =	vld.idx.msk [tilespmem:v57+s8+$0x0], $0xffff;
	_ =	sdelay $0x2  }
0x4e3: {  	v58 =	vor.u32 $0x79, v2;
	_ =	sdelay $0x1  }
0x4e4: {  	v4 =	vmul.f32 v4, v3;
	_ =	sdelay $0x1  }
0x4e5: {  	[tilespmem:v57+s31+$0x0] =	vst.idx.msk $0xffff, v4  }
0x4e6: {  	v4 =	vld.idx.msk [tilespmem:v58+s8+$0x0], $0xffff;
	_ =	sdelay $0x2  }
0x4e7: {  	v59 =	vor.u32 $0x7A, v2;
	_ =	sdelay $0x1  }
0x4e8: {  	v4 =	vmul.f32 v4, v3;
	_ =	sdelay $0x1  }
0x4e9: {  	[tilespmem:v58+s31+$0x0] =	vst.idx.msk $0xffff, v4  }
0x4ea: {  	v4 =	vld.idx.msk [tilespmem:v59+s8+$0x0], $0xffff;
	_ =	sdelay $0x2  }
0x4eb: {  	v60 =	vor.u32 $0x7B, v2;
	_ =	sdelay $0x1  }
0x4ec: {  	v4 =	vmul.f32 v4, v3;
	_ =	sdelay $0x1  }
0x4ed: {  	[tilespmem:v59+s31+$0x0] =	vst.idx.msk $0xffff, v4  }
0x4ee: {  	v4 =	vld.idx.msk [tilespmem:v60+s8+$0x0], $0xffff;
	_ =	sdelay $0x2  }
0x4ef: {  	v61 =	vor.u32 $0x7C, v2;
	_ =	sdelay $0x1  }
0x4f0: {  	v4 =	vmul.f32 v4, v3;
	_ =	sdelay $0x1  }
0x4f1: {  	[tilespmem:v60+s31+$0x0] =	vst.idx.msk $0xffff, v4  }
0x4f2: {  	v4 =	vld.idx.msk [tilespmem:v61+s8+$0x0], $0xffff;
	_ =	sdelay $0x2  }
0x4f3: {  	v62 =	vor.u32 $0x7D, v2;
	_ =	sdelay $0x1  }
0x4f4: {  	v4 =	vmul.f32 v4, v3;
	_ =	sdelay $0x1  }
0x4f5: {  	[tilespmem:v61+s31+$0x0] =	vst.idx.msk $0xffff, v4  }
0x4f6: {  	v4 =	vld.idx.msk [tilespmem:v62+s8+$0x0], $0xffff;
	_ =	sdelay $0x2  }
0x4f7: {  	v63 =	vor.u32 $0x7E, v2;
	_ =	sdelay $0x1  }
0x4f8: {  	v4 =	vmul.f32 v4, v3;
	_ =	sdelay $0x1  }
0x4f9: {  	[tilespmem:v62+s31+$0x0] =	vst.idx.msk $0xffff, v4  }
0x4fa: {  	v4 =	vld.idx.msk [tilespmem:v63+s8+$0x0], $0xffff;
	_ =	sdelay $0x2  }
0x4fb: {  	v2 =	vor.u32 $0x7F, v2;
	_ =	sdelay $0x1  }
0x4fc: {  	v4 =	vmul.f32 v4, v3;
	_ =	sdelay $0x1  }
0x4fd: {  	[tilespmem:v63+s31+$0x0] =	vst.idx.msk $0xffff, v4  }
0x4fe: {  	v4 =	vld.idx.msk [tilespmem:v2+s8+$0x0], $0xffff;
	_ =	sdelay $0x1  }
0x4ff: {  	p1 =	sne.s32 s18, $0x40  }
.Ltmp2:
0x500: {  	_ = 	snop;
	(pc) =	sbr.rel @p1 .LBB2_7-.Ltmp2, $3  }
0x501: {  	_ = 	snop  }
0x502: {  	v3 =	vmul.f32 v4, v3;
	_ =	sdelay $0x1  }
0x503: {  	s18 =	sadd.s32 $0x10, s18;
	s19 =	sadd.s32 $0x10, s19;
	[tilespmem:v2+s31+$0x0] =	vst.idx.msk $0xffff, v3  }
0x504: {  	[spmem:s2] =	stream.indirect.scatter.add.f32 [tilespmem:s31], [sflag:$0x3], $0x80, s5, s6, $0xb8;
	[tilespmem:$0x1ED80] =	vst v63  }
0x505: {  	_ =	swait.ge [sflag:s0], $0x2800  }
0x506: {  	[sflag:s0] =	ssyncset.done $0x0  }
0x507: {  	[sflag:s0] =	ssyncadd.s32 $0xFFFFD800  }
0x508: {  	[spmem:s3] =	stream.indirect.scatter.add.f32 [tilespmem:s11], [sflag:$0x3], $0x80, s12, s6, $0xb8;
	[tilespmem:$0x1ED80] =	vst v63  }
0x509: {  	_ =	swait.ge [sflag:s0], $0x2800  }
0x50a: {  	[sflag:s0] =	ssyncset.done $0x0  }
0x50b: {  	[sflag:s0] =	ssyncadd.s32 $0xFFFFD800  }
0x50c: {  	v2 =	vld [tilespmem:$0x0];
	_ =	sdelay $0x4  }
0x50d: {  	v2 =	vshll.u32 v2, $0x2  }
0x50e: {  	v2 =	vand.u32 $0x7C, v2  }
0x50f: {  	v4 =	vor.u32 $0x1, v1;
	v3 =	vor.u32 v1, v2  }
0x510: {  	v5 =	vor.u32 $0x2, v1;
	v4 =	vor.u32 v4, v2  }
0x511: {  	v6 =	vor.u32 $0x3, v1;
	v5 =	vor.u32 v5, v2  }
0x512: {  	v2 =	vor.u32 v6, v2;
	_ =	sdelay $0x1  }
0x513: {  	[tilespmem:v3+s11+$0x0] =	vst.idx.msk $0xffff, v0  }
0x514: {  	[tilespmem:v4+s11+$0x0] =	vst.idx.msk $0xffff, v0  }
0x515: {  	[tilespmem:v5+s11+$0x0] =	vst.idx.msk $0xffff, v0  }
0x516: {  	[tilespmem:v2+s11+$0x0] =	vst.idx.msk $0xffff, v0  }
0x517: {  	v2 =	vld [tilespmem:$0x10];
	_ =	sdelay $0x4  }
0x518: {  	v2 =	vshll.u32 v2, $0x2  }
0x519: {  	v3 =	vor.u32 $0x800, v1;
	v2 =	vand.u32 $0x7C, v2  }
0x51a: {  	v52 =	vor.u32 $0x801, v1;
	v3 =	vor.u32 v3, v2  }
0x51b: {  	v53 =	vor.u32 $0x802, v1;
	v4 =	vor.u32 v52, v2  }
0x51c: {  	v54 =	vor.u32 $0x803, v1;
	v5 =	vor.u32 v53, v2  }
0x51d: {  	v2 =	vor.u32 v54, v2;
	_ =	sdelay $0x1  }
0x51e: {  	[tilespmem:v3+s11+$0x0] =	vst.idx.msk $0xffff, v0  }
0x51f: {  	[tilespmem:v4+s11+$0x0] =	vst.idx.msk $0xffff, v0  }
0x520: {  	[tilespmem:v5+s11+$0x0] =	vst.idx.msk $0xffff, v0  }
0x521: {  	[tilespmem:v2+s11+$0x0] =	vst.idx.msk $0xffff, v0  }
0x522: {  	v2 =	vld [tilespmem:$0x20];
	_ =	sdelay $0x4  }
0x523: {  	v2 =	vshll.u32 v2, $0x2  }
0x524: {  	v3 =	vor.u32 $0x1000, v1;
	v2 =	vand.u32 $0x7C, v2  }
0x525: {  	v55 =	vor.u32 $0x1001, v1;
	v3 =	vor.u32 v3, v2  }
0x526: {  	v56 =	vor.u32 $0x1002, v1;
	v4 =	vor.u32 v55, v2  }
0x527: {  	v57 =	vor.u32 $0x1003, v1;
	v5 =	vor.u32 v56, v2  }
0x528: {  	v2 =	vor.u32 v57, v2;
	_ =	sdelay $0x1  }
0x529: {  	[tilespmem:v3+s11+$0x0] =	vst.idx.msk $0xffff, v0  }
0x52a: {  	[tilespmem:v4+s11+$0x0] =	vst.idx.msk $0xffff, v0  }
0x52b: {  	[tilespmem:v5+s11+$0x0] =	vst.idx.msk $0xffff, v0  }
0x52c: {  	[tilespmem:v2+s11+$0x0] =	vst.idx.msk $0xffff, v0  }
0x52d: {  	v2 =	vld [tilespmem:$0x30];
	_ =	sdelay $0x4  }
0x52e: {  	v2 =	vshll.u32 v2, $0x2  }
0x52f: {  	v3 =	vor.u32 $0x1800, v1;
	v2 =	vand.u32 $0x7C, v2  }
0x530: {  	v58 =	vor.u32 $0x1801, v1;
	v3 =	vor.u32 v3, v2  }
0x531: {  	v59 =	vor.u32 $0x1802, v1;
	v4 =	vor.u32 v58, v2  }
0x532: {  	v60 =	vor.u32 $0x1803, v1;
	v5 =	vor.u32 v59, v2  }
0x533: {  	v2 =	vor.u32 v60, v2;
	_ =	sdelay $0x1  }
0x534: {  	[tilespmem:v3+s11+$0x0] =	vst.idx.msk $0xffff, v0  }
0x535: {  	[tilespmem:v4+s11+$0x0] =	vst.idx.msk $0xffff, v0  }
0x536: {  	[tilespmem:v5+s11+$0x0] =	vst.idx.msk $0xffff, v0  }
0x537: {  	[tilespmem:v2+s11+$0x0] =	vst.idx.msk $0xffff, v0  }
0x538: {  	v2 =	vld [tilespmem:$0x40];
	_ =	sdelay $0x4  }
0x539: {  	v2 =	vshll.u32 v2, $0x2  }
0x53a: {  	v3 =	vor.u32 $0x2000, v1;
	v2 =	vand.u32 $0x7C, v2  }
0x53b: {  	v61 =	vor.u32 $0x2001, v1;
	v3 =	vor.u32 v3, v2  }
0x53c: {  	v62 =	vor.u32 $0x2002, v1;
	v4 =	vor.u32 v61, v2  }
0x53d: {  	v63 =	vor.u32 $0x2003, v1;
	s30 =	sadd.s32 $0x1, s30;
	v5 =	vor.u32 v62, v2  }
0x53e: {  	p1 =	sne.s32 s30, $0x7D;
	v2 =	vor.u32 v63, v2  }
.Ltmp3:
0x53f: {  	_ = 	snop;
	(pc) =	sbr.rel @p1 .LBB2_4-.Ltmp3, $4  }
0x540: {  	[tilespmem:v3+s11+$0x0] =	vst.idx.msk $0xffff, v0  }
0x541: {  	[tilespmem:v4+s11+$0x0] =	vst.idx.msk $0xffff, v0  }
0x542: {  	[tilespmem:v5+s11+$0x0] =	vst.idx.msk $0xffff, v0  }
0x543: {  	[tilespmem:v2+s11+$0x0] =	vst.idx.msk $0xffff, v0  }
0x544: {  	s18 =	stileid.u32  }
0x545: {  	[bflag:$0x0] =	sbarrier.arrive $0xFFFF;
	s18 =	sshll.u32 s18, $0x6  }
0x546: {  	s19 =	sshrl.u32 s24, $0x3;
	s20 =	rddreg [dreg:$0x5];
	s18 =	sor.u32 $0x1C03, s18  }
0x547: {  	[hbm:s20], [sflag:s18] =	dma.local [spmem:s19], $0x500  }
0x548: {  	_ =	swait.ge [sflag:s0], $0x500  }
0x549: {  	s23 =	smov.u32 s24;
	[sflag:s0] =	ssyncset.done $0x0  }
0x54a: {  	s22 =	sshrl.u32 s25, $0x3;
	s24 =	rddreg [dreg:$0x6];
	[sflag:s0] =	ssyncadd.s32 $0xFFFFFB00  }
0x54b: {  	[hbm:s24], [sflag:s18] =	dma.local [spmem:s22], $0x500  }
0x54c: {  	_ =	swait.ge [sflag:s0], $0x500  }
0x54d: {  	s29 =	smov.u32 s25;
	s30 =	smov.u32 s26;
	[sflag:s0] =	ssyncset.done $0x0  }
0x54e: {  	s25 =	sshrl.u32 s26, $0x3;
	s26 =	rddreg [dreg:$0x7];
	[sflag:s0] =	ssyncadd.s32 $0xFFFFFB00  }
0x54f: {  	[hbm:s26], [sflag:s18] =	dma.local [spmem:s25], $0x500  }
0x550: {  	_ =	swait.ge [sflag:s0], $0x500  }
0x551: {  	[sflag:s0] =	ssyncset.done $0x0;
	s20 =	rddreg [dreg:$0xd]  }
0x552: {  	s21 =	rddreg [dreg:$0x8];
	[sflag:s0] =	ssyncadd.s32 $0xFFFFFB00;
	s19 =	sshrl.u32 s20, $0x3  }
0x553: {  	[hbm:s21], [sflag:s18] =	dma.local [spmem:s19], $0x500  }
0x554: {  	_ =	swait.ge [sflag:s0], $0x500  }
0x555: {  	[sflag:s0] =	ssyncset.done $0x0;
	s22 =	rddreg [dreg:$0xe]  }
0x556: {  	s24 =	rddreg [dreg:$0x9];
	[sflag:s0] =	ssyncadd.s32 $0xFFFFFB00;
	s19 =	sshrl.u32 s22, $0x3  }
0x557: {  	[hbm:s24], [sflag:s18] =	dma.local [spmem:s19], $0x500  }
0x558: {  	_ =	swait.ge [sflag:s0], $0x500  }
0x559: {  	[sflag:s0] =	ssyncset.done $0x0;
	s25 =	rddreg [dreg:$0xf]  }
0x55a: {  	s26 =	rddreg [dreg:$0xa];
	[sflag:s0] =	ssyncadd.s32 $0xFFFFFB00;
	s19 =	sshrl.u32 s25, $0x3  }
0x55b: {  	[hbm:s26], [sflag:s18] =	dma.local [spmem:s19], $0x500  }
0x55c: {  	_ =	swait.ge [sflag:s0], $0x500  }
0x55d: {  	[sflag:s0] =	ssyncset.done $0x0;
	s21 =	rddreg [dreg:$0x10]  }
0x55e: {  	s22 =	rddreg [dreg:$0xb];
	[sflag:s0] =	ssyncadd.s32 $0xFFFFFB00;
	s19 =	sshrl.u32 s21, $0x3  }
0x55f: {  	[hbm:s22], [sflag:s18] =	dma.local [spmem:s19], $0x500  }
0x560: {  	_ =	swait.ge [sflag:s0], $0x500  }
0x561: {  	[sflag:s0] =	ssyncset.done $0x0;
	s24 =	rddreg [dreg:$0x11]  }
0x562: {  	s25 =	rddreg [dreg:$0xc];
	[sflag:s0] =	ssyncadd.s32 $0xFFFFFB00;
	s19 =	sshrl.u32 s24, $0x3  }
0x563: {  	[hbm:s25], [sflag:s18] =	dma.local [spmem:s19], $0x500  }
0x564: {  	_ =	swait.ge [sflag:s0], $0x500  }
0x565: {  	[sflag:s0] =	ssyncset.done $0x0;
	s20 =	rddreg [dreg:$0x12]  }
0x566: {  	s21 =	rddreg [dreg:$0x13];
	[sflag:s0] =	ssyncadd.s32 $0xFFFFFB00;
	s19 =	sshrl.u32 @!p0 s20, $0x3  }
0x567: {  	[hbm:s21], [sflag:s18] =	dma.local @!p0 [spmem:s19], $0x200  }
0x568: {  	s18 =	simm.s32 @!p0 $0x3  }
0x569: {  	_ =	swait.ge @!p0 [sflag:s18], $0x200  }
0x56a: {  	s13 =	sadd.s32 $0x1, s13;
	s26 =	rddreg [dreg:$0x14]  }
0x56b: {  	p1 =	sne.s32 s13, s26  }
.Ltmp4:
0x56c: {  	_ = 	snop;
	(pc) =	sbr.rel @p1 .LBB2_1-.Ltmp4, $3  }
0x56d: {  	_ =	sdelay $0x1  }
0x56e: {  	[sflag:s18] =	ssyncset.done @!p0 $0x0  }
0x56f: {  	[sflag:s18] =	ssyncadd.s32 @!p0 $0xFFFFFE00  }
0x570: {  	_ =	sfence.sel $0x180000  }
0x571: {  	[bflag:$0x0] =	sbarrier.arrive $0xFFFF  }
0x572: {  	_ =	strace $0x90000047  }
0x573: {  	s0 =	stileid.u32;
	[bflag:$0x2] =	sbarrier.arrive $0xFFFF  }
0x574: {  	p0 =	sne.s32 s0, $0x0;
	s0 =	rddreg [dreg:$0x4]  }
0x575: {  	s0 =	sadd.s32 @!p0 $0x100000, s0  }
0x576: {  	[sflag:s0] =	ssyncadd.tile.s32 @!p0 $0x1;
	_ =	shalt  }
.Lfunc_end2:
_tile_overlayer_lowered:
.L_overlay_start_2:
0x577: {  	(tag) =	ssettag $0x2  }
0x578: {  	s0 =	rddreg [dreg:$0x0];
	s2 =	stileid.u32  }
0x579: {  	s1 =	rddreg [dreg:$0x1];
	p0 =	sne.s32 s2, $0x0  }
0x57a: {  	s3 =	rddreg [dreg:$0x2];
	[bflag:$0x3] =	sbarrier.arrive $0xFFFF;
	s2 =	simm.s32 @!p0 $0x1C03  }
0x57b: {  	[timem:s3], [sflag:s2] =	dma.local @!p0 [hbm:s0], s1  }
0x57c: {  	s0 =	simm.s32 @!p0 $0x3  }
0x57d: {  	_ =	swait.ge @!p0 [sflag:s0], s1  }
0x57e: {  	s1 =	ssub.s32 @!p0 $0x0, s1;
	[sflag:s0] =	ssyncset.done @!p0 $0x0  }
0x57f: {  	[sflag:s0] =	ssyncadd.s32 @!p0 s1  }
0x580: {  	[bflag:$0x3] =	sbarrier.arrive $0xFFFF  }
0x581: {  	_ =	shalt  }

</sc_bundles>
